<compile_context>
chip_gen: v7x
topology: tpu7x:2x2x1
jax: 0.10.2.dev20260603
libtpu: 0.0.44.dev20260713+nightly
codegen_flags: <defaults>
</compile_context>

<pallas_src>
import functools

import jax
import jax.numpy as jnp
from jax import lax
from jax.experimental import pallas as pl
from jax.experimental.pallas import tpu as pltpu
from jax.experimental.pallas import tpu_sc as plsc

NC = 2
NS = 16
NW = NC * NS
LANES = 16

EC = 64
SBC = 8
EC1 = 1024
CORE0_SHARE = 34


def _make_sc_kernel(n_pad, e_pad, d):
    slc = n_pad // NS
    nr = n_pad // d
    rpt = 8
    ntile_deg = nr // rpt
    te_all = e_pad // NS
    nch_all = te_all // EC
    nch0 = (nch_all * CORE0_SHARE // 40) // (2 * SBC) * (2 * SBC)
    nch1 = nch_all - nch0
    assert nch0 % (2 * SBC) == 0 and nch1 % (2 * SBC) == 0 and nch0 > 0
    assert NC == 2 or nch1 == 0
    te1 = e_pad // NS
    n_chunks1 = te1 // EC1
    assert n_chunks1 % 2 == 0
    nvec = n_pad // LANES

    mesh = plsc.VectorSubcoreMesh(core_axis_name="c", subcore_axis_name="s",
                                  num_cores=NC, num_subcores=NS)

    @functools.partial(
        pl.kernel,
        out_type=[
            jax.ShapeDtypeStruct((NC * n_pad, d), jnp.float32),
            jax.ShapeDtypeStruct((NC * nr, d), jnp.float32),
            jax.ShapeDtypeStruct((NW * nr, d), jnp.float32),
        ],
        mesh=mesh,
        compiler_params=pltpu.CompilerParams(needs_layout_passes=False),
        scratch_types=[
            pltpu.VMEM_SHARED((n_pad, d), jnp.float32),
            pltpu.VMEM_SHARED((nr, d), jnp.float32),
            pltpu.VMEM((nr, d), jnp.float32),
            pltpu.VMEM((n_pad,), jnp.float32),
            [pltpu.VMEM((EC1 // EC, EC), jnp.int32) for _ in range(2)],
            [pltpu.VMEM((SBC, EC), jnp.int32) for _ in range(2)],
            [pltpu.VMEM((SBC, EC), jnp.int32) for _ in range(2)],
            [pltpu.VMEM((EC, d), jnp.float32) for _ in range(2)],
            pltpu.VMEM((nr,), jnp.int32),
            [pltpu.SemaphoreType.DMA for _ in range(2)],
            [pltpu.SemaphoreType.DMA for _ in range(2)],
            [pltpu.SemaphoreType.DMA for _ in range(2)],
        ],
    )
    def sc_kernel(h_hbm, src_hbm, dst_hbm,
                  agg_out, deg_out, omega_out,
                  agg_sh, deg_sh,
                  hist_loc, inv_loc,
                  p1buf, sstage, dstage, rows, iota_buf,
                  isem, gsem, ssem):
        cid = lax.axis_index("c")
        sid = lax.axis_index("s")
        wid = cid * NS + sid

        zero16 = jnp.zeros((LANES,), jnp.float32)
        one16 = jnp.full((LANES,), 1.0, jnp.float32)
        lo_mask = jnp.full((LANES,), d - 1, jnp.int32)
        hi_shift = jnp.full((LANES,), d.bit_length() - 1, jnp.int32)

        def zero_hist(_, __):
            def zr(r, _):
                def zc(c, _):
                    hist_loc[r, pl.ds(c * LANES, LANES)] = zero16
                    return 0
                lax.fori_loop(0, d // LANES, zc, 0)
                return 0
            lax.fori_loop(0, nr, zr, 0)
            return 0

        def zrows(i, _):
            def zrow16(j, _):
                rows[0][i, pl.ds(j * LANES, LANES)] = zero16
                return 0
            lax.fori_loop(0, d // LANES, zrow16, 0)
            return 0
        lax.fori_loop(0, EC, zrows, 0)
        for c in range(slc // EC):
            pltpu.sync_copy(rows[0], agg_sh.at[pl.ds(sid * slc + c * EC, EC)])
        @pl.when(sid < ntile_deg)
        def _():
            pltpu.sync_copy(rows[0].at[pl.ds(0, rpt)],
                            deg_sh.at[pl.ds(sid * rpt, rpt)])
        zero_hist(0, 0)
        def fill_iota(i, _):
            iota_buf[pl.ds(i * LANES, LANES)] = (
                lax.broadcasted_iota(jnp.int32, (LANES,), 0) + i * LANES)
            return 0
        lax.fori_loop(0, nr // LANES, fill_iota, 0)
        plsc.subcore_barrier()

        p1rows = EC1 // EC
        p1base = sid * (te1 // EC)

        def p1_load(c, v):
            pltpu.async_copy(dst_hbm.at[pl.ds(p1base + c * p1rows, p1rows)],
                             p1buf[v], isem[v])

        def p1_wait(c, v):
            pltpu.make_async_copy(
                dst_hbm.at[pl.ds(p1base + c * p1rows, p1rows)],
                p1buf[v], isem[v]).wait()

        def p1_hist(v):
            def hr(r, _):
                def h16(j, _):
                    idx = p1buf[v][r, pl.ds(j * LANES, LANES)]
                    hi = jax.lax.shift_right_logical(idx, hi_shift)
                    lo = jax.lax.bitwise_and(idx, lo_mask)
                    plsc.addupdate_scatter(hist_loc, [hi, lo], one16)
                    return 0
                lax.fori_loop(0, EC // LANES, h16, 0)
                return 0
            lax.fori_loop(0, p1rows, hr, 0)

        p1_load(0, 0)
        def deg_pair(g, _):
            for v in range(2):
                c = g * 2 + v
                p1_wait(c, v)
                @pl.when(c + 1 < n_chunks1)
                def _():
                    p1_load(c + 1, 1 - v)
                p1_hist(v)
            return 0
        lax.fori_loop(0, n_chunks1 // 2, deg_pair, 0)
        pltpu.sync_copy(hist_loc, deg_sh.at[iota_buf], add=True)
        plsc.subcore_barrier()

        assert nr <= 2 * EC
        parts = [(0, min(EC, nr))]
        if nr > EC:
            parts.append((EC, nr - EC))
        for bi, (off, take) in enumerate(parts):
            pltpu.sync_copy(deg_sh.at[pl.ds(off, take)],
                            rows[bi].at[pl.ds(0, take)])
        def make_invr(buf, row_off):
            def invr(r, _):
                def invc(c, _):
                    dv = buf[r, pl.ds(c * LANES, LANES)]
                    inv_loc[pl.ds((row_off + r) * d + c * LANES, LANES)] = \
                        1.0 / jnp.maximum(dv, 1.0)
                    return 0
                lax.fori_loop(0, d // LANES, invc, 0)
                return 0
            return invr
        lax.fori_loop(0, parts[0][1], make_invr(rows[0], 0), 0)
        if len(parts) > 1:
            lax.fori_loop(0, parts[1][1], make_invr(rows[1], parts[0][1]), 0)
        zero_hist(0, 0)

        n_chunks = jnp.where(cid == 0, nch0, nch1)
        n_sb = n_chunks // SBC
        cbase = jnp.where(cid == 0, sid * nch0, NS * nch0 + sid * nch1)

        def load_sb(s, v):
            pltpu.async_copy(src_hbm.at[pl.ds(cbase + s * SBC, SBC)],
                             sstage[v], isem[v])
            pltpu.async_copy(dst_hbm.at[pl.ds(cbase + s * SBC, SBC)],
                             dstage[v], isem[v])

        def wait_sb(s, v):
            pltpu.make_async_copy(src_hbm.at[pl.ds(cbase + s * SBC, SBC)],
                                  sstage[v], isem[v]).wait()
            pltpu.make_async_copy(dst_hbm.at[pl.ds(cbase + s * SBC, SBC)],
                                  dstage[v], isem[v]).wait()

        def omega_chunk(p, q):
            def om16(j, _):
                dv = dstage[p][q, pl.ds(j * LANES, LANES)]
                w = plsc.load_gather(inv_loc, [dv])
                sv = sstage[p][q, pl.ds(j * LANES, LANES)]
                hi = jax.lax.shift_right_logical(sv, hi_shift)
                lo = jax.lax.bitwise_and(sv, lo_mask)
                plsc.addupdate_scatter(hist_loc, [hi, lo], w)
                return 0
            lax.fori_loop(0, EC // LANES, om16, 0)

        load_sb(0, 0)
        wait_sb(0, 0)
        pltpu.async_copy(h_hbm.at[sstage[0].at[0]], rows[0], gsem[0])

        def sb_pair(g, _):
            for p in range(2):
                sb = g * 2 + p
                for q in range(SBC):
                    i = sb * SBC + q
                    b = q % 2
                    prev_ref = (dstage[p].at[q - 1] if q > 0
                                else dstage[1 - p].at[SBC - 1])
                    @pl.when(i > 0)
                    def _():
                        pltpu.make_async_copy(rows[1 - b],
                                              agg_sh.at[prev_ref],
                                              ssem[1 - b]).wait()
                    if q == 0:
                        @pl.when(sb + 1 < n_sb)
                        def _():
                            load_sb(sb + 1, 1 - p)
                    if q == SBC - 1:
                        @pl.when(sb + 1 < n_sb)
                        def _():
                            wait_sb(sb + 1, 1 - p)
                    nxt_ref = (sstage[p].at[q + 1] if q < SBC - 1
                               else sstage[1 - p].at[0])
                    @pl.when(i + 1 < n_chunks)
                    def _():
                        pltpu.async_copy(h_hbm.at[nxt_ref], rows[1 - b],
                                         gsem[1 - b])
                    pltpu.make_async_copy(h_hbm.at[sstage[p].at[q]],
                                          rows[b], gsem[b]).wait()
                    pltpu.async_copy(rows[b], agg_sh.at[dstage[p].at[q]],
                                     ssem[b], add=True)
                    omega_chunk(p, q)
            return 0
        lax.fori_loop(0, n_sb // 2, sb_pair, 0)
        pltpu.make_async_copy(rows[(SBC - 1) % 2],
                              agg_sh.at[dstage[1].at[SBC - 1]],
                              ssem[(SBC - 1) % 2]).wait()
        plsc.subcore_barrier()

        pltpu.sync_copy(agg_sh.at[pl.ds(sid * slc, slc)],
                        agg_out.at[pl.ds(cid * n_pad + sid * slc, slc)])
        @pl.when(sid < ntile_deg)
        def _():
            pltpu.sync_copy(deg_sh.at[pl.ds(sid * rpt, rpt)],
                            deg_out.at[pl.ds(cid * nr + sid * rpt, rpt)])
        pltpu.sync_copy(hist_loc, omega_out.at[pl.ds(wid * nr, nr)])

    return sc_kernel


def _make_tc_kernel(n, n_pad, d, blk):
    nb = n_pad // blk

    def tc_body(h_ref, agg_a_ref, agg_b_ref, deg_ref, om_ref,
                ws1_ref, wn1_ref, b1_ref, ws2_ref, wn2_ref, b2_ref,
                wc_ref, bc_ref, out_ref, s_self_acc, s_neigh_acc):
        i = pl.program_id(0)

        @pl.when(i == 0)
        def _():
            s_self_acc[...] = jnp.zeros_like(s_self_acc)
            s_neigh_acc[...] = jnp.zeros_like(s_neigh_acc)

        inv = 1.0 / jnp.maximum(deg_ref[...], 1.0)
        mean1 = (agg_a_ref[...] + agg_b_ref[...]) * inv
        h1 = jnp.maximum(
            jnp.dot(h_ref[...], ws1_ref[...], preferred_element_type=jnp.float32)
            + jnp.dot(mean1, wn1_ref[...], preferred_element_type=jnp.float32)
            + b1_ref[...], 0.0)
        rows = lax.broadcasted_iota(jnp.int32, (blk, 1), 0) + i * blk
        mask = (rows < n).astype(jnp.float32)
        omega = jnp.sum(om_ref[...], axis=1, keepdims=True)
        s_self_acc[...] += jnp.sum(h1 * mask, axis=0, keepdims=True)
        s_neigh_acc[...] += jnp.sum(h1 * (omega * mask), axis=0, keepdims=True)

        @pl.when(i == nb - 1)
        def _():
            hg = (jnp.dot(s_self_acc[...], ws2_ref[...],
                          preferred_element_type=jnp.float32)
                  + jnp.dot(s_neigh_acc[...], wn2_ref[...],
                            preferred_element_type=jnp.float32)) * (1.0 / n) \
                 + b2_ref[...]
            out_ref[...] = jnp.dot(hg, wc_ref[...],
                                   preferred_element_type=jnp.float32) + bc_ref[...]

    row_spec = lambda w: pl.BlockSpec((blk, w), lambda i: (i, 0))
    full_spec = lambda r, c: pl.BlockSpec((r, c), lambda i: (0, 0))

    return pl.pallas_call(
        tc_body,
        grid=(nb,),
        in_specs=[
            row_spec(d),
            row_spec(d),
            row_spec(d),
            row_spec(1),
            row_spec(NW),
            full_spec(d, d),
            full_spec(d, d),
            full_spec(1, d),
            full_spec(d, d),
            full_spec(d, d),
            full_spec(1, d),
            full_spec(d, d),
            full_spec(1, d),
        ],
        out_specs=pl.BlockSpec((1, d), lambda i: (0, 0)),
        out_shape=jax.ShapeDtypeStruct((1, d), jnp.float32),
        scratch_shapes=[
            pltpu.VMEM((1, d), jnp.float32),
            pltpu.VMEM((1, d), jnp.float32),
        ],
    )


def kernel(h, edge_index, W_self1, W_neigh1, b1, W_self2, W_neigh2, b2,
           W_cls, b_cls):
    n, d = h.shape
    e = edge_index.shape[1]
    n_cls = W_cls.shape[1]

    n_pad = ((n + 2047) // 2048) * 2048
    e_pad = ((e + NS * EC1 - 1) // (NS * EC1)) * (NS * EC1)

    src = edge_index[0].astype(jnp.int32)
    dst = edge_index[1].astype(jnp.int32)
    h_pad = jnp.pad(h, ((0, n_pad - n), (0, 0)))
    fill = jnp.full((e_pad - e,), n_pad - 1, jnp.int32)
    src_p = jnp.concatenate([src, fill]).reshape(e_pad // EC, EC)
    dst_p = jnp.concatenate([dst, fill]).reshape(e_pad // EC, EC)

    agg2, deg2, om = _make_sc_kernel(n_pad, e_pad, d)(h_pad, src_p, dst_p)

    nr = n_pad // d
    agg_a = agg2[:n_pad]
    agg_b = agg2[n_pad:] if NC == 2 else jnp.zeros_like(agg_a)
    deg_col = deg2[:nr].reshape(n_pad, 1)
    om_t = om.reshape(NW, n_pad).T

    wc_pad = jnp.pad(W_cls, ((0, 0), (0, d - n_cls)))
    bc_pad = jnp.pad(b_cls, (0, d - n_cls)).reshape(1, d)

    out = _make_tc_kernel(n, n_pad, d, 2048)(
        h_pad, agg_a, agg_b, deg_col, om_t,
        W_self1, W_neigh1, b1.reshape(1, d),
        W_self2, W_neigh2, b2.reshape(1, d),
        wc_pad, bc_pad)
    return out[:, :n_cls]

# --- scband reference (transcript-rebuilt; emitter-appended) ---
"""Pipeline reference for scband-graph-sagemodel-39986145525988 (READ-ONLY COPY).

The authoritative reference and input builder live on the scoring server;
editing this copy changes nothing except your own understanding.
"""

import jax, jax.numpy as jnp
import numpy as np

N = 10000
E = 320000
D_IN = 128
D_H = 128
N_CLS = 40


def setup_inputs(seed: int = 0) -> dict:
    key = jax.random.key(seed)
    ks = jax.random.split(key, 12)
    h = jax.random.normal(ks[0], (N, D_IN), dtype=jnp.float32)
    edge_index = jax.random.randint(ks[1], (2, E), 0, N)
    s = 0.02
    W_self1 = jax.random.normal(ks[2], (D_IN, D_H), dtype=jnp.float32) * s
    W_neigh1 = jax.random.normal(ks[3], (D_IN, D_H), dtype=jnp.float32) * s
    b1 = jnp.zeros((D_H,), dtype=jnp.float32)
    W_self2 = jax.random.normal(ks[4], (D_H, D_H), dtype=jnp.float32) * s
    W_neigh2 = jax.random.normal(ks[5], (D_H, D_H), dtype=jnp.float32) * s
    b2 = jnp.zeros((D_H,), dtype=jnp.float32)
    W_cls = jax.random.normal(ks[6], (D_H, N_CLS), dtype=jnp.float32) * s
    b_cls = jnp.zeros((N_CLS,), dtype=jnp.float32)
    return {"h": h, "edge_index": edge_index, "W_self1": W_self1, "W_neigh1": W_neigh1, "b1": b1, "W_self2": W_self2, "W_neigh2": W_neigh2, "b2": b2, "W_cls": W_cls, "b_cls": b_cls}


def _sage_layer(x, src, dst, W_self, W_neigh, b):
    # DGL SAGEConv('mean'): out = fc_self(h_dst) + fc_neigh(mean_{u in N(v)} h_u) + bias
    msg = jnp.take(x, src, axis=0)
    agg = jax.ops.segment_sum(msg, dst, num_segments=N)
    deg = jax.ops.segment_sum(jnp.ones((E,), dtype=x.dtype), dst, num_segments=N)
    mean_neigh = agg / jnp.maximum(deg, 1.0)[:, None]
    return x @ W_self + mean_neigh @ W_neigh + b


def reference(h, edge_index, W_self1, W_neigh1, b1, W_self2, W_neigh2, b2, W_cls, b_cls):
    src = edge_index[0]
    dst = edge_index[1]
    h1 = jax.nn.relu(_sage_layer(h, src, dst, W_self1, W_neigh1, b1))
    h2 = _sage_layer(h1, src, dst, W_self2, W_neigh2, b2)
    # dgl.mean_nodes over a single graph: mean pooling over all nodes -> [1, D_H]
    hg = jnp.mean(h2, axis=0, keepdims=True)
    return hg @ W_cls + b_cls

if __name__ == "__main__":
    import jax
    _d = setup_inputs()
    print(jax.jit(kernel)(*tuple(_d.values())))

</pallas_src>

<mosaic_0001>
#map = affine_map<(d0, d1) -> (0, 0)>
module attributes {stable_mosaic.version = 14 : i64} {
  func.func @sc_kernel(%arg0: i32, %arg1: i32, %arg2: memref<10240x128xf32, #tpu.memory_space<hbm>>, %arg3: memref<5120x64xi32, #tpu.memory_space<hbm>>, %arg4: memref<5120x64xi32, #tpu.memory_space<hbm>>, %arg5: memref<20480x128xf32, #tpu.memory_space<hbm>>, %arg6: memref<160x128xf32, #tpu.memory_space<hbm>>, %arg7: memref<2560x128xf32, #tpu.memory_space<hbm>>, %arg8: memref<10240x128xf32, #tpu.memory_space<vmem_shared>>, %arg9: memref<80x128xf32, #tpu.memory_space<vmem_shared>>, %arg10: memref<80x128xf32, #tpu.memory_space<vmem>>, %arg11: memref<10240xf32, #tpu.memory_space<vmem>>, %arg12: memref<16x64xi32, #tpu.memory_space<vmem>>, %arg13: memref<16x64xi32, #tpu.memory_space<vmem>>, %arg14: memref<8x64xi32, #tpu.memory_space<vmem>>, %arg15: memref<8x64xi32, #tpu.memory_space<vmem>>, %arg16: memref<8x64xi32, #tpu.memory_space<vmem>>, %arg17: memref<8x64xi32, #tpu.memory_space<vmem>>, %arg18: memref<64x128xf32, #tpu.memory_space<vmem>>, %arg19: memref<64x128xf32, #tpu.memory_space<vmem>>, %arg20: memref<80xi32, #tpu.memory_space<vmem>>, %arg21: memref<!tpu.dma_semaphore, #tpu.memory_space<semaphore_mem>>, %arg22: memref<!tpu.dma_semaphore, #tpu.memory_space<semaphore_mem>>, %arg23: memref<!tpu.dma_semaphore, #tpu.memory_space<semaphore_mem>>, %arg24: memref<!tpu.dma_semaphore, #tpu.memory_space<semaphore_mem>>, %arg25: memref<!tpu.dma_semaphore, #tpu.memory_space<semaphore_mem>>, %arg26: memref<!tpu.dma_semaphore, #tpu.memory_space<semaphore_mem>>) attributes {dimension_semantics = [#tpu.dimension_semantics<core_parallel>, #tpu.dimension_semantics<subcore_parallel>], iteration_bounds = array<i64: 2, 16>, scalar_prefetch = 0 : i64, scratch_operands = 19 : i64, tpu.core_type = #tpu.core_type<sc_vector_subcore>, window_params = [{transform_indices = #map}, {transform_indices = #map}, {transform_indices = #map}, {transform_indices = #map}, {transform_indices = #map}, {transform_indices = #map}]} {
    %mul3A = arith.constant 16 : i32
    %mul3A_0 = arith.muli %arg0, %mul3A : i32
    %add3A = arith.addi %mul3A_0, %arg1 : i32
    %broadcast_in_dim3A = arith.constant 0.000000e+00 : f32
    %broadcast_in_dim3A_1 = vector.broadcast %broadcast_in_dim3A : f32 to vector<16xf32>
    %broadcast_in_dim3A_2 = arith.constant 1.000000e+00 : f32
    %broadcast_in_dim3A_3 = vector.broadcast %broadcast_in_dim3A_2 : f32 to vector<16xf32>
    %broadcast_in_dim3A_4 = arith.constant 127 : i32
    %broadcast_in_dim3A_5 = vector.broadcast %broadcast_in_dim3A_4 : i32 to vector<16xi32>
    %broadcast_in_dim3A_6 = arith.constant 7 : i32
    %broadcast_in_dim3A_7 = vector.broadcast %broadcast_in_dim3A_6 : i32 to vector<16xi32>
    %scan3A = arith.constant 0 : i32
    %scan3A_8 = arith.constant 0 : i32
    %scan3A_9 = arith.constant 64 : i32
    %scan3A_10 = arith.addi %scan3A_8, %scan3A_9 : i32
    %scan3A_11 = arith.constant 1 : i32
    %scan3A_12 = scf.for %scan3A_222 = %scan3A_8 to %scan3A_10 step %scan3A_11 iter_args(%scan3A_223 = %scan3A) -> (i32)  : i32 {
      %scan3A_224 = arith.constant 0 : i32
      %scan3A_225 = arith.constant 0 : i32
      %scan3A_226 = arith.constant 8 : i32
      %scan3A_227 = arith.addi %scan3A_225, %scan3A_226 : i32
      %scan3A_228 = arith.constant 1 : i32
      %scan3A_229 = scf.for %scan3A_232 = %scan3A_225 to %scan3A_227 step %scan3A_228 iter_args(%scan3A_233 = %scan3A_224) -> (i32)  : i32 {
        %mul3A_234 = arith.constant 16 : i32
        %mul3A_235 = arith.muli %scan3A_232, %mul3A_234 : i32
        %swap3A = arith.index_cast %scan3A_222 : i32 to index
        %swap3A_236 = arith.index_cast %mul3A_235 : i32 to index
        %swap3A_237 = tpu.vector_load %arg18[%swap3A, %swap3A_236] {strides = array<i32>} : memref<64x128xf32, #tpu.memory_space<vmem>>, vector<16xf32>,
        tpu.vector_store %arg18[%swap3A, %swap3A_236], %broadcast_in_dim3A_1 {strides = array<i32>} : memref<64x128xf32, #tpu.memory_space<vmem>>, vector<16xf32>,
        %scan3A_238 = arith.constant 0 : i32
        scf.yield %scan3A_238 : i32
      }
      %scan3A_230 = arith.constant 8 : i32
      %scan3A_231 = arith.constant 0 : i32
      scf.yield %scan3A_231 : i32
    }
    %scan3A_13 = arith.constant 64 : i32
    %mul3A_14 = arith.constant 640 : i32
    %mul3A_15 = arith.muli %arg1, %mul3A_14 : i32
    %add3A_16 = arith.constant 0 : i32
    %add3A_17 = arith.addi %mul3A_15, %add3A_16 : i32
    "tpu.region"() ({
      %run_scoped3A = tpu.sem_alloc : memref<!tpu.dma_semaphore, #tpu.memory_space<semaphore_mem>>
      %dma_start3A_222 = arith.constant 0 : i32
      %dma_start3A_223 = tpu.memref_slice %arg8[%add3A_17, %dma_start3A_222] : memref<10240x128xf32, #tpu.memory_space<vmem_shared>> -> memref<64x128xf32, #tpu.memory_space<vmem_shared>>
      %dma_start3A_224 = arith.constant 0 : i32
      %dma_start3A_225 = tpu.memref_slice %arg8[%add3A_17, %dma_start3A_224] : memref<10240x128xf32, #tpu.memory_space<vmem_shared>> -> memref<64x128xf32, #tpu.memory_space<vmem_shared>>
      tpu.enqueue_dma source(%arg18 : memref<64x128xf32, #tpu.memory_space<vmem>>) target(%dma_start3A_225 : memref<64x128xf32, #tpu.memory_space<vmem_shared>>) target_semaphore(%run_scoped3A : memref<!tpu.dma_semaphore, #tpu.memory_space<semaphore_mem>>)
      %dma_wait3A_226 = arith.constant 0 : i32
      %dma_wait3A_227 = tpu.memref_slice %arg8[%add3A_17, %dma_wait3A_226] : memref<10240x128xf32, #tpu.memory_space<vmem_shared>> -> memref<64x128xf32, #tpu.memory_space<vmem_shared>>
      %dma_wait3A_228 = arith.constant 0 : i32
      %dma_wait3A_229 = tpu.memref_slice %arg8[%add3A_17, %dma_wait3A_228] : memref<10240x128xf32, #tpu.memory_space<vmem_shared>> -> memref<64x128xf32, #tpu.memory_space<vmem_shared>>
      tpu.wait_dma2 semaphore(%run_scoped3A : memref<!tpu.dma_semaphore, #tpu.memory_space<semaphore_mem>>) src(%arg18 : memref<64x128xf32, #tpu.memory_space<vmem>>) dst(%dma_wait3A_229 : memref<64x128xf32, #tpu.memory_space<vmem_shared>>)
      tpu.yield
    }) : () -> ()
    %mul3A_18 = arith.constant 640 : i32
    %mul3A_19 = arith.muli %arg1, %mul3A_18 : i32
    %add3A_20 = arith.constant 64 : i32
    %add3A_21 = arith.addi %mul3A_19, %add3A_20 : i32
    "tpu.region"() ({
      %run_scoped3A = tpu.sem_alloc : memref<!tpu.dma_semaphore, #tpu.memory_space<semaphore_mem>>
      %dma_start3A_222 = arith.constant 0 : i32
      %dma_start3A_223 = tpu.memref_slice %arg8[%add3A_21, %dma_start3A_222] : memref<10240x128xf32, #tpu.memory_space<vmem_shared>> -> memref<64x128xf32, #tpu.memory_space<vmem_shared>>
      %dma_start3A_224 = arith.constant 0 : i32
      %dma_start3A_225 = tpu.memref_slice %arg8[%add3A_21, %dma_start3A_224] : memref<10240x128xf32, #tpu.memory_space<vmem_shared>> -> memref<64x128xf32, #tpu.memory_space<vmem_shared>>
      tpu.enqueue_dma source(%arg18 : memref<64x128xf32, #tpu.memory_space<vmem>>) target(%dma_start3A_225 : memref<64x128xf32, #tpu.memory_space<vmem_shared>>) target_semaphore(%run_scoped3A : memref<!tpu.dma_semaphore, #tpu.memory_space<semaphore_mem>>)
      %dma_wait3A_226 = arith.constant 0 : i32
      %dma_wait3A_227 = tpu.memref_slice %arg8[%add3A_21, %dma_wait3A_226] : memref<10240x128xf32, #tpu.memory_space<vmem_shared>> -> memref<64x128xf32, #tpu.memory_space<vmem_shared>>
      %dma_wait3A_228 = arith.constant 0 : i32
      %dma_wait3A_229 = tpu.memref_slice %arg8[%add3A_21, %dma_wait3A_228] : memref<10240x128xf32, #tpu.memory_space<vmem_shared>> -> memref<64x128xf32, #tpu.memory_space<vmem_shared>>
      tpu.wait_dma2 semaphore(%run_scoped3A : memref<!tpu.dma_semaphore, #tpu.memory_space<semaphore_mem>>) src(%arg18 : memref<64x128xf32, #tpu.memory_space<vmem>>) dst(%dma_wait3A_229 : memref<64x128xf32, #tpu.memory_space<vmem_shared>>)
      tpu.yield
    }) : () -> ()
    %mul3A_22 = arith.constant 640 : i32
    %mul3A_23 = arith.muli %arg1, %mul3A_22 : i32
    %add3A_24 = arith.constant 128 : i32
    %add3A_25 = arith.addi %mul3A_23, %add3A_24 : i32
    "tpu.region"() ({
      %run_scoped3A = tpu.sem_alloc : memref<!tpu.dma_semaphore, #tpu.memory_space<semaphore_mem>>
      %dma_start3A_222 = arith.constant 0 : i32
      %dma_start3A_223 = tpu.memref_slice %arg8[%add3A_25, %dma_start3A_222] : memref<10240x128xf32, #tpu.memory_space<vmem_shared>> -> memref<64x128xf32, #tpu.memory_space<vmem_shared>>
      %dma_start3A_224 = arith.constant 0 : i32
      %dma_start3A_225 = tpu.memref_slice %arg8[%add3A_25, %dma_start3A_224] : memref<10240x128xf32, #tpu.memory_space<vmem_shared>> -> memref<64x128xf32, #tpu.memory_space<vmem_shared>>
      tpu.enqueue_dma source(%arg18 : memref<64x128xf32, #tpu.memory_space<vmem>>) target(%dma_start3A_225 : memref<64x128xf32, #tpu.memory_space<vmem_shared>>) target_semaphore(%run_scoped3A : memref<!tpu.dma_semaphore, #tpu.memory_space<semaphore_mem>>)
      %dma_wait3A_226 = arith.constant 0 : i32
      %dma_wait3A_227 = tpu.memref_slice %arg8[%add3A_25, %dma_wait3A_226] : memref<10240x128xf32, #tpu.memory_space<vmem_shared>> -> memref<64x128xf32, #tpu.memory_space<vmem_shared>>
      %dma_wait3A_228 = arith.constant 0 : i32
      %dma_wait3A_229 = tpu.memref_slice %arg8[%add3A_25, %dma_wait3A_228] : memref<10240x128xf32, #tpu.memory_space<vmem_shared>> -> memref<64x128xf32, #tpu.memory_space<vmem_shared>>
      tpu.wait_dma2 semaphore(%run_scoped3A : memref<!tpu.dma_semaphore, #tpu.memory_space<semaphore_mem>>) src(%arg18 : memref<64x128xf32, #tpu.memory_space<vmem>>) dst(%dma_wait3A_229 : memref<64x128xf32, #tpu.memory_space<vmem_shared>>)
      tpu.yield
    }) : () -> ()
    %mul3A_26 = arith.constant 640 : i32
    %mul3A_27 = arith.muli %arg1, %mul3A_26 : i32
    %add3A_28 = arith.constant 192 : i32
    %add3A_29 = arith.addi %mul3A_27, %add3A_28 : i32
    "tpu.region"() ({
      %run_scoped3A = tpu.sem_alloc : memref<!tpu.dma_semaphore, #tpu.memory_space<semaphore_mem>>
      %dma_start3A_222 = arith.constant 0 : i32
      %dma_start3A_223 = tpu.memref_slice %arg8[%add3A_29, %dma_start3A_222] : memref<10240x128xf32, #tpu.memory_space<vmem_shared>> -> memref<64x128xf32, #tpu.memory_space<vmem_shared>>
      %dma_start3A_224 = arith.constant 0 : i32
      %dma_start3A_225 = tpu.memref_slice %arg8[%add3A_29, %dma_start3A_224] : memref<10240x128xf32, #tpu.memory_space<vmem_shared>> -> memref<64x128xf32, #tpu.memory_space<vmem_shared>>
      tpu.enqueue_dma source(%arg18 : memref<64x128xf32, #tpu.memory_space<vmem>>) target(%dma_start3A_225 : memref<64x128xf32, #tpu.memory_space<vmem_shared>>) target_semaphore(%run_scoped3A : memref<!tpu.dma_semaphore, #tpu.memory_space<semaphore_mem>>)
      %dma_wait3A_226 = arith.constant 0 : i32
      %dma_wait3A_227 = tpu.memref_slice %arg8[%add3A_29, %dma_wait3A_226] : memref<10240x128xf32, #tpu.memory_space<vmem_shared>> -> memref<64x128xf32, #tpu.memory_space<vmem_shared>>
      %dma_wait3A_228 = arith.constant 0 : i32
      %dma_wait3A_229 = tpu.memref_slice %arg8[%add3A_29, %dma_wait3A_228] : memref<10240x128xf32, #tpu.memory_space<vmem_shared>> -> memref<64x128xf32, #tpu.memory_space<vmem_shared>>
      tpu.wait_dma2 semaphore(%run_scoped3A : memref<!tpu.dma_semaphore, #tpu.memory_space<semaphore_mem>>) src(%arg18 : memref<64x128xf32, #tpu.memory_space<vmem>>) dst(%dma_wait3A_229 : memref<64x128xf32, #tpu.memory_space<vmem_shared>>)
      tpu.yield
    }) : () -> ()
    %mul3A_30 = arith.constant 640 : i32
    %mul3A_31 = arith.muli %arg1, %mul3A_30 : i32
    %add3A_32 = arith.constant 256 : i32
    %add3A_33 = arith.addi %mul3A_31, %add3A_32 : i32
    "tpu.region"() ({
      %run_scoped3A = tpu.sem_alloc : memref<!tpu.dma_semaphore, #tpu.memory_space<semaphore_mem>>
      %dma_start3A_222 = arith.constant 0 : i32
      %dma_start3A_223 = tpu.memref_slice %arg8[%add3A_33, %dma_start3A_222] : memref<10240x128xf32, #tpu.memory_space<vmem_shared>> -> memref<64x128xf32, #tpu.memory_space<vmem_shared>>
      %dma_start3A_224 = arith.constant 0 : i32
      %dma_start3A_225 = tpu.memref_slice %arg8[%add3A_33, %dma_start3A_224] : memref<10240x128xf32, #tpu.memory_space<vmem_shared>> -> memref<64x128xf32, #tpu.memory_space<vmem_shared>>
      tpu.enqueue_dma source(%arg18 : memref<64x128xf32, #tpu.memory_space<vmem>>) target(%dma_start3A_225 : memref<64x128xf32, #tpu.memory_space<vmem_shared>>) target_semaphore(%run_scoped3A : memref<!tpu.dma_semaphore, #tpu.memory_space<semaphore_mem>>)
      %dma_wait3A_226 = arith.constant 0 : i32
      %dma_wait3A_227 = tpu.memref_slice %arg8[%add3A_33, %dma_wait3A_226] : memref<10240x128xf32, #tpu.memory_space<vmem_shared>> -> memref<64x128xf32, #tpu.memory_space<vmem_shared>>
      %dma_wait3A_228 = arith.constant 0 : i32
      %dma_wait3A_229 = tpu.memref_slice %arg8[%add3A_33, %dma_wait3A_228] : memref<10240x128xf32, #tpu.memory_space<vmem_shared>> -> memref<64x128xf32, #tpu.memory_space<vmem_shared>>
      tpu.wait_dma2 semaphore(%run_scoped3A : memref<!tpu.dma_semaphore, #tpu.memory_space<semaphore_mem>>) src(%arg18 : memref<64x128xf32, #tpu.memory_space<vmem>>) dst(%dma_wait3A_229 : memref<64x128xf32, #tpu.memory_space<vmem_shared>>)
      tpu.yield
    }) : () -> ()
    %mul3A_34 = arith.constant 640 : i32
    %mul3A_35 = arith.muli %arg1, %mul3A_34 : i32
    %add3A_36 = arith.constant 320 : i32
    %add3A_37 = arith.addi %mul3A_35, %add3A_36 : i32
    "tpu.region"() ({
      %run_scoped3A = tpu.sem_alloc : memref<!tpu.dma_semaphore, #tpu.memory_space<semaphore_mem>>
      %dma_start3A_222 = arith.constant 0 : i32
      %dma_start3A_223 = tpu.memref_slice %arg8[%add3A_37, %dma_start3A_222] : memref<10240x128xf32, #tpu.memory_space<vmem_shared>> -> memref<64x128xf32, #tpu.memory_space<vmem_shared>>
      %dma_start3A_224 = arith.constant 0 : i32
      %dma_start3A_225 = tpu.memref_slice %arg8[%add3A_37, %dma_start3A_224] : memref<10240x128xf32, #tpu.memory_space<vmem_shared>> -> memref<64x128xf32, #tpu.memory_space<vmem_shared>>
      tpu.enqueue_dma source(%arg18 : memref<64x128xf32, #tpu.memory_space<vmem>>) target(%dma_start3A_225 : memref<64x128xf32, #tpu.memory_space<vmem_shared>>) target_semaphore(%run_scoped3A : memref<!tpu.dma_semaphore, #tpu.memory_space<semaphore_mem>>)
      %dma_wait3A_226 = arith.constant 0 : i32
      %dma_wait3A_227 = tpu.memref_slice %arg8[%add3A_37, %dma_wait3A_226] : memref<10240x128xf32, #tpu.memory_space<vmem_shared>> -> memref<64x128xf32, #tpu.memory_space<vmem_shared>>
      %dma_wait3A_228 = arith.constant 0 : i32
      %dma_wait3A_229 = tpu.memref_slice %arg8[%add3A_37, %dma_wait3A_228] : memref<10240x128xf32, #tpu.memory_space<vmem_shared>> -> memref<64x128xf32, #tpu.memory_space<vmem_shared>>
      tpu.wait_dma2 semaphore(%run_scoped3A : memref<!tpu.dma_semaphore, #tpu.memory_space<semaphore_mem>>) src(%arg18 : memref<64x128xf32, #tpu.memory_space<vmem>>) dst(%dma_wait3A_229 : memref<64x128xf32, #tpu.memory_space<vmem_shared>>)
      tpu.yield
    }) : () -> ()
    %mul3A_38 = arith.constant 640 : i32
    %mul3A_39 = arith.muli %arg1, %mul3A_38 : i32
    %add3A_40 = arith.constant 384 : i32
    %add3A_41 = arith.addi %mul3A_39, %add3A_40 : i32
    "tpu.region"() ({
      %run_scoped3A = tpu.sem_alloc : memref<!tpu.dma_semaphore, #tpu.memory_space<semaphore_mem>>
      %dma_start3A_222 = arith.constant 0 : i32
      %dma_start3A_223 = tpu.memref_slice %arg8[%add3A_41, %dma_start3A_222] : memref<10240x128xf32, #tpu.memory_space<vmem_shared>> -> memref<64x128xf32, #tpu.memory_space<vmem_shared>>
      %dma_start3A_224 = arith.constant 0 : i32
      %dma_start3A_225 = tpu.memref_slice %arg8[%add3A_41, %dma_start3A_224] : memref<10240x128xf32, #tpu.memory_space<vmem_shared>> -> memref<64x128xf32, #tpu.memory_space<vmem_shared>>
      tpu.enqueue_dma source(%arg18 : memref<64x128xf32, #tpu.memory_space<vmem>>) target(%dma_start3A_225 : memref<64x128xf32, #tpu.memory_space<vmem_shared>>) target_semaphore(%run_scoped3A : memref<!tpu.dma_semaphore, #tpu.memory_space<semaphore_mem>>)
      %dma_wait3A_226 = arith.constant 0 : i32
      %dma_wait3A_227 = tpu.memref_slice %arg8[%add3A_41, %dma_wait3A_226] : memref<10240x128xf32, #tpu.memory_space<vmem_shared>> -> memref<64x128xf32, #tpu.memory_space<vmem_shared>>
      %dma_wait3A_228 = arith.constant 0 : i32
      %dma_wait3A_229 = tpu.memref_slice %arg8[%add3A_41, %dma_wait3A_228] : memref<10240x128xf32, #tpu.memory_space<vmem_shared>> -> memref<64x128xf32, #tpu.memory_space<vmem_shared>>
      tpu.wait_dma2 semaphore(%run_scoped3A : memref<!tpu.dma_semaphore, #tpu.memory_space<semaphore_mem>>) src(%arg18 : memref<64x128xf32, #tpu.memory_space<vmem>>) dst(%dma_wait3A_229 : memref<64x128xf32, #tpu.memory_space<vmem_shared>>)
      tpu.yield
    }) : () -> ()
    %mul3A_42 = arith.constant 640 : i32
    %mul3A_43 = arith.muli %arg1, %mul3A_42 : i32
    %add3A_44 = arith.constant 448 : i32
    %add3A_45 = arith.addi %mul3A_43, %add3A_44 : i32
    "tpu.region"() ({
      %run_scoped3A = tpu.sem_alloc : memref<!tpu.dma_semaphore, #tpu.memory_space<semaphore_mem>>
      %dma_start3A_222 = arith.constant 0 : i32
      %dma_start3A_223 = tpu.memref_slice %arg8[%add3A_45, %dma_start3A_222] : memref<10240x128xf32, #tpu.memory_space<vmem_shared>> -> memref<64x128xf32, #tpu.memory_space<vmem_shared>>
      %dma_start3A_224 = arith.constant 0 : i32
      %dma_start3A_225 = tpu.memref_slice %arg8[%add3A_45, %dma_start3A_224] : memref<10240x128xf32, #tpu.memory_space<vmem_shared>> -> memref<64x128xf32, #tpu.memory_space<vmem_shared>>
      tpu.enqueue_dma source(%arg18 : memref<64x128xf32, #tpu.memory_space<vmem>>) target(%dma_start3A_225 : memref<64x128xf32, #tpu.memory_space<vmem_shared>>) target_semaphore(%run_scoped3A : memref<!tpu.dma_semaphore, #tpu.memory_space<semaphore_mem>>)
      %dma_wait3A_226 = arith.constant 0 : i32
      %dma_wait3A_227 = tpu.memref_slice %arg8[%add3A_45, %dma_wait3A_226] : memref<10240x128xf32, #tpu.memory_space<vmem_shared>> -> memref<64x128xf32, #tpu.memory_space<vmem_shared>>
      %dma_wait3A_228 = arith.constant 0 : i32
      %dma_wait3A_229 = tpu.memref_slice %arg8[%add3A_45, %dma_wait3A_228] : memref<10240x128xf32, #tpu.memory_space<vmem_shared>> -> memref<64x128xf32, #tpu.memory_space<vmem_shared>>
      tpu.wait_dma2 semaphore(%run_scoped3A : memref<!tpu.dma_semaphore, #tpu.memory_space<semaphore_mem>>) src(%arg18 : memref<64x128xf32, #tpu.memory_space<vmem>>) dst(%dma_wait3A_229 : memref<64x128xf32, #tpu.memory_space<vmem_shared>>)
      tpu.yield
    }) : () -> ()
    %mul3A_46 = arith.constant 640 : i32
    %mul3A_47 = arith.muli %arg1, %mul3A_46 : i32
    %add3A_48 = arith.constant 512 : i32
    %add3A_49 = arith.addi %mul3A_47, %add3A_48 : i32
    "tpu.region"() ({
      %run_scoped3A = tpu.sem_alloc : memref<!tpu.dma_semaphore, #tpu.memory_space<semaphore_mem>>
      %dma_start3A_222 = arith.constant 0 : i32
      %dma_start3A_223 = tpu.memref_slice %arg8[%add3A_49, %dma_start3A_222] : memref<10240x128xf32, #tpu.memory_space<vmem_shared>> -> memref<64x128xf32, #tpu.memory_space<vmem_shared>>
      %dma_start3A_224 = arith.constant 0 : i32
      %dma_start3A_225 = tpu.memref_slice %arg8[%add3A_49, %dma_start3A_224] : memref<10240x128xf32, #tpu.memory_space<vmem_shared>> -> memref<64x128xf32, #tpu.memory_space<vmem_shared>>
      tpu.enqueue_dma source(%arg18 : memref<64x128xf32, #tpu.memory_space<vmem>>) target(%dma_start3A_225 : memref<64x128xf32, #tpu.memory_space<vmem_shared>>) target_semaphore(%run_scoped3A : memref<!tpu.dma_semaphore, #tpu.memory_space<semaphore_mem>>)
      %dma_wait3A_226 = arith.constant 0 : i32
      %dma_wait3A_227 = tpu.memref_slice %arg8[%add3A_49, %dma_wait3A_226] : memref<10240x128xf32, #tpu.memory_space<vmem_shared>> -> memref<64x128xf32, #tpu.memory_space<vmem_shared>>
      %dma_wait3A_228 = arith.constant 0 : i32
      %dma_wait3A_229 = tpu.memref_slice %arg8[%add3A_49, %dma_wait3A_228] : memref<10240x128xf32, #tpu.memory_space<vmem_shared>> -> memref<64x128xf32, #tpu.memory_space<vmem_shared>>
      tpu.wait_dma2 semaphore(%run_scoped3A : memref<!tpu.dma_semaphore, #tpu.memory_space<semaphore_mem>>) src(%arg18 : memref<64x128xf32, #tpu.memory_space<vmem>>) dst(%dma_wait3A_229 : memref<64x128xf32, #tpu.memory_space<vmem_shared>>)
      tpu.yield
    }) : () -> ()
    %mul3A_50 = arith.constant 640 : i32
    %mul3A_51 = arith.muli %arg1, %mul3A_50 : i32
    %add3A_52 = arith.constant 576 : i32
    %add3A_53 = arith.addi %mul3A_51, %add3A_52 : i32
    "tpu.region"() ({
      %run_scoped3A = tpu.sem_alloc : memref<!tpu.dma_semaphore, #tpu.memory_space<semaphore_mem>>
      %dma_start3A_222 = arith.constant 0 : i32
      %dma_start3A_223 = tpu.memref_slice %arg8[%add3A_53, %dma_start3A_222] : memref<10240x128xf32, #tpu.memory_space<vmem_shared>> -> memref<64x128xf32, #tpu.memory_space<vmem_shared>>
      %dma_start3A_224 = arith.constant 0 : i32
      %dma_start3A_225 = tpu.memref_slice %arg8[%add3A_53, %dma_start3A_224] : memref<10240x128xf32, #tpu.memory_space<vmem_shared>> -> memref<64x128xf32, #tpu.memory_space<vmem_shared>>
      tpu.enqueue_dma source(%arg18 : memref<64x128xf32, #tpu.memory_space<vmem>>) target(%dma_start3A_225 : memref<64x128xf32, #tpu.memory_space<vmem_shared>>) target_semaphore(%run_scoped3A : memref<!tpu.dma_semaphore, #tpu.memory_space<semaphore_mem>>)
      %dma_wait3A_226 = arith.constant 0 : i32
      %dma_wait3A_227 = tpu.memref_slice %arg8[%add3A_53, %dma_wait3A_226] : memref<10240x128xf32, #tpu.memory_space<vmem_shared>> -> memref<64x128xf32, #tpu.memory_space<vmem_shared>>
      %dma_wait3A_228 = arith.constant 0 : i32
      %dma_wait3A_229 = tpu.memref_slice %arg8[%add3A_53, %dma_wait3A_228] : memref<10240x128xf32, #tpu.memory_space<vmem_shared>> -> memref<64x128xf32, #tpu.memory_space<vmem_shared>>
      tpu.wait_dma2 semaphore(%run_scoped3A : memref<!tpu.dma_semaphore, #tpu.memory_space<semaphore_mem>>) src(%arg18 : memref<64x128xf32, #tpu.memory_space<vmem>>) dst(%dma_wait3A_229 : memref<64x128xf32, #tpu.memory_space<vmem_shared>>)
      tpu.yield
    }) : () -> ()
    %lt3A = arith.constant 10 : i32
    %lt3A_54 = arith.cmpi slt, %arg1, %lt3A : i32
    %convert_element_type3A = arith.extui %lt3A_54 : i1 to i32
    %cond3A = arith.constant 0 : i32
    %cond3A_55 = arith.cmpi ne, %convert_element_type3A, %cond3A : i32
    scf.if %cond3A_55 {
      %mul3A_222 = arith.constant 8 : i32
      %mul3A_223 = arith.muli %arg1, %mul3A_222 : i32
      "tpu.region"() ({
        %run_scoped3A = tpu.sem_alloc : memref<!tpu.dma_semaphore, #tpu.memory_space<semaphore_mem>>
        %dma_start3A_224 = arith.constant 0 : i32
        %dma_start3A_225 = arith.constant 0 : i32
        %dma_start3A_226 = tpu.memref_slice %arg18[%dma_start3A_224, %dma_start3A_225] : memref<64x128xf32, #tpu.memory_space<vmem>> -> memref<8x128xf32, #tpu.memory_space<vmem>>
        %dma_start3A_227 = arith.constant 0 : i32
        %dma_start3A_228 = tpu.memref_slice %arg9[%mul3A_223, %dma_start3A_227] : memref<80x128xf32, #tpu.memory_space<vmem_shared>> -> memref<8x128xf32, #tpu.memory_space<vmem_shared>>
        %dma_start3A_229 = arith.constant 0 : i32
        %dma_start3A_230 = tpu.memref_slice %arg9[%mul3A_223, %dma_start3A_229] : memref<80x128xf32, #tpu.memory_space<vmem_shared>> -> memref<8x128xf32, #tpu.memory_space<vmem_shared>>
        %dma_start3A_231 = arith.constant 0 : i32
        %dma_start3A_232 = arith.constant 0 : i32
        %dma_start3A_233 = tpu.memref_slice %arg18[%dma_start3A_231, %dma_start3A_232] : memref<64x128xf32, #tpu.memory_space<vmem>> -> memref<8x128xf32, #tpu.memory_space<vmem>>
        tpu.enqueue_dma source(%dma_start3A_233 : memref<8x128xf32, #tpu.memory_space<vmem>>) target(%dma_start3A_230 : memref<8x128xf32, #tpu.memory_space<vmem_shared>>) target_semaphore(%run_scoped3A : memref<!tpu.dma_semaphore, #tpu.memory_space<semaphore_mem>>)
        %dma_wait3A_234 = arith.constant 0 : i32
        %dma_wait3A_235 = arith.constant 0 : i32
        %dma_wait3A_236 = tpu.memref_slice %arg18[%dma_wait3A_234, %dma_wait3A_235] : memref<64x128xf32, #tpu.memory_space<vmem>> -> memref<8x128xf32, #tpu.memory_space<vmem>>
        %dma_wait3A_237 = arith.constant 0 : i32
        %dma_wait3A_238 = tpu.memref_slice %arg9[%mul3A_223, %dma_wait3A_237] : memref<80x128xf32, #tpu.memory_space<vmem_shared>> -> memref<8x128xf32, #tpu.memory_space<vmem_shared>>
        %dma_wait3A_239 = arith.constant 0 : i32
        %dma_wait3A_240 = tpu.memref_slice %arg9[%mul3A_223, %dma_wait3A_239] : memref<80x128xf32, #tpu.memory_space<vmem_shared>> -> memref<8x128xf32, #tpu.memory_space<vmem_shared>>
        %dma_wait3A_241 = arith.constant 0 : i32
        %dma_wait3A_242 = arith.constant 0 : i32
        %dma_wait3A_243 = tpu.memref_slice %arg18[%dma_wait3A_241, %dma_wait3A_242] : memref<64x128xf32, #tpu.memory_space<vmem>> -> memref<8x128xf32, #tpu.memory_space<vmem>>
        tpu.wait_dma2 semaphore(%run_scoped3A : memref<!tpu.dma_semaphore, #tpu.memory_space<semaphore_mem>>) src(%dma_wait3A_243 : memref<8x128xf32, #tpu.memory_space<vmem>>) dst(%dma_wait3A_240 : memref<8x128xf32, #tpu.memory_space<vmem_shared>>)
        tpu.yield
      }) : () -> ()
    } else {
    }
    %scan3A_56 = arith.constant 0 : i32
    %scan3A_57 = arith.constant 0 : i32
    %scan3A_58 = arith.constant 80 : i32
    %scan3A_59 = arith.addi %scan3A_57, %scan3A_58 : i32
    %scan3A_60 = arith.constant 1 : i32
    %scan3A_61 = scf.for %scan3A_222 = %scan3A_57 to %scan3A_59 step %scan3A_60 iter_args(%scan3A_223 = %scan3A_56) -> (i32)  : i32 {
      %scan3A_224 = arith.constant 0 : i32
      %scan3A_225 = arith.constant 0 : i32
      %scan3A_226 = arith.constant 8 : i32
      %scan3A_227 = arith.addi %scan3A_225, %scan3A_226 : i32
      %scan3A_228 = arith.constant 1 : i32
      %scan3A_229 = scf.for %scan3A_232 = %scan3A_225 to %scan3A_227 step %scan3A_228 iter_args(%scan3A_233 = %scan3A_224) -> (i32)  : i32 {
        %mul3A_234 = arith.constant 16 : i32
        %mul3A_235 = arith.muli %scan3A_232, %mul3A_234 : i32
        %swap3A = arith.index_cast %scan3A_222 : i32 to index
        %swap3A_236 = arith.index_cast %mul3A_235 : i32 to index
        %swap3A_237 = tpu.vector_load %arg10[%swap3A, %swap3A_236] {strides = array<i32>} : memref<80x128xf32, #tpu.memory_space<vmem>>, vector<16xf32>,
        tpu.vector_store %arg10[%swap3A, %swap3A_236], %broadcast_in_dim3A_1 {strides = array<i32>} : memref<80x128xf32, #tpu.memory_space<vmem>>, vector<16xf32>,
        %scan3A_238 = arith.constant 0 : i32
        scf.yield %scan3A_238 : i32
      }
      %scan3A_230 = arith.constant 8 : i32
      %scan3A_231 = arith.constant 0 : i32
      scf.yield %scan3A_231 : i32
    }
    %scan3A_62 = arith.constant 80 : i32
    %scan3A_63 = arith.constant 0 : i32
    %scan3A_64 = arith.constant 0 : i32
    %scan3A_65 = arith.constant 5 : i32
    %scan3A_66 = arith.addi %scan3A_64, %scan3A_65 : i32
    %scan3A_67 = arith.constant 1 : i32
    %scan3A_68 = scf.for %scan3A_222 = %scan3A_64 to %scan3A_66 step %scan3A_67 iter_args(%scan3A_223 = %scan3A_63) -> (i32)  : i32 {
      %iota3A = tpu.iota {dimensions = array<i32: 0>} : vector<16xi32>
      %mul3A_224 = arith.constant 16 : i32
      %mul3A_225 = arith.muli %scan3A_222, %mul3A_224 : i32
      %add3A_226 = vector.broadcast %mul3A_225 : i32 to vector<16xi32>
      %add3A_227 = arith.addi %iota3A, %add3A_226 : vector<16xi32>
      %mul3A_228 = arith.constant 16 : i32
      %mul3A_229 = arith.muli %scan3A_222, %mul3A_228 : i32
      %swap3A = arith.index_cast %mul3A_229 : i32 to index
      %swap3A_230 = tpu.vector_load %arg20[%swap3A] {strides = array<i32>} : memref<80xi32, #tpu.memory_space<vmem>>, vector<16xi32>,
      tpu.vector_store %arg20[%swap3A], %add3A_227 {strides = array<i32>} : memref<80xi32, #tpu.memory_space<vmem>>, vector<16xi32>,
      %scan3A_231 = arith.constant 0 : i32
      scf.yield %scan3A_231 : i32
    }
    %scan3A_69 = arith.constant 5 : i32
    %barrier3A = arith.constant 0 : index
    tpu.barrier barrier_id(%barrier3A)
    %mul3A_70 = arith.constant 320 : i32
    %mul3A_71 = arith.muli %arg1, %mul3A_70 : i32
    %add3A_72 = arith.constant 0 : i32
    %add3A_73 = arith.addi %mul3A_71, %add3A_72 : i32
    %dma_start3A = arith.constant 0 : i32
    %dma_start3A_74 = tpu.memref_slice %arg4[%add3A_73, %dma_start3A] : memref<5120x64xi32, #tpu.memory_space<hbm>> -> memref<16x64xi32, #tpu.memory_space<hbm>>
    %dma_start3A_75 = arith.constant 0 : i32
    %dma_start3A_76 = tpu.memref_slice %arg4[%add3A_73, %dma_start3A_75] : memref<5120x64xi32, #tpu.memory_space<hbm>> -> memref<16x64xi32, #tpu.memory_space<hbm>>
    tpu.enqueue_dma source(%dma_start3A_76 : memref<16x64xi32, #tpu.memory_space<hbm>>) target(%arg12 : memref<16x64xi32, #tpu.memory_space<vmem>>) target_semaphore(%arg21 : memref<!tpu.dma_semaphore, #tpu.memory_space<semaphore_mem>>)
    %scan3A_77 = arith.constant 0 : i32
    %scan3A_78 = arith.constant 0 : i32
    %scan3A_79 = arith.constant 10 : i32
    %scan3A_80 = arith.addi %scan3A_78, %scan3A_79 : i32
    %scan3A_81 = arith.constant 1 : i32
    %scan3A_82 = scf.for %scan3A_222 = %scan3A_78 to %scan3A_80 step %scan3A_81 iter_args(%scan3A_223 = %scan3A_77) -> (i32)  : i32 {
      %mul3A_224 = arith.constant 2 : i32
      %mul3A_225 = arith.muli %scan3A_222, %mul3A_224 : i32
      %add3A_226 = arith.constant 0 : i32
      %add3A_227 = arith.addi %mul3A_225, %add3A_226 : i32
      %mul3A_228 = arith.constant 16 : i32
      %mul3A_229 = arith.muli %add3A_227, %mul3A_228 : i32
      %add3A_230 = arith.addi %mul3A_71, %mul3A_229 : i32
      %dma_wait3A_231 = arith.constant 0 : i32
      %dma_wait3A_232 = tpu.memref_slice %arg4[%add3A_230, %dma_wait3A_231] : memref<5120x64xi32, #tpu.memory_space<hbm>> -> memref<16x64xi32, #tpu.memory_space<hbm>>
      %dma_wait3A_233 = arith.constant 0 : i32
      %dma_wait3A_234 = tpu.memref_slice %arg4[%add3A_230, %dma_wait3A_233] : memref<5120x64xi32, #tpu.memory_space<hbm>> -> memref<16x64xi32, #tpu.memory_space<hbm>>
      tpu.wait_dma2 semaphore(%arg21 : memref<!tpu.dma_semaphore, #tpu.memory_space<semaphore_mem>>) src(%dma_wait3A_234 : memref<16x64xi32, #tpu.memory_space<hbm>>) dst(%arg12 : memref<16x64xi32, #tpu.memory_space<vmem>>)
      %add3A_235 = arith.constant 1 : i32
      %add3A_236 = arith.addi %add3A_227, %add3A_235 : i32
      %lt3A_237 = arith.constant 20 : i32
      %lt3A_238 = arith.cmpi slt, %add3A_236, %lt3A_237 : i32
      %convert_element_type3A_239 = arith.extui %lt3A_238 : i1 to i32
      %cond3A_240 = arith.constant 0 : i32
      %cond3A_241 = arith.cmpi ne, %convert_element_type3A_239, %cond3A_240 : i32
      scf.if %cond3A_241 {
        %add3A_275 = arith.constant 1 : i32
        %add3A_276 = arith.addi %add3A_227, %add3A_275 : i32
        %mul3A_277 = arith.constant 16 : i32
        %mul3A_278 = arith.muli %add3A_276, %mul3A_277 : i32
        %add3A_279 = arith.addi %mul3A_71, %mul3A_278 : i32
        %dma_start3A_280 = arith.constant 0 : i32
        %dma_start3A_281 = tpu.memref_slice %arg4[%add3A_279, %dma_start3A_280] : memref<5120x64xi32, #tpu.memory_space<hbm>> -> memref<16x64xi32, #tpu.memory_space<hbm>>
        %dma_start3A_282 = arith.constant 0 : i32
        %dma_start3A_283 = tpu.memref_slice %arg4[%add3A_279, %dma_start3A_282] : memref<5120x64xi32, #tpu.memory_space<hbm>> -> memref<16x64xi32, #tpu.memory_space<hbm>>
        tpu.enqueue_dma source(%dma_start3A_283 : memref<16x64xi32, #tpu.memory_space<hbm>>) target(%arg13 : memref<16x64xi32, #tpu.memory_space<vmem>>) target_semaphore(%arg22 : memref<!tpu.dma_semaphore, #tpu.memory_space<semaphore_mem>>)
      } else {
      }
      %scan3A_242 = arith.constant 0 : i32
      %scan3A_243 = arith.constant 0 : i32
      %scan3A_244 = arith.constant 16 : i32
      %scan3A_245 = arith.addi %scan3A_243, %scan3A_244 : i32
      %scan3A_246 = arith.constant 1 : i32
      %scan3A_247 = scf.for %scan3A_275 = %scan3A_243 to %scan3A_245 step %scan3A_246 iter_args(%scan3A_276 = %scan3A_242) -> (i32)  : i32 {
        %scan3A_277 = arith.constant 0 : i32
        %scan3A_278 = arith.constant 0 : i32
        %scan3A_279 = arith.constant 4 : i32
        %scan3A_280 = arith.addi %scan3A_278, %scan3A_279 : i32
        %scan3A_281 = arith.constant 1 : i32
        %scan3A_282 = scf.for %scan3A_285 = %scan3A_278 to %scan3A_280 step %scan3A_281 iter_args(%scan3A_286 = %scan3A_277) -> (i32)  : i32 {
          %mul3A_287 = arith.constant 16 : i32
          %mul3A_288 = arith.muli %scan3A_285, %mul3A_287 : i32
          %get3A = arith.index_cast %scan3A_275 : i32 to index
          %get3A_289 = arith.index_cast %mul3A_288 : i32 to index
          %get3A_290 = tpu.vector_load %arg12[%get3A, %get3A_289] {strides = array<i32>} : memref<16x64xi32, #tpu.memory_space<vmem>>, vector<16xi32>,
          %shift_right_logical3A = arith.shrui %get3A_290, %broadcast_in_dim3A_7 : vector<16xi32>
          %and3A_291 = arith.andi %get3A_290, %broadcast_in_dim3A_5 : vector<16xi32>
          tpu.vector_store_idx %arg10[%shift_right_logical3A, %and3A_291], %broadcast_in_dim3A_3 {add = true} : memref<80x128xf32, #tpu.memory_space<vmem>>[vector<16xi32>, vector<16xi32>], vector<16xf32>,
          %scan3A_292 = arith.constant 0 : i32
          scf.yield %scan3A_292 : i32
        }
        %scan3A_283 = arith.constant 4 : i32
        %scan3A_284 = arith.constant 0 : i32
        scf.yield %scan3A_284 : i32
      }
      %scan3A_248 = arith.constant 16 : i32
      %mul3A_249 = arith.constant 2 : i32
      %mul3A_250 = arith.muli %scan3A_222, %mul3A_249 : i32
      %add3A_251 = arith.constant 1 : i32
      %add3A_252 = arith.addi %mul3A_250, %add3A_251 : i32
      %mul3A_253 = arith.constant 16 : i32
      %mul3A_254 = arith.muli %add3A_252, %mul3A_253 : i32
      %add3A_255 = arith.addi %mul3A_71, %mul3A_254 : i32
      %dma_wait3A_256 = arith.constant 0 : i32
      %dma_wait3A_257 = tpu.memref_slice %arg4[%add3A_255, %dma_wait3A_256] : memref<5120x64xi32, #tpu.memory_space<hbm>> -> memref<16x64xi32, #tpu.memory_space<hbm>>
      %dma_wait3A_258 = arith.constant 0 : i32
      %dma_wait3A_259 = tpu.memref_slice %arg4[%add3A_255, %dma_wait3A_258] : memref<5120x64xi32, #tpu.memory_space<hbm>> -> memref<16x64xi32, #tpu.memory_space<hbm>>
      tpu.wait_dma2 semaphore(%arg22 : memref<!tpu.dma_semaphore, #tpu.memory_space<semaphore_mem>>) src(%dma_wait3A_259 : memref<16x64xi32, #tpu.memory_space<hbm>>) dst(%arg13 : memref<16x64xi32, #tpu.memory_space<vmem>>)
      %add3A_260 = arith.constant 1 : i32
      %add3A_261 = arith.addi %add3A_252, %add3A_260 : i32
      %lt3A_262 = arith.constant 20 : i32
      %lt3A_263 = arith.cmpi slt, %add3A_261, %lt3A_262 : i32
      %convert_element_type3A_264 = arith.extui %lt3A_263 : i1 to i32
      %cond3A_265 = arith.constant 0 : i32
      %cond3A_266 = arith.cmpi ne, %convert_element_type3A_264, %cond3A_265 : i32
      scf.if %cond3A_266 {
        %add3A_275 = arith.constant 1 : i32
        %add3A_276 = arith.addi %add3A_252, %add3A_275 : i32
        %mul3A_277 = arith.constant 16 : i32
        %mul3A_278 = arith.muli %add3A_276, %mul3A_277 : i32
        %add3A_279 = arith.addi %mul3A_71, %mul3A_278 : i32
        %dma_start3A_280 = arith.constant 0 : i32
        %dma_start3A_281 = tpu.memref_slice %arg4[%add3A_279, %dma_start3A_280] : memref<5120x64xi32, #tpu.memory_space<hbm>> -> memref<16x64xi32, #tpu.memory_space<hbm>>
        %dma_start3A_282 = arith.constant 0 : i32
        %dma_start3A_283 = tpu.memref_slice %arg4[%add3A_279, %dma_start3A_282] : memref<5120x64xi32, #tpu.memory_space<hbm>> -> memref<16x64xi32, #tpu.memory_space<hbm>>
        tpu.enqueue_dma source(%dma_start3A_283 : memref<16x64xi32, #tpu.memory_space<hbm>>) target(%arg12 : memref<16x64xi32, #tpu.memory_space<vmem>>) target_semaphore(%arg21 : memref<!tpu.dma_semaphore, #tpu.memory_space<semaphore_mem>>)
      } else {
      }
      %scan3A_267 = arith.constant 0 : i32
      %scan3A_268 = arith.constant 0 : i32
      %scan3A_269 = arith.constant 16 : i32
      %scan3A_270 = arith.addi %scan3A_268, %scan3A_269 : i32
      %scan3A_271 = arith.constant 1 : i32
      %scan3A_272 = scf.for %scan3A_275 = %scan3A_268 to %scan3A_270 step %scan3A_271 iter_args(%scan3A_276 = %scan3A_267) -> (i32)  : i32 {
        %scan3A_277 = arith.constant 0 : i32
        %scan3A_278 = arith.constant 0 : i32
        %scan3A_279 = arith.constant 4 : i32
        %scan3A_280 = arith.addi %scan3A_278, %scan3A_279 : i32
        %scan3A_281 = arith.constant 1 : i32
        %scan3A_282 = scf.for %scan3A_285 = %scan3A_278 to %scan3A_280 step %scan3A_281 iter_args(%scan3A_286 = %scan3A_277) -> (i32)  : i32 {
          %mul3A_287 = arith.constant 16 : i32
          %mul3A_288 = arith.muli %scan3A_285, %mul3A_287 : i32
          %get3A = arith.index_cast %scan3A_275 : i32 to index
          %get3A_289 = arith.index_cast %mul3A_288 : i32 to index
          %get3A_290 = tpu.vector_load %arg13[%get3A, %get3A_289] {strides = array<i32>} : memref<16x64xi32, #tpu.memory_space<vmem>>, vector<16xi32>,
          %shift_right_logical3A = arith.shrui %get3A_290, %broadcast_in_dim3A_7 : vector<16xi32>
          %and3A_291 = arith.andi %get3A_290, %broadcast_in_dim3A_5 : vector<16xi32>
          tpu.vector_store_idx %arg10[%shift_right_logical3A, %and3A_291], %broadcast_in_dim3A_3 {add = true} : memref<80x128xf32, #tpu.memory_space<vmem>>[vector<16xi32>, vector<16xi32>], vector<16xf32>,
          %scan3A_292 = arith.constant 0 : i32
          scf.yield %scan3A_292 : i32
        }
        %scan3A_283 = arith.constant 4 : i32
        %scan3A_284 = arith.constant 0 : i32
        scf.yield %scan3A_284 : i32
      }
      %scan3A_273 = arith.constant 16 : i32
      %scan3A_274 = arith.constant 0 : i32
      scf.yield %scan3A_274 : i32
    }
    %scan3A_83 = arith.constant 10 : i32
    "tpu.region"() ({
      %run_scoped3A = tpu.sem_alloc : memref<!tpu.dma_semaphore, #tpu.memory_space<semaphore_mem>>
      %dma_start3A_222 = arith.constant 0 : i32
      %dma_start3A_223 = arith.constant 0 : i32
      %dma_start3A_224 = tpu.memref_slice %arg9[%dma_start3A_222, %dma_start3A_223] : memref<80x128xf32, #tpu.memory_space<vmem_shared>> -> memref<80x128xf32, #tpu.memory_space<vmem_shared>>
      tpu.enqueue_indirect_dma source(%arg10 : memref<80x128xf32, #tpu.memory_space<vmem>>) target(%dma_start3A_224 : memref<80x128xf32, #tpu.memory_space<vmem_shared>>) offsets(%arg20 : memref<80xi32, #tpu.memory_space<vmem>>) semaphore(%run_scoped3A : memref<!tpu.dma_semaphore, #tpu.memory_space<semaphore_mem>>) {add = true}
      %dma_wait3A_225 = arith.constant 0 : i32
      %dma_wait3A_226 = arith.constant 0 : i32
      %dma_wait3A_227 = tpu.memref_slice %arg9[%dma_wait3A_225, %dma_wait3A_226] : memref<80x128xf32, #tpu.memory_space<vmem_shared>> -> memref<80x128xf32, #tpu.memory_space<vmem_shared>>
      tpu.wait_indirect_dma semaphore(%run_scoped3A : memref<!tpu.dma_semaphore, #tpu.memory_space<semaphore_mem>>) src(%arg10 : memref<80x128xf32, #tpu.memory_space<vmem>>) dst(%dma_wait3A_227 : memref<80x128xf32, #tpu.memory_space<vmem_shared>>)
      tpu.yield
    }) : () -> ()
    %barrier3A_84 = arith.constant 0 : index
    tpu.barrier barrier_id(%barrier3A_84)
    "tpu.region"() ({
      %run_scoped3A = tpu.sem_alloc : memref<!tpu.dma_semaphore, #tpu.memory_space<semaphore_mem>>
      %dma_start3A_222 = arith.constant 0 : i32
      %dma_start3A_223 = arith.constant 0 : i32
      %dma_start3A_224 = tpu.memref_slice %arg18[%dma_start3A_222, %dma_start3A_223] : memref<64x128xf32, #tpu.memory_space<vmem>> -> memref<64x128xf32, #tpu.memory_space<vmem>>
      %dma_start3A_225 = arith.constant 0 : i32
      %dma_start3A_226 = arith.constant 0 : i32
      %dma_start3A_227 = tpu.memref_slice %arg9[%dma_start3A_225, %dma_start3A_226] : memref<80x128xf32, #tpu.memory_space<vmem_shared>> -> memref<64x128xf32, #tpu.memory_space<vmem_shared>>
      %dma_start3A_228 = arith.constant 0 : i32
      %dma_start3A_229 = arith.constant 0 : i32
      %dma_start3A_230 = tpu.memref_slice %arg18[%dma_start3A_228, %dma_start3A_229] : memref<64x128xf32, #tpu.memory_space<vmem>> -> memref<64x128xf32, #tpu.memory_space<vmem>>
      %dma_start3A_231 = arith.constant 0 : i32
      %dma_start3A_232 = arith.constant 0 : i32
      %dma_start3A_233 = tpu.memref_slice %arg9[%dma_start3A_231, %dma_start3A_232] : memref<80x128xf32, #tpu.memory_space<vmem_shared>> -> memref<64x128xf32, #tpu.memory_space<vmem_shared>>
      tpu.enqueue_dma source(%dma_start3A_233 : memref<64x128xf32, #tpu.memory_space<vmem_shared>>) target(%dma_start3A_230 : memref<64x128xf32, #tpu.memory_space<vmem>>) target_semaphore(%run_scoped3A : memref<!tpu.dma_semaphore, #tpu.memory_space<semaphore_mem>>)
      %dma_wait3A_234 = arith.constant 0 : i32
      %dma_wait3A_235 = arith.constant 0 : i32
      %dma_wait3A_236 = tpu.memref_slice %arg18[%dma_wait3A_234, %dma_wait3A_235] : memref<64x128xf32, #tpu.memory_space<vmem>> -> memref<64x128xf32, #tpu.memory_space<vmem>>
      %dma_wait3A_237 = arith.constant 0 : i32
      %dma_wait3A_238 = arith.constant 0 : i32
      %dma_wait3A_239 = tpu.memref_slice %arg9[%dma_wait3A_237, %dma_wait3A_238] : memref<80x128xf32, #tpu.memory_space<vmem_shared>> -> memref<64x128xf32, #tpu.memory_space<vmem_shared>>
      %dma_wait3A_240 = arith.constant 0 : i32
      %dma_wait3A_241 = arith.constant 0 : i32
      %dma_wait3A_242 = tpu.memref_slice %arg18[%dma_wait3A_240, %dma_wait3A_241] : memref<64x128xf32, #tpu.memory_space<vmem>> -> memref<64x128xf32, #tpu.memory_space<vmem>>
      %dma_wait3A_243 = arith.constant 0 : i32
      %dma_wait3A_244 = arith.constant 0 : i32
      %dma_wait3A_245 = tpu.memref_slice %arg9[%dma_wait3A_243, %dma_wait3A_244] : memref<80x128xf32, #tpu.memory_space<vmem_shared>> -> memref<64x128xf32, #tpu.memory_space<vmem_shared>>
      tpu.wait_dma2 semaphore(%run_scoped3A : memref<!tpu.dma_semaphore, #tpu.memory_space<semaphore_mem>>) src(%dma_wait3A_245 : memref<64x128xf32, #tpu.memory_space<vmem_shared>>) dst(%dma_wait3A_242 : memref<64x128xf32, #tpu.memory_space<vmem>>)
      tpu.yield
    }) : () -> ()
    "tpu.region"() ({
      %run_scoped3A = tpu.sem_alloc : memref<!tpu.dma_semaphore, #tpu.memory_space<semaphore_mem>>
      %dma_start3A_222 = arith.constant 0 : i32
      %dma_start3A_223 = arith.constant 0 : i32
      %dma_start3A_224 = tpu.memref_slice %arg19[%dma_start3A_222, %dma_start3A_223] : memref<64x128xf32, #tpu.memory_space<vmem>> -> memref<16x128xf32, #tpu.memory_space<vmem>>
      %dma_start3A_225 = arith.constant 64 : i32
      %dma_start3A_226 = arith.constant 0 : i32
      %dma_start3A_227 = tpu.memref_slice %arg9[%dma_start3A_225, %dma_start3A_226] : memref<80x128xf32, #tpu.memory_space<vmem_shared>> -> memref<16x128xf32, #tpu.memory_space<vmem_shared>>
      %dma_start3A_228 = arith.constant 0 : i32
      %dma_start3A_229 = arith.constant 0 : i32
      %dma_start3A_230 = tpu.memref_slice %arg19[%dma_start3A_228, %dma_start3A_229] : memref<64x128xf32, #tpu.memory_space<vmem>> -> memref<16x128xf32, #tpu.memory_space<vmem>>
      %dma_start3A_231 = arith.constant 64 : i32
      %dma_start3A_232 = arith.constant 0 : i32
      %dma_start3A_233 = tpu.memref_slice %arg9[%dma_start3A_231, %dma_start3A_232] : memref<80x128xf32, #tpu.memory_space<vmem_shared>> -> memref<16x128xf32, #tpu.memory_space<vmem_shared>>
      tpu.enqueue_dma source(%dma_start3A_233 : memref<16x128xf32, #tpu.memory_space<vmem_shared>>) target(%dma_start3A_230 : memref<16x128xf32, #tpu.memory_space<vmem>>) target_semaphore(%run_scoped3A : memref<!tpu.dma_semaphore, #tpu.memory_space<semaphore_mem>>)
      %dma_wait3A_234 = arith.constant 0 : i32
      %dma_wait3A_235 = arith.constant 0 : i32
      %dma_wait3A_236 = tpu.memref_slice %arg19[%dma_wait3A_234, %dma_wait3A_235] : memref<64x128xf32, #tpu.memory_space<vmem>> -> memref<16x128xf32, #tpu.memory_space<vmem>>
      %dma_wait3A_237 = arith.constant 64 : i32
      %dma_wait3A_238 = arith.constant 0 : i32
      %dma_wait3A_239 = tpu.memref_slice %arg9[%dma_wait3A_237, %dma_wait3A_238] : memref<80x128xf32, #tpu.memory_space<vmem_shared>> -> memref<16x128xf32, #tpu.memory_space<vmem_shared>>
      %dma_wait3A_240 = arith.constant 0 : i32
      %dma_wait3A_241 = arith.constant 0 : i32
      %dma_wait3A_242 = tpu.memref_slice %arg19[%dma_wait3A_240, %dma_wait3A_241] : memref<64x128xf32, #tpu.memory_space<vmem>> -> memref<16x128xf32, #tpu.memory_space<vmem>>
      %dma_wait3A_243 = arith.constant 64 : i32
      %dma_wait3A_244 = arith.constant 0 : i32
      %dma_wait3A_245 = tpu.memref_slice %arg9[%dma_wait3A_243, %dma_wait3A_244] : memref<80x128xf32, #tpu.memory_space<vmem_shared>> -> memref<16x128xf32, #tpu.memory_space<vmem_shared>>
      tpu.wait_dma2 semaphore(%run_scoped3A : memref<!tpu.dma_semaphore, #tpu.memory_space<semaphore_mem>>) src(%dma_wait3A_245 : memref<16x128xf32, #tpu.memory_space<vmem_shared>>) dst(%dma_wait3A_242 : memref<16x128xf32, #tpu.memory_space<vmem>>)
      tpu.yield
    }) : () -> ()
    %scan3A_85 = arith.constant 0 : i32
    %scan3A_86 = arith.constant 0 : i32
    %scan3A_87 = arith.constant 64 : i32
    %scan3A_88 = arith.addi %scan3A_86, %scan3A_87 : i32
    %scan3A_89 = arith.constant 1 : i32
    %scan3A_90 = scf.for %scan3A_222 = %scan3A_86 to %scan3A_88 step %scan3A_89 iter_args(%scan3A_223 = %scan3A_85) -> (i32)  : i32 {
      %scan3A_224 = arith.constant 0 : i32
      %scan3A_225 = arith.constant 0 : i32
      %scan3A_226 = arith.constant 8 : i32
      %scan3A_227 = arith.addi %scan3A_225, %scan3A_226 : i32
      %scan3A_228 = arith.constant 1 : i32
      %scan3A_229 = scf.for %scan3A_232 = %scan3A_225 to %scan3A_227 step %scan3A_228 iter_args(%scan3A_233 = %scan3A_224) -> (i32)  : i32 {
        %mul3A_234 = arith.constant 16 : i32
        %mul3A_235 = arith.muli %scan3A_232, %mul3A_234 : i32
        %get3A = arith.index_cast %scan3A_222 : i32 to index
        %get3A_236 = arith.index_cast %mul3A_235 : i32 to index
        %get3A_237 = tpu.vector_load %arg18[%get3A, %get3A_236] {strides = array<i32>} : memref<64x128xf32, #tpu.memory_space<vmem>>, vector<16xf32>,
        %max3A = arith.constant 1.000000e+00 : f32
        %max3A_238 = vector.broadcast %max3A : f32 to vector<16xf32>
        %max3A_239 = arith.maximumf %get3A_237, %max3A_238 : vector<16xf32>
        %div3A_240 = arith.constant 1.000000e+00 : f32
        %div3A_241 = vector.broadcast %div3A_240 : f32 to vector<16xf32>
        %div3A_242 = arith.divf %div3A_241, %max3A_239 : vector<16xf32>
        %add3A_243 = arith.constant 0 : i32
        %add3A_244 = arith.addi %add3A_243, %scan3A_222 : i32
        %mul3A_245 = arith.constant 128 : i32
        %mul3A_246 = arith.muli %add3A_244, %mul3A_245 : i32
        %mul3A_247 = arith.constant 16 : i32
        %mul3A_248 = arith.muli %scan3A_232, %mul3A_247 : i32
        %add3A_249 = arith.addi %mul3A_246, %mul3A_248 : i32
        %swap3A = arith.index_cast %add3A_249 : i32 to index
        %swap3A_250 = tpu.vector_load %arg11[%swap3A] {strides = array<i32>} : memref<10240xf32, #tpu.memory_space<vmem>>, vector<16xf32>,
        tpu.vector_store %arg11[%swap3A], %div3A_242 {strides = array<i32>} : memref<10240xf32, #tpu.memory_space<vmem>>, vector<16xf32>,
        %scan3A_251 = arith.constant 0 : i32
        scf.yield %scan3A_251 : i32
      }
      %scan3A_230 = arith.constant 8 : i32
      %scan3A_231 = arith.constant 0 : i32
      scf.yield %scan3A_231 : i32
    }
    %scan3A_91 = arith.constant 64 : i32
    %scan3A_92 = arith.constant 0 : i32
    %scan3A_93 = arith.constant 0 : i32
    %scan3A_94 = arith.constant 16 : i32
    %scan3A_95 = arith.addi %scan3A_93, %scan3A_94 : i32
    %scan3A_96 = arith.constant 1 : i32
    %scan3A_97 = scf.for %scan3A_222 = %scan3A_93 to %scan3A_95 step %scan3A_96 iter_args(%scan3A_223 = %scan3A_92) -> (i32)  : i32 {
      %scan3A_224 = arith.constant 0 : i32
      %scan3A_225 = arith.constant 0 : i32
      %scan3A_226 = arith.constant 8 : i32
      %scan3A_227 = arith.addi %scan3A_225, %scan3A_226 : i32
      %scan3A_228 = arith.constant 1 : i32
      %scan3A_229 = scf.for %scan3A_232 = %scan3A_225 to %scan3A_227 step %scan3A_228 iter_args(%scan3A_233 = %scan3A_224) -> (i32)  : i32 {
        %mul3A_234 = arith.constant 16 : i32
        %mul3A_235 = arith.muli %scan3A_232, %mul3A_234 : i32
        %get3A = arith.index_cast %scan3A_222 : i32 to index
        %get3A_236 = arith.index_cast %mul3A_235 : i32 to index
        %get3A_237 = tpu.vector_load %arg19[%get3A, %get3A_236] {strides = array<i32>} : memref<64x128xf32, #tpu.memory_space<vmem>>, vector<16xf32>,
        %max3A = arith.constant 1.000000e+00 : f32
        %max3A_238 = vector.broadcast %max3A : f32 to vector<16xf32>
        %max3A_239 = arith.maximumf %get3A_237, %max3A_238 : vector<16xf32>
        %div3A_240 = arith.constant 1.000000e+00 : f32
        %div3A_241 = vector.broadcast %div3A_240 : f32 to vector<16xf32>
        %div3A_242 = arith.divf %div3A_241, %max3A_239 : vector<16xf32>
        %add3A_243 = arith.constant 64 : i32
        %add3A_244 = arith.addi %add3A_243, %scan3A_222 : i32
        %mul3A_245 = arith.constant 128 : i32
        %mul3A_246 = arith.muli %add3A_244, %mul3A_245 : i32
        %mul3A_247 = arith.constant 16 : i32
        %mul3A_248 = arith.muli %scan3A_232, %mul3A_247 : i32
        %add3A_249 = arith.addi %mul3A_246, %mul3A_248 : i32
        %swap3A = arith.index_cast %add3A_249 : i32 to index
        %swap3A_250 = tpu.vector_load %arg11[%swap3A] {strides = array<i32>} : memref<10240xf32, #tpu.memory_space<vmem>>, vector<16xf32>,
        tpu.vector_store %arg11[%swap3A], %div3A_242 {strides = array<i32>} : memref<10240xf32, #tpu.memory_space<vmem>>, vector<16xf32>,
        %scan3A_251 = arith.constant 0 : i32
        scf.yield %scan3A_251 : i32
      }
      %scan3A_230 = arith.constant 8 : i32
      %scan3A_231 = arith.constant 0 : i32
      scf.yield %scan3A_231 : i32
    }
    %scan3A_98 = arith.constant 16 : i32
    %scan3A_99 = arith.constant 0 : i32
    %scan3A_100 = arith.constant 0 : i32
    %scan3A_101 = arith.constant 80 : i32
    %scan3A_102 = arith.addi %scan3A_100, %scan3A_101 : i32
    %scan3A_103 = arith.constant 1 : i32
    %scan3A_104 = scf.for %scan3A_222 = %scan3A_100 to %scan3A_102 step %scan3A_103 iter_args(%scan3A_223 = %scan3A_99) -> (i32)  : i32 {
      %scan3A_224 = arith.constant 0 : i32
      %scan3A_225 = arith.constant 0 : i32
      %scan3A_226 = arith.constant 8 : i32
      %scan3A_227 = arith.addi %scan3A_225, %scan3A_226 : i32
      %scan3A_228 = arith.constant 1 : i32
      %scan3A_229 = scf.for %scan3A_232 = %scan3A_225 to %scan3A_227 step %scan3A_228 iter_args(%scan3A_233 = %scan3A_224) -> (i32)  : i32 {
        %mul3A_234 = arith.constant 16 : i32
        %mul3A_235 = arith.muli %scan3A_232, %mul3A_234 : i32
        %swap3A = arith.index_cast %scan3A_222 : i32 to index
        %swap3A_236 = arith.index_cast %mul3A_235 : i32 to index
        %swap3A_237 = tpu.vector_load %arg10[%swap3A, %swap3A_236] {strides = array<i32>} : memref<80x128xf32, #tpu.memory_space<vmem>>, vector<16xf32>,
        tpu.vector_store %arg10[%swap3A, %swap3A_236], %broadcast_in_dim3A_1 {strides = array<i32>} : memref<80x128xf32, #tpu.memory_space<vmem>>, vector<16xf32>,
        %scan3A_238 = arith.constant 0 : i32
        scf.yield %scan3A_238 : i32
      }
      %scan3A_230 = arith.constant 8 : i32
      %scan3A_231 = arith.constant 0 : i32
      scf.yield %scan3A_231 : i32
    }
    %scan3A_105 = arith.constant 80 : i32
    %eq3A = arith.constant 0 : i32
    %eq3A_106 = arith.cmpi eq, %arg0, %eq3A : i32
    %jit3A = arith.constant 272 : i32
    %jit3A_107 = arith.constant 48 : i32
    %select_n3A = arith.select %eq3A_106, %jit3A, %jit3A_107 : i32
    %jit3A_108 = arith.constant 8 : i32
    %div3A = arith.divsi %select_n3A, %jit3A_108 : i32
    %sign3A = arith.constant 0 : i32
    %sign3A_109 = arith.cmpi sgt, %select_n3A, %sign3A : i32
    %sign3A_110 = arith.extui %sign3A_109 : i1 to i32
    %sign3A_111 = arith.constant 0 : i32
    %sign3A_112 = arith.cmpi slt, %select_n3A, %sign3A_111 : i32
    %sign3A_113 = arith.extui %sign3A_112 : i1 to i32
    %sign3A_114 = arith.subi %sign3A_110, %sign3A_113 : i32
    %sign3A_115 = arith.constant 0 : i32
    %sign3A_116 = arith.cmpi sgt, %jit3A_108, %sign3A_115 : i32
    %sign3A_117 = arith.extui %sign3A_116 : i1 to i32
    %sign3A_118 = arith.constant 0 : i32
    %sign3A_119 = arith.cmpi slt, %jit3A_108, %sign3A_118 : i32
    %sign3A_120 = arith.extui %sign3A_119 : i1 to i32
    %sign3A_121 = arith.subi %sign3A_117, %sign3A_120 : i32
    %ne3A = arith.cmpi ne, %sign3A_114, %sign3A_121 : i32
    %rem3A = arith.remsi %select_n3A, %jit3A_108 : i32
    %ne3A_122 = arith.constant 0 : i32
    %ne3A_123 = arith.cmpi ne, %rem3A, %ne3A_122 : i32
    %and3A = arith.andi %ne3A, %ne3A_123 : i1
    %sub3A = arith.constant 1 : i32
    %sub3A_124 = arith.subi %div3A, %sub3A : i32
    %select_n3A_125 = arith.select %and3A, %sub3A_124, %div3A : i32
    %eq3A_126 = arith.constant 0 : i32
    %eq3A_127 = arith.cmpi eq, %arg0, %eq3A_126 : i32
    %mul3A_128 = arith.constant 272 : i32
    %mul3A_129 = arith.muli %arg1, %mul3A_128 : i32
    %mul3A_130 = arith.constant 48 : i32
    %mul3A_131 = arith.muli %arg1, %mul3A_130 : i32
    %add3A_132 = arith.constant 4352 : i32
    %add3A_133 = arith.addi %add3A_132, %mul3A_131 : i32
    %select_n3A_134 = arith.select %eq3A_127, %mul3A_129, %add3A_133 : i32
    %add3A_135 = arith.constant 0 : i32
    %add3A_136 = arith.addi %select_n3A_134, %add3A_135 : i32
    %dma_start3A_137 = arith.constant 0 : i32
    %dma_start3A_138 = tpu.memref_slice %arg3[%add3A_136, %dma_start3A_137] : memref<5120x64xi32, #tpu.memory_space<hbm>> -> memref<8x64xi32, #tpu.memory_space<hbm>>
    %dma_start3A_139 = arith.constant 0 : i32
    %dma_start3A_140 = tpu.memref_slice %arg3[%add3A_136, %dma_start3A_139] : memref<5120x64xi32, #tpu.memory_space<hbm>> -> memref<8x64xi32, #tpu.memory_space<hbm>>
    tpu.enqueue_dma source(%dma_start3A_140 : memref<8x64xi32, #tpu.memory_space<hbm>>) target(%arg14 : memref<8x64xi32, #tpu.memory_space<vmem>>) target_semaphore(%arg21 : memref<!tpu.dma_semaphore, #tpu.memory_space<semaphore_mem>>)
    %add3A_141 = arith.constant 0 : i32
    %add3A_142 = arith.addi %select_n3A_134, %add3A_141 : i32
    %dma_start3A_143 = arith.constant 0 : i32
    %dma_start3A_144 = tpu.memref_slice %arg4[%add3A_142, %dma_start3A_143] : memref<5120x64xi32, #tpu.memory_space<hbm>> -> memref<8x64xi32, #tpu.memory_space<hbm>>
    %dma_start3A_145 = arith.constant 0 : i32
    %dma_start3A_146 = tpu.memref_slice %arg4[%add3A_142, %dma_start3A_145] : memref<5120x64xi32, #tpu.memory_space<hbm>> -> memref<8x64xi32, #tpu.memory_space<hbm>>
    tpu.enqueue_dma source(%dma_start3A_146 : memref<8x64xi32, #tpu.memory_space<hbm>>) target(%arg16 : memref<8x64xi32, #tpu.memory_space<vmem>>) target_semaphore(%arg21 : memref<!tpu.dma_semaphore, #tpu.memory_space<semaphore_mem>>)
    %add3A_147 = arith.constant 0 : i32
    %add3A_148 = arith.addi %select_n3A_134, %add3A_147 : i32
    %dma_wait3A = arith.constant 0 : i32
    %dma_wait3A_149 = tpu.memref_slice %arg3[%add3A_148, %dma_wait3A] : memref<5120x64xi32, #tpu.memory_space<hbm>> -> memref<8x64xi32, #tpu.memory_space<hbm>>
    %dma_wait3A_150 = arith.constant 0 : i32
    %dma_wait3A_151 = tpu.memref_slice %arg3[%add3A_148, %dma_wait3A_150] : memref<5120x64xi32, #tpu.memory_space<hbm>> -> memref<8x64xi32, #tpu.memory_space<hbm>>
    tpu.wait_dma2 semaphore(%arg21 : memref<!tpu.dma_semaphore, #tpu.memory_space<semaphore_mem>>) src(%dma_wait3A_151 : memref<8x64xi32, #tpu.memory_space<hbm>>) dst(%arg14 : memref<8x64xi32, #tpu.memory_space<vmem>>)
    %add3A_152 = arith.constant 0 : i32
    %add3A_153 = arith.addi %select_n3A_134, %add3A_152 : i32
    %dma_wait3A_154 = arith.constant 0 : i32
    %dma_wait3A_155 = tpu.memref_slice %arg4[%add3A_153, %dma_wait3A_154] : memref<5120x64xi32, #tpu.memory_space<hbm>> -> memref<8x64xi32, #tpu.memory_space<hbm>>
    %dma_wait3A_156 = arith.constant 0 : i32
    %dma_wait3A_157 = tpu.memref_slice %arg4[%add3A_153, %dma_wait3A_156] : memref<5120x64xi32, #tpu.memory_space<hbm>> -> memref<8x64xi32, #tpu.memory_space<hbm>>
    tpu.wait_dma2 semaphore(%arg21 : memref<!tpu.dma_semaphore, #tpu.memory_space<semaphore_mem>>) src(%dma_wait3A_157 : memref<8x64xi32, #tpu.memory_space<hbm>>) dst(%arg16 : memref<8x64xi32, #tpu.memory_space<vmem>>)
    %dma_start3A_158 = arith.constant 0 : i32
    %dma_start3A_159 = arith.constant 0 : i32
    %dma_start3A_160 = tpu.memref_slice %arg14[%dma_start3A_158, %dma_start3A_159] : memref<8x64xi32, #tpu.memory_space<vmem>> -> memref<1x64xi32, #tpu.memory_space<vmem>>
    %dma_start3A_161 = tpu.memref_squeeze %dma_start3A_160 : memref<1x64xi32, #tpu.memory_space<vmem>> -> memref<64xi32, #tpu.memory_space<vmem>>
    %dma_start3A_162 = arith.constant 0 : i32
    %dma_start3A_163 = arith.constant 0 : i32
    %dma_start3A_164 = tpu.memref_slice %arg2[%dma_start3A_162, %dma_start3A_163] : memref<10240x128xf32, #tpu.memory_space<hbm>> -> memref<10240x128xf32, #tpu.memory_space<hbm>>
    tpu.enqueue_indirect_dma source(%dma_start3A_164 : memref<10240x128xf32, #tpu.memory_space<hbm>>) target(%arg18 : memref<64x128xf32, #tpu.memory_space<vmem>>) offsets(%dma_start3A_161 : memref<64xi32, #tpu.memory_space<vmem>>) semaphore(%arg23 : memref<!tpu.dma_semaphore, #tpu.memory_space<semaphore_mem>>)
    %jit3A_165 = arith.constant 2 : i32
    %div3A_166 = arith.divsi %select_n3A_125, %jit3A_165 : i32
    %sign3A_167 = arith.constant 0 : i32
    %sign3A_168 = arith.cmpi sgt, %select_n3A_125, %sign3A_167 : i32
    %sign3A_169 = arith.extui %sign3A_168 : i1 to i32
    %sign3A_170 = arith.constant 0 : i32
    %sign3A_171 = arith.cmpi slt, %select_n3A_125, %sign3A_170 : i32
    %sign3A_172 = arith.extui %sign3A_171 : i1 to i32
    %sign3A_173 = arith.subi %sign3A_169, %sign3A_172 : i32
    %sign3A_174 = arith.constant 0 : i32
    %sign3A_175 = arith.cmpi sgt, %jit3A_165, %sign3A_174 : i32
    %sign3A_176 = arith.extui %sign3A_175 : i1 to i32
    %sign3A_177 = arith.constant 0 : i32
    %sign3A_178 = arith.cmpi slt, %jit3A_165, %sign3A_177 : i32
    %sign3A_179 = arith.extui %sign3A_178 : i1 to i32
    %sign3A_180 = arith.subi %sign3A_176, %sign3A_179 : i32
    %ne3A_181 = arith.cmpi ne, %sign3A_173, %sign3A_180 : i32
    %rem3A_182 = arith.remsi %select_n3A_125, %jit3A_165 : i32
    %ne3A_183 = arith.constant 0 : i32
    %ne3A_184 = arith.cmpi ne, %rem3A_182, %ne3A_183 : i32
    %and3A_185 = arith.andi %ne3A_181, %ne3A_184 : i1
    %sub3A_186 = arith.constant 1 : i32
    %sub3A_187 = arith.subi %div3A_166, %sub3A_186 : i32
    %select_n3A_188 = arith.select %and3A_185, %sub3A_187, %div3A_166 : i32
    %while3A = arith.constant 0 : i32
    %while3A_189 = arith.constant 0 : i32
    %while3A_190 = arith.subi %select_n3A_188, %while3A : i32
    %while3A_191 = arith.addi %while3A, %while3A_190 : i32
    %while3A_192 = arith.constant 1 : i32
    %while3A_193 = arith.divsi %while3A_190, %while3A_192 : i32
    %while3A_194 = arith.muli %while3A_193, %while3A_192 : i32
    %while3A_195 = arith.addi %while3A, %while3A_194 : i32
    %while3A_196 = arith.constant 1 : i32
    %while3A_197 = scf.for %while3A_222 = %while3A to %while3A_195 step %while3A_196 iter_args(%while3A_223 = %while3A_189) -> (i32)  : i32 {
      %mul3A_224 = arith.constant 2 : i32
      %mul3A_225 = arith.muli %while3A_222, %mul3A_224 : i32
      %add3A_226 = arith.constant 0 : i32
      %add3A_227 = arith.addi %mul3A_225, %add3A_226 : i32
      %mul3A_228 = arith.constant 8 : i32
      %mul3A_229 = arith.muli %add3A_227, %mul3A_228 : i32
      %add3A_230 = arith.constant 0 : i32
      %add3A_231 = arith.addi %mul3A_229, %add3A_230 : i32
      %gt3A = arith.constant 0 : i32
      %gt3A_232 = arith.cmpi sgt, %add3A_231, %gt3A : i32
      %convert_element_type3A_233 = arith.extui %gt3A_232 : i1 to i32
      %cond3A_234 = arith.constant 7 : i32
      %cond3A_235 = arith.constant 0 : i32
      %cond3A_236 = arith.cmpi ne, %convert_element_type3A_233, %cond3A_235 : i32
      scf.if %cond3A_236 {
        %dma_wait3A_864 = arith.constant 0 : i32
        %dma_wait3A_865 = tpu.memref_slice %arg17[%cond3A_234, %dma_wait3A_864] : memref<8x64xi32, #tpu.memory_space<vmem>> -> memref<1x64xi32, #tpu.memory_space<vmem>>
        %dma_wait3A_866 = tpu.memref_squeeze %dma_wait3A_865 : memref<1x64xi32, #tpu.memory_space<vmem>> -> memref<64xi32, #tpu.memory_space<vmem>>
        %dma_wait3A_867 = arith.constant 0 : i32
        %dma_wait3A_868 = arith.constant 0 : i32
        %dma_wait3A_869 = tpu.memref_slice %arg8[%dma_wait3A_867, %dma_wait3A_868] : memref<10240x128xf32, #tpu.memory_space<vmem_shared>> -> memref<10240x128xf32, #tpu.memory_space<vmem_shared>>
        tpu.wait_indirect_dma semaphore(%arg26 : memref<!tpu.dma_semaphore, #tpu.memory_space<semaphore_mem>>) src(%arg19 : memref<64x128xf32, #tpu.memory_space<vmem>>) dst(%dma_wait3A_869 : memref<10240x128xf32, #tpu.memory_space<vmem_shared>>)
      } else {
      }
      %add3A_237 = arith.constant 1 : i32
      %add3A_238 = arith.addi %add3A_227, %add3A_237 : i32
      %lt3A_239 = arith.cmpi slt, %add3A_238, %select_n3A_125 : i32
      %convert_element_type3A_240 = arith.extui %lt3A_239 : i1 to i32
      %cond3A_241 = arith.constant 0 : i32
      %cond3A_242 = arith.cmpi ne, %convert_element_type3A_240, %cond3A_241 : i32
      scf.if %cond3A_242 {
        %add3A_864 = arith.constant 1 : i32
        %add3A_865 = arith.addi %add3A_227, %add3A_864 : i32
        %mul3A_866 = arith.constant 8 : i32
        %mul3A_867 = arith.muli %add3A_865, %mul3A_866 : i32
        %add3A_868 = arith.addi %select_n3A_134, %mul3A_867 : i32
        %dma_start3A_869 = arith.constant 0 : i32
        %dma_start3A_870 = tpu.memref_slice %arg3[%add3A_868, %dma_start3A_869] : memref<5120x64xi32, #tpu.memory_space<hbm>> -> memref<8x64xi32, #tpu.memory_space<hbm>>
        %dma_start3A_871 = arith.constant 0 : i32
        %dma_start3A_872 = tpu.memref_slice %arg3[%add3A_868, %dma_start3A_871] : memref<5120x64xi32, #tpu.memory_space<hbm>> -> memref<8x64xi32, #tpu.memory_space<hbm>>
        tpu.enqueue_dma source(%dma_start3A_872 : memref<8x64xi32, #tpu.memory_space<hbm>>) target(%arg15 : memref<8x64xi32, #tpu.memory_space<vmem>>) target_semaphore(%arg22 : memref<!tpu.dma_semaphore, #tpu.memory_space<semaphore_mem>>)
        %mul3A_873 = arith.constant 8 : i32
        %mul3A_874 = arith.muli %add3A_865, %mul3A_873 : i32
        %add3A_875 = arith.addi %select_n3A_134, %mul3A_874 : i32
        %dma_start3A_876 = arith.constant 0 : i32
        %dma_start3A_877 = tpu.memref_slice %arg4[%add3A_875, %dma_start3A_876] : memref<5120x64xi32, #tpu.memory_space<hbm>> -> memref<8x64xi32, #tpu.memory_space<hbm>>
        %dma_start3A_878 = arith.constant 0 : i32
        %dma_start3A_879 = tpu.memref_slice %arg4[%add3A_875, %dma_start3A_878] : memref<5120x64xi32, #tpu.memory_space<hbm>> -> memref<8x64xi32, #tpu.memory_space<hbm>>
        tpu.enqueue_dma source(%dma_start3A_879 : memref<8x64xi32, #tpu.memory_space<hbm>>) target(%arg17 : memref<8x64xi32, #tpu.memory_space<vmem>>) target_semaphore(%arg22 : memref<!tpu.dma_semaphore, #tpu.memory_space<semaphore_mem>>)
      } else {
      }
      %add3A_243 = arith.constant 1 : i32
      %add3A_244 = arith.addi %add3A_231, %add3A_243 : i32
      %lt3A_245 = arith.cmpi slt, %add3A_244, %select_n3A : i32
      %convert_element_type3A_246 = arith.extui %lt3A_245 : i1 to i32
      %cond3A_247 = arith.constant 1 : i32
      %cond3A_248 = arith.constant 0 : i32
      %cond3A_249 = arith.cmpi ne, %convert_element_type3A_246, %cond3A_248 : i32
      scf.if %cond3A_249 {
        %dma_start3A_864 = arith.constant 0 : i32
        %dma_start3A_865 = tpu.memref_slice %arg14[%cond3A_247, %dma_start3A_864] : memref<8x64xi32, #tpu.memory_space<vmem>> -> memref<1x64xi32, #tpu.memory_space<vmem>>
        %dma_start3A_866 = tpu.memref_squeeze %dma_start3A_865 : memref<1x64xi32, #tpu.memory_space<vmem>> -> memref<64xi32, #tpu.memory_space<vmem>>
        %dma_start3A_867 = arith.constant 0 : i32
        %dma_start3A_868 = arith.constant 0 : i32
        %dma_start3A_869 = tpu.memref_slice %arg2[%dma_start3A_867, %dma_start3A_868] : memref<10240x128xf32, #tpu.memory_space<hbm>> -> memref<10240x128xf32, #tpu.memory_space<hbm>>
        tpu.enqueue_indirect_dma source(%dma_start3A_869 : memref<10240x128xf32, #tpu.memory_space<hbm>>) target(%arg19 : memref<64x128xf32, #tpu.memory_space<vmem>>) offsets(%dma_start3A_866 : memref<64xi32, #tpu.memory_space<vmem>>) semaphore(%arg24 : memref<!tpu.dma_semaphore, #tpu.memory_space<semaphore_mem>>)
      } else {
      }
      %dma_wait3A_250 = arith.constant 0 : i32
      %dma_wait3A_251 = arith.constant 0 : i32
      %dma_wait3A_252 = tpu.memref_slice %arg14[%dma_wait3A_250, %dma_wait3A_251] : memref<8x64xi32, #tpu.memory_space<vmem>> -> memref<1x64xi32, #tpu.memory_space<vmem>>
      %dma_wait3A_253 = tpu.memref_squeeze %dma_wait3A_252 : memref<1x64xi32, #tpu.memory_space<vmem>> -> memref<64xi32, #tpu.memory_space<vmem>>
      %dma_wait3A_254 = arith.constant 0 : i32
      %dma_wait3A_255 = arith.constant 0 : i32
      %dma_wait3A_256 = tpu.memref_slice %arg2[%dma_wait3A_254, %dma_wait3A_255] : memref<10240x128xf32, #tpu.memory_space<hbm>> -> memref<10240x128xf32, #tpu.memory_space<hbm>>
      tpu.wait_indirect_dma semaphore(%arg23 : memref<!tpu.dma_semaphore, #tpu.memory_space<semaphore_mem>>) src(%dma_wait3A_256 : memref<10240x128xf32, #tpu.memory_space<hbm>>) dst(%arg18 : memref<64x128xf32, #tpu.memory_space<vmem>>)
      %dma_start3A_257 = arith.constant 0 : i32
      %dma_start3A_258 = arith.constant 0 : i32
      %dma_start3A_259 = tpu.memref_slice %arg16[%dma_start3A_257, %dma_start3A_258] : memref<8x64xi32, #tpu.memory_space<vmem>> -> memref<1x64xi32, #tpu.memory_space<vmem>>
      %dma_start3A_260 = tpu.memref_squeeze %dma_start3A_259 : memref<1x64xi32, #tpu.memory_space<vmem>> -> memref<64xi32, #tpu.memory_space<vmem>>
      %dma_start3A_261 = arith.constant 0 : i32
      %dma_start3A_262 = arith.constant 0 : i32
      %dma_start3A_263 = tpu.memref_slice %arg8[%dma_start3A_261, %dma_start3A_262] : memref<10240x128xf32, #tpu.memory_space<vmem_shared>> -> memref<10240x128xf32, #tpu.memory_space<vmem_shared>>
      tpu.enqueue_indirect_dma source(%arg18 : memref<64x128xf32, #tpu.memory_space<vmem>>) target(%dma_start3A_263 : memref<10240x128xf32, #tpu.memory_space<vmem_shared>>) offsets(%dma_start3A_260 : memref<64xi32, #tpu.memory_space<vmem>>) semaphore(%arg25 : memref<!tpu.dma_semaphore, #tpu.memory_space<semaphore_mem>>) {add = true}
      %scan3A_264 = arith.constant 0 : i32
      %scan3A_265 = arith.constant 0 : i32
      %scan3A_266 = arith.constant 4 : i32
      %scan3A_267 = arith.addi %scan3A_265, %scan3A_266 : i32
      %scan3A_268 = arith.constant 1 : i32
      %scan3A_269 = scf.for %scan3A_864 = %scan3A_265 to %scan3A_267 step %scan3A_268 iter_args(%scan3A_865 = %scan3A_264) -> (i32)  : i32 {
        %mul3A_866 = arith.constant 16 : i32
        %mul3A_867 = arith.muli %scan3A_864, %mul3A_866 : i32
        %get3A = arith.constant 0 : i32
        %get3A_868 = arith.index_cast %get3A : i32 to index
        %get3A_869 = arith.index_cast %mul3A_867 : i32 to index
        %get3A_870 = tpu.vector_load %arg16[%get3A_868, %get3A_869] {strides = array<i32>} : memref<8x64xi32, #tpu.memory_space<vmem>>, vector<16xi32>,
        %gather3A = tpu.vector_load_idx %arg11[%get3A_870] : memref<10240xf32, #tpu.memory_space<vmem>>[vector<16xi32>], vector<16xf32>,
        %mul3A_871 = arith.constant 16 : i32
        %mul3A_872 = arith.muli %scan3A_864, %mul3A_871 : i32
        %get3A_873 = arith.constant 0 : i32
        %get3A_874 = arith.index_cast %get3A_873 : i32 to index
        %get3A_875 = arith.index_cast %mul3A_872 : i32 to index
        %get3A_876 = tpu.vector_load %arg14[%get3A_874, %get3A_875] {strides = array<i32>} : memref<8x64xi32, #tpu.memory_space<vmem>>, vector<16xi32>,
        %shift_right_logical3A = arith.shrui %get3A_876, %broadcast_in_dim3A_7 : vector<16xi32>
        %and3A_877 = arith.andi %get3A_876, %broadcast_in_dim3A_5 : vector<16xi32>
        tpu.vector_store_idx %arg10[%shift_right_logical3A, %and3A_877], %gather3A {add = true} : memref<80x128xf32, #tpu.memory_space<vmem>>[vector<16xi32>, vector<16xi32>], vector<16xf32>,
        %scan3A_878 = arith.constant 0 : i32
        scf.yield %scan3A_878 : i32
      }
      %scan3A_270 = arith.constant 4 : i32
      %mul3A_271 = arith.constant 8 : i32
      %mul3A_272 = arith.muli %add3A_227, %mul3A_271 : i32
      %add3A_273 = arith.constant 1 : i32
      %add3A_274 = arith.addi %mul3A_272, %add3A_273 : i32
      %gt3A_275 = arith.constant 0 : i32
      %gt3A_276 = arith.cmpi sgt, %add3A_274, %gt3A_275 : i32
      %convert_element_type3A_277 = arith.extui %gt3A_276 : i1 to i32
      %cond3A_278 = arith.constant 0 : i32
      %cond3A_279 = arith.constant 0 : i32
      %cond3A_280 = arith.cmpi ne, %convert_element_type3A_277, %cond3A_279 : i32
      scf.if %cond3A_280 {
        %dma_wait3A_864 = arith.constant 0 : i32
        %dma_wait3A_865 = tpu.memref_slice %arg16[%cond3A_278, %dma_wait3A_864] : memref<8x64xi32, #tpu.memory_space<vmem>> -> memref<1x64xi32, #tpu.memory_space<vmem>>
        %dma_wait3A_866 = tpu.memref_squeeze %dma_wait3A_865 : memref<1x64xi32, #tpu.memory_space<vmem>> -> memref<64xi32, #tpu.memory_space<vmem>>
        %dma_wait3A_867 = arith.constant 0 : i32
        %dma_wait3A_868 = arith.constant 0 : i32
        %dma_wait3A_869 = tpu.memref_slice %arg8[%dma_wait3A_867, %dma_wait3A_868] : memref<10240x128xf32, #tpu.memory_space<vmem_shared>> -> memref<10240x128xf32, #tpu.memory_space<vmem_shared>>
        tpu.wait_indirect_dma semaphore(%arg25 : memref<!tpu.dma_semaphore, #tpu.memory_space<semaphore_mem>>) src(%arg18 : memref<64x128xf32, #tpu.memory_space<vmem>>) dst(%dma_wait3A_869 : memref<10240x128xf32, #tpu.memory_space<vmem_shared>>)
      } else {
      }
      %add3A_281 = arith.constant 1 : i32
      %add3A_282 = arith.addi %add3A_274, %add3A_281 : i32
      %lt3A_283 = arith.cmpi slt, %add3A_282, %select_n3A : i32
      %convert_element_type3A_284 = arith.extui %lt3A_283 : i1 to i32
      %cond3A_285 = arith.constant 2 : i32
      %cond3A_286 = arith.constant 0 : i32
      %cond3A_287 = arith.cmpi ne, %convert_element_type3A_284, %cond3A_286 : i32
      scf.if %cond3A_287 {
        %dma_start3A_864 = arith.constant 0 : i32
        %dma_start3A_865 = tpu.memref_slice %arg14[%cond3A_285, %dma_start3A_864] : memref<8x64xi32, #tpu.memory_space<vmem>> -> memref<1x64xi32, #tpu.memory_space<vmem>>
        %dma_start3A_866 = tpu.memref_squeeze %dma_start3A_865 : memref<1x64xi32, #tpu.memory_space<vmem>> -> memref<64xi32, #tpu.memory_space<vmem>>
        %dma_start3A_867 = arith.constant 0 : i32
        %dma_start3A_868 = arith.constant 0 : i32
        %dma_start3A_869 = tpu.memref_slice %arg2[%dma_start3A_867, %dma_start3A_868] : memref<10240x128xf32, #tpu.memory_space<hbm>> -> memref<10240x128xf32, #tpu.memory_space<hbm>>
        tpu.enqueue_indirect_dma source(%dma_start3A_869 : memref<10240x128xf32, #tpu.memory_space<hbm>>) target(%arg18 : memref<64x128xf32, #tpu.memory_space<vmem>>) offsets(%dma_start3A_866 : memref<64xi32, #tpu.memory_space<vmem>>) semaphore(%arg23 : memref<!tpu.dma_semaphore, #tpu.memory_space<semaphore_mem>>)
      } else {
      }
      %dma_wait3A_288 = arith.constant 1 : i32
      %dma_wait3A_289 = arith.constant 0 : i32
      %dma_wait3A_290 = tpu.memref_slice %arg14[%dma_wait3A_288, %dma_wait3A_289] : memref<8x64xi32, #tpu.memory_space<vmem>> -> memref<1x64xi32, #tpu.memory_space<vmem>>
      %dma_wait3A_291 = tpu.memref_squeeze %dma_wait3A_290 : memref<1x64xi32, #tpu.memory_space<vmem>> -> memref<64xi32, #tpu.memory_space<vmem>>
      %dma_wait3A_292 = arith.constant 0 : i32
      %dma_wait3A_293 = arith.constant 0 : i32
      %dma_wait3A_294 = tpu.memref_slice %arg2[%dma_wait3A_292, %dma_wait3A_293] : memref<10240x128xf32, #tpu.memory_space<hbm>> -> memref<10240x128xf32, #tpu.memory_space<hbm>>
      tpu.wait_indirect_dma semaphore(%arg24 : memref<!tpu.dma_semaphore, #tpu.memory_space<semaphore_mem>>) src(%dma_wait3A_294 : memref<10240x128xf32, #tpu.memory_space<hbm>>) dst(%arg19 : memref<64x128xf32, #tpu.memory_space<vmem>>)
      %dma_start3A_295 = arith.constant 1 : i32
      %dma_start3A_296 = arith.constant 0 : i32
      %dma_start3A_297 = tpu.memref_slice %arg16[%dma_start3A_295, %dma_start3A_296] : memref<8x64xi32, #tpu.memory_space<vmem>> -> memref<1x64xi32, #tpu.memory_space<vmem>>
      %dma_start3A_298 = tpu.memref_squeeze %dma_start3A_297 : memref<1x64xi32, #tpu.memory_space<vmem>> -> memref<64xi32, #tpu.memory_space<vmem>>
      %dma_start3A_299 = arith.constant 0 : i32
      %dma_start3A_300 = arith.constant 0 : i32
      %dma_start3A_301 = tpu.memref_slice %arg8[%dma_start3A_299, %dma_start3A_300] : memref<10240x128xf32, #tpu.memory_space<vmem_shared>> -> memref<10240x128xf32, #tpu.memory_space<vmem_shared>>
      tpu.enqueue_indirect_dma source(%arg19 : memref<64x128xf32, #tpu.memory_space<vmem>>) target(%dma_start3A_301 : memref<10240x128xf32, #tpu.memory_space<vmem_shared>>) offsets(%dma_start3A_298 : memref<64xi32, #tpu.memory_space<vmem>>) semaphore(%arg26 : memref<!tpu.dma_semaphore, #tpu.memory_space<semaphore_mem>>) {add = true}
      %scan3A_302 = arith.constant 0 : i32
      %scan3A_303 = arith.constant 0 : i32
      %scan3A_304 = arith.constant 4 : i32
      %scan3A_305 = arith.addi %scan3A_303, %scan3A_304 : i32
      %scan3A_306 = arith.constant 1 : i32
      %scan3A_307 = scf.for %scan3A_864 = %scan3A_303 to %scan3A_305 step %scan3A_306 iter_args(%scan3A_865 = %scan3A_302) -> (i32)  : i32 {
        %mul3A_866 = arith.constant 16 : i32
        %mul3A_867 = arith.muli %scan3A_864, %mul3A_866 : i32
        %get3A = arith.constant 1 : i32
        %get3A_868 = arith.index_cast %get3A : i32 to index
        %get3A_869 = arith.index_cast %mul3A_867 : i32 to index
        %get3A_870 = tpu.vector_load %arg16[%get3A_868, %get3A_869] {strides = array<i32>} : memref<8x64xi32, #tpu.memory_space<vmem>>, vector<16xi32>,
        %gather3A = tpu.vector_load_idx %arg11[%get3A_870] : memref<10240xf32, #tpu.memory_space<vmem>>[vector<16xi32>], vector<16xf32>,
        %mul3A_871 = arith.constant 16 : i32
        %mul3A_872 = arith.muli %scan3A_864, %mul3A_871 : i32
        %get3A_873 = arith.constant 1 : i32
        %get3A_874 = arith.index_cast %get3A_873 : i32 to index
        %get3A_875 = arith.index_cast %mul3A_872 : i32 to index
        %get3A_876 = tpu.vector_load %arg14[%get3A_874, %get3A_875] {strides = array<i32>} : memref<8x64xi32, #tpu.memory_space<vmem>>, vector<16xi32>,
        %shift_right_logical3A = arith.shrui %get3A_876, %broadcast_in_dim3A_7 : vector<16xi32>
        %and3A_877 = arith.andi %get3A_876, %broadcast_in_dim3A_5 : vector<16xi32>
        tpu.vector_store_idx %arg10[%shift_right_logical3A, %and3A_877], %gather3A {add = true} : memref<80x128xf32, #tpu.memory_space<vmem>>[vector<16xi32>, vector<16xi32>], vector<16xf32>,
        %scan3A_878 = arith.constant 0 : i32
        scf.yield %scan3A_878 : i32
      }
      %scan3A_308 = arith.constant 4 : i32
      %mul3A_309 = arith.constant 8 : i32
      %mul3A_310 = arith.muli %add3A_227, %mul3A_309 : i32
      %add3A_311 = arith.constant 2 : i32
      %add3A_312 = arith.addi %mul3A_310, %add3A_311 : i32
      %gt3A_313 = arith.constant 0 : i32
      %gt3A_314 = arith.cmpi sgt, %add3A_312, %gt3A_313 : i32
      %convert_element_type3A_315 = arith.extui %gt3A_314 : i1 to i32
      %cond3A_316 = arith.constant 1 : i32
      %cond3A_317 = arith.constant 0 : i32
      %cond3A_318 = arith.cmpi ne, %convert_element_type3A_315, %cond3A_317 : i32
      scf.if %cond3A_318 {
        %dma_wait3A_864 = arith.constant 0 : i32
        %dma_wait3A_865 = tpu.memref_slice %arg16[%cond3A_316, %dma_wait3A_864] : memref<8x64xi32, #tpu.memory_space<vmem>> -> memref<1x64xi32, #tpu.memory_space<vmem>>
        %dma_wait3A_866 = tpu.memref_squeeze %dma_wait3A_865 : memref<1x64xi32, #tpu.memory_space<vmem>> -> memref<64xi32, #tpu.memory_space<vmem>>
        %dma_wait3A_867 = arith.constant 0 : i32
        %dma_wait3A_868 = arith.constant 0 : i32
        %dma_wait3A_869 = tpu.memref_slice %arg8[%dma_wait3A_867, %dma_wait3A_868] : memref<10240x128xf32, #tpu.memory_space<vmem_shared>> -> memref<10240x128xf32, #tpu.memory_space<vmem_shared>>
        tpu.wait_indirect_dma semaphore(%arg26 : memref<!tpu.dma_semaphore, #tpu.memory_space<semaphore_mem>>) src(%arg19 : memref<64x128xf32, #tpu.memory_space<vmem>>) dst(%dma_wait3A_869 : memref<10240x128xf32, #tpu.memory_space<vmem_shared>>)
      } else {
      }
      %add3A_319 = arith.constant 1 : i32
      %add3A_320 = arith.addi %add3A_312, %add3A_319 : i32
      %lt3A_321 = arith.cmpi slt, %add3A_320, %select_n3A : i32
      %convert_element_type3A_322 = arith.extui %lt3A_321 : i1 to i32
      %cond3A_323 = arith.constant 3 : i32
      %cond3A_324 = arith.constant 0 : i32
      %cond3A_325 = arith.cmpi ne, %convert_element_type3A_322, %cond3A_324 : i32
      scf.if %cond3A_325 {
        %dma_start3A_864 = arith.constant 0 : i32
        %dma_start3A_865 = tpu.memref_slice %arg14[%cond3A_323, %dma_start3A_864] : memref<8x64xi32, #tpu.memory_space<vmem>> -> memref<1x64xi32, #tpu.memory_space<vmem>>
        %dma_start3A_866 = tpu.memref_squeeze %dma_start3A_865 : memref<1x64xi32, #tpu.memory_space<vmem>> -> memref<64xi32, #tpu.memory_space<vmem>>
        %dma_start3A_867 = arith.constant 0 : i32
        %dma_start3A_868 = arith.constant 0 : i32
        %dma_start3A_869 = tpu.memref_slice %arg2[%dma_start3A_867, %dma_start3A_868] : memref<10240x128xf32, #tpu.memory_space<hbm>> -> memref<10240x128xf32, #tpu.memory_space<hbm>>
        tpu.enqueue_indirect_dma source(%dma_start3A_869 : memref<10240x128xf32, #tpu.memory_space<hbm>>) target(%arg19 : memref<64x128xf32, #tpu.memory_space<vmem>>) offsets(%dma_start3A_866 : memref<64xi32, #tpu.memory_space<vmem>>) semaphore(%arg24 : memref<!tpu.dma_semaphore, #tpu.memory_space<semaphore_mem>>)
      } else {
      }
      %dma_wait3A_326 = arith.constant 2 : i32
      %dma_wait3A_327 = arith.constant 0 : i32
      %dma_wait3A_328 = tpu.memref_slice %arg14[%dma_wait3A_326, %dma_wait3A_327] : memref<8x64xi32, #tpu.memory_space<vmem>> -> memref<1x64xi32, #tpu.memory_space<vmem>>
      %dma_wait3A_329 = tpu.memref_squeeze %dma_wait3A_328 : memref<1x64xi32, #tpu.memory_space<vmem>> -> memref<64xi32, #tpu.memory_space<vmem>>
      %dma_wait3A_330 = arith.constant 0 : i32
      %dma_wait3A_331 = arith.constant 0 : i32
      %dma_wait3A_332 = tpu.memref_slice %arg2[%dma_wait3A_330, %dma_wait3A_331] : memref<10240x128xf32, #tpu.memory_space<hbm>> -> memref<10240x128xf32, #tpu.memory_space<hbm>>
      tpu.wait_indirect_dma semaphore(%arg23 : memref<!tpu.dma_semaphore, #tpu.memory_space<semaphore_mem>>) src(%dma_wait3A_332 : memref<10240x128xf32, #tpu.memory_space<hbm>>) dst(%arg18 : memref<64x128xf32, #tpu.memory_space<vmem>>)
      %dma_start3A_333 = arith.constant 2 : i32
      %dma_start3A_334 = arith.constant 0 : i32
      %dma_start3A_335 = tpu.memref_slice %arg16[%dma_start3A_333, %dma_start3A_334] : memref<8x64xi32, #tpu.memory_space<vmem>> -> memref<1x64xi32, #tpu.memory_space<vmem>>
      %dma_start3A_336 = tpu.memref_squeeze %dma_start3A_335 : memref<1x64xi32, #tpu.memory_space<vmem>> -> memref<64xi32, #tpu.memory_space<vmem>>
      %dma_start3A_337 = arith.constant 0 : i32
      %dma_start3A_338 = arith.constant 0 : i32
      %dma_start3A_339 = tpu.memref_slice %arg8[%dma_start3A_337, %dma_start3A_338] : memref<10240x128xf32, #tpu.memory_space<vmem_shared>> -> memref<10240x128xf32, #tpu.memory_space<vmem_shared>>
      tpu.enqueue_indirect_dma source(%arg18 : memref<64x128xf32, #tpu.memory_space<vmem>>) target(%dma_start3A_339 : memref<10240x128xf32, #tpu.memory_space<vmem_shared>>) offsets(%dma_start3A_336 : memref<64xi32, #tpu.memory_space<vmem>>) semaphore(%arg25 : memref<!tpu.dma_semaphore, #tpu.memory_space<semaphore_mem>>) {add = true}
      %scan3A_340 = arith.constant 0 : i32
      %scan3A_341 = arith.constant 0 : i32
      %scan3A_342 = arith.constant 4 : i32
      %scan3A_343 = arith.addi %scan3A_341, %scan3A_342 : i32
      %scan3A_344 = arith.constant 1 : i32
      %scan3A_345 = scf.for %scan3A_864 = %scan3A_341 to %scan3A_343 step %scan3A_344 iter_args(%scan3A_865 = %scan3A_340) -> (i32)  : i32 {
        %mul3A_866 = arith.constant 16 : i32
        %mul3A_867 = arith.muli %scan3A_864, %mul3A_866 : i32
        %get3A = arith.constant 2 : i32
        %get3A_868 = arith.index_cast %get3A : i32 to index
        %get3A_869 = arith.index_cast %mul3A_867 : i32 to index
        %get3A_870 = tpu.vector_load %arg16[%get3A_868, %get3A_869] {strides = array<i32>} : memref<8x64xi32, #tpu.memory_space<vmem>>, vector<16xi32>,
        %gather3A = tpu.vector_load_idx %arg11[%get3A_870] : memref<10240xf32, #tpu.memory_space<vmem>>[vector<16xi32>], vector<16xf32>,
        %mul3A_871 = arith.constant 16 : i32
        %mul3A_872 = arith.muli %scan3A_864, %mul3A_871 : i32
        %get3A_873 = arith.constant 2 : i32
        %get3A_874 = arith.index_cast %get3A_873 : i32 to index
        %get3A_875 = arith.index_cast %mul3A_872 : i32 to index
        %get3A_876 = tpu.vector_load %arg14[%get3A_874, %get3A_875] {strides = array<i32>} : memref<8x64xi32, #tpu.memory_space<vmem>>, vector<16xi32>,
        %shift_right_logical3A = arith.shrui %get3A_876, %broadcast_in_dim3A_7 : vector<16xi32>
        %and3A_877 = arith.andi %get3A_876, %broadcast_in_dim3A_5 : vector<16xi32>
        tpu.vector_store_idx %arg10[%shift_right_logical3A, %and3A_877], %gather3A {add = true} : memref<80x128xf32, #tpu.memory_space<vmem>>[vector<16xi32>, vector<16xi32>], vector<16xf32>,
        %scan3A_878 = arith.constant 0 : i32
        scf.yield %scan3A_878 : i32
      }
      %scan3A_346 = arith.constant 4 : i32
      %mul3A_347 = arith.constant 8 : i32
      %mul3A_348 = arith.muli %add3A_227, %mul3A_347 : i32
      %add3A_349 = arith.constant 3 : i32
      %add3A_350 = arith.addi %mul3A_348, %add3A_349 : i32
      %gt3A_351 = arith.constant 0 : i32
      %gt3A_352 = arith.cmpi sgt, %add3A_350, %gt3A_351 : i32
      %convert_element_type3A_353 = arith.extui %gt3A_352 : i1 to i32
      %cond3A_354 = arith.constant 2 : i32
      %cond3A_355 = arith.constant 0 : i32
      %cond3A_356 = arith.cmpi ne, %convert_element_type3A_353, %cond3A_355 : i32
      scf.if %cond3A_356 {
        %dma_wait3A_864 = arith.constant 0 : i32
        %dma_wait3A_865 = tpu.memref_slice %arg16[%cond3A_354, %dma_wait3A_864] : memref<8x64xi32, #tpu.memory_space<vmem>> -> memref<1x64xi32, #tpu.memory_space<vmem>>
        %dma_wait3A_866 = tpu.memref_squeeze %dma_wait3A_865 : memref<1x64xi32, #tpu.memory_space<vmem>> -> memref<64xi32, #tpu.memory_space<vmem>>
        %dma_wait3A_867 = arith.constant 0 : i32
        %dma_wait3A_868 = arith.constant 0 : i32
        %dma_wait3A_869 = tpu.memref_slice %arg8[%dma_wait3A_867, %dma_wait3A_868] : memref<10240x128xf32, #tpu.memory_space<vmem_shared>> -> memref<10240x128xf32, #tpu.memory_space<vmem_shared>>
        tpu.wait_indirect_dma semaphore(%arg25 : memref<!tpu.dma_semaphore, #tpu.memory_space<semaphore_mem>>) src(%arg18 : memref<64x128xf32, #tpu.memory_space<vmem>>) dst(%dma_wait3A_869 : memref<10240x128xf32, #tpu.memory_space<vmem_shared>>)
      } else {
      }
      %add3A_357 = arith.constant 1 : i32
      %add3A_358 = arith.addi %add3A_350, %add3A_357 : i32
      %lt3A_359 = arith.cmpi slt, %add3A_358, %select_n3A : i32
      %convert_element_type3A_360 = arith.extui %lt3A_359 : i1 to i32
      %cond3A_361 = arith.constant 4 : i32
      %cond3A_362 = arith.constant 0 : i32
      %cond3A_363 = arith.cmpi ne, %convert_element_type3A_360, %cond3A_362 : i32
      scf.if %cond3A_363 {
        %dma_start3A_864 = arith.constant 0 : i32
        %dma_start3A_865 = tpu.memref_slice %arg14[%cond3A_361, %dma_start3A_864] : memref<8x64xi32, #tpu.memory_space<vmem>> -> memref<1x64xi32, #tpu.memory_space<vmem>>
        %dma_start3A_866 = tpu.memref_squeeze %dma_start3A_865 : memref<1x64xi32, #tpu.memory_space<vmem>> -> memref<64xi32, #tpu.memory_space<vmem>>
        %dma_start3A_867 = arith.constant 0 : i32
        %dma_start3A_868 = arith.constant 0 : i32
        %dma_start3A_869 = tpu.memref_slice %arg2[%dma_start3A_867, %dma_start3A_868] : memref<10240x128xf32, #tpu.memory_space<hbm>> -> memref<10240x128xf32, #tpu.memory_space<hbm>>
        tpu.enqueue_indirect_dma source(%dma_start3A_869 : memref<10240x128xf32, #tpu.memory_space<hbm>>) target(%arg18 : memref<64x128xf32, #tpu.memory_space<vmem>>) offsets(%dma_start3A_866 : memref<64xi32, #tpu.memory_space<vmem>>) semaphore(%arg23 : memref<!tpu.dma_semaphore, #tpu.memory_space<semaphore_mem>>)
      } else {
      }
      %dma_wait3A_364 = arith.constant 3 : i32
      %dma_wait3A_365 = arith.constant 0 : i32
      %dma_wait3A_366 = tpu.memref_slice %arg14[%dma_wait3A_364, %dma_wait3A_365] : memref<8x64xi32, #tpu.memory_space<vmem>> -> memref<1x64xi32, #tpu.memory_space<vmem>>
      %dma_wait3A_367 = tpu.memref_squeeze %dma_wait3A_366 : memref<1x64xi32, #tpu.memory_space<vmem>> -> memref<64xi32, #tpu.memory_space<vmem>>
      %dma_wait3A_368 = arith.constant 0 : i32
      %dma_wait3A_369 = arith.constant 0 : i32
      %dma_wait3A_370 = tpu.memref_slice %arg2[%dma_wait3A_368, %dma_wait3A_369] : memref<10240x128xf32, #tpu.memory_space<hbm>> -> memref<10240x128xf32, #tpu.memory_space<hbm>>
      tpu.wait_indirect_dma semaphore(%arg24 : memref<!tpu.dma_semaphore, #tpu.memory_space<semaphore_mem>>) src(%dma_wait3A_370 : memref<10240x128xf32, #tpu.memory_space<hbm>>) dst(%arg19 : memref<64x128xf32, #tpu.memory_space<vmem>>)
      %dma_start3A_371 = arith.constant 3 : i32
      %dma_start3A_372 = arith.constant 0 : i32
      %dma_start3A_373 = tpu.memref_slice %arg16[%dma_start3A_371, %dma_start3A_372] : memref<8x64xi32, #tpu.memory_space<vmem>> -> memref<1x64xi32, #tpu.memory_space<vmem>>
      %dma_start3A_374 = tpu.memref_squeeze %dma_start3A_373 : memref<1x64xi32, #tpu.memory_space<vmem>> -> memref<64xi32, #tpu.memory_space<vmem>>
      %dma_start3A_375 = arith.constant 0 : i32
      %dma_start3A_376 = arith.constant 0 : i32
      %dma_start3A_377 = tpu.memref_slice %arg8[%dma_start3A_375, %dma_start3A_376] : memref<10240x128xf32, #tpu.memory_space<vmem_shared>> -> memref<10240x128xf32, #tpu.memory_space<vmem_shared>>
      tpu.enqueue_indirect_dma source(%arg19 : memref<64x128xf32, #tpu.memory_space<vmem>>) target(%dma_start3A_377 : memref<10240x128xf32, #tpu.memory_space<vmem_shared>>) offsets(%dma_start3A_374 : memref<64xi32, #tpu.memory_space<vmem>>) semaphore(%arg26 : memref<!tpu.dma_semaphore, #tpu.memory_space<semaphore_mem>>) {add = true}
      %scan3A_378 = arith.constant 0 : i32
      %scan3A_379 = arith.constant 0 : i32
      %scan3A_380 = arith.constant 4 : i32
      %scan3A_381 = arith.addi %scan3A_379, %scan3A_380 : i32
      %scan3A_382 = arith.constant 1 : i32
      %scan3A_383 = scf.for %scan3A_864 = %scan3A_379 to %scan3A_381 step %scan3A_382 iter_args(%scan3A_865 = %scan3A_378) -> (i32)  : i32 {
        %mul3A_866 = arith.constant 16 : i32
        %mul3A_867 = arith.muli %scan3A_864, %mul3A_866 : i32
        %get3A = arith.constant 3 : i32
        %get3A_868 = arith.index_cast %get3A : i32 to index
        %get3A_869 = arith.index_cast %mul3A_867 : i32 to index
        %get3A_870 = tpu.vector_load %arg16[%get3A_868, %get3A_869] {strides = array<i32>} : memref<8x64xi32, #tpu.memory_space<vmem>>, vector<16xi32>,
        %gather3A = tpu.vector_load_idx %arg11[%get3A_870] : memref<10240xf32, #tpu.memory_space<vmem>>[vector<16xi32>], vector<16xf32>,
        %mul3A_871 = arith.constant 16 : i32
        %mul3A_872 = arith.muli %scan3A_864, %mul3A_871 : i32
        %get3A_873 = arith.constant 3 : i32
        %get3A_874 = arith.index_cast %get3A_873 : i32 to index
        %get3A_875 = arith.index_cast %mul3A_872 : i32 to index
        %get3A_876 = tpu.vector_load %arg14[%get3A_874, %get3A_875] {strides = array<i32>} : memref<8x64xi32, #tpu.memory_space<vmem>>, vector<16xi32>,
        %shift_right_logical3A = arith.shrui %get3A_876, %broadcast_in_dim3A_7 : vector<16xi32>
        %and3A_877 = arith.andi %get3A_876, %broadcast_in_dim3A_5 : vector<16xi32>
        tpu.vector_store_idx %arg10[%shift_right_logical3A, %and3A_877], %gather3A {add = true} : memref<80x128xf32, #tpu.memory_space<vmem>>[vector<16xi32>, vector<16xi32>], vector<16xf32>,
        %scan3A_878 = arith.constant 0 : i32
        scf.yield %scan3A_878 : i32
      }
      %scan3A_384 = arith.constant 4 : i32
      %mul3A_385 = arith.constant 8 : i32
      %mul3A_386 = arith.muli %add3A_227, %mul3A_385 : i32
      %add3A_387 = arith.constant 4 : i32
      %add3A_388 = arith.addi %mul3A_386, %add3A_387 : i32
      %gt3A_389 = arith.constant 0 : i32
      %gt3A_390 = arith.cmpi sgt, %add3A_388, %gt3A_389 : i32
      %convert_element_type3A_391 = arith.extui %gt3A_390 : i1 to i32
      %cond3A_392 = arith.constant 3 : i32
      %cond3A_393 = arith.constant 0 : i32
      %cond3A_394 = arith.cmpi ne, %convert_element_type3A_391, %cond3A_393 : i32
      scf.if %cond3A_394 {
        %dma_wait3A_864 = arith.constant 0 : i32
        %dma_wait3A_865 = tpu.memref_slice %arg16[%cond3A_392, %dma_wait3A_864] : memref<8x64xi32, #tpu.memory_space<vmem>> -> memref<1x64xi32, #tpu.memory_space<vmem>>
        %dma_wait3A_866 = tpu.memref_squeeze %dma_wait3A_865 : memref<1x64xi32, #tpu.memory_space<vmem>> -> memref<64xi32, #tpu.memory_space<vmem>>
        %dma_wait3A_867 = arith.constant 0 : i32
        %dma_wait3A_868 = arith.constant 0 : i32
        %dma_wait3A_869 = tpu.memref_slice %arg8[%dma_wait3A_867, %dma_wait3A_868] : memref<10240x128xf32, #tpu.memory_space<vmem_shared>> -> memref<10240x128xf32, #tpu.memory_space<vmem_shared>>
        tpu.wait_indirect_dma semaphore(%arg26 : memref<!tpu.dma_semaphore, #tpu.memory_space<semaphore_mem>>) src(%arg19 : memref<64x128xf32, #tpu.memory_space<vmem>>) dst(%dma_wait3A_869 : memref<10240x128xf32, #tpu.memory_space<vmem_shared>>)
      } else {
      }
      %add3A_395 = arith.constant 1 : i32
      %add3A_396 = arith.addi %add3A_388, %add3A_395 : i32
      %lt3A_397 = arith.cmpi slt, %add3A_396, %select_n3A : i32
      %convert_element_type3A_398 = arith.extui %lt3A_397 : i1 to i32
      %cond3A_399 = arith.constant 5 : i32
      %cond3A_400 = arith.constant 0 : i32
      %cond3A_401 = arith.cmpi ne, %convert_element_type3A_398, %cond3A_400 : i32
      scf.if %cond3A_401 {
        %dma_start3A_864 = arith.constant 0 : i32
        %dma_start3A_865 = tpu.memref_slice %arg14[%cond3A_399, %dma_start3A_864] : memref<8x64xi32, #tpu.memory_space<vmem>> -> memref<1x64xi32, #tpu.memory_space<vmem>>
        %dma_start3A_866 = tpu.memref_squeeze %dma_start3A_865 : memref<1x64xi32, #tpu.memory_space<vmem>> -> memref<64xi32, #tpu.memory_space<vmem>>
        %dma_start3A_867 = arith.constant 0 : i32
        %dma_start3A_868 = arith.constant 0 : i32
        %dma_start3A_869 = tpu.memref_slice %arg2[%dma_start3A_867, %dma_start3A_868] : memref<10240x128xf32, #tpu.memory_space<hbm>> -> memref<10240x128xf32, #tpu.memory_space<hbm>>
        tpu.enqueue_indirect_dma source(%dma_start3A_869 : memref<10240x128xf32, #tpu.memory_space<hbm>>) target(%arg19 : memref<64x128xf32, #tpu.memory_space<vmem>>) offsets(%dma_start3A_866 : memref<64xi32, #tpu.memory_space<vmem>>) semaphore(%arg24 : memref<!tpu.dma_semaphore, #tpu.memory_space<semaphore_mem>>)
      } else {
      }
      %dma_wait3A_402 = arith.constant 4 : i32
      %dma_wait3A_403 = arith.constant 0 : i32
      %dma_wait3A_404 = tpu.memref_slice %arg14[%dma_wait3A_402, %dma_wait3A_403] : memref<8x64xi32, #tpu.memory_space<vmem>> -> memref<1x64xi32, #tpu.memory_space<vmem>>
      %dma_wait3A_405 = tpu.memref_squeeze %dma_wait3A_404 : memref<1x64xi32, #tpu.memory_space<vmem>> -> memref<64xi32, #tpu.memory_space<vmem>>
      %dma_wait3A_406 = arith.constant 0 : i32
      %dma_wait3A_407 = arith.constant 0 : i32
      %dma_wait3A_408 = tpu.memref_slice %arg2[%dma_wait3A_406, %dma_wait3A_407] : memref<10240x128xf32, #tpu.memory_space<hbm>> -> memref<10240x128xf32, #tpu.memory_space<hbm>>
      tpu.wait_indirect_dma semaphore(%arg23 : memref<!tpu.dma_semaphore, #tpu.memory_space<semaphore_mem>>) src(%dma_wait3A_408 : memref<10240x128xf32, #tpu.memory_space<hbm>>) dst(%arg18 : memref<64x128xf32, #tpu.memory_space<vmem>>)
      %dma_start3A_409 = arith.constant 4 : i32
      %dma_start3A_410 = arith.constant 0 : i32
      %dma_start3A_411 = tpu.memref_slice %arg16[%dma_start3A_409, %dma_start3A_410] : memref<8x64xi32, #tpu.memory_space<vmem>> -> memref<1x64xi32, #tpu.memory_space<vmem>>
      %dma_start3A_412 = tpu.memref_squeeze %dma_start3A_411 : memref<1x64xi32, #tpu.memory_space<vmem>> -> memref<64xi32, #tpu.memory_space<vmem>>
      %dma_start3A_413 = arith.constant 0 : i32
      %dma_start3A_414 = arith.constant 0 : i32
      %dma_start3A_415 = tpu.memref_slice %arg8[%dma_start3A_413, %dma_start3A_414] : memref<10240x128xf32, #tpu.memory_space<vmem_shared>> -> memref<10240x128xf32, #tpu.memory_space<vmem_shared>>
      tpu.enqueue_indirect_dma source(%arg18 : memref<64x128xf32, #tpu.memory_space<vmem>>) target(%dma_start3A_415 : memref<10240x128xf32, #tpu.memory_space<vmem_shared>>) offsets(%dma_start3A_412 : memref<64xi32, #tpu.memory_space<vmem>>) semaphore(%arg25 : memref<!tpu.dma_semaphore, #tpu.memory_space<semaphore_mem>>) {add = true}
      %scan3A_416 = arith.constant 0 : i32
      %scan3A_417 = arith.constant 0 : i32
      %scan3A_418 = arith.constant 4 : i32
      %scan3A_419 = arith.addi %scan3A_417, %scan3A_418 : i32
      %scan3A_420 = arith.constant 1 : i32
      %scan3A_421 = scf.for %scan3A_864 = %scan3A_417 to %scan3A_419 step %scan3A_420 iter_args(%scan3A_865 = %scan3A_416) -> (i32)  : i32 {
        %mul3A_866 = arith.constant 16 : i32
        %mul3A_867 = arith.muli %scan3A_864, %mul3A_866 : i32
        %get3A = arith.constant 4 : i32
        %get3A_868 = arith.index_cast %get3A : i32 to index
        %get3A_869 = arith.index_cast %mul3A_867 : i32 to index
        %get3A_870 = tpu.vector_load %arg16[%get3A_868, %get3A_869] {strides = array<i32>} : memref<8x64xi32, #tpu.memory_space<vmem>>, vector<16xi32>,
        %gather3A = tpu.vector_load_idx %arg11[%get3A_870] : memref<10240xf32, #tpu.memory_space<vmem>>[vector<16xi32>], vector<16xf32>,
        %mul3A_871 = arith.constant 16 : i32
        %mul3A_872 = arith.muli %scan3A_864, %mul3A_871 : i32
        %get3A_873 = arith.constant 4 : i32
        %get3A_874 = arith.index_cast %get3A_873 : i32 to index
        %get3A_875 = arith.index_cast %mul3A_872 : i32 to index
        %get3A_876 = tpu.vector_load %arg14[%get3A_874, %get3A_875] {strides = array<i32>} : memref<8x64xi32, #tpu.memory_space<vmem>>, vector<16xi32>,
        %shift_right_logical3A = arith.shrui %get3A_876, %broadcast_in_dim3A_7 : vector<16xi32>
        %and3A_877 = arith.andi %get3A_876, %broadcast_in_dim3A_5 : vector<16xi32>
        tpu.vector_store_idx %arg10[%shift_right_logical3A, %and3A_877], %gather3A {add = true} : memref<80x128xf32, #tpu.memory_space<vmem>>[vector<16xi32>, vector<16xi32>], vector<16xf32>,
        %scan3A_878 = arith.constant 0 : i32
        scf.yield %scan3A_878 : i32
      }
      %scan3A_422 = arith.constant 4 : i32
      %mul3A_423 = arith.constant 8 : i32
      %mul3A_424 = arith.muli %add3A_227, %mul3A_423 : i32
      %add3A_425 = arith.constant 5 : i32
      %add3A_426 = arith.addi %mul3A_424, %add3A_425 : i32
      %gt3A_427 = arith.constant 0 : i32
      %gt3A_428 = arith.cmpi sgt, %add3A_426, %gt3A_427 : i32
      %convert_element_type3A_429 = arith.extui %gt3A_428 : i1 to i32
      %cond3A_430 = arith.constant 4 : i32
      %cond3A_431 = arith.constant 0 : i32
      %cond3A_432 = arith.cmpi ne, %convert_element_type3A_429, %cond3A_431 : i32
      scf.if %cond3A_432 {
        %dma_wait3A_864 = arith.constant 0 : i32
        %dma_wait3A_865 = tpu.memref_slice %arg16[%cond3A_430, %dma_wait3A_864] : memref<8x64xi32, #tpu.memory_space<vmem>> -> memref<1x64xi32, #tpu.memory_space<vmem>>
        %dma_wait3A_866 = tpu.memref_squeeze %dma_wait3A_865 : memref<1x64xi32, #tpu.memory_space<vmem>> -> memref<64xi32, #tpu.memory_space<vmem>>
        %dma_wait3A_867 = arith.constant 0 : i32
        %dma_wait3A_868 = arith.constant 0 : i32
        %dma_wait3A_869 = tpu.memref_slice %arg8[%dma_wait3A_867, %dma_wait3A_868] : memref<10240x128xf32, #tpu.memory_space<vmem_shared>> -> memref<10240x128xf32, #tpu.memory_space<vmem_shared>>
        tpu.wait_indirect_dma semaphore(%arg25 : memref<!tpu.dma_semaphore, #tpu.memory_space<semaphore_mem>>) src(%arg18 : memref<64x128xf32, #tpu.memory_space<vmem>>) dst(%dma_wait3A_869 : memref<10240x128xf32, #tpu.memory_space<vmem_shared>>)
      } else {
      }
      %add3A_433 = arith.constant 1 : i32
      %add3A_434 = arith.addi %add3A_426, %add3A_433 : i32
      %lt3A_435 = arith.cmpi slt, %add3A_434, %select_n3A : i32
      %convert_element_type3A_436 = arith.extui %lt3A_435 : i1 to i32
      %cond3A_437 = arith.constant 6 : i32
      %cond3A_438 = arith.constant 0 : i32
      %cond3A_439 = arith.cmpi ne, %convert_element_type3A_436, %cond3A_438 : i32
      scf.if %cond3A_439 {
        %dma_start3A_864 = arith.constant 0 : i32
        %dma_start3A_865 = tpu.memref_slice %arg14[%cond3A_437, %dma_start3A_864] : memref<8x64xi32, #tpu.memory_space<vmem>> -> memref<1x64xi32, #tpu.memory_space<vmem>>
        %dma_start3A_866 = tpu.memref_squeeze %dma_start3A_865 : memref<1x64xi32, #tpu.memory_space<vmem>> -> memref<64xi32, #tpu.memory_space<vmem>>
        %dma_start3A_867 = arith.constant 0 : i32
        %dma_start3A_868 = arith.constant 0 : i32
        %dma_start3A_869 = tpu.memref_slice %arg2[%dma_start3A_867, %dma_start3A_868] : memref<10240x128xf32, #tpu.memory_space<hbm>> -> memref<10240x128xf32, #tpu.memory_space<hbm>>
        tpu.enqueue_indirect_dma source(%dma_start3A_869 : memref<10240x128xf32, #tpu.memory_space<hbm>>) target(%arg18 : memref<64x128xf32, #tpu.memory_space<vmem>>) offsets(%dma_start3A_866 : memref<64xi32, #tpu.memory_space<vmem>>) semaphore(%arg23 : memref<!tpu.dma_semaphore, #tpu.memory_space<semaphore_mem>>)
      } else {
      }
      %dma_wait3A_440 = arith.constant 5 : i32
      %dma_wait3A_441 = arith.constant 0 : i32
      %dma_wait3A_442 = tpu.memref_slice %arg14[%dma_wait3A_440, %dma_wait3A_441] : memref<8x64xi32, #tpu.memory_space<vmem>> -> memref<1x64xi32, #tpu.memory_space<vmem>>
      %dma_wait3A_443 = tpu.memref_squeeze %dma_wait3A_442 : memref<1x64xi32, #tpu.memory_space<vmem>> -> memref<64xi32, #tpu.memory_space<vmem>>
      %dma_wait3A_444 = arith.constant 0 : i32
      %dma_wait3A_445 = arith.constant 0 : i32
      %dma_wait3A_446 = tpu.memref_slice %arg2[%dma_wait3A_444, %dma_wait3A_445] : memref<10240x128xf32, #tpu.memory_space<hbm>> -> memref<10240x128xf32, #tpu.memory_space<hbm>>
      tpu.wait_indirect_dma semaphore(%arg24 : memref<!tpu.dma_semaphore, #tpu.memory_space<semaphore_mem>>) src(%dma_wait3A_446 : memref<10240x128xf32, #tpu.memory_space<hbm>>) dst(%arg19 : memref<64x128xf32, #tpu.memory_space<vmem>>)
      %dma_start3A_447 = arith.constant 5 : i32
      %dma_start3A_448 = arith.constant 0 : i32
      %dma_start3A_449 = tpu.memref_slice %arg16[%dma_start3A_447, %dma_start3A_448] : memref<8x64xi32, #tpu.memory_space<vmem>> -> memref<1x64xi32, #tpu.memory_space<vmem>>
      %dma_start3A_450 = tpu.memref_squeeze %dma_start3A_449 : memref<1x64xi32, #tpu.memory_space<vmem>> -> memref<64xi32, #tpu.memory_space<vmem>>
      %dma_start3A_451 = arith.constant 0 : i32
      %dma_start3A_452 = arith.constant 0 : i32
      %dma_start3A_453 = tpu.memref_slice %arg8[%dma_start3A_451, %dma_start3A_452] : memref<10240x128xf32, #tpu.memory_space<vmem_shared>> -> memref<10240x128xf32, #tpu.memory_space<vmem_shared>>
      tpu.enqueue_indirect_dma source(%arg19 : memref<64x128xf32, #tpu.memory_space<vmem>>) target(%dma_start3A_453 : memref<10240x128xf32, #tpu.memory_space<vmem_shared>>) offsets(%dma_start3A_450 : memref<64xi32, #tpu.memory_space<vmem>>) semaphore(%arg26 : memref<!tpu.dma_semaphore, #tpu.memory_space<semaphore_mem>>) {add = true}
      %scan3A_454 = arith.constant 0 : i32
      %scan3A_455 = arith.constant 0 : i32
      %scan3A_456 = arith.constant 4 : i32
      %scan3A_457 = arith.addi %scan3A_455, %scan3A_456 : i32
      %scan3A_458 = arith.constant 1 : i32
      %scan3A_459 = scf.for %scan3A_864 = %scan3A_455 to %scan3A_457 step %scan3A_458 iter_args(%scan3A_865 = %scan3A_454) -> (i32)  : i32 {
        %mul3A_866 = arith.constant 16 : i32
        %mul3A_867 = arith.muli %scan3A_864, %mul3A_866 : i32
        %get3A = arith.constant 5 : i32
        %get3A_868 = arith.index_cast %get3A : i32 to index
        %get3A_869 = arith.index_cast %mul3A_867 : i32 to index
        %get3A_870 = tpu.vector_load %arg16[%get3A_868, %get3A_869] {strides = array<i32>} : memref<8x64xi32, #tpu.memory_space<vmem>>, vector<16xi32>,
        %gather3A = tpu.vector_load_idx %arg11[%get3A_870] : memref<10240xf32, #tpu.memory_space<vmem>>[vector<16xi32>], vector<16xf32>,
        %mul3A_871 = arith.constant 16 : i32
        %mul3A_872 = arith.muli %scan3A_864, %mul3A_871 : i32
        %get3A_873 = arith.constant 5 : i32
        %get3A_874 = arith.index_cast %get3A_873 : i32 to index
        %get3A_875 = arith.index_cast %mul3A_872 : i32 to index
        %get3A_876 = tpu.vector_load %arg14[%get3A_874, %get3A_875] {strides = array<i32>} : memref<8x64xi32, #tpu.memory_space<vmem>>, vector<16xi32>,
        %shift_right_logical3A = arith.shrui %get3A_876, %broadcast_in_dim3A_7 : vector<16xi32>
        %and3A_877 = arith.andi %get3A_876, %broadcast_in_dim3A_5 : vector<16xi32>
        tpu.vector_store_idx %arg10[%shift_right_logical3A, %and3A_877], %gather3A {add = true} : memref<80x128xf32, #tpu.memory_space<vmem>>[vector<16xi32>, vector<16xi32>], vector<16xf32>,
        %scan3A_878 = arith.constant 0 : i32
        scf.yield %scan3A_878 : i32
      }
      %scan3A_460 = arith.constant 4 : i32
      %mul3A_461 = arith.constant 8 : i32
      %mul3A_462 = arith.muli %add3A_227, %mul3A_461 : i32
      %add3A_463 = arith.constant 6 : i32
      %add3A_464 = arith.addi %mul3A_462, %add3A_463 : i32
      %gt3A_465 = arith.constant 0 : i32
      %gt3A_466 = arith.cmpi sgt, %add3A_464, %gt3A_465 : i32
      %convert_element_type3A_467 = arith.extui %gt3A_466 : i1 to i32
      %cond3A_468 = arith.constant 5 : i32
      %cond3A_469 = arith.constant 0 : i32
      %cond3A_470 = arith.cmpi ne, %convert_element_type3A_467, %cond3A_469 : i32
      scf.if %cond3A_470 {
        %dma_wait3A_864 = arith.constant 0 : i32
        %dma_wait3A_865 = tpu.memref_slice %arg16[%cond3A_468, %dma_wait3A_864] : memref<8x64xi32, #tpu.memory_space<vmem>> -> memref<1x64xi32, #tpu.memory_space<vmem>>
        %dma_wait3A_866 = tpu.memref_squeeze %dma_wait3A_865 : memref<1x64xi32, #tpu.memory_space<vmem>> -> memref<64xi32, #tpu.memory_space<vmem>>
        %dma_wait3A_867 = arith.constant 0 : i32
        %dma_wait3A_868 = arith.constant 0 : i32
        %dma_wait3A_869 = tpu.memref_slice %arg8[%dma_wait3A_867, %dma_wait3A_868] : memref<10240x128xf32, #tpu.memory_space<vmem_shared>> -> memref<10240x128xf32, #tpu.memory_space<vmem_shared>>
        tpu.wait_indirect_dma semaphore(%arg26 : memref<!tpu.dma_semaphore, #tpu.memory_space<semaphore_mem>>) src(%arg19 : memref<64x128xf32, #tpu.memory_space<vmem>>) dst(%dma_wait3A_869 : memref<10240x128xf32, #tpu.memory_space<vmem_shared>>)
      } else {
      }
      %add3A_471 = arith.constant 1 : i32
      %add3A_472 = arith.addi %add3A_464, %add3A_471 : i32
      %lt3A_473 = arith.cmpi slt, %add3A_472, %select_n3A : i32
      %convert_element_type3A_474 = arith.extui %lt3A_473 : i1 to i32
      %cond3A_475 = arith.constant 7 : i32
      %cond3A_476 = arith.constant 0 : i32
      %cond3A_477 = arith.cmpi ne, %convert_element_type3A_474, %cond3A_476 : i32
      scf.if %cond3A_477 {
        %dma_start3A_864 = arith.constant 0 : i32
        %dma_start3A_865 = tpu.memref_slice %arg14[%cond3A_475, %dma_start3A_864] : memref<8x64xi32, #tpu.memory_space<vmem>> -> memref<1x64xi32, #tpu.memory_space<vmem>>
        %dma_start3A_866 = tpu.memref_squeeze %dma_start3A_865 : memref<1x64xi32, #tpu.memory_space<vmem>> -> memref<64xi32, #tpu.memory_space<vmem>>
        %dma_start3A_867 = arith.constant 0 : i32
        %dma_start3A_868 = arith.constant 0 : i32
        %dma_start3A_869 = tpu.memref_slice %arg2[%dma_start3A_867, %dma_start3A_868] : memref<10240x128xf32, #tpu.memory_space<hbm>> -> memref<10240x128xf32, #tpu.memory_space<hbm>>
        tpu.enqueue_indirect_dma source(%dma_start3A_869 : memref<10240x128xf32, #tpu.memory_space<hbm>>) target(%arg19 : memref<64x128xf32, #tpu.memory_space<vmem>>) offsets(%dma_start3A_866 : memref<64xi32, #tpu.memory_space<vmem>>) semaphore(%arg24 : memref<!tpu.dma_semaphore, #tpu.memory_space<semaphore_mem>>)
      } else {
      }
      %dma_wait3A_478 = arith.constant 6 : i32
      %dma_wait3A_479 = arith.constant 0 : i32
      %dma_wait3A_480 = tpu.memref_slice %arg14[%dma_wait3A_478, %dma_wait3A_479] : memref<8x64xi32, #tpu.memory_space<vmem>> -> memref<1x64xi32, #tpu.memory_space<vmem>>
      %dma_wait3A_481 = tpu.memref_squeeze %dma_wait3A_480 : memref<1x64xi32, #tpu.memory_space<vmem>> -> memref<64xi32, #tpu.memory_space<vmem>>
      %dma_wait3A_482 = arith.constant 0 : i32
      %dma_wait3A_483 = arith.constant 0 : i32
      %dma_wait3A_484 = tpu.memref_slice %arg2[%dma_wait3A_482, %dma_wait3A_483] : memref<10240x128xf32, #tpu.memory_space<hbm>> -> memref<10240x128xf32, #tpu.memory_space<hbm>>
      tpu.wait_indirect_dma semaphore(%arg23 : memref<!tpu.dma_semaphore, #tpu.memory_space<semaphore_mem>>) src(%dma_wait3A_484 : memref<10240x128xf32, #tpu.memory_space<hbm>>) dst(%arg18 : memref<64x128xf32, #tpu.memory_space<vmem>>)
      %dma_start3A_485 = arith.constant 6 : i32
      %dma_start3A_486 = arith.constant 0 : i32
      %dma_start3A_487 = tpu.memref_slice %arg16[%dma_start3A_485, %dma_start3A_486] : memref<8x64xi32, #tpu.memory_space<vmem>> -> memref<1x64xi32, #tpu.memory_space<vmem>>
      %dma_start3A_488 = tpu.memref_squeeze %dma_start3A_487 : memref<1x64xi32, #tpu.memory_space<vmem>> -> memref<64xi32, #tpu.memory_space<vmem>>
      %dma_start3A_489 = arith.constant 0 : i32
      %dma_start3A_490 = arith.constant 0 : i32
      %dma_start3A_491 = tpu.memref_slice %arg8[%dma_start3A_489, %dma_start3A_490] : memref<10240x128xf32, #tpu.memory_space<vmem_shared>> -> memref<10240x128xf32, #tpu.memory_space<vmem_shared>>
      tpu.enqueue_indirect_dma source(%arg18 : memref<64x128xf32, #tpu.memory_space<vmem>>) target(%dma_start3A_491 : memref<10240x128xf32, #tpu.memory_space<vmem_shared>>) offsets(%dma_start3A_488 : memref<64xi32, #tpu.memory_space<vmem>>) semaphore(%arg25 : memref<!tpu.dma_semaphore, #tpu.memory_space<semaphore_mem>>) {add = true}
      %scan3A_492 = arith.constant 0 : i32
      %scan3A_493 = arith.constant 0 : i32
      %scan3A_494 = arith.constant 4 : i32
      %scan3A_495 = arith.addi %scan3A_493, %scan3A_494 : i32
      %scan3A_496 = arith.constant 1 : i32
      %scan3A_497 = scf.for %scan3A_864 = %scan3A_493 to %scan3A_495 step %scan3A_496 iter_args(%scan3A_865 = %scan3A_492) -> (i32)  : i32 {
        %mul3A_866 = arith.constant 16 : i32
        %mul3A_867 = arith.muli %scan3A_864, %mul3A_866 : i32
        %get3A = arith.constant 6 : i32
        %get3A_868 = arith.index_cast %get3A : i32 to index
        %get3A_869 = arith.index_cast %mul3A_867 : i32 to index
        %get3A_870 = tpu.vector_load %arg16[%get3A_868, %get3A_869] {strides = array<i32>} : memref<8x64xi32, #tpu.memory_space<vmem>>, vector<16xi32>,
        %gather3A = tpu.vector_load_idx %arg11[%get3A_870] : memref<10240xf32, #tpu.memory_space<vmem>>[vector<16xi32>], vector<16xf32>,
        %mul3A_871 = arith.constant 16 : i32
        %mul3A_872 = arith.muli %scan3A_864, %mul3A_871 : i32
        %get3A_873 = arith.constant 6 : i32
        %get3A_874 = arith.index_cast %get3A_873 : i32 to index
        %get3A_875 = arith.index_cast %mul3A_872 : i32 to index
        %get3A_876 = tpu.vector_load %arg14[%get3A_874, %get3A_875] {strides = array<i32>} : memref<8x64xi32, #tpu.memory_space<vmem>>, vector<16xi32>,
        %shift_right_logical3A = arith.shrui %get3A_876, %broadcast_in_dim3A_7 : vector<16xi32>
        %and3A_877 = arith.andi %get3A_876, %broadcast_in_dim3A_5 : vector<16xi32>
        tpu.vector_store_idx %arg10[%shift_right_logical3A, %and3A_877], %gather3A {add = true} : memref<80x128xf32, #tpu.memory_space<vmem>>[vector<16xi32>, vector<16xi32>], vector<16xf32>,
        %scan3A_878 = arith.constant 0 : i32
        scf.yield %scan3A_878 : i32
      }
      %scan3A_498 = arith.constant 4 : i32
      %mul3A_499 = arith.constant 8 : i32
      %mul3A_500 = arith.muli %add3A_227, %mul3A_499 : i32
      %add3A_501 = arith.constant 7 : i32
      %add3A_502 = arith.addi %mul3A_500, %add3A_501 : i32
      %gt3A_503 = arith.constant 0 : i32
      %gt3A_504 = arith.cmpi sgt, %add3A_502, %gt3A_503 : i32
      %convert_element_type3A_505 = arith.extui %gt3A_504 : i1 to i32
      %cond3A_506 = arith.constant 6 : i32
      %cond3A_507 = arith.constant 0 : i32
      %cond3A_508 = arith.cmpi ne, %convert_element_type3A_505, %cond3A_507 : i32
      scf.if %cond3A_508 {
        %dma_wait3A_864 = arith.constant 0 : i32
        %dma_wait3A_865 = tpu.memref_slice %arg16[%cond3A_506, %dma_wait3A_864] : memref<8x64xi32, #tpu.memory_space<vmem>> -> memref<1x64xi32, #tpu.memory_space<vmem>>
        %dma_wait3A_866 = tpu.memref_squeeze %dma_wait3A_865 : memref<1x64xi32, #tpu.memory_space<vmem>> -> memref<64xi32, #tpu.memory_space<vmem>>
        %dma_wait3A_867 = arith.constant 0 : i32
        %dma_wait3A_868 = arith.constant 0 : i32
        %dma_wait3A_869 = tpu.memref_slice %arg8[%dma_wait3A_867, %dma_wait3A_868] : memref<10240x128xf32, #tpu.memory_space<vmem_shared>> -> memref<10240x128xf32, #tpu.memory_space<vmem_shared>>
        tpu.wait_indirect_dma semaphore(%arg25 : memref<!tpu.dma_semaphore, #tpu.memory_space<semaphore_mem>>) src(%arg18 : memref<64x128xf32, #tpu.memory_space<vmem>>) dst(%dma_wait3A_869 : memref<10240x128xf32, #tpu.memory_space<vmem_shared>>)
      } else {
      }
      %add3A_509 = arith.constant 1 : i32
      %add3A_510 = arith.addi %add3A_227, %add3A_509 : i32
      %lt3A_511 = arith.cmpi slt, %add3A_510, %select_n3A_125 : i32
      %convert_element_type3A_512 = arith.extui %lt3A_511 : i1 to i32
      %cond3A_513 = arith.constant 0 : i32
      %cond3A_514 = arith.cmpi ne, %convert_element_type3A_512, %cond3A_513 : i32
      scf.if %cond3A_514 {
        %add3A_864 = arith.constant 1 : i32
        %add3A_865 = arith.addi %add3A_227, %add3A_864 : i32
        %mul3A_866 = arith.constant 8 : i32
        %mul3A_867 = arith.muli %add3A_865, %mul3A_866 : i32
        %add3A_868 = arith.addi %select_n3A_134, %mul3A_867 : i32
        %dma_wait3A_869 = arith.constant 0 : i32
        %dma_wait3A_870 = tpu.memref_slice %arg3[%add3A_868, %dma_wait3A_869] : memref<5120x64xi32, #tpu.memory_space<hbm>> -> memref<8x64xi32, #tpu.memory_space<hbm>>
        %dma_wait3A_871 = arith.constant 0 : i32
        %dma_wait3A_872 = tpu.memref_slice %arg3[%add3A_868, %dma_wait3A_871] : memref<5120x64xi32, #tpu.memory_space<hbm>> -> memref<8x64xi32, #tpu.memory_space<hbm>>
        tpu.wait_dma2 semaphore(%arg22 : memref<!tpu.dma_semaphore, #tpu.memory_space<semaphore_mem>>) src(%dma_wait3A_872 : memref<8x64xi32, #tpu.memory_space<hbm>>) dst(%arg15 : memref<8x64xi32, #tpu.memory_space<vmem>>)
        %mul3A_873 = arith.constant 8 : i32
        %mul3A_874 = arith.muli %add3A_865, %mul3A_873 : i32
        %add3A_875 = arith.addi %select_n3A_134, %mul3A_874 : i32
        %dma_wait3A_876 = arith.constant 0 : i32
        %dma_wait3A_877 = tpu.memref_slice %arg4[%add3A_875, %dma_wait3A_876] : memref<5120x64xi32, #tpu.memory_space<hbm>> -> memref<8x64xi32, #tpu.memory_space<hbm>>
        %dma_wait3A_878 = arith.constant 0 : i32
        %dma_wait3A_879 = tpu.memref_slice %arg4[%add3A_875, %dma_wait3A_878] : memref<5120x64xi32, #tpu.memory_space<hbm>> -> memref<8x64xi32, #tpu.memory_space<hbm>>
        tpu.wait_dma2 semaphore(%arg22 : memref<!tpu.dma_semaphore, #tpu.memory_space<semaphore_mem>>) src(%dma_wait3A_879 : memref<8x64xi32, #tpu.memory_space<hbm>>) dst(%arg17 : memref<8x64xi32, #tpu.memory_space<vmem>>)
      } else {
      }
      %add3A_515 = arith.constant 1 : i32
      %add3A_516 = arith.addi %add3A_502, %add3A_515 : i32
      %lt3A_517 = arith.cmpi slt, %add3A_516, %select_n3A : i32
      %convert_element_type3A_518 = arith.extui %lt3A_517 : i1 to i32
      %cond3A_519 = arith.constant 0 : i32
      %cond3A_520 = arith.constant 0 : i32
      %cond3A_521 = arith.cmpi ne, %convert_element_type3A_518, %cond3A_520 : i32
      scf.if %cond3A_521 {
        %dma_start3A_864 = arith.constant 0 : i32
        %dma_start3A_865 = tpu.memref_slice %arg15[%cond3A_519, %dma_start3A_864] : memref<8x64xi32, #tpu.memory_space<vmem>> -> memref<1x64xi32, #tpu.memory_space<vmem>>
        %dma_start3A_866 = tpu.memref_squeeze %dma_start3A_865 : memref<1x64xi32, #tpu.memory_space<vmem>> -> memref<64xi32, #tpu.memory_space<vmem>>
        %dma_start3A_867 = arith.constant 0 : i32
        %dma_start3A_868 = arith.constant 0 : i32
        %dma_start3A_869 = tpu.memref_slice %arg2[%dma_start3A_867, %dma_start3A_868] : memref<10240x128xf32, #tpu.memory_space<hbm>> -> memref<10240x128xf32, #tpu.memory_space<hbm>>
        tpu.enqueue_indirect_dma source(%dma_start3A_869 : memref<10240x128xf32, #tpu.memory_space<hbm>>) target(%arg18 : memref<64x128xf32, #tpu.memory_space<vmem>>) offsets(%dma_start3A_866 : memref<64xi32, #tpu.memory_space<vmem>>) semaphore(%arg23 : memref<!tpu.dma_semaphore, #tpu.memory_space<semaphore_mem>>)
      } else {
      }
      %dma_wait3A_522 = arith.constant 7 : i32
      %dma_wait3A_523 = arith.constant 0 : i32
      %dma_wait3A_524 = tpu.memref_slice %arg14[%dma_wait3A_522, %dma_wait3A_523] : memref<8x64xi32, #tpu.memory_space<vmem>> -> memref<1x64xi32, #tpu.memory_space<vmem>>
      %dma_wait3A_525 = tpu.memref_squeeze %dma_wait3A_524 : memref<1x64xi32, #tpu.memory_space<vmem>> -> memref<64xi32, #tpu.memory_space<vmem>>
      %dma_wait3A_526 = arith.constant 0 : i32
      %dma_wait3A_527 = arith.constant 0 : i32
      %dma_wait3A_528 = tpu.memref_slice %arg2[%dma_wait3A_526, %dma_wait3A_527] : memref<10240x128xf32, #tpu.memory_space<hbm>> -> memref<10240x128xf32, #tpu.memory_space<hbm>>
      tpu.wait_indirect_dma semaphore(%arg24 : memref<!tpu.dma_semaphore, #tpu.memory_space<semaphore_mem>>) src(%dma_wait3A_528 : memref<10240x128xf32, #tpu.memory_space<hbm>>) dst(%arg19 : memref<64x128xf32, #tpu.memory_space<vmem>>)
      %dma_start3A_529 = arith.constant 7 : i32
      %dma_start3A_530 = arith.constant 0 : i32
      %dma_start3A_531 = tpu.memref_slice %arg16[%dma_start3A_529, %dma_start3A_530] : memref<8x64xi32, #tpu.memory_space<vmem>> -> memref<1x64xi32, #tpu.memory_space<vmem>>
      %dma_start3A_532 = tpu.memref_squeeze %dma_start3A_531 : memref<1x64xi32, #tpu.memory_space<vmem>> -> memref<64xi32, #tpu.memory_space<vmem>>
      %dma_start3A_533 = arith.constant 0 : i32
      %dma_start3A_534 = arith.constant 0 : i32
      %dma_start3A_535 = tpu.memref_slice %arg8[%dma_start3A_533, %dma_start3A_534] : memref<10240x128xf32, #tpu.memory_space<vmem_shared>> -> memref<10240x128xf32, #tpu.memory_space<vmem_shared>>
      tpu.enqueue_indirect_dma source(%arg19 : memref<64x128xf32, #tpu.memory_space<vmem>>) target(%dma_start3A_535 : memref<10240x128xf32, #tpu.memory_space<vmem_shared>>) offsets(%dma_start3A_532 : memref<64xi32, #tpu.memory_space<vmem>>) semaphore(%arg26 : memref<!tpu.dma_semaphore, #tpu.memory_space<semaphore_mem>>) {add = true}
      %scan3A_536 = arith.constant 0 : i32
      %scan3A_537 = arith.constant 0 : i32
      %scan3A_538 = arith.constant 4 : i32
      %scan3A_539 = arith.addi %scan3A_537, %scan3A_538 : i32
      %scan3A_540 = arith.constant 1 : i32
      %scan3A_541 = scf.for %scan3A_864 = %scan3A_537 to %scan3A_539 step %scan3A_540 iter_args(%scan3A_865 = %scan3A_536) -> (i32)  : i32 {
        %mul3A_866 = arith.constant 16 : i32
        %mul3A_867 = arith.muli %scan3A_864, %mul3A_866 : i32
        %get3A = arith.constant 7 : i32
        %get3A_868 = arith.index_cast %get3A : i32 to index
        %get3A_869 = arith.index_cast %mul3A_867 : i32 to index
        %get3A_870 = tpu.vector_load %arg16[%get3A_868, %get3A_869] {strides = array<i32>} : memref<8x64xi32, #tpu.memory_space<vmem>>, vector<16xi32>,
        %gather3A = tpu.vector_load_idx %arg11[%get3A_870] : memref<10240xf32, #tpu.memory_space<vmem>>[vector<16xi32>], vector<16xf32>,
        %mul3A_871 = arith.constant 16 : i32
        %mul3A_872 = arith.muli %scan3A_864, %mul3A_871 : i32
        %get3A_873 = arith.constant 7 : i32
        %get3A_874 = arith.index_cast %get3A_873 : i32 to index
        %get3A_875 = arith.index_cast %mul3A_872 : i32 to index
        %get3A_876 = tpu.vector_load %arg14[%get3A_874, %get3A_875] {strides = array<i32>} : memref<8x64xi32, #tpu.memory_space<vmem>>, vector<16xi32>,
        %shift_right_logical3A = arith.shrui %get3A_876, %broadcast_in_dim3A_7 : vector<16xi32>
        %and3A_877 = arith.andi %get3A_876, %broadcast_in_dim3A_5 : vector<16xi32>
        tpu.vector_store_idx %arg10[%shift_right_logical3A, %and3A_877], %gather3A {add = true} : memref<80x128xf32, #tpu.memory_space<vmem>>[vector<16xi32>, vector<16xi32>], vector<16xf32>,
        %scan3A_878 = arith.constant 0 : i32
        scf.yield %scan3A_878 : i32
      }
      %scan3A_542 = arith.constant 4 : i32
      %mul3A_543 = arith.constant 2 : i32
      %mul3A_544 = arith.muli %while3A_222, %mul3A_543 : i32
      %add3A_545 = arith.constant 1 : i32
      %add3A_546 = arith.addi %mul3A_544, %add3A_545 : i32
      %mul3A_547 = arith.constant 8 : i32
      %mul3A_548 = arith.muli %add3A_546, %mul3A_547 : i32
      %add3A_549 = arith.constant 0 : i32
      %add3A_550 = arith.addi %mul3A_548, %add3A_549 : i32
      %gt3A_551 = arith.constant 0 : i32
      %gt3A_552 = arith.cmpi sgt, %add3A_550, %gt3A_551 : i32
      %convert_element_type3A_553 = arith.extui %gt3A_552 : i1 to i32
      %cond3A_554 = arith.constant 7 : i32
      %cond3A_555 = arith.constant 0 : i32
      %cond3A_556 = arith.cmpi ne, %convert_element_type3A_553, %cond3A_555 : i32
      scf.if %cond3A_556 {
        %dma_wait3A_864 = arith.constant 0 : i32
        %dma_wait3A_865 = tpu.memref_slice %arg16[%cond3A_554, %dma_wait3A_864] : memref<8x64xi32, #tpu.memory_space<vmem>> -> memref<1x64xi32, #tpu.memory_space<vmem>>
        %dma_wait3A_866 = tpu.memref_squeeze %dma_wait3A_865 : memref<1x64xi32, #tpu.memory_space<vmem>> -> memref<64xi32, #tpu.memory_space<vmem>>
        %dma_wait3A_867 = arith.constant 0 : i32
        %dma_wait3A_868 = arith.constant 0 : i32
        %dma_wait3A_869 = tpu.memref_slice %arg8[%dma_wait3A_867, %dma_wait3A_868] : memref<10240x128xf32, #tpu.memory_space<vmem_shared>> -> memref<10240x128xf32, #tpu.memory_space<vmem_shared>>
        tpu.wait_indirect_dma semaphore(%arg26 : memref<!tpu.dma_semaphore, #tpu.memory_space<semaphore_mem>>) src(%arg19 : memref<64x128xf32, #tpu.memory_space<vmem>>) dst(%dma_wait3A_869 : memref<10240x128xf32, #tpu.memory_space<vmem_shared>>)
      } else {
      }
      %add3A_557 = arith.constant 1 : i32
      %add3A_558 = arith.addi %add3A_546, %add3A_557 : i32
      %lt3A_559 = arith.cmpi slt, %add3A_558, %select_n3A_125 : i32
      %convert_element_type3A_560 = arith.extui %lt3A_559 : i1 to i32
      %cond3A_561 = arith.constant 0 : i32
      %cond3A_562 = arith.cmpi ne, %convert_element_type3A_560, %cond3A_561 : i32
      scf.if %cond3A_562 {
        %add3A_864 = arith.constant 1 : i32
        %add3A_865 = arith.addi %add3A_546, %add3A_864 : i32
        %mul3A_866 = arith.constant 8 : i32
        %mul3A_867 = arith.muli %add3A_865, %mul3A_866 : i32
        %add3A_868 = arith.addi %select_n3A_134, %mul3A_867 : i32
        %dma_start3A_869 = arith.constant 0 : i32
        %dma_start3A_870 = tpu.memref_slice %arg3[%add3A_868, %dma_start3A_869] : memref<5120x64xi32, #tpu.memory_space<hbm>> -> memref<8x64xi32, #tpu.memory_space<hbm>>
        %dma_start3A_871 = arith.constant 0 : i32
        %dma_start3A_872 = tpu.memref_slice %arg3[%add3A_868, %dma_start3A_871] : memref<5120x64xi32, #tpu.memory_space<hbm>> -> memref<8x64xi32, #tpu.memory_space<hbm>>
        tpu.enqueue_dma source(%dma_start3A_872 : memref<8x64xi32, #tpu.memory_space<hbm>>) target(%arg14 : memref<8x64xi32, #tpu.memory_space<vmem>>) target_semaphore(%arg21 : memref<!tpu.dma_semaphore, #tpu.memory_space<semaphore_mem>>)
        %mul3A_873 = arith.constant 8 : i32
        %mul3A_874 = arith.muli %add3A_865, %mul3A_873 : i32
        %add3A_875 = arith.addi %select_n3A_134, %mul3A_874 : i32
        %dma_start3A_876 = arith.constant 0 : i32
        %dma_start3A_877 = tpu.memref_slice %arg4[%add3A_875, %dma_start3A_876] : memref<5120x64xi32, #tpu.memory_space<hbm>> -> memref<8x64xi32, #tpu.memory_space<hbm>>
        %dma_start3A_878 = arith.constant 0 : i32
        %dma_start3A_879 = tpu.memref_slice %arg4[%add3A_875, %dma_start3A_878] : memref<5120x64xi32, #tpu.memory_space<hbm>> -> memref<8x64xi32, #tpu.memory_space<hbm>>
        tpu.enqueue_dma source(%dma_start3A_879 : memref<8x64xi32, #tpu.memory_space<hbm>>) target(%arg16 : memref<8x64xi32, #tpu.memory_space<vmem>>) target_semaphore(%arg21 : memref<!tpu.dma_semaphore, #tpu.memory_space<semaphore_mem>>)
      } else {
      }
      %add3A_563 = arith.constant 1 : i32
      %add3A_564 = arith.addi %add3A_550, %add3A_563 : i32
      %lt3A_565 = arith.cmpi slt, %add3A_564, %select_n3A : i32
      %convert_element_type3A_566 = arith.extui %lt3A_565 : i1 to i32
      %cond3A_567 = arith.constant 1 : i32
      %cond3A_568 = arith.constant 0 : i32
      %cond3A_569 = arith.cmpi ne, %convert_element_type3A_566, %cond3A_568 : i32
      scf.if %cond3A_569 {
        %dma_start3A_864 = arith.constant 0 : i32
        %dma_start3A_865 = tpu.memref_slice %arg15[%cond3A_567, %dma_start3A_864] : memref<8x64xi32, #tpu.memory_space<vmem>> -> memref<1x64xi32, #tpu.memory_space<vmem>>
        %dma_start3A_866 = tpu.memref_squeeze %dma_start3A_865 : memref<1x64xi32, #tpu.memory_space<vmem>> -> memref<64xi32, #tpu.memory_space<vmem>>
        %dma_start3A_867 = arith.constant 0 : i32
        %dma_start3A_868 = arith.constant 0 : i32
        %dma_start3A_869 = tpu.memref_slice %arg2[%dma_start3A_867, %dma_start3A_868] : memref<10240x128xf32, #tpu.memory_space<hbm>> -> memref<10240x128xf32, #tpu.memory_space<hbm>>
        tpu.enqueue_indirect_dma source(%dma_start3A_869 : memref<10240x128xf32, #tpu.memory_space<hbm>>) target(%arg19 : memref<64x128xf32, #tpu.memory_space<vmem>>) offsets(%dma_start3A_866 : memref<64xi32, #tpu.memory_space<vmem>>) semaphore(%arg24 : memref<!tpu.dma_semaphore, #tpu.memory_space<semaphore_mem>>)
      } else {
      }
      %dma_wait3A_570 = arith.constant 0 : i32
      %dma_wait3A_571 = arith.constant 0 : i32
      %dma_wait3A_572 = tpu.memref_slice %arg15[%dma_wait3A_570, %dma_wait3A_571] : memref<8x64xi32, #tpu.memory_space<vmem>> -> memref<1x64xi32, #tpu.memory_space<vmem>>
      %dma_wait3A_573 = tpu.memref_squeeze %dma_wait3A_572 : memref<1x64xi32, #tpu.memory_space<vmem>> -> memref<64xi32, #tpu.memory_space<vmem>>
      %dma_wait3A_574 = arith.constant 0 : i32
      %dma_wait3A_575 = arith.constant 0 : i32
      %dma_wait3A_576 = tpu.memref_slice %arg2[%dma_wait3A_574, %dma_wait3A_575] : memref<10240x128xf32, #tpu.memory_space<hbm>> -> memref<10240x128xf32, #tpu.memory_space<hbm>>
      tpu.wait_indirect_dma semaphore(%arg23 : memref<!tpu.dma_semaphore, #tpu.memory_space<semaphore_mem>>) src(%dma_wait3A_576 : memref<10240x128xf32, #tpu.memory_space<hbm>>) dst(%arg18 : memref<64x128xf32, #tpu.memory_space<vmem>>)
      %dma_start3A_577 = arith.constant 0 : i32
      %dma_start3A_578 = arith.constant 0 : i32
      %dma_start3A_579 = tpu.memref_slice %arg17[%dma_start3A_577, %dma_start3A_578] : memref<8x64xi32, #tpu.memory_space<vmem>> -> memref<1x64xi32, #tpu.memory_space<vmem>>
      %dma_start3A_580 = tpu.memref_squeeze %dma_start3A_579 : memref<1x64xi32, #tpu.memory_space<vmem>> -> memref<64xi32, #tpu.memory_space<vmem>>
      %dma_start3A_581 = arith.constant 0 : i32
      %dma_start3A_582 = arith.constant 0 : i32
      %dma_start3A_583 = tpu.memref_slice %arg8[%dma_start3A_581, %dma_start3A_582] : memref<10240x128xf32, #tpu.memory_space<vmem_shared>> -> memref<10240x128xf32, #tpu.memory_space<vmem_shared>>
      tpu.enqueue_indirect_dma source(%arg18 : memref<64x128xf32, #tpu.memory_space<vmem>>) target(%dma_start3A_583 : memref<10240x128xf32, #tpu.memory_space<vmem_shared>>) offsets(%dma_start3A_580 : memref<64xi32, #tpu.memory_space<vmem>>) semaphore(%arg25 : memref<!tpu.dma_semaphore, #tpu.memory_space<semaphore_mem>>) {add = true}
      %scan3A_584 = arith.constant 0 : i32
      %scan3A_585 = arith.constant 0 : i32
      %scan3A_586 = arith.constant 4 : i32
      %scan3A_587 = arith.addi %scan3A_585, %scan3A_586 : i32
      %scan3A_588 = arith.constant 1 : i32
      %scan3A_589 = scf.for %scan3A_864 = %scan3A_585 to %scan3A_587 step %scan3A_588 iter_args(%scan3A_865 = %scan3A_584) -> (i32)  : i32 {
        %mul3A_866 = arith.constant 16 : i32
        %mul3A_867 = arith.muli %scan3A_864, %mul3A_866 : i32
        %get3A = arith.constant 0 : i32
        %get3A_868 = arith.index_cast %get3A : i32 to index
        %get3A_869 = arith.index_cast %mul3A_867 : i32 to index
        %get3A_870 = tpu.vector_load %arg17[%get3A_868, %get3A_869] {strides = array<i32>} : memref<8x64xi32, #tpu.memory_space<vmem>>, vector<16xi32>,
        %gather3A = tpu.vector_load_idx %arg11[%get3A_870] : memref<10240xf32, #tpu.memory_space<vmem>>[vector<16xi32>], vector<16xf32>,
        %mul3A_871 = arith.constant 16 : i32
        %mul3A_872 = arith.muli %scan3A_864, %mul3A_871 : i32
        %get3A_873 = arith.constant 0 : i32
        %get3A_874 = arith.index_cast %get3A_873 : i32 to index
        %get3A_875 = arith.index_cast %mul3A_872 : i32 to index
        %get3A_876 = tpu.vector_load %arg15[%get3A_874, %get3A_875] {strides = array<i32>} : memref<8x64xi32, #tpu.memory_space<vmem>>, vector<16xi32>,
        %shift_right_logical3A = arith.shrui %get3A_876, %broadcast_in_dim3A_7 : vector<16xi32>
        %and3A_877 = arith.andi %get3A_876, %broadcast_in_dim3A_5 : vector<16xi32>
        tpu.vector_store_idx %arg10[%shift_right_logical3A, %and3A_877], %gather3A {add = true} : memref<80x128xf32, #tpu.memory_space<vmem>>[vector<16xi32>, vector<16xi32>], vector<16xf32>,
        %scan3A_878 = arith.constant 0 : i32
        scf.yield %scan3A_878 : i32
      }
      %scan3A_590 = arith.constant 4 : i32
      %mul3A_591 = arith.constant 8 : i32
      %mul3A_592 = arith.muli %add3A_546, %mul3A_591 : i32
      %add3A_593 = arith.constant 1 : i32
      %add3A_594 = arith.addi %mul3A_592, %add3A_593 : i32
      %gt3A_595 = arith.constant 0 : i32
      %gt3A_596 = arith.cmpi sgt, %add3A_594, %gt3A_595 : i32
      %convert_element_type3A_597 = arith.extui %gt3A_596 : i1 to i32
      %cond3A_598 = arith.constant 0 : i32
      %cond3A_599 = arith.constant 0 : i32
      %cond3A_600 = arith.cmpi ne, %convert_element_type3A_597, %cond3A_599 : i32
      scf.if %cond3A_600 {
        %dma_wait3A_864 = arith.constant 0 : i32
        %dma_wait3A_865 = tpu.memref_slice %arg17[%cond3A_598, %dma_wait3A_864] : memref<8x64xi32, #tpu.memory_space<vmem>> -> memref<1x64xi32, #tpu.memory_space<vmem>>
        %dma_wait3A_866 = tpu.memref_squeeze %dma_wait3A_865 : memref<1x64xi32, #tpu.memory_space<vmem>> -> memref<64xi32, #tpu.memory_space<vmem>>
        %dma_wait3A_867 = arith.constant 0 : i32
        %dma_wait3A_868 = arith.constant 0 : i32
        %dma_wait3A_869 = tpu.memref_slice %arg8[%dma_wait3A_867, %dma_wait3A_868] : memref<10240x128xf32, #tpu.memory_space<vmem_shared>> -> memref<10240x128xf32, #tpu.memory_space<vmem_shared>>
        tpu.wait_indirect_dma semaphore(%arg25 : memref<!tpu.dma_semaphore, #tpu.memory_space<semaphore_mem>>) src(%arg18 : memref<64x128xf32, #tpu.memory_space<vmem>>) dst(%dma_wait3A_869 : memref<10240x128xf32, #tpu.memory_space<vmem_shared>>)
      } else {
      }
      %add3A_601 = arith.constant 1 : i32
      %add3A_602 = arith.addi %add3A_594, %add3A_601 : i32
      %lt3A_603 = arith.cmpi slt, %add3A_602, %select_n3A : i32
      %convert_element_type3A_604 = arith.extui %lt3A_603 : i1 to i32
      %cond3A_605 = arith.constant 2 : i32
      %cond3A_606 = arith.constant 0 : i32
      %cond3A_607 = arith.cmpi ne, %convert_element_type3A_604, %cond3A_606 : i32
      scf.if %cond3A_607 {
        %dma_start3A_864 = arith.constant 0 : i32
        %dma_start3A_865 = tpu.memref_slice %arg15[%cond3A_605, %dma_start3A_864] : memref<8x64xi32, #tpu.memory_space<vmem>> -> memref<1x64xi32, #tpu.memory_space<vmem>>
        %dma_start3A_866 = tpu.memref_squeeze %dma_start3A_865 : memref<1x64xi32, #tpu.memory_space<vmem>> -> memref<64xi32, #tpu.memory_space<vmem>>
        %dma_start3A_867 = arith.constant 0 : i32
        %dma_start3A_868 = arith.constant 0 : i32
        %dma_start3A_869 = tpu.memref_slice %arg2[%dma_start3A_867, %dma_start3A_868] : memref<10240x128xf32, #tpu.memory_space<hbm>> -> memref<10240x128xf32, #tpu.memory_space<hbm>>
        tpu.enqueue_indirect_dma source(%dma_start3A_869 : memref<10240x128xf32, #tpu.memory_space<hbm>>) target(%arg18 : memref<64x128xf32, #tpu.memory_space<vmem>>) offsets(%dma_start3A_866 : memref<64xi32, #tpu.memory_space<vmem>>) semaphore(%arg23 : memref<!tpu.dma_semaphore, #tpu.memory_space<semaphore_mem>>)
      } else {
      }
      %dma_wait3A_608 = arith.constant 1 : i32
      %dma_wait3A_609 = arith.constant 0 : i32
      %dma_wait3A_610 = tpu.memref_slice %arg15[%dma_wait3A_608, %dma_wait3A_609] : memref<8x64xi32, #tpu.memory_space<vmem>> -> memref<1x64xi32, #tpu.memory_space<vmem>>
      %dma_wait3A_611 = tpu.memref_squeeze %dma_wait3A_610 : memref<1x64xi32, #tpu.memory_space<vmem>> -> memref<64xi32, #tpu.memory_space<vmem>>
      %dma_wait3A_612 = arith.constant 0 : i32
      %dma_wait3A_613 = arith.constant 0 : i32
      %dma_wait3A_614 = tpu.memref_slice %arg2[%dma_wait3A_612, %dma_wait3A_613] : memref<10240x128xf32, #tpu.memory_space<hbm>> -> memref<10240x128xf32, #tpu.memory_space<hbm>>
      tpu.wait_indirect_dma semaphore(%arg24 : memref<!tpu.dma_semaphore, #tpu.memory_space<semaphore_mem>>) src(%dma_wait3A_614 : memref<10240x128xf32, #tpu.memory_space<hbm>>) dst(%arg19 : memref<64x128xf32, #tpu.memory_space<vmem>>)
      %dma_start3A_615 = arith.constant 1 : i32
      %dma_start3A_616 = arith.constant 0 : i32
      %dma_start3A_617 = tpu.memref_slice %arg17[%dma_start3A_615, %dma_start3A_616] : memref<8x64xi32, #tpu.memory_space<vmem>> -> memref<1x64xi32, #tpu.memory_space<vmem>>
      %dma_start3A_618 = tpu.memref_squeeze %dma_start3A_617 : memref<1x64xi32, #tpu.memory_space<vmem>> -> memref<64xi32, #tpu.memory_space<vmem>>
      %dma_start3A_619 = arith.constant 0 : i32
      %dma_start3A_620 = arith.constant 0 : i32
      %dma_start3A_621 = tpu.memref_slice %arg8[%dma_start3A_619, %dma_start3A_620] : memref<10240x128xf32, #tpu.memory_space<vmem_shared>> -> memref<10240x128xf32, #tpu.memory_space<vmem_shared>>
      tpu.enqueue_indirect_dma source(%arg19 : memref<64x128xf32, #tpu.memory_space<vmem>>) target(%dma_start3A_621 : memref<10240x128xf32, #tpu.memory_space<vmem_shared>>) offsets(%dma_start3A_618 : memref<64xi32, #tpu.memory_space<vmem>>) semaphore(%arg26 : memref<!tpu.dma_semaphore, #tpu.memory_space<semaphore_mem>>) {add = true}
      %scan3A_622 = arith.constant 0 : i32
      %scan3A_623 = arith.constant 0 : i32
      %scan3A_624 = arith.constant 4 : i32
      %scan3A_625 = arith.addi %scan3A_623, %scan3A_624 : i32
      %scan3A_626 = arith.constant 1 : i32
      %scan3A_627 = scf.for %scan3A_864 = %scan3A_623 to %scan3A_625 step %scan3A_626 iter_args(%scan3A_865 = %scan3A_622) -> (i32)  : i32 {
        %mul3A_866 = arith.constant 16 : i32
        %mul3A_867 = arith.muli %scan3A_864, %mul3A_866 : i32
        %get3A = arith.constant 1 : i32
        %get3A_868 = arith.index_cast %get3A : i32 to index
        %get3A_869 = arith.index_cast %mul3A_867 : i32 to index
        %get3A_870 = tpu.vector_load %arg17[%get3A_868, %get3A_869] {strides = array<i32>} : memref<8x64xi32, #tpu.memory_space<vmem>>, vector<16xi32>,
        %gather3A = tpu.vector_load_idx %arg11[%get3A_870] : memref<10240xf32, #tpu.memory_space<vmem>>[vector<16xi32>], vector<16xf32>,
        %mul3A_871 = arith.constant 16 : i32
        %mul3A_872 = arith.muli %scan3A_864, %mul3A_871 : i32
        %get3A_873 = arith.constant 1 : i32
        %get3A_874 = arith.index_cast %get3A_873 : i32 to index
        %get3A_875 = arith.index_cast %mul3A_872 : i32 to index
        %get3A_876 = tpu.vector_load %arg15[%get3A_874, %get3A_875] {strides = array<i32>} : memref<8x64xi32, #tpu.memory_space<vmem>>, vector<16xi32>,
        %shift_right_logical3A = arith.shrui %get3A_876, %broadcast_in_dim3A_7 : vector<16xi32>
        %and3A_877 = arith.andi %get3A_876, %broadcast_in_dim3A_5 : vector<16xi32>
        tpu.vector_store_idx %arg10[%shift_right_logical3A, %and3A_877], %gather3A {add = true} : memref<80x128xf32, #tpu.memory_space<vmem>>[vector<16xi32>, vector<16xi32>], vector<16xf32>,
        %scan3A_878 = arith.constant 0 : i32
        scf.yield %scan3A_878 : i32
      }
      %scan3A_628 = arith.constant 4 : i32
      %mul3A_629 = arith.constant 8 : i32
      %mul3A_630 = arith.muli %add3A_546, %mul3A_629 : i32
      %add3A_631 = arith.constant 2 : i32
      %add3A_632 = arith.addi %mul3A_630, %add3A_631 : i32
      %gt3A_633 = arith.constant 0 : i32
      %gt3A_634 = arith.cmpi sgt, %add3A_632, %gt3A_633 : i32
      %convert_element_type3A_635 = arith.extui %gt3A_634 : i1 to i32
      %cond3A_636 = arith.constant 1 : i32
      %cond3A_637 = arith.constant 0 : i32
      %cond3A_638 = arith.cmpi ne, %convert_element_type3A_635, %cond3A_637 : i32
      scf.if %cond3A_638 {
        %dma_wait3A_864 = arith.constant 0 : i32
        %dma_wait3A_865 = tpu.memref_slice %arg17[%cond3A_636, %dma_wait3A_864] : memref<8x64xi32, #tpu.memory_space<vmem>> -> memref<1x64xi32, #tpu.memory_space<vmem>>
        %dma_wait3A_866 = tpu.memref_squeeze %dma_wait3A_865 : memref<1x64xi32, #tpu.memory_space<vmem>> -> memref<64xi32, #tpu.memory_space<vmem>>
        %dma_wait3A_867 = arith.constant 0 : i32
        %dma_wait3A_868 = arith.constant 0 : i32
        %dma_wait3A_869 = tpu.memref_slice %arg8[%dma_wait3A_867, %dma_wait3A_868] : memref<10240x128xf32, #tpu.memory_space<vmem_shared>> -> memref<10240x128xf32, #tpu.memory_space<vmem_shared>>
        tpu.wait_indirect_dma semaphore(%arg26 : memref<!tpu.dma_semaphore, #tpu.memory_space<semaphore_mem>>) src(%arg19 : memref<64x128xf32, #tpu.memory_space<vmem>>) dst(%dma_wait3A_869 : memref<10240x128xf32, #tpu.memory_space<vmem_shared>>)
      } else {
      }
      %add3A_639 = arith.constant 1 : i32
      %add3A_640 = arith.addi %add3A_632, %add3A_639 : i32
      %lt3A_641 = arith.cmpi slt, %add3A_640, %select_n3A : i32
      %convert_element_type3A_642 = arith.extui %lt3A_641 : i1 to i32
      %cond3A_643 = arith.constant 3 : i32
      %cond3A_644 = arith.constant 0 : i32
      %cond3A_645 = arith.cmpi ne, %convert_element_type3A_642, %cond3A_644 : i32
      scf.if %cond3A_645 {
        %dma_start3A_864 = arith.constant 0 : i32
        %dma_start3A_865 = tpu.memref_slice %arg15[%cond3A_643, %dma_start3A_864] : memref<8x64xi32, #tpu.memory_space<vmem>> -> memref<1x64xi32, #tpu.memory_space<vmem>>
        %dma_start3A_866 = tpu.memref_squeeze %dma_start3A_865 : memref<1x64xi32, #tpu.memory_space<vmem>> -> memref<64xi32, #tpu.memory_space<vmem>>
        %dma_start3A_867 = arith.constant 0 : i32
        %dma_start3A_868 = arith.constant 0 : i32
        %dma_start3A_869 = tpu.memref_slice %arg2[%dma_start3A_867, %dma_start3A_868] : memref<10240x128xf32, #tpu.memory_space<hbm>> -> memref<10240x128xf32, #tpu.memory_space<hbm>>
        tpu.enqueue_indirect_dma source(%dma_start3A_869 : memref<10240x128xf32, #tpu.memory_space<hbm>>) target(%arg19 : memref<64x128xf32, #tpu.memory_space<vmem>>) offsets(%dma_start3A_866 : memref<64xi32, #tpu.memory_space<vmem>>) semaphore(%arg24 : memref<!tpu.dma_semaphore, #tpu.memory_space<semaphore_mem>>)
      } else {
      }
      %dma_wait3A_646 = arith.constant 2 : i32
      %dma_wait3A_647 = arith.constant 0 : i32
      %dma_wait3A_648 = tpu.memref_slice %arg15[%dma_wait3A_646, %dma_wait3A_647] : memref<8x64xi32, #tpu.memory_space<vmem>> -> memref<1x64xi32, #tpu.memory_space<vmem>>
      %dma_wait3A_649 = tpu.memref_squeeze %dma_wait3A_648 : memref<1x64xi32, #tpu.memory_space<vmem>> -> memref<64xi32, #tpu.memory_space<vmem>>
      %dma_wait3A_650 = arith.constant 0 : i32
      %dma_wait3A_651 = arith.constant 0 : i32
      %dma_wait3A_652 = tpu.memref_slice %arg2[%dma_wait3A_650, %dma_wait3A_651] : memref<10240x128xf32, #tpu.memory_space<hbm>> -> memref<10240x128xf32, #tpu.memory_space<hbm>>
      tpu.wait_indirect_dma semaphore(%arg23 : memref<!tpu.dma_semaphore, #tpu.memory_space<semaphore_mem>>) src(%dma_wait3A_652 : memref<10240x128xf32, #tpu.memory_space<hbm>>) dst(%arg18 : memref<64x128xf32, #tpu.memory_space<vmem>>)
      %dma_start3A_653 = arith.constant 2 : i32
      %dma_start3A_654 = arith.constant 0 : i32
      %dma_start3A_655 = tpu.memref_slice %arg17[%dma_start3A_653, %dma_start3A_654] : memref<8x64xi32, #tpu.memory_space<vmem>> -> memref<1x64xi32, #tpu.memory_space<vmem>>
      %dma_start3A_656 = tpu.memref_squeeze %dma_start3A_655 : memref<1x64xi32, #tpu.memory_space<vmem>> -> memref<64xi32, #tpu.memory_space<vmem>>
      %dma_start3A_657 = arith.constant 0 : i32
      %dma_start3A_658 = arith.constant 0 : i32
      %dma_start3A_659 = tpu.memref_slice %arg8[%dma_start3A_657, %dma_start3A_658] : memref<10240x128xf32, #tpu.memory_space<vmem_shared>> -> memref<10240x128xf32, #tpu.memory_space<vmem_shared>>
      tpu.enqueue_indirect_dma source(%arg18 : memref<64x128xf32, #tpu.memory_space<vmem>>) target(%dma_start3A_659 : memref<10240x128xf32, #tpu.memory_space<vmem_shared>>) offsets(%dma_start3A_656 : memref<64xi32, #tpu.memory_space<vmem>>) semaphore(%arg25 : memref<!tpu.dma_semaphore, #tpu.memory_space<semaphore_mem>>) {add = true}
      %scan3A_660 = arith.constant 0 : i32
      %scan3A_661 = arith.constant 0 : i32
      %scan3A_662 = arith.constant 4 : i32
      %scan3A_663 = arith.addi %scan3A_661, %scan3A_662 : i32
      %scan3A_664 = arith.constant 1 : i32
      %scan3A_665 = scf.for %scan3A_864 = %scan3A_661 to %scan3A_663 step %scan3A_664 iter_args(%scan3A_865 = %scan3A_660) -> (i32)  : i32 {
        %mul3A_866 = arith.constant 16 : i32
        %mul3A_867 = arith.muli %scan3A_864, %mul3A_866 : i32
        %get3A = arith.constant 2 : i32
        %get3A_868 = arith.index_cast %get3A : i32 to index
        %get3A_869 = arith.index_cast %mul3A_867 : i32 to index
        %get3A_870 = tpu.vector_load %arg17[%get3A_868, %get3A_869] {strides = array<i32>} : memref<8x64xi32, #tpu.memory_space<vmem>>, vector<16xi32>,
        %gather3A = tpu.vector_load_idx %arg11[%get3A_870] : memref<10240xf32, #tpu.memory_space<vmem>>[vector<16xi32>], vector<16xf32>,
        %mul3A_871 = arith.constant 16 : i32
        %mul3A_872 = arith.muli %scan3A_864, %mul3A_871 : i32
        %get3A_873 = arith.constant 2 : i32
        %get3A_874 = arith.index_cast %get3A_873 : i32 to index
        %get3A_875 = arith.index_cast %mul3A_872 : i32 to index
        %get3A_876 = tpu.vector_load %arg15[%get3A_874, %get3A_875] {strides = array<i32>} : memref<8x64xi32, #tpu.memory_space<vmem>>, vector<16xi32>,
        %shift_right_logical3A = arith.shrui %get3A_876, %broadcast_in_dim3A_7 : vector<16xi32>
        %and3A_877 = arith.andi %get3A_876, %broadcast_in_dim3A_5 : vector<16xi32>
        tpu.vector_store_idx %arg10[%shift_right_logical3A, %and3A_877], %gather3A {add = true} : memref<80x128xf32, #tpu.memory_space<vmem>>[vector<16xi32>, vector<16xi32>], vector<16xf32>,
        %scan3A_878 = arith.constant 0 : i32
        scf.yield %scan3A_878 : i32
      }
      %scan3A_666 = arith.constant 4 : i32
      %mul3A_667 = arith.constant 8 : i32
      %mul3A_668 = arith.muli %add3A_546, %mul3A_667 : i32
      %add3A_669 = arith.constant 3 : i32
      %add3A_670 = arith.addi %mul3A_668, %add3A_669 : i32
      %gt3A_671 = arith.constant 0 : i32
      %gt3A_672 = arith.cmpi sgt, %add3A_670, %gt3A_671 : i32
      %convert_element_type3A_673 = arith.extui %gt3A_672 : i1 to i32
      %cond3A_674 = arith.constant 2 : i32
      %cond3A_675 = arith.constant 0 : i32
      %cond3A_676 = arith.cmpi ne, %convert_element_type3A_673, %cond3A_675 : i32
      scf.if %cond3A_676 {
        %dma_wait3A_864 = arith.constant 0 : i32
        %dma_wait3A_865 = tpu.memref_slice %arg17[%cond3A_674, %dma_wait3A_864] : memref<8x64xi32, #tpu.memory_space<vmem>> -> memref<1x64xi32, #tpu.memory_space<vmem>>
        %dma_wait3A_866 = tpu.memref_squeeze %dma_wait3A_865 : memref<1x64xi32, #tpu.memory_space<vmem>> -> memref<64xi32, #tpu.memory_space<vmem>>
        %dma_wait3A_867 = arith.constant 0 : i32
        %dma_wait3A_868 = arith.constant 0 : i32
        %dma_wait3A_869 = tpu.memref_slice %arg8[%dma_wait3A_867, %dma_wait3A_868] : memref<10240x128xf32, #tpu.memory_space<vmem_shared>> -> memref<10240x128xf32, #tpu.memory_space<vmem_shared>>
        tpu.wait_indirect_dma semaphore(%arg25 : memref<!tpu.dma_semaphore, #tpu.memory_space<semaphore_mem>>) src(%arg18 : memref<64x128xf32, #tpu.memory_space<vmem>>) dst(%dma_wait3A_869 : memref<10240x128xf32, #tpu.memory_space<vmem_shared>>)
      } else {
      }
      %add3A_677 = arith.constant 1 : i32
      %add3A_678 = arith.addi %add3A_670, %add3A_677 : i32
      %lt3A_679 = arith.cmpi slt, %add3A_678, %select_n3A : i32
      %convert_element_type3A_680 = arith.extui %lt3A_679 : i1 to i32
      %cond3A_681 = arith.constant 4 : i32
      %cond3A_682 = arith.constant 0 : i32
      %cond3A_683 = arith.cmpi ne, %convert_element_type3A_680, %cond3A_682 : i32
      scf.if %cond3A_683 {
        %dma_start3A_864 = arith.constant 0 : i32
        %dma_start3A_865 = tpu.memref_slice %arg15[%cond3A_681, %dma_start3A_864] : memref<8x64xi32, #tpu.memory_space<vmem>> -> memref<1x64xi32, #tpu.memory_space<vmem>>
        %dma_start3A_866 = tpu.memref_squeeze %dma_start3A_865 : memref<1x64xi32, #tpu.memory_space<vmem>> -> memref<64xi32, #tpu.memory_space<vmem>>
        %dma_start3A_867 = arith.constant 0 : i32
        %dma_start3A_868 = arith.constant 0 : i32
        %dma_start3A_869 = tpu.memref_slice %arg2[%dma_start3A_867, %dma_start3A_868] : memref<10240x128xf32, #tpu.memory_space<hbm>> -> memref<10240x128xf32, #tpu.memory_space<hbm>>
        tpu.enqueue_indirect_dma source(%dma_start3A_869 : memref<10240x128xf32, #tpu.memory_space<hbm>>) target(%arg18 : memref<64x128xf32, #tpu.memory_space<vmem>>) offsets(%dma_start3A_866 : memref<64xi32, #tpu.memory_space<vmem>>) semaphore(%arg23 : memref<!tpu.dma_semaphore, #tpu.memory_space<semaphore_mem>>)
      } else {
      }
      %dma_wait3A_684 = arith.constant 3 : i32
      %dma_wait3A_685 = arith.constant 0 : i32
      %dma_wait3A_686 = tpu.memref_slice %arg15[%dma_wait3A_684, %dma_wait3A_685] : memref<8x64xi32, #tpu.memory_space<vmem>> -> memref<1x64xi32, #tpu.memory_space<vmem>>
      %dma_wait3A_687 = tpu.memref_squeeze %dma_wait3A_686 : memref<1x64xi32, #tpu.memory_space<vmem>> -> memref<64xi32, #tpu.memory_space<vmem>>
      %dma_wait3A_688 = arith.constant 0 : i32
      %dma_wait3A_689 = arith.constant 0 : i32
      %dma_wait3A_690 = tpu.memref_slice %arg2[%dma_wait3A_688, %dma_wait3A_689] : memref<10240x128xf32, #tpu.memory_space<hbm>> -> memref<10240x128xf32, #tpu.memory_space<hbm>>
      tpu.wait_indirect_dma semaphore(%arg24 : memref<!tpu.dma_semaphore, #tpu.memory_space<semaphore_mem>>) src(%dma_wait3A_690 : memref<10240x128xf32, #tpu.memory_space<hbm>>) dst(%arg19 : memref<64x128xf32, #tpu.memory_space<vmem>>)
      %dma_start3A_691 = arith.constant 3 : i32
      %dma_start3A_692 = arith.constant 0 : i32
      %dma_start3A_693 = tpu.memref_slice %arg17[%dma_start3A_691, %dma_start3A_692] : memref<8x64xi32, #tpu.memory_space<vmem>> -> memref<1x64xi32, #tpu.memory_space<vmem>>
      %dma_start3A_694 = tpu.memref_squeeze %dma_start3A_693 : memref<1x64xi32, #tpu.memory_space<vmem>> -> memref<64xi32, #tpu.memory_space<vmem>>
      %dma_start3A_695 = arith.constant 0 : i32
      %dma_start3A_696 = arith.constant 0 : i32
      %dma_start3A_697 = tpu.memref_slice %arg8[%dma_start3A_695, %dma_start3A_696] : memref<10240x128xf32, #tpu.memory_space<vmem_shared>> -> memref<10240x128xf32, #tpu.memory_space<vmem_shared>>
      tpu.enqueue_indirect_dma source(%arg19 : memref<64x128xf32, #tpu.memory_space<vmem>>) target(%dma_start3A_697 : memref<10240x128xf32, #tpu.memory_space<vmem_shared>>) offsets(%dma_start3A_694 : memref<64xi32, #tpu.memory_space<vmem>>) semaphore(%arg26 : memref<!tpu.dma_semaphore, #tpu.memory_space<semaphore_mem>>) {add = true}
      %scan3A_698 = arith.constant 0 : i32
      %scan3A_699 = arith.constant 0 : i32
      %scan3A_700 = arith.constant 4 : i32
      %scan3A_701 = arith.addi %scan3A_699, %scan3A_700 : i32
      %scan3A_702 = arith.constant 1 : i32
      %scan3A_703 = scf.for %scan3A_864 = %scan3A_699 to %scan3A_701 step %scan3A_702 iter_args(%scan3A_865 = %scan3A_698) -> (i32)  : i32 {
        %mul3A_866 = arith.constant 16 : i32
        %mul3A_867 = arith.muli %scan3A_864, %mul3A_866 : i32
        %get3A = arith.constant 3 : i32
        %get3A_868 = arith.index_cast %get3A : i32 to index
        %get3A_869 = arith.index_cast %mul3A_867 : i32 to index
        %get3A_870 = tpu.vector_load %arg17[%get3A_868, %get3A_869] {strides = array<i32>} : memref<8x64xi32, #tpu.memory_space<vmem>>, vector<16xi32>,
        %gather3A = tpu.vector_load_idx %arg11[%get3A_870] : memref<10240xf32, #tpu.memory_space<vmem>>[vector<16xi32>], vector<16xf32>,
        %mul3A_871 = arith.constant 16 : i32
        %mul3A_872 = arith.muli %scan3A_864, %mul3A_871 : i32
        %get3A_873 = arith.constant 3 : i32
        %get3A_874 = arith.index_cast %get3A_873 : i32 to index
        %get3A_875 = arith.index_cast %mul3A_872 : i32 to index
        %get3A_876 = tpu.vector_load %arg15[%get3A_874, %get3A_875] {strides = array<i32>} : memref<8x64xi32, #tpu.memory_space<vmem>>, vector<16xi32>,
        %shift_right_logical3A = arith.shrui %get3A_876, %broadcast_in_dim3A_7 : vector<16xi32>
        %and3A_877 = arith.andi %get3A_876, %broadcast_in_dim3A_5 : vector<16xi32>
        tpu.vector_store_idx %arg10[%shift_right_logical3A, %and3A_877], %gather3A {add = true} : memref<80x128xf32, #tpu.memory_space<vmem>>[vector<16xi32>, vector<16xi32>], vector<16xf32>,
        %scan3A_878 = arith.constant 0 : i32
        scf.yield %scan3A_878 : i32
      }
      %scan3A_704 = arith.constant 4 : i32
      %mul3A_705 = arith.constant 8 : i32
      %mul3A_706 = arith.muli %add3A_546, %mul3A_705 : i32
      %add3A_707 = arith.constant 4 : i32
      %add3A_708 = arith.addi %mul3A_706, %add3A_707 : i32
      %gt3A_709 = arith.constant 0 : i32
      %gt3A_710 = arith.cmpi sgt, %add3A_708, %gt3A_709 : i32
      %convert_element_type3A_711 = arith.extui %gt3A_710 : i1 to i32
      %cond3A_712 = arith.constant 3 : i32
      %cond3A_713 = arith.constant 0 : i32
      %cond3A_714 = arith.cmpi ne, %convert_element_type3A_711, %cond3A_713 : i32
      scf.if %cond3A_714 {
        %dma_wait3A_864 = arith.constant 0 : i32
        %dma_wait3A_865 = tpu.memref_slice %arg17[%cond3A_712, %dma_wait3A_864] : memref<8x64xi32, #tpu.memory_space<vmem>> -> memref<1x64xi32, #tpu.memory_space<vmem>>
        %dma_wait3A_866 = tpu.memref_squeeze %dma_wait3A_865 : memref<1x64xi32, #tpu.memory_space<vmem>> -> memref<64xi32, #tpu.memory_space<vmem>>
        %dma_wait3A_867 = arith.constant 0 : i32
        %dma_wait3A_868 = arith.constant 0 : i32
        %dma_wait3A_869 = tpu.memref_slice %arg8[%dma_wait3A_867, %dma_wait3A_868] : memref<10240x128xf32, #tpu.memory_space<vmem_shared>> -> memref<10240x128xf32, #tpu.memory_space<vmem_shared>>
        tpu.wait_indirect_dma semaphore(%arg26 : memref<!tpu.dma_semaphore, #tpu.memory_space<semaphore_mem>>) src(%arg19 : memref<64x128xf32, #tpu.memory_space<vmem>>) dst(%dma_wait3A_869 : memref<10240x128xf32, #tpu.memory_space<vmem_shared>>)
      } else {
      }
      %add3A_715 = arith.constant 1 : i32
      %add3A_716 = arith.addi %add3A_708, %add3A_715 : i32
      %lt3A_717 = arith.cmpi slt, %add3A_716, %select_n3A : i32
      %convert_element_type3A_718 = arith.extui %lt3A_717 : i1 to i32
      %cond3A_719 = arith.constant 5 : i32
      %cond3A_720 = arith.constant 0 : i32
      %cond3A_721 = arith.cmpi ne, %convert_element_type3A_718, %cond3A_720 : i32
      scf.if %cond3A_721 {
        %dma_start3A_864 = arith.constant 0 : i32
        %dma_start3A_865 = tpu.memref_slice %arg15[%cond3A_719, %dma_start3A_864] : memref<8x64xi32, #tpu.memory_space<vmem>> -> memref<1x64xi32, #tpu.memory_space<vmem>>
        %dma_start3A_866 = tpu.memref_squeeze %dma_start3A_865 : memref<1x64xi32, #tpu.memory_space<vmem>> -> memref<64xi32, #tpu.memory_space<vmem>>
        %dma_start3A_867 = arith.constant 0 : i32
        %dma_start3A_868 = arith.constant 0 : i32
        %dma_start3A_869 = tpu.memref_slice %arg2[%dma_start3A_867, %dma_start3A_868] : memref<10240x128xf32, #tpu.memory_space<hbm>> -> memref<10240x128xf32, #tpu.memory_space<hbm>>
        tpu.enqueue_indirect_dma source(%dma_start3A_869 : memref<10240x128xf32, #tpu.memory_space<hbm>>) target(%arg19 : memref<64x128xf32, #tpu.memory_space<vmem>>) offsets(%dma_start3A_866 : memref<64xi32, #tpu.memory_space<vmem>>) semaphore(%arg24 : memref<!tpu.dma_semaphore, #tpu.memory_space<semaphore_mem>>)
      } else {
      }
      %dma_wait3A_722 = arith.constant 4 : i32
      %dma_wait3A_723 = arith.constant 0 : i32
      %dma_wait3A_724 = tpu.memref_slice %arg15[%dma_wait3A_722, %dma_wait3A_723] : memref<8x64xi32, #tpu.memory_space<vmem>> -> memref<1x64xi32, #tpu.memory_space<vmem>>
      %dma_wait3A_725 = tpu.memref_squeeze %dma_wait3A_724 : memref<1x64xi32, #tpu.memory_space<vmem>> -> memref<64xi32, #tpu.memory_space<vmem>>
      %dma_wait3A_726 = arith.constant 0 : i32
      %dma_wait3A_727 = arith.constant 0 : i32
      %dma_wait3A_728 = tpu.memref_slice %arg2[%dma_wait3A_726, %dma_wait3A_727] : memref<10240x128xf32, #tpu.memory_space<hbm>> -> memref<10240x128xf32, #tpu.memory_space<hbm>>
      tpu.wait_indirect_dma semaphore(%arg23 : memref<!tpu.dma_semaphore, #tpu.memory_space<semaphore_mem>>) src(%dma_wait3A_728 : memref<10240x128xf32, #tpu.memory_space<hbm>>) dst(%arg18 : memref<64x128xf32, #tpu.memory_space<vmem>>)
      %dma_start3A_729 = arith.constant 4 : i32
      %dma_start3A_730 = arith.constant 0 : i32
      %dma_start3A_731 = tpu.memref_slice %arg17[%dma_start3A_729, %dma_start3A_730] : memref<8x64xi32, #tpu.memory_space<vmem>> -> memref<1x64xi32, #tpu.memory_space<vmem>>
      %dma_start3A_732 = tpu.memref_squeeze %dma_start3A_731 : memref<1x64xi32, #tpu.memory_space<vmem>> -> memref<64xi32, #tpu.memory_space<vmem>>
      %dma_start3A_733 = arith.constant 0 : i32
      %dma_start3A_734 = arith.constant 0 : i32
      %dma_start3A_735 = tpu.memref_slice %arg8[%dma_start3A_733, %dma_start3A_734] : memref<10240x128xf32, #tpu.memory_space<vmem_shared>> -> memref<10240x128xf32, #tpu.memory_space<vmem_shared>>
      tpu.enqueue_indirect_dma source(%arg18 : memref<64x128xf32, #tpu.memory_space<vmem>>) target(%dma_start3A_735 : memref<10240x128xf32, #tpu.memory_space<vmem_shared>>) offsets(%dma_start3A_732 : memref<64xi32, #tpu.memory_space<vmem>>) semaphore(%arg25 : memref<!tpu.dma_semaphore, #tpu.memory_space<semaphore_mem>>) {add = true}
      %scan3A_736 = arith.constant 0 : i32
      %scan3A_737 = arith.constant 0 : i32
      %scan3A_738 = arith.constant 4 : i32
      %scan3A_739 = arith.addi %scan3A_737, %scan3A_738 : i32
      %scan3A_740 = arith.constant 1 : i32
      %scan3A_741 = scf.for %scan3A_864 = %scan3A_737 to %scan3A_739 step %scan3A_740 iter_args(%scan3A_865 = %scan3A_736) -> (i32)  : i32 {
        %mul3A_866 = arith.constant 16 : i32
        %mul3A_867 = arith.muli %scan3A_864, %mul3A_866 : i32
        %get3A = arith.constant 4 : i32
        %get3A_868 = arith.index_cast %get3A : i32 to index
        %get3A_869 = arith.index_cast %mul3A_867 : i32 to index
        %get3A_870 = tpu.vector_load %arg17[%get3A_868, %get3A_869] {strides = array<i32>} : memref<8x64xi32, #tpu.memory_space<vmem>>, vector<16xi32>,
        %gather3A = tpu.vector_load_idx %arg11[%get3A_870] : memref<10240xf32, #tpu.memory_space<vmem>>[vector<16xi32>], vector<16xf32>,
        %mul3A_871 = arith.constant 16 : i32
        %mul3A_872 = arith.muli %scan3A_864, %mul3A_871 : i32
        %get3A_873 = arith.constant 4 : i32
        %get3A_874 = arith.index_cast %get3A_873 : i32 to index
        %get3A_875 = arith.index_cast %mul3A_872 : i32 to index
        %get3A_876 = tpu.vector_load %arg15[%get3A_874, %get3A_875] {strides = array<i32>} : memref<8x64xi32, #tpu.memory_space<vmem>>, vector<16xi32>,
        %shift_right_logical3A = arith.shrui %get3A_876, %broadcast_in_dim3A_7 : vector<16xi32>
        %and3A_877 = arith.andi %get3A_876, %broadcast_in_dim3A_5 : vector<16xi32>
        tpu.vector_store_idx %arg10[%shift_right_logical3A, %and3A_877], %gather3A {add = true} : memref<80x128xf32, #tpu.memory_space<vmem>>[vector<16xi32>, vector<16xi32>], vector<16xf32>,
        %scan3A_878 = arith.constant 0 : i32
        scf.yield %scan3A_878 : i32
      }
      %scan3A_742 = arith.constant 4 : i32
      %mul3A_743 = arith.constant 8 : i32
      %mul3A_744 = arith.muli %add3A_546, %mul3A_743 : i32
      %add3A_745 = arith.constant 5 : i32
      %add3A_746 = arith.addi %mul3A_744, %add3A_745 : i32
      %gt3A_747 = arith.constant 0 : i32
      %gt3A_748 = arith.cmpi sgt, %add3A_746, %gt3A_747 : i32
      %convert_element_type3A_749 = arith.extui %gt3A_748 : i1 to i32
      %cond3A_750 = arith.constant 4 : i32
      %cond3A_751 = arith.constant 0 : i32
      %cond3A_752 = arith.cmpi ne, %convert_element_type3A_749, %cond3A_751 : i32
      scf.if %cond3A_752 {
        %dma_wait3A_864 = arith.constant 0 : i32
        %dma_wait3A_865 = tpu.memref_slice %arg17[%cond3A_750, %dma_wait3A_864] : memref<8x64xi32, #tpu.memory_space<vmem>> -> memref<1x64xi32, #tpu.memory_space<vmem>>
        %dma_wait3A_866 = tpu.memref_squeeze %dma_wait3A_865 : memref<1x64xi32, #tpu.memory_space<vmem>> -> memref<64xi32, #tpu.memory_space<vmem>>
        %dma_wait3A_867 = arith.constant 0 : i32
        %dma_wait3A_868 = arith.constant 0 : i32
        %dma_wait3A_869 = tpu.memref_slice %arg8[%dma_wait3A_867, %dma_wait3A_868] : memref<10240x128xf32, #tpu.memory_space<vmem_shared>> -> memref<10240x128xf32, #tpu.memory_space<vmem_shared>>
        tpu.wait_indirect_dma semaphore(%arg25 : memref<!tpu.dma_semaphore, #tpu.memory_space<semaphore_mem>>) src(%arg18 : memref<64x128xf32, #tpu.memory_space<vmem>>) dst(%dma_wait3A_869 : memref<10240x128xf32, #tpu.memory_space<vmem_shared>>)
      } else {
      }
      %add3A_753 = arith.constant 1 : i32
      %add3A_754 = arith.addi %add3A_746, %add3A_753 : i32
      %lt3A_755 = arith.cmpi slt, %add3A_754, %select_n3A : i32
      %convert_element_type3A_756 = arith.extui %lt3A_755 : i1 to i32
      %cond3A_757 = arith.constant 6 : i32
      %cond3A_758 = arith.constant 0 : i32
      %cond3A_759 = arith.cmpi ne, %convert_element_type3A_756, %cond3A_758 : i32
      scf.if %cond3A_759 {
        %dma_start3A_864 = arith.constant 0 : i32
        %dma_start3A_865 = tpu.memref_slice %arg15[%cond3A_757, %dma_start3A_864] : memref<8x64xi32, #tpu.memory_space<vmem>> -> memref<1x64xi32, #tpu.memory_space<vmem>>
        %dma_start3A_866 = tpu.memref_squeeze %dma_start3A_865 : memref<1x64xi32, #tpu.memory_space<vmem>> -> memref<64xi32, #tpu.memory_space<vmem>>
        %dma_start3A_867 = arith.constant 0 : i32
        %dma_start3A_868 = arith.constant 0 : i32
        %dma_start3A_869 = tpu.memref_slice %arg2[%dma_start3A_867, %dma_start3A_868] : memref<10240x128xf32, #tpu.memory_space<hbm>> -> memref<10240x128xf32, #tpu.memory_space<hbm>>
        tpu.enqueue_indirect_dma source(%dma_start3A_869 : memref<10240x128xf32, #tpu.memory_space<hbm>>) target(%arg18 : memref<64x128xf32, #tpu.memory_space<vmem>>) offsets(%dma_start3A_866 : memref<64xi32, #tpu.memory_space<vmem>>) semaphore(%arg23 : memref<!tpu.dma_semaphore, #tpu.memory_space<semaphore_mem>>)
      } else {
      }
      %dma_wait3A_760 = arith.constant 5 : i32
      %dma_wait3A_761 = arith.constant 0 : i32
      %dma_wait3A_762 = tpu.memref_slice %arg15[%dma_wait3A_760, %dma_wait3A_761] : memref<8x64xi32, #tpu.memory_space<vmem>> -> memref<1x64xi32, #tpu.memory_space<vmem>>
      %dma_wait3A_763 = tpu.memref_squeeze %dma_wait3A_762 : memref<1x64xi32, #tpu.memory_space<vmem>> -> memref<64xi32, #tpu.memory_space<vmem>>
      %dma_wait3A_764 = arith.constant 0 : i32
      %dma_wait3A_765 = arith.constant 0 : i32
      %dma_wait3A_766 = tpu.memref_slice %arg2[%dma_wait3A_764, %dma_wait3A_765] : memref<10240x128xf32, #tpu.memory_space<hbm>> -> memref<10240x128xf32, #tpu.memory_space<hbm>>
      tpu.wait_indirect_dma semaphore(%arg24 : memref<!tpu.dma_semaphore, #tpu.memory_space<semaphore_mem>>) src(%dma_wait3A_766 : memref<10240x128xf32, #tpu.memory_space<hbm>>) dst(%arg19 : memref<64x128xf32, #tpu.memory_space<vmem>>)
      %dma_start3A_767 = arith.constant 5 : i32
      %dma_start3A_768 = arith.constant 0 : i32
      %dma_start3A_769 = tpu.memref_slice %arg17[%dma_start3A_767, %dma_start3A_768] : memref<8x64xi32, #tpu.memory_space<vmem>> -> memref<1x64xi32, #tpu.memory_space<vmem>>
      %dma_start3A_770 = tpu.memref_squeeze %dma_start3A_769 : memref<1x64xi32, #tpu.memory_space<vmem>> -> memref<64xi32, #tpu.memory_space<vmem>>
      %dma_start3A_771 = arith.constant 0 : i32
      %dma_start3A_772 = arith.constant 0 : i32
      %dma_start3A_773 = tpu.memref_slice %arg8[%dma_start3A_771, %dma_start3A_772] : memref<10240x128xf32, #tpu.memory_space<vmem_shared>> -> memref<10240x128xf32, #tpu.memory_space<vmem_shared>>
      tpu.enqueue_indirect_dma source(%arg19 : memref<64x128xf32, #tpu.memory_space<vmem>>) target(%dma_start3A_773 : memref<10240x128xf32, #tpu.memory_space<vmem_shared>>) offsets(%dma_start3A_770 : memref<64xi32, #tpu.memory_space<vmem>>) semaphore(%arg26 : memref<!tpu.dma_semaphore, #tpu.memory_space<semaphore_mem>>) {add = true}
      %scan3A_774 = arith.constant 0 : i32
      %scan3A_775 = arith.constant 0 : i32
      %scan3A_776 = arith.constant 4 : i32
      %scan3A_777 = arith.addi %scan3A_775, %scan3A_776 : i32
      %scan3A_778 = arith.constant 1 : i32
      %scan3A_779 = scf.for %scan3A_864 = %scan3A_775 to %scan3A_777 step %scan3A_778 iter_args(%scan3A_865 = %scan3A_774) -> (i32)  : i32 {
        %mul3A_866 = arith.constant 16 : i32
        %mul3A_867 = arith.muli %scan3A_864, %mul3A_866 : i32
        %get3A = arith.constant 5 : i32
        %get3A_868 = arith.index_cast %get3A : i32 to index
        %get3A_869 = arith.index_cast %mul3A_867 : i32 to index
        %get3A_870 = tpu.vector_load %arg17[%get3A_868, %get3A_869] {strides = array<i32>} : memref<8x64xi32, #tpu.memory_space<vmem>>, vector<16xi32>,
        %gather3A = tpu.vector_load_idx %arg11[%get3A_870] : memref<10240xf32, #tpu.memory_space<vmem>>[vector<16xi32>], vector<16xf32>,
        %mul3A_871 = arith.constant 16 : i32
        %mul3A_872 = arith.muli %scan3A_864, %mul3A_871 : i32
        %get3A_873 = arith.constant 5 : i32
        %get3A_874 = arith.index_cast %get3A_873 : i32 to index
        %get3A_875 = arith.index_cast %mul3A_872 : i32 to index
        %get3A_876 = tpu.vector_load %arg15[%get3A_874, %get3A_875] {strides = array<i32>} : memref<8x64xi32, #tpu.memory_space<vmem>>, vector<16xi32>,
        %shift_right_logical3A = arith.shrui %get3A_876, %broadcast_in_dim3A_7 : vector<16xi32>
        %and3A_877 = arith.andi %get3A_876, %broadcast_in_dim3A_5 : vector<16xi32>
        tpu.vector_store_idx %arg10[%shift_right_logical3A, %and3A_877], %gather3A {add = true} : memref<80x128xf32, #tpu.memory_space<vmem>>[vector<16xi32>, vector<16xi32>], vector<16xf32>,
        %scan3A_878 = arith.constant 0 : i32
        scf.yield %scan3A_878 : i32
      }
      %scan3A_780 = arith.constant 4 : i32
      %mul3A_781 = arith.constant 8 : i32
      %mul3A_782 = arith.muli %add3A_546, %mul3A_781 : i32
      %add3A_783 = arith.constant 6 : i32
      %add3A_784 = arith.addi %mul3A_782, %add3A_783 : i32
      %gt3A_785 = arith.constant 0 : i32
      %gt3A_786 = arith.cmpi sgt, %add3A_784, %gt3A_785 : i32
      %convert_element_type3A_787 = arith.extui %gt3A_786 : i1 to i32
      %cond3A_788 = arith.constant 5 : i32
      %cond3A_789 = arith.constant 0 : i32
      %cond3A_790 = arith.cmpi ne, %convert_element_type3A_787, %cond3A_789 : i32
      scf.if %cond3A_790 {
        %dma_wait3A_864 = arith.constant 0 : i32
        %dma_wait3A_865 = tpu.memref_slice %arg17[%cond3A_788, %dma_wait3A_864] : memref<8x64xi32, #tpu.memory_space<vmem>> -> memref<1x64xi32, #tpu.memory_space<vmem>>
        %dma_wait3A_866 = tpu.memref_squeeze %dma_wait3A_865 : memref<1x64xi32, #tpu.memory_space<vmem>> -> memref<64xi32, #tpu.memory_space<vmem>>
        %dma_wait3A_867 = arith.constant 0 : i32
        %dma_wait3A_868 = arith.constant 0 : i32
        %dma_wait3A_869 = tpu.memref_slice %arg8[%dma_wait3A_867, %dma_wait3A_868] : memref<10240x128xf32, #tpu.memory_space<vmem_shared>> -> memref<10240x128xf32, #tpu.memory_space<vmem_shared>>
        tpu.wait_indirect_dma semaphore(%arg26 : memref<!tpu.dma_semaphore, #tpu.memory_space<semaphore_mem>>) src(%arg19 : memref<64x128xf32, #tpu.memory_space<vmem>>) dst(%dma_wait3A_869 : memref<10240x128xf32, #tpu.memory_space<vmem_shared>>)
      } else {
      }
      %add3A_791 = arith.constant 1 : i32
      %add3A_792 = arith.addi %add3A_784, %add3A_791 : i32
      %lt3A_793 = arith.cmpi slt, %add3A_792, %select_n3A : i32
      %convert_element_type3A_794 = arith.extui %lt3A_793 : i1 to i32
      %cond3A_795 = arith.constant 7 : i32
      %cond3A_796 = arith.constant 0 : i32
      %cond3A_797 = arith.cmpi ne, %convert_element_type3A_794, %cond3A_796 : i32
      scf.if %cond3A_797 {
        %dma_start3A_864 = arith.constant 0 : i32
        %dma_start3A_865 = tpu.memref_slice %arg15[%cond3A_795, %dma_start3A_864] : memref<8x64xi32, #tpu.memory_space<vmem>> -> memref<1x64xi32, #tpu.memory_space<vmem>>
        %dma_start3A_866 = tpu.memref_squeeze %dma_start3A_865 : memref<1x64xi32, #tpu.memory_space<vmem>> -> memref<64xi32, #tpu.memory_space<vmem>>
        %dma_start3A_867 = arith.constant 0 : i32
        %dma_start3A_868 = arith.constant 0 : i32
        %dma_start3A_869 = tpu.memref_slice %arg2[%dma_start3A_867, %dma_start3A_868] : memref<10240x128xf32, #tpu.memory_space<hbm>> -> memref<10240x128xf32, #tpu.memory_space<hbm>>
        tpu.enqueue_indirect_dma source(%dma_start3A_869 : memref<10240x128xf32, #tpu.memory_space<hbm>>) target(%arg19 : memref<64x128xf32, #tpu.memory_space<vmem>>) offsets(%dma_start3A_866 : memref<64xi32, #tpu.memory_space<vmem>>) semaphore(%arg24 : memref<!tpu.dma_semaphore, #tpu.memory_space<semaphore_mem>>)
      } else {
      }
      %dma_wait3A_798 = arith.constant 6 : i32
      %dma_wait3A_799 = arith.constant 0 : i32
      %dma_wait3A_800 = tpu.memref_slice %arg15[%dma_wait3A_798, %dma_wait3A_799] : memref<8x64xi32, #tpu.memory_space<vmem>> -> memref<1x64xi32, #tpu.memory_space<vmem>>
      %dma_wait3A_801 = tpu.memref_squeeze %dma_wait3A_800 : memref<1x64xi32, #tpu.memory_space<vmem>> -> memref<64xi32, #tpu.memory_space<vmem>>
      %dma_wait3A_802 = arith.constant 0 : i32
      %dma_wait3A_803 = arith.constant 0 : i32
      %dma_wait3A_804 = tpu.memref_slice %arg2[%dma_wait3A_802, %dma_wait3A_803] : memref<10240x128xf32, #tpu.memory_space<hbm>> -> memref<10240x128xf32, #tpu.memory_space<hbm>>
      tpu.wait_indirect_dma semaphore(%arg23 : memref<!tpu.dma_semaphore, #tpu.memory_space<semaphore_mem>>) src(%dma_wait3A_804 : memref<10240x128xf32, #tpu.memory_space<hbm>>) dst(%arg18 : memref<64x128xf32, #tpu.memory_space<vmem>>)
      %dma_start3A_805 = arith.constant 6 : i32
      %dma_start3A_806 = arith.constant 0 : i32
      %dma_start3A_807 = tpu.memref_slice %arg17[%dma_start3A_805, %dma_start3A_806] : memref<8x64xi32, #tpu.memory_space<vmem>> -> memref<1x64xi32, #tpu.memory_space<vmem>>
      %dma_start3A_808 = tpu.memref_squeeze %dma_start3A_807 : memref<1x64xi32, #tpu.memory_space<vmem>> -> memref<64xi32, #tpu.memory_space<vmem>>
      %dma_start3A_809 = arith.constant 0 : i32
      %dma_start3A_810 = arith.constant 0 : i32
      %dma_start3A_811 = tpu.memref_slice %arg8[%dma_start3A_809, %dma_start3A_810] : memref<10240x128xf32, #tpu.memory_space<vmem_shared>> -> memref<10240x128xf32, #tpu.memory_space<vmem_shared>>
      tpu.enqueue_indirect_dma source(%arg18 : memref<64x128xf32, #tpu.memory_space<vmem>>) target(%dma_start3A_811 : memref<10240x128xf32, #tpu.memory_space<vmem_shared>>) offsets(%dma_start3A_808 : memref<64xi32, #tpu.memory_space<vmem>>) semaphore(%arg25 : memref<!tpu.dma_semaphore, #tpu.memory_space<semaphore_mem>>) {add = true}
      %scan3A_812 = arith.constant 0 : i32
      %scan3A_813 = arith.constant 0 : i32
      %scan3A_814 = arith.constant 4 : i32
      %scan3A_815 = arith.addi %scan3A_813, %scan3A_814 : i32
      %scan3A_816 = arith.constant 1 : i32
      %scan3A_817 = scf.for %scan3A_864 = %scan3A_813 to %scan3A_815 step %scan3A_816 iter_args(%scan3A_865 = %scan3A_812) -> (i32)  : i32 {
        %mul3A_866 = arith.constant 16 : i32
        %mul3A_867 = arith.muli %scan3A_864, %mul3A_866 : i32
        %get3A = arith.constant 6 : i32
        %get3A_868 = arith.index_cast %get3A : i32 to index
        %get3A_869 = arith.index_cast %mul3A_867 : i32 to index
        %get3A_870 = tpu.vector_load %arg17[%get3A_868, %get3A_869] {strides = array<i32>} : memref<8x64xi32, #tpu.memory_space<vmem>>, vector<16xi32>,
        %gather3A = tpu.vector_load_idx %arg11[%get3A_870] : memref<10240xf32, #tpu.memory_space<vmem>>[vector<16xi32>], vector<16xf32>,
        %mul3A_871 = arith.constant 16 : i32
        %mul3A_872 = arith.muli %scan3A_864, %mul3A_871 : i32
        %get3A_873 = arith.constant 6 : i32
        %get3A_874 = arith.index_cast %get3A_873 : i32 to index
        %get3A_875 = arith.index_cast %mul3A_872 : i32 to index
        %get3A_876 = tpu.vector_load %arg15[%get3A_874, %get3A_875] {strides = array<i32>} : memref<8x64xi32, #tpu.memory_space<vmem>>, vector<16xi32>,
        %shift_right_logical3A = arith.shrui %get3A_876, %broadcast_in_dim3A_7 : vector<16xi32>
        %and3A_877 = arith.andi %get3A_876, %broadcast_in_dim3A_5 : vector<16xi32>
        tpu.vector_store_idx %arg10[%shift_right_logical3A, %and3A_877], %gather3A {add = true} : memref<80x128xf32, #tpu.memory_space<vmem>>[vector<16xi32>, vector<16xi32>], vector<16xf32>,
        %scan3A_878 = arith.constant 0 : i32
        scf.yield %scan3A_878 : i32
      }
      %scan3A_818 = arith.constant 4 : i32
      %mul3A_819 = arith.constant 8 : i32
      %mul3A_820 = arith.muli %add3A_546, %mul3A_819 : i32
      %add3A_821 = arith.constant 7 : i32
      %add3A_822 = arith.addi %mul3A_820, %add3A_821 : i32
      %gt3A_823 = arith.constant 0 : i32
      %gt3A_824 = arith.cmpi sgt, %add3A_822, %gt3A_823 : i32
      %convert_element_type3A_825 = arith.extui %gt3A_824 : i1 to i32
      %cond3A_826 = arith.constant 6 : i32
      %cond3A_827 = arith.constant 0 : i32
      %cond3A_828 = arith.cmpi ne, %convert_element_type3A_825, %cond3A_827 : i32
      scf.if %cond3A_828 {
        %dma_wait3A_864 = arith.constant 0 : i32
        %dma_wait3A_865 = tpu.memref_slice %arg17[%cond3A_826, %dma_wait3A_864] : memref<8x64xi32, #tpu.memory_space<vmem>> -> memref<1x64xi32, #tpu.memory_space<vmem>>
        %dma_wait3A_866 = tpu.memref_squeeze %dma_wait3A_865 : memref<1x64xi32, #tpu.memory_space<vmem>> -> memref<64xi32, #tpu.memory_space<vmem>>
        %dma_wait3A_867 = arith.constant 0 : i32
        %dma_wait3A_868 = arith.constant 0 : i32
        %dma_wait3A_869 = tpu.memref_slice %arg8[%dma_wait3A_867, %dma_wait3A_868] : memref<10240x128xf32, #tpu.memory_space<vmem_shared>> -> memref<10240x128xf32, #tpu.memory_space<vmem_shared>>
        tpu.wait_indirect_dma semaphore(%arg25 : memref<!tpu.dma_semaphore, #tpu.memory_space<semaphore_mem>>) src(%arg18 : memref<64x128xf32, #tpu.memory_space<vmem>>) dst(%dma_wait3A_869 : memref<10240x128xf32, #tpu.memory_space<vmem_shared>>)
      } else {
      }
      %add3A_829 = arith.constant 1 : i32
      %add3A_830 = arith.addi %add3A_546, %add3A_829 : i32
      %lt3A_831 = arith.cmpi slt, %add3A_830, %select_n3A_125 : i32
      %convert_element_type3A_832 = arith.extui %lt3A_831 : i1 to i32
      %cond3A_833 = arith.constant 0 : i32
      %cond3A_834 = arith.cmpi ne, %convert_element_type3A_832, %cond3A_833 : i32
      scf.if %cond3A_834 {
        %add3A_864 = arith.constant 1 : i32
        %add3A_865 = arith.addi %add3A_546, %add3A_864 : i32
        %mul3A_866 = arith.constant 8 : i32
        %mul3A_867 = arith.muli %add3A_865, %mul3A_866 : i32
        %add3A_868 = arith.addi %select_n3A_134, %mul3A_867 : i32
        %dma_wait3A_869 = arith.constant 0 : i32
        %dma_wait3A_870 = tpu.memref_slice %arg3[%add3A_868, %dma_wait3A_869] : memref<5120x64xi32, #tpu.memory_space<hbm>> -> memref<8x64xi32, #tpu.memory_space<hbm>>
        %dma_wait3A_871 = arith.constant 0 : i32
        %dma_wait3A_872 = tpu.memref_slice %arg3[%add3A_868, %dma_wait3A_871] : memref<5120x64xi32, #tpu.memory_space<hbm>> -> memref<8x64xi32, #tpu.memory_space<hbm>>
        tpu.wait_dma2 semaphore(%arg21 : memref<!tpu.dma_semaphore, #tpu.memory_space<semaphore_mem>>) src(%dma_wait3A_872 : memref<8x64xi32, #tpu.memory_space<hbm>>) dst(%arg14 : memref<8x64xi32, #tpu.memory_space<vmem>>)
        %mul3A_873 = arith.constant 8 : i32
        %mul3A_874 = arith.muli %add3A_865, %mul3A_873 : i32
        %add3A_875 = arith.addi %select_n3A_134, %mul3A_874 : i32
        %dma_wait3A_876 = arith.constant 0 : i32
        %dma_wait3A_877 = tpu.memref_slice %arg4[%add3A_875, %dma_wait3A_876] : memref<5120x64xi32, #tpu.memory_space<hbm>> -> memref<8x64xi32, #tpu.memory_space<hbm>>
        %dma_wait3A_878 = arith.constant 0 : i32
        %dma_wait3A_879 = tpu.memref_slice %arg4[%add3A_875, %dma_wait3A_878] : memref<5120x64xi32, #tpu.memory_space<hbm>> -> memref<8x64xi32, #tpu.memory_space<hbm>>
        tpu.wait_dma2 semaphore(%arg21 : memref<!tpu.dma_semaphore, #tpu.memory_space<semaphore_mem>>) src(%dma_wait3A_879 : memref<8x64xi32, #tpu.memory_space<hbm>>) dst(%arg16 : memref<8x64xi32, #tpu.memory_space<vmem>>)
      } else {
      }
      %add3A_835 = arith.constant 1 : i32
      %add3A_836 = arith.addi %add3A_822, %add3A_835 : i32
      %lt3A_837 = arith.cmpi slt, %add3A_836, %select_n3A : i32
      %convert_element_type3A_838 = arith.extui %lt3A_837 : i1 to i32
      %cond3A_839 = arith.constant 0 : i32
      %cond3A_840 = arith.constant 0 : i32
      %cond3A_841 = arith.cmpi ne, %convert_element_type3A_838, %cond3A_840 : i32
      scf.if %cond3A_841 {
        %dma_start3A_864 = arith.constant 0 : i32
        %dma_start3A_865 = tpu.memref_slice %arg14[%cond3A_839, %dma_start3A_864] : memref<8x64xi32, #tpu.memory_space<vmem>> -> memref<1x64xi32, #tpu.memory_space<vmem>>
        %dma_start3A_866 = tpu.memref_squeeze %dma_start3A_865 : memref<1x64xi32, #tpu.memory_space<vmem>> -> memref<64xi32, #tpu.memory_space<vmem>>
        %dma_start3A_867 = arith.constant 0 : i32
        %dma_start3A_868 = arith.constant 0 : i32
        %dma_start3A_869 = tpu.memref_slice %arg2[%dma_start3A_867, %dma_start3A_868] : memref<10240x128xf32, #tpu.memory_space<hbm>> -> memref<10240x128xf32, #tpu.memory_space<hbm>>
        tpu.enqueue_indirect_dma source(%dma_start3A_869 : memref<10240x128xf32, #tpu.memory_space<hbm>>) target(%arg18 : memref<64x128xf32, #tpu.memory_space<vmem>>) offsets(%dma_start3A_866 : memref<64xi32, #tpu.memory_space<vmem>>) semaphore(%arg23 : memref<!tpu.dma_semaphore, #tpu.memory_space<semaphore_mem>>)
      } else {
      }
      %dma_wait3A_842 = arith.constant 7 : i32
      %dma_wait3A_843 = arith.constant 0 : i32
      %dma_wait3A_844 = tpu.memref_slice %arg15[%dma_wait3A_842, %dma_wait3A_843] : memref<8x64xi32, #tpu.memory_space<vmem>> -> memref<1x64xi32, #tpu.memory_space<vmem>>
      %dma_wait3A_845 = tpu.memref_squeeze %dma_wait3A_844 : memref<1x64xi32, #tpu.memory_space<vmem>> -> memref<64xi32, #tpu.memory_space<vmem>>
      %dma_wait3A_846 = arith.constant 0 : i32
      %dma_wait3A_847 = arith.constant 0 : i32
      %dma_wait3A_848 = tpu.memref_slice %arg2[%dma_wait3A_846, %dma_wait3A_847] : memref<10240x128xf32, #tpu.memory_space<hbm>> -> memref<10240x128xf32, #tpu.memory_space<hbm>>
      tpu.wait_indirect_dma semaphore(%arg24 : memref<!tpu.dma_semaphore, #tpu.memory_space<semaphore_mem>>) src(%dma_wait3A_848 : memref<10240x128xf32, #tpu.memory_space<hbm>>) dst(%arg19 : memref<64x128xf32, #tpu.memory_space<vmem>>)
      %dma_start3A_849 = arith.constant 7 : i32
      %dma_start3A_850 = arith.constant 0 : i32
      %dma_start3A_851 = tpu.memref_slice %arg17[%dma_start3A_849, %dma_start3A_850] : memref<8x64xi32, #tpu.memory_space<vmem>> -> memref<1x64xi32, #tpu.memory_space<vmem>>
      %dma_start3A_852 = tpu.memref_squeeze %dma_start3A_851 : memref<1x64xi32, #tpu.memory_space<vmem>> -> memref<64xi32, #tpu.memory_space<vmem>>
      %dma_start3A_853 = arith.constant 0 : i32
      %dma_start3A_854 = arith.constant 0 : i32
      %dma_start3A_855 = tpu.memref_slice %arg8[%dma_start3A_853, %dma_start3A_854] : memref<10240x128xf32, #tpu.memory_space<vmem_shared>> -> memref<10240x128xf32, #tpu.memory_space<vmem_shared>>
      tpu.enqueue_indirect_dma source(%arg19 : memref<64x128xf32, #tpu.memory_space<vmem>>) target(%dma_start3A_855 : memref<10240x128xf32, #tpu.memory_space<vmem_shared>>) offsets(%dma_start3A_852 : memref<64xi32, #tpu.memory_space<vmem>>) semaphore(%arg26 : memref<!tpu.dma_semaphore, #tpu.memory_space<semaphore_mem>>) {add = true}
      %scan3A_856 = arith.constant 0 : i32
      %scan3A_857 = arith.constant 0 : i32
      %scan3A_858 = arith.constant 4 : i32
      %scan3A_859 = arith.addi %scan3A_857, %scan3A_858 : i32
      %scan3A_860 = arith.constant 1 : i32
      %scan3A_861 = scf.for %scan3A_864 = %scan3A_857 to %scan3A_859 step %scan3A_860 iter_args(%scan3A_865 = %scan3A_856) -> (i32)  : i32 {
        %mul3A_866 = arith.constant 16 : i32
        %mul3A_867 = arith.muli %scan3A_864, %mul3A_866 : i32
        %get3A = arith.constant 7 : i32
        %get3A_868 = arith.index_cast %get3A : i32 to index
        %get3A_869 = arith.index_cast %mul3A_867 : i32 to index
        %get3A_870 = tpu.vector_load %arg17[%get3A_868, %get3A_869] {strides = array<i32>} : memref<8x64xi32, #tpu.memory_space<vmem>>, vector<16xi32>,
        %gather3A = tpu.vector_load_idx %arg11[%get3A_870] : memref<10240xf32, #tpu.memory_space<vmem>>[vector<16xi32>], vector<16xf32>,
        %mul3A_871 = arith.constant 16 : i32
        %mul3A_872 = arith.muli %scan3A_864, %mul3A_871 : i32
        %get3A_873 = arith.constant 7 : i32
        %get3A_874 = arith.index_cast %get3A_873 : i32 to index
        %get3A_875 = arith.index_cast %mul3A_872 : i32 to index
        %get3A_876 = tpu.vector_load %arg15[%get3A_874, %get3A_875] {strides = array<i32>} : memref<8x64xi32, #tpu.memory_space<vmem>>, vector<16xi32>,
        %shift_right_logical3A = arith.shrui %get3A_876, %broadcast_in_dim3A_7 : vector<16xi32>
        %and3A_877 = arith.andi %get3A_876, %broadcast_in_dim3A_5 : vector<16xi32>
        tpu.vector_store_idx %arg10[%shift_right_logical3A, %and3A_877], %gather3A {add = true} : memref<80x128xf32, #tpu.memory_space<vmem>>[vector<16xi32>, vector<16xi32>], vector<16xf32>,
        %scan3A_878 = arith.constant 0 : i32
        scf.yield %scan3A_878 : i32
      }
      %scan3A_862 = arith.constant 4 : i32
      %while3A_863 = arith.constant 0 : i32
      scf.yield %while3A_863 : i32
    }
    %while3A_198 = arith.constant 1 : i32
    %while3A_199 = scf.for %while3A_222 = %while3A_195 to %while3A_191 step %while3A_198 iter_args(%while3A_223 = %while3A_197) -> (i32)  : i32 {
      %mul3A_224 = arith.constant 2 : i32
      %mul3A_225 = arith.muli %while3A_222, %mul3A_224 : i32
      %add3A_226 = arith.constant 0 : i32
      %add3A_227 = arith.addi %mul3A_225, %add3A_226 : i32
      %mul3A_228 = arith.constant 8 : i32
      %mul3A_229 = arith.muli %add3A_227, %mul3A_228 : i32
      %add3A_230 = arith.constant 0 : i32
      %add3A_231 = arith.addi %mul3A_229, %add3A_230 : i32
      %gt3A = arith.constant 0 : i32
      %gt3A_232 = arith.cmpi sgt, %add3A_231, %gt3A : i32
      %convert_element_type3A_233 = arith.extui %gt3A_232 : i1 to i32
      %cond3A_234 = arith.constant 7 : i32
      %cond3A_235 = arith.constant 0 : i32
      %cond3A_236 = arith.cmpi ne, %convert_element_type3A_233, %cond3A_235 : i32
      scf.if %cond3A_236 {
        %dma_wait3A_864 = arith.constant 0 : i32
        %dma_wait3A_865 = tpu.memref_slice %arg17[%cond3A_234, %dma_wait3A_864] : memref<8x64xi32, #tpu.memory_space<vmem>> -> memref<1x64xi32, #tpu.memory_space<vmem>>
        %dma_wait3A_866 = tpu.memref_squeeze %dma_wait3A_865 : memref<1x64xi32, #tpu.memory_space<vmem>> -> memref<64xi32, #tpu.memory_space<vmem>>
        %dma_wait3A_867 = arith.constant 0 : i32
        %dma_wait3A_868 = arith.constant 0 : i32
        %dma_wait3A_869 = tpu.memref_slice %arg8[%dma_wait3A_867, %dma_wait3A_868] : memref<10240x128xf32, #tpu.memory_space<vmem_shared>> -> memref<10240x128xf32, #tpu.memory_space<vmem_shared>>
        tpu.wait_indirect_dma semaphore(%arg26 : memref<!tpu.dma_semaphore, #tpu.memory_space<semaphore_mem>>) src(%arg19 : memref<64x128xf32, #tpu.memory_space<vmem>>) dst(%dma_wait3A_869 : memref<10240x128xf32, #tpu.memory_space<vmem_shared>>)
      } else {
      }
      %add3A_237 = arith.constant 1 : i32
      %add3A_238 = arith.addi %add3A_227, %add3A_237 : i32
      %lt3A_239 = arith.cmpi slt, %add3A_238, %select_n3A_125 : i32
      %convert_element_type3A_240 = arith.extui %lt3A_239 : i1 to i32
      %cond3A_241 = arith.constant 0 : i32
      %cond3A_242 = arith.cmpi ne, %convert_element_type3A_240, %cond3A_241 : i32
      scf.if %cond3A_242 {
        %add3A_864 = arith.constant 1 : i32
        %add3A_865 = arith.addi %add3A_227, %add3A_864 : i32
        %mul3A_866 = arith.constant 8 : i32
        %mul3A_867 = arith.muli %add3A_865, %mul3A_866 : i32
        %add3A_868 = arith.addi %select_n3A_134, %mul3A_867 : i32
        %dma_start3A_869 = arith.constant 0 : i32
        %dma_start3A_870 = tpu.memref_slice %arg3[%add3A_868, %dma_start3A_869] : memref<5120x64xi32, #tpu.memory_space<hbm>> -> memref<8x64xi32, #tpu.memory_space<hbm>>
        %dma_start3A_871 = arith.constant 0 : i32
        %dma_start3A_872 = tpu.memref_slice %arg3[%add3A_868, %dma_start3A_871] : memref<5120x64xi32, #tpu.memory_space<hbm>> -> memref<8x64xi32, #tpu.memory_space<hbm>>
        tpu.enqueue_dma source(%dma_start3A_872 : memref<8x64xi32, #tpu.memory_space<hbm>>) target(%arg15 : memref<8x64xi32, #tpu.memory_space<vmem>>) target_semaphore(%arg22 : memref<!tpu.dma_semaphore, #tpu.memory_space<semaphore_mem>>)
        %mul3A_873 = arith.constant 8 : i32
        %mul3A_874 = arith.muli %add3A_865, %mul3A_873 : i32
        %add3A_875 = arith.addi %select_n3A_134, %mul3A_874 : i32
        %dma_start3A_876 = arith.constant 0 : i32
        %dma_start3A_877 = tpu.memref_slice %arg4[%add3A_875, %dma_start3A_876] : memref<5120x64xi32, #tpu.memory_space<hbm>> -> memref<8x64xi32, #tpu.memory_space<hbm>>
        %dma_start3A_878 = arith.constant 0 : i32
        %dma_start3A_879 = tpu.memref_slice %arg4[%add3A_875, %dma_start3A_878] : memref<5120x64xi32, #tpu.memory_space<hbm>> -> memref<8x64xi32, #tpu.memory_space<hbm>>
        tpu.enqueue_dma source(%dma_start3A_879 : memref<8x64xi32, #tpu.memory_space<hbm>>) target(%arg17 : memref<8x64xi32, #tpu.memory_space<vmem>>) target_semaphore(%arg22 : memref<!tpu.dma_semaphore, #tpu.memory_space<semaphore_mem>>)
      } else {
      }
      %add3A_243 = arith.constant 1 : i32
      %add3A_244 = arith.addi %add3A_231, %add3A_243 : i32
      %lt3A_245 = arith.cmpi slt, %add3A_244, %select_n3A : i32
      %convert_element_type3A_246 = arith.extui %lt3A_245 : i1 to i32
      %cond3A_247 = arith.constant 1 : i32
      %cond3A_248 = arith.constant 0 : i32
      %cond3A_249 = arith.cmpi ne, %convert_element_type3A_246, %cond3A_248 : i32
      scf.if %cond3A_249 {
        %dma_start3A_864 = arith.constant 0 : i32
        %dma_start3A_865 = tpu.memref_slice %arg14[%cond3A_247, %dma_start3A_864] : memref<8x64xi32, #tpu.memory_space<vmem>> -> memref<1x64xi32, #tpu.memory_space<vmem>>
        %dma_start3A_866 = tpu.memref_squeeze %dma_start3A_865 : memref<1x64xi32, #tpu.memory_space<vmem>> -> memref<64xi32, #tpu.memory_space<vmem>>
        %dma_start3A_867 = arith.constant 0 : i32
        %dma_start3A_868 = arith.constant 0 : i32
        %dma_start3A_869 = tpu.memref_slice %arg2[%dma_start3A_867, %dma_start3A_868] : memref<10240x128xf32, #tpu.memory_space<hbm>> -> memref<10240x128xf32, #tpu.memory_space<hbm>>
        tpu.enqueue_indirect_dma source(%dma_start3A_869 : memref<10240x128xf32, #tpu.memory_space<hbm>>) target(%arg19 : memref<64x128xf32, #tpu.memory_space<vmem>>) offsets(%dma_start3A_866 : memref<64xi32, #tpu.memory_space<vmem>>) semaphore(%arg24 : memref<!tpu.dma_semaphore, #tpu.memory_space<semaphore_mem>>)
      } else {
      }
      %dma_wait3A_250 = arith.constant 0 : i32
      %dma_wait3A_251 = arith.constant 0 : i32
      %dma_wait3A_252 = tpu.memref_slice %arg14[%dma_wait3A_250, %dma_wait3A_251] : memref<8x64xi32, #tpu.memory_space<vmem>> -> memref<1x64xi32, #tpu.memory_space<vmem>>
      %dma_wait3A_253 = tpu.memref_squeeze %dma_wait3A_252 : memref<1x64xi32, #tpu.memory_space<vmem>> -> memref<64xi32, #tpu.memory_space<vmem>>
      %dma_wait3A_254 = arith.constant 0 : i32
      %dma_wait3A_255 = arith.constant 0 : i32
      %dma_wait3A_256 = tpu.memref_slice %arg2[%dma_wait3A_254, %dma_wait3A_255] : memref<10240x128xf32, #tpu.memory_space<hbm>> -> memref<10240x128xf32, #tpu.memory_space<hbm>>
      tpu.wait_indirect_dma semaphore(%arg23 : memref<!tpu.dma_semaphore, #tpu.memory_space<semaphore_mem>>) src(%dma_wait3A_256 : memref<10240x128xf32, #tpu.memory_space<hbm>>) dst(%arg18 : memref<64x128xf32, #tpu.memory_space<vmem>>)
      %dma_start3A_257 = arith.constant 0 : i32
      %dma_start3A_258 = arith.constant 0 : i32
      %dma_start3A_259 = tpu.memref_slice %arg16[%dma_start3A_257, %dma_start3A_258] : memref<8x64xi32, #tpu.memory_space<vmem>> -> memref<1x64xi32, #tpu.memory_space<vmem>>
      %dma_start3A_260 = tpu.memref_squeeze %dma_start3A_259 : memref<1x64xi32, #tpu.memory_space<vmem>> -> memref<64xi32, #tpu.memory_space<vmem>>
      %dma_start3A_261 = arith.constant 0 : i32
      %dma_start3A_262 = arith.constant 0 : i32
      %dma_start3A_263 = tpu.memref_slice %arg8[%dma_start3A_261, %dma_start3A_262] : memref<10240x128xf32, #tpu.memory_space<vmem_shared>> -> memref<10240x128xf32, #tpu.memory_space<vmem_shared>>
      tpu.enqueue_indirect_dma source(%arg18 : memref<64x128xf32, #tpu.memory_space<vmem>>) target(%dma_start3A_263 : memref<10240x128xf32, #tpu.memory_space<vmem_shared>>) offsets(%dma_start3A_260 : memref<64xi32, #tpu.memory_space<vmem>>) semaphore(%arg25 : memref<!tpu.dma_semaphore, #tpu.memory_space<semaphore_mem>>) {add = true}
      %scan3A_264 = arith.constant 0 : i32
      %scan3A_265 = arith.constant 0 : i32
      %scan3A_266 = arith.constant 4 : i32
      %scan3A_267 = arith.addi %scan3A_265, %scan3A_266 : i32
      %scan3A_268 = arith.constant 1 : i32
      %scan3A_269 = scf.for %scan3A_864 = %scan3A_265 to %scan3A_267 step %scan3A_268 iter_args(%scan3A_865 = %scan3A_264) -> (i32)  : i32 {
        %mul3A_866 = arith.constant 16 : i32
        %mul3A_867 = arith.muli %scan3A_864, %mul3A_866 : i32
        %get3A = arith.constant 0 : i32
        %get3A_868 = arith.index_cast %get3A : i32 to index
        %get3A_869 = arith.index_cast %mul3A_867 : i32 to index
        %get3A_870 = tpu.vector_load %arg16[%get3A_868, %get3A_869] {strides = array<i32>} : memref<8x64xi32, #tpu.memory_space<vmem>>, vector<16xi32>,
        %gather3A = tpu.vector_load_idx %arg11[%get3A_870] : memref<10240xf32, #tpu.memory_space<vmem>>[vector<16xi32>], vector<16xf32>,
        %mul3A_871 = arith.constant 16 : i32
        %mul3A_872 = arith.muli %scan3A_864, %mul3A_871 : i32
        %get3A_873 = arith.constant 0 : i32
        %get3A_874 = arith.index_cast %get3A_873 : i32 to index
        %get3A_875 = arith.index_cast %mul3A_872 : i32 to index
        %get3A_876 = tpu.vector_load %arg14[%get3A_874, %get3A_875] {strides = array<i32>} : memref<8x64xi32, #tpu.memory_space<vmem>>, vector<16xi32>,
        %shift_right_logical3A = arith.shrui %get3A_876, %broadcast_in_dim3A_7 : vector<16xi32>
        %and3A_877 = arith.andi %get3A_876, %broadcast_in_dim3A_5 : vector<16xi32>
        tpu.vector_store_idx %arg10[%shift_right_logical3A, %and3A_877], %gather3A {add = true} : memref<80x128xf32, #tpu.memory_space<vmem>>[vector<16xi32>, vector<16xi32>], vector<16xf32>,
        %scan3A_878 = arith.constant 0 : i32
        scf.yield %scan3A_878 : i32
      }
      %scan3A_270 = arith.constant 4 : i32
      %mul3A_271 = arith.constant 8 : i32
      %mul3A_272 = arith.muli %add3A_227, %mul3A_271 : i32
      %add3A_273 = arith.constant 1 : i32
      %add3A_274 = arith.addi %mul3A_272, %add3A_273 : i32
      %gt3A_275 = arith.constant 0 : i32
      %gt3A_276 = arith.cmpi sgt, %add3A_274, %gt3A_275 : i32
      %convert_element_type3A_277 = arith.extui %gt3A_276 : i1 to i32
      %cond3A_278 = arith.constant 0 : i32
      %cond3A_279 = arith.constant 0 : i32
      %cond3A_280 = arith.cmpi ne, %convert_element_type3A_277, %cond3A_279 : i32
      scf.if %cond3A_280 {
        %dma_wait3A_864 = arith.constant 0 : i32
        %dma_wait3A_865 = tpu.memref_slice %arg16[%cond3A_278, %dma_wait3A_864] : memref<8x64xi32, #tpu.memory_space<vmem>> -> memref<1x64xi32, #tpu.memory_space<vmem>>
        %dma_wait3A_866 = tpu.memref_squeeze %dma_wait3A_865 : memref<1x64xi32, #tpu.memory_space<vmem>> -> memref<64xi32, #tpu.memory_space<vmem>>
        %dma_wait3A_867 = arith.constant 0 : i32
        %dma_wait3A_868 = arith.constant 0 : i32
        %dma_wait3A_869 = tpu.memref_slice %arg8[%dma_wait3A_867, %dma_wait3A_868] : memref<10240x128xf32, #tpu.memory_space<vmem_shared>> -> memref<10240x128xf32, #tpu.memory_space<vmem_shared>>
        tpu.wait_indirect_dma semaphore(%arg25 : memref<!tpu.dma_semaphore, #tpu.memory_space<semaphore_mem>>) src(%arg18 : memref<64x128xf32, #tpu.memory_space<vmem>>) dst(%dma_wait3A_869 : memref<10240x128xf32, #tpu.memory_space<vmem_shared>>)
      } else {
      }
      %add3A_281 = arith.constant 1 : i32
      %add3A_282 = arith.addi %add3A_274, %add3A_281 : i32
      %lt3A_283 = arith.cmpi slt, %add3A_282, %select_n3A : i32
      %convert_element_type3A_284 = arith.extui %lt3A_283 : i1 to i32
      %cond3A_285 = arith.constant 2 : i32
      %cond3A_286 = arith.constant 0 : i32
      %cond3A_287 = arith.cmpi ne, %convert_element_type3A_284, %cond3A_286 : i32
      scf.if %cond3A_287 {
        %dma_start3A_864 = arith.constant 0 : i32
        %dma_start3A_865 = tpu.memref_slice %arg14[%cond3A_285, %dma_start3A_864] : memref<8x64xi32, #tpu.memory_space<vmem>> -> memref<1x64xi32, #tpu.memory_space<vmem>>
        %dma_start3A_866 = tpu.memref_squeeze %dma_start3A_865 : memref<1x64xi32, #tpu.memory_space<vmem>> -> memref<64xi32, #tpu.memory_space<vmem>>
        %dma_start3A_867 = arith.constant 0 : i32
        %dma_start3A_868 = arith.constant 0 : i32
        %dma_start3A_869 = tpu.memref_slice %arg2[%dma_start3A_867, %dma_start3A_868] : memref<10240x128xf32, #tpu.memory_space<hbm>> -> memref<10240x128xf32, #tpu.memory_space<hbm>>
        tpu.enqueue_indirect_dma source(%dma_start3A_869 : memref<10240x128xf32, #tpu.memory_space<hbm>>) target(%arg18 : memref<64x128xf32, #tpu.memory_space<vmem>>) offsets(%dma_start3A_866 : memref<64xi32, #tpu.memory_space<vmem>>) semaphore(%arg23 : memref<!tpu.dma_semaphore, #tpu.memory_space<semaphore_mem>>)
      } else {
      }
      %dma_wait3A_288 = arith.constant 1 : i32
      %dma_wait3A_289 = arith.constant 0 : i32
      %dma_wait3A_290 = tpu.memref_slice %arg14[%dma_wait3A_288, %dma_wait3A_289] : memref<8x64xi32, #tpu.memory_space<vmem>> -> memref<1x64xi32, #tpu.memory_space<vmem>>
      %dma_wait3A_291 = tpu.memref_squeeze %dma_wait3A_290 : memref<1x64xi32, #tpu.memory_space<vmem>> -> memref<64xi32, #tpu.memory_space<vmem>>
      %dma_wait3A_292 = arith.constant 0 : i32
      %dma_wait3A_293 = arith.constant 0 : i32
      %dma_wait3A_294 = tpu.memref_slice %arg2[%dma_wait3A_292, %dma_wait3A_293] : memref<10240x128xf32, #tpu.memory_space<hbm>> -> memref<10240x128xf32, #tpu.memory_space<hbm>>
      tpu.wait_indirect_dma semaphore(%arg24 : memref<!tpu.dma_semaphore, #tpu.memory_space<semaphore_mem>>) src(%dma_wait3A_294 : memref<10240x128xf32, #tpu.memory_space<hbm>>) dst(%arg19 : memref<64x128xf32, #tpu.memory_space<vmem>>)
      %dma_start3A_295 = arith.constant 1 : i32
      %dma_start3A_296 = arith.constant 0 : i32
      %dma_start3A_297 = tpu.memref_slice %arg16[%dma_start3A_295, %dma_start3A_296] : memref<8x64xi32, #tpu.memory_space<vmem>> -> memref<1x64xi32, #tpu.memory_space<vmem>>
      %dma_start3A_298 = tpu.memref_squeeze %dma_start3A_297 : memref<1x64xi32, #tpu.memory_space<vmem>> -> memref<64xi32, #tpu.memory_space<vmem>>
      %dma_start3A_299 = arith.constant 0 : i32
      %dma_start3A_300 = arith.constant 0 : i32
      %dma_start3A_301 = tpu.memref_slice %arg8[%dma_start3A_299, %dma_start3A_300] : memref<10240x128xf32, #tpu.memory_space<vmem_shared>> -> memref<10240x128xf32, #tpu.memory_space<vmem_shared>>
      tpu.enqueue_indirect_dma source(%arg19 : memref<64x128xf32, #tpu.memory_space<vmem>>) target(%dma_start3A_301 : memref<10240x128xf32, #tpu.memory_space<vmem_shared>>) offsets(%dma_start3A_298 : memref<64xi32, #tpu.memory_space<vmem>>) semaphore(%arg26 : memref<!tpu.dma_semaphore, #tpu.memory_space<semaphore_mem>>) {add = true}
      %scan3A_302 = arith.constant 0 : i32
      %scan3A_303 = arith.constant 0 : i32
      %scan3A_304 = arith.constant 4 : i32
      %scan3A_305 = arith.addi %scan3A_303, %scan3A_304 : i32
      %scan3A_306 = arith.constant 1 : i32
      %scan3A_307 = scf.for %scan3A_864 = %scan3A_303 to %scan3A_305 step %scan3A_306 iter_args(%scan3A_865 = %scan3A_302) -> (i32)  : i32 {
        %mul3A_866 = arith.constant 16 : i32
        %mul3A_867 = arith.muli %scan3A_864, %mul3A_866 : i32
        %get3A = arith.constant 1 : i32
        %get3A_868 = arith.index_cast %get3A : i32 to index
        %get3A_869 = arith.index_cast %mul3A_867 : i32 to index
        %get3A_870 = tpu.vector_load %arg16[%get3A_868, %get3A_869] {strides = array<i32>} : memref<8x64xi32, #tpu.memory_space<vmem>>, vector<16xi32>,
        %gather3A = tpu.vector_load_idx %arg11[%get3A_870] : memref<10240xf32, #tpu.memory_space<vmem>>[vector<16xi32>], vector<16xf32>,
        %mul3A_871 = arith.constant 16 : i32
        %mul3A_872 = arith.muli %scan3A_864, %mul3A_871 : i32
        %get3A_873 = arith.constant 1 : i32
        %get3A_874 = arith.index_cast %get3A_873 : i32 to index
        %get3A_875 = arith.index_cast %mul3A_872 : i32 to index
        %get3A_876 = tpu.vector_load %arg14[%get3A_874, %get3A_875] {strides = array<i32>} : memref<8x64xi32, #tpu.memory_space<vmem>>, vector<16xi32>,
        %shift_right_logical3A = arith.shrui %get3A_876, %broadcast_in_dim3A_7 : vector<16xi32>
        %and3A_877 = arith.andi %get3A_876, %broadcast_in_dim3A_5 : vector<16xi32>
        tpu.vector_store_idx %arg10[%shift_right_logical3A, %and3A_877], %gather3A {add = true} : memref<80x128xf32, #tpu.memory_space<vmem>>[vector<16xi32>, vector<16xi32>], vector<16xf32>,
        %scan3A_878 = arith.constant 0 : i32
        scf.yield %scan3A_878 : i32
      }
      %scan3A_308 = arith.constant 4 : i32
      %mul3A_309 = arith.constant 8 : i32
      %mul3A_310 = arith.muli %add3A_227, %mul3A_309 : i32
      %add3A_311 = arith.constant 2 : i32
      %add3A_312 = arith.addi %mul3A_310, %add3A_311 : i32
      %gt3A_313 = arith.constant 0 : i32
      %gt3A_314 = arith.cmpi sgt, %add3A_312, %gt3A_313 : i32
      %convert_element_type3A_315 = arith.extui %gt3A_314 : i1 to i32
      %cond3A_316 = arith.constant 1 : i32
      %cond3A_317 = arith.constant 0 : i32
      %cond3A_318 = arith.cmpi ne, %convert_element_type3A_315, %cond3A_317 : i32
      scf.if %cond3A_318 {
        %dma_wait3A_864 = arith.constant 0 : i32
        %dma_wait3A_865 = tpu.memref_slice %arg16[%cond3A_316, %dma_wait3A_864] : memref<8x64xi32, #tpu.memory_space<vmem>> -> memref<1x64xi32, #tpu.memory_space<vmem>>
        %dma_wait3A_866 = tpu.memref_squeeze %dma_wait3A_865 : memref<1x64xi32, #tpu.memory_space<vmem>> -> memref<64xi32, #tpu.memory_space<vmem>>
        %dma_wait3A_867 = arith.constant 0 : i32
        %dma_wait3A_868 = arith.constant 0 : i32
        %dma_wait3A_869 = tpu.memref_slice %arg8[%dma_wait3A_867, %dma_wait3A_868] : memref<10240x128xf32, #tpu.memory_space<vmem_shared>> -> memref<10240x128xf32, #tpu.memory_space<vmem_shared>>
        tpu.wait_indirect_dma semaphore(%arg26 : memref<!tpu.dma_semaphore, #tpu.memory_space<semaphore_mem>>) src(%arg19 : memref<64x128xf32, #tpu.memory_space<vmem>>) dst(%dma_wait3A_869 : memref<10240x128xf32, #tpu.memory_space<vmem_shared>>)
      } else {
      }
      %add3A_319 = arith.constant 1 : i32
      %add3A_320 = arith.addi %add3A_312, %add3A_319 : i32
      %lt3A_321 = arith.cmpi slt, %add3A_320, %select_n3A : i32
      %convert_element_type3A_322 = arith.extui %lt3A_321 : i1 to i32
      %cond3A_323 = arith.constant 3 : i32
      %cond3A_324 = arith.constant 0 : i32
      %cond3A_325 = arith.cmpi ne, %convert_element_type3A_322, %cond3A_324 : i32
      scf.if %cond3A_325 {
        %dma_start3A_864 = arith.constant 0 : i32
        %dma_start3A_865 = tpu.memref_slice %arg14[%cond3A_323, %dma_start3A_864] : memref<8x64xi32, #tpu.memory_space<vmem>> -> memref<1x64xi32, #tpu.memory_space<vmem>>
        %dma_start3A_866 = tpu.memref_squeeze %dma_start3A_865 : memref<1x64xi32, #tpu.memory_space<vmem>> -> memref<64xi32, #tpu.memory_space<vmem>>
        %dma_start3A_867 = arith.constant 0 : i32
        %dma_start3A_868 = arith.constant 0 : i32
        %dma_start3A_869 = tpu.memref_slice %arg2[%dma_start3A_867, %dma_start3A_868] : memref<10240x128xf32, #tpu.memory_space<hbm>> -> memref<10240x128xf32, #tpu.memory_space<hbm>>
        tpu.enqueue_indirect_dma source(%dma_start3A_869 : memref<10240x128xf32, #tpu.memory_space<hbm>>) target(%arg19 : memref<64x128xf32, #tpu.memory_space<vmem>>) offsets(%dma_start3A_866 : memref<64xi32, #tpu.memory_space<vmem>>) semaphore(%arg24 : memref<!tpu.dma_semaphore, #tpu.memory_space<semaphore_mem>>)
      } else {
      }
      %dma_wait3A_326 = arith.constant 2 : i32
      %dma_wait3A_327 = arith.constant 0 : i32
      %dma_wait3A_328 = tpu.memref_slice %arg14[%dma_wait3A_326, %dma_wait3A_327] : memref<8x64xi32, #tpu.memory_space<vmem>> -> memref<1x64xi32, #tpu.memory_space<vmem>>
      %dma_wait3A_329 = tpu.memref_squeeze %dma_wait3A_328 : memref<1x64xi32, #tpu.memory_space<vmem>> -> memref<64xi32, #tpu.memory_space<vmem>>
      %dma_wait3A_330 = arith.constant 0 : i32
      %dma_wait3A_331 = arith.constant 0 : i32
      %dma_wait3A_332 = tpu.memref_slice %arg2[%dma_wait3A_330, %dma_wait3A_331] : memref<10240x128xf32, #tpu.memory_space<hbm>> -> memref<10240x128xf32, #tpu.memory_space<hbm>>
      tpu.wait_indirect_dma semaphore(%arg23 : memref<!tpu.dma_semaphore, #tpu.memory_space<semaphore_mem>>) src(%dma_wait3A_332 : memref<10240x128xf32, #tpu.memory_space<hbm>>) dst(%arg18 : memref<64x128xf32, #tpu.memory_space<vmem>>)
      %dma_start3A_333 = arith.constant 2 : i32
      %dma_start3A_334 = arith.constant 0 : i32
      %dma_start3A_335 = tpu.memref_slice %arg16[%dma_start3A_333, %dma_start3A_334] : memref<8x64xi32, #tpu.memory_space<vmem>> -> memref<1x64xi32, #tpu.memory_space<vmem>>
      %dma_start3A_336 = tpu.memref_squeeze %dma_start3A_335 : memref<1x64xi32, #tpu.memory_space<vmem>> -> memref<64xi32, #tpu.memory_space<vmem>>
      %dma_start3A_337 = arith.constant 0 : i32
      %dma_start3A_338 = arith.constant 0 : i32
      %dma_start3A_339 = tpu.memref_slice %arg8[%dma_start3A_337, %dma_start3A_338] : memref<10240x128xf32, #tpu.memory_space<vmem_shared>> -> memref<10240x128xf32, #tpu.memory_space<vmem_shared>>
      tpu.enqueue_indirect_dma source(%arg18 : memref<64x128xf32, #tpu.memory_space<vmem>>) target(%dma_start3A_339 : memref<10240x128xf32, #tpu.memory_space<vmem_shared>>) offsets(%dma_start3A_336 : memref<64xi32, #tpu.memory_space<vmem>>) semaphore(%arg25 : memref<!tpu.dma_semaphore, #tpu.memory_space<semaphore_mem>>) {add = true}
      %scan3A_340 = arith.constant 0 : i32
      %scan3A_341 = arith.constant 0 : i32
      %scan3A_342 = arith.constant 4 : i32
      %scan3A_343 = arith.addi %scan3A_341, %scan3A_342 : i32
      %scan3A_344 = arith.constant 1 : i32
      %scan3A_345 = scf.for %scan3A_864 = %scan3A_341 to %scan3A_343 step %scan3A_344 iter_args(%scan3A_865 = %scan3A_340) -> (i32)  : i32 {
        %mul3A_866 = arith.constant 16 : i32
        %mul3A_867 = arith.muli %scan3A_864, %mul3A_866 : i32
        %get3A = arith.constant 2 : i32
        %get3A_868 = arith.index_cast %get3A : i32 to index
        %get3A_869 = arith.index_cast %mul3A_867 : i32 to index
        %get3A_870 = tpu.vector_load %arg16[%get3A_868, %get3A_869] {strides = array<i32>} : memref<8x64xi32, #tpu.memory_space<vmem>>, vector<16xi32>,
        %gather3A = tpu.vector_load_idx %arg11[%get3A_870] : memref<10240xf32, #tpu.memory_space<vmem>>[vector<16xi32>], vector<16xf32>,
        %mul3A_871 = arith.constant 16 : i32
        %mul3A_872 = arith.muli %scan3A_864, %mul3A_871 : i32
        %get3A_873 = arith.constant 2 : i32
        %get3A_874 = arith.index_cast %get3A_873 : i32 to index
        %get3A_875 = arith.index_cast %mul3A_872 : i32 to index
        %get3A_876 = tpu.vector_load %arg14[%get3A_874, %get3A_875] {strides = array<i32>} : memref<8x64xi32, #tpu.memory_space<vmem>>, vector<16xi32>,
        %shift_right_logical3A = arith.shrui %get3A_876, %broadcast_in_dim3A_7 : vector<16xi32>
        %and3A_877 = arith.andi %get3A_876, %broadcast_in_dim3A_5 : vector<16xi32>
        tpu.vector_store_idx %arg10[%shift_right_logical3A, %and3A_877], %gather3A {add = true} : memref<80x128xf32, #tpu.memory_space<vmem>>[vector<16xi32>, vector<16xi32>], vector<16xf32>,
        %scan3A_878 = arith.constant 0 : i32
        scf.yield %scan3A_878 : i32
      }
      %scan3A_346 = arith.constant 4 : i32
      %mul3A_347 = arith.constant 8 : i32
      %mul3A_348 = arith.muli %add3A_227, %mul3A_347 : i32
      %add3A_349 = arith.constant 3 : i32
      %add3A_350 = arith.addi %mul3A_348, %add3A_349 : i32
      %gt3A_351 = arith.constant 0 : i32
      %gt3A_352 = arith.cmpi sgt, %add3A_350, %gt3A_351 : i32
      %convert_element_type3A_353 = arith.extui %gt3A_352 : i1 to i32
      %cond3A_354 = arith.constant 2 : i32
      %cond3A_355 = arith.constant 0 : i32
      %cond3A_356 = arith.cmpi ne, %convert_element_type3A_353, %cond3A_355 : i32
      scf.if %cond3A_356 {
        %dma_wait3A_864 = arith.constant 0 : i32
        %dma_wait3A_865 = tpu.memref_slice %arg16[%cond3A_354, %dma_wait3A_864] : memref<8x64xi32, #tpu.memory_space<vmem>> -> memref<1x64xi32, #tpu.memory_space<vmem>>
        %dma_wait3A_866 = tpu.memref_squeeze %dma_wait3A_865 : memref<1x64xi32, #tpu.memory_space<vmem>> -> memref<64xi32, #tpu.memory_space<vmem>>
        %dma_wait3A_867 = arith.constant 0 : i32
        %dma_wait3A_868 = arith.constant 0 : i32
        %dma_wait3A_869 = tpu.memref_slice %arg8[%dma_wait3A_867, %dma_wait3A_868] : memref<10240x128xf32, #tpu.memory_space<vmem_shared>> -> memref<10240x128xf32, #tpu.memory_space<vmem_shared>>
        tpu.wait_indirect_dma semaphore(%arg25 : memref<!tpu.dma_semaphore, #tpu.memory_space<semaphore_mem>>) src(%arg18 : memref<64x128xf32, #tpu.memory_space<vmem>>) dst(%dma_wait3A_869 : memref<10240x128xf32, #tpu.memory_space<vmem_shared>>)
      } else {
      }
      %add3A_357 = arith.constant 1 : i32
      %add3A_358 = arith.addi %add3A_350, %add3A_357 : i32
      %lt3A_359 = arith.cmpi slt, %add3A_358, %select_n3A : i32
      %convert_element_type3A_360 = arith.extui %lt3A_359 : i1 to i32
      %cond3A_361 = arith.constant 4 : i32
      %cond3A_362 = arith.constant 0 : i32
      %cond3A_363 = arith.cmpi ne, %convert_element_type3A_360, %cond3A_362 : i32
      scf.if %cond3A_363 {
        %dma_start3A_864 = arith.constant 0 : i32
        %dma_start3A_865 = tpu.memref_slice %arg14[%cond3A_361, %dma_start3A_864] : memref<8x64xi32, #tpu.memory_space<vmem>> -> memref<1x64xi32, #tpu.memory_space<vmem>>
        %dma_start3A_866 = tpu.memref_squeeze %dma_start3A_865 : memref<1x64xi32, #tpu.memory_space<vmem>> -> memref<64xi32, #tpu.memory_space<vmem>>
        %dma_start3A_867 = arith.constant 0 : i32
        %dma_start3A_868 = arith.constant 0 : i32
        %dma_start3A_869 = tpu.memref_slice %arg2[%dma_start3A_867, %dma_start3A_868] : memref<10240x128xf32, #tpu.memory_space<hbm>> -> memref<10240x128xf32, #tpu.memory_space<hbm>>
        tpu.enqueue_indirect_dma source(%dma_start3A_869 : memref<10240x128xf32, #tpu.memory_space<hbm>>) target(%arg18 : memref<64x128xf32, #tpu.memory_space<vmem>>) offsets(%dma_start3A_866 : memref<64xi32, #tpu.memory_space<vmem>>) semaphore(%arg23 : memref<!tpu.dma_semaphore, #tpu.memory_space<semaphore_mem>>)
      } else {
      }
      %dma_wait3A_364 = arith.constant 3 : i32
      %dma_wait3A_365 = arith.constant 0 : i32
      %dma_wait3A_366 = tpu.memref_slice %arg14[%dma_wait3A_364, %dma_wait3A_365] : memref<8x64xi32, #tpu.memory_space<vmem>> -> memref<1x64xi32, #tpu.memory_space<vmem>>
      %dma_wait3A_367 = tpu.memref_squeeze %dma_wait3A_366 : memref<1x64xi32, #tpu.memory_space<vmem>> -> memref<64xi32, #tpu.memory_space<vmem>>
      %dma_wait3A_368 = arith.constant 0 : i32
      %dma_wait3A_369 = arith.constant 0 : i32
      %dma_wait3A_370 = tpu.memref_slice %arg2[%dma_wait3A_368, %dma_wait3A_369] : memref<10240x128xf32, #tpu.memory_space<hbm>> -> memref<10240x128xf32, #tpu.memory_space<hbm>>
      tpu.wait_indirect_dma semaphore(%arg24 : memref<!tpu.dma_semaphore, #tpu.memory_space<semaphore_mem>>) src(%dma_wait3A_370 : memref<10240x128xf32, #tpu.memory_space<hbm>>) dst(%arg19 : memref<64x128xf32, #tpu.memory_space<vmem>>)
      %dma_start3A_371 = arith.constant 3 : i32
      %dma_start3A_372 = arith.constant 0 : i32
      %dma_start3A_373 = tpu.memref_slice %arg16[%dma_start3A_371, %dma_start3A_372] : memref<8x64xi32, #tpu.memory_space<vmem>> -> memref<1x64xi32, #tpu.memory_space<vmem>>
      %dma_start3A_374 = tpu.memref_squeeze %dma_start3A_373 : memref<1x64xi32, #tpu.memory_space<vmem>> -> memref<64xi32, #tpu.memory_space<vmem>>
      %dma_start3A_375 = arith.constant 0 : i32
      %dma_start3A_376 = arith.constant 0 : i32
      %dma_start3A_377 = tpu.memref_slice %arg8[%dma_start3A_375, %dma_start3A_376] : memref<10240x128xf32, #tpu.memory_space<vmem_shared>> -> memref<10240x128xf32, #tpu.memory_space<vmem_shared>>
      tpu.enqueue_indirect_dma source(%arg19 : memref<64x128xf32, #tpu.memory_space<vmem>>) target(%dma_start3A_377 : memref<10240x128xf32, #tpu.memory_space<vmem_shared>>) offsets(%dma_start3A_374 : memref<64xi32, #tpu.memory_space<vmem>>) semaphore(%arg26 : memref<!tpu.dma_semaphore, #tpu.memory_space<semaphore_mem>>) {add = true}
      %scan3A_378 = arith.constant 0 : i32
      %scan3A_379 = arith.constant 0 : i32
      %scan3A_380 = arith.constant 4 : i32
      %scan3A_381 = arith.addi %scan3A_379, %scan3A_380 : i32
      %scan3A_382 = arith.constant 1 : i32
      %scan3A_383 = scf.for %scan3A_864 = %scan3A_379 to %scan3A_381 step %scan3A_382 iter_args(%scan3A_865 = %scan3A_378) -> (i32)  : i32 {
        %mul3A_866 = arith.constant 16 : i32
        %mul3A_867 = arith.muli %scan3A_864, %mul3A_866 : i32
        %get3A = arith.constant 3 : i32
        %get3A_868 = arith.index_cast %get3A : i32 to index
        %get3A_869 = arith.index_cast %mul3A_867 : i32 to index
        %get3A_870 = tpu.vector_load %arg16[%get3A_868, %get3A_869] {strides = array<i32>} : memref<8x64xi32, #tpu.memory_space<vmem>>, vector<16xi32>,
        %gather3A = tpu.vector_load_idx %arg11[%get3A_870] : memref<10240xf32, #tpu.memory_space<vmem>>[vector<16xi32>], vector<16xf32>,
        %mul3A_871 = arith.constant 16 : i32
        %mul3A_872 = arith.muli %scan3A_864, %mul3A_871 : i32
        %get3A_873 = arith.constant 3 : i32
        %get3A_874 = arith.index_cast %get3A_873 : i32 to index
        %get3A_875 = arith.index_cast %mul3A_872 : i32 to index
        %get3A_876 = tpu.vector_load %arg14[%get3A_874, %get3A_875] {strides = array<i32>} : memref<8x64xi32, #tpu.memory_space<vmem>>, vector<16xi32>,
        %shift_right_logical3A = arith.shrui %get3A_876, %broadcast_in_dim3A_7 : vector<16xi32>
        %and3A_877 = arith.andi %get3A_876, %broadcast_in_dim3A_5 : vector<16xi32>
        tpu.vector_store_idx %arg10[%shift_right_logical3A, %and3A_877], %gather3A {add = true} : memref<80x128xf32, #tpu.memory_space<vmem>>[vector<16xi32>, vector<16xi32>], vector<16xf32>,
        %scan3A_878 = arith.constant 0 : i32
        scf.yield %scan3A_878 : i32
      }
      %scan3A_384 = arith.constant 4 : i32
      %mul3A_385 = arith.constant 8 : i32
      %mul3A_386 = arith.muli %add3A_227, %mul3A_385 : i32
      %add3A_387 = arith.constant 4 : i32
      %add3A_388 = arith.addi %mul3A_386, %add3A_387 : i32
      %gt3A_389 = arith.constant 0 : i32
      %gt3A_390 = arith.cmpi sgt, %add3A_388, %gt3A_389 : i32
      %convert_element_type3A_391 = arith.extui %gt3A_390 : i1 to i32
      %cond3A_392 = arith.constant 3 : i32
      %cond3A_393 = arith.constant 0 : i32
      %cond3A_394 = arith.cmpi ne, %convert_element_type3A_391, %cond3A_393 : i32
      scf.if %cond3A_394 {
        %dma_wait3A_864 = arith.constant 0 : i32
        %dma_wait3A_865 = tpu.memref_slice %arg16[%cond3A_392, %dma_wait3A_864] : memref<8x64xi32, #tpu.memory_space<vmem>> -> memref<1x64xi32, #tpu.memory_space<vmem>>
        %dma_wait3A_866 = tpu.memref_squeeze %dma_wait3A_865 : memref<1x64xi32, #tpu.memory_space<vmem>> -> memref<64xi32, #tpu.memory_space<vmem>>
        %dma_wait3A_867 = arith.constant 0 : i32
        %dma_wait3A_868 = arith.constant 0 : i32
        %dma_wait3A_869 = tpu.memref_slice %arg8[%dma_wait3A_867, %dma_wait3A_868] : memref<10240x128xf32, #tpu.memory_space<vmem_shared>> -> memref<10240x128xf32, #tpu.memory_space<vmem_shared>>
        tpu.wait_indirect_dma semaphore(%arg26 : memref<!tpu.dma_semaphore, #tpu.memory_space<semaphore_mem>>) src(%arg19 : memref<64x128xf32, #tpu.memory_space<vmem>>) dst(%dma_wait3A_869 : memref<10240x128xf32, #tpu.memory_space<vmem_shared>>)
      } else {
      }
      %add3A_395 = arith.constant 1 : i32
      %add3A_396 = arith.addi %add3A_388, %add3A_395 : i32
      %lt3A_397 = arith.cmpi slt, %add3A_396, %select_n3A : i32
      %convert_element_type3A_398 = arith.extui %lt3A_397 : i1 to i32
      %cond3A_399 = arith.constant 5 : i32
      %cond3A_400 = arith.constant 0 : i32
      %cond3A_401 = arith.cmpi ne, %convert_element_type3A_398, %cond3A_400 : i32
      scf.if %cond3A_401 {
        %dma_start3A_864 = arith.constant 0 : i32
        %dma_start3A_865 = tpu.memref_slice %arg14[%cond3A_399, %dma_start3A_864] : memref<8x64xi32, #tpu.memory_space<vmem>> -> memref<1x64xi32, #tpu.memory_space<vmem>>
        %dma_start3A_866 = tpu.memref_squeeze %dma_start3A_865 : memref<1x64xi32, #tpu.memory_space<vmem>> -> memref<64xi32, #tpu.memory_space<vmem>>
        %dma_start3A_867 = arith.constant 0 : i32
        %dma_start3A_868 = arith.constant 0 : i32
        %dma_start3A_869 = tpu.memref_slice %arg2[%dma_start3A_867, %dma_start3A_868] : memref<10240x128xf32, #tpu.memory_space<hbm>> -> memref<10240x128xf32, #tpu.memory_space<hbm>>
        tpu.enqueue_indirect_dma source(%dma_start3A_869 : memref<10240x128xf32, #tpu.memory_space<hbm>>) target(%arg19 : memref<64x128xf32, #tpu.memory_space<vmem>>) offsets(%dma_start3A_866 : memref<64xi32, #tpu.memory_space<vmem>>) semaphore(%arg24 : memref<!tpu.dma_semaphore, #tpu.memory_space<semaphore_mem>>)
      } else {
      }
      %dma_wait3A_402 = arith.constant 4 : i32
      %dma_wait3A_403 = arith.constant 0 : i32
      %dma_wait3A_404 = tpu.memref_slice %arg14[%dma_wait3A_402, %dma_wait3A_403] : memref<8x64xi32, #tpu.memory_space<vmem>> -> memref<1x64xi32, #tpu.memory_space<vmem>>
      %dma_wait3A_405 = tpu.memref_squeeze %dma_wait3A_404 : memref<1x64xi32, #tpu.memory_space<vmem>> -> memref<64xi32, #tpu.memory_space<vmem>>
      %dma_wait3A_406 = arith.constant 0 : i32
      %dma_wait3A_407 = arith.constant 0 : i32
      %dma_wait3A_408 = tpu.memref_slice %arg2[%dma_wait3A_406, %dma_wait3A_407] : memref<10240x128xf32, #tpu.memory_space<hbm>> -> memref<10240x128xf32, #tpu.memory_space<hbm>>
      tpu.wait_indirect_dma semaphore(%arg23 : memref<!tpu.dma_semaphore, #tpu.memory_space<semaphore_mem>>) src(%dma_wait3A_408 : memref<10240x128xf32, #tpu.memory_space<hbm>>) dst(%arg18 : memref<64x128xf32, #tpu.memory_space<vmem>>)
      %dma_start3A_409 = arith.constant 4 : i32
      %dma_start3A_410 = arith.constant 0 : i32
      %dma_start3A_411 = tpu.memref_slice %arg16[%dma_start3A_409, %dma_start3A_410] : memref<8x64xi32, #tpu.memory_space<vmem>> -> memref<1x64xi32, #tpu.memory_space<vmem>>
      %dma_start3A_412 = tpu.memref_squeeze %dma_start3A_411 : memref<1x64xi32, #tpu.memory_space<vmem>> -> memref<64xi32, #tpu.memory_space<vmem>>
      %dma_start3A_413 = arith.constant 0 : i32
      %dma_start3A_414 = arith.constant 0 : i32
      %dma_start3A_415 = tpu.memref_slice %arg8[%dma_start3A_413, %dma_start3A_414] : memref<10240x128xf32, #tpu.memory_space<vmem_shared>> -> memref<10240x128xf32, #tpu.memory_space<vmem_shared>>
      tpu.enqueue_indirect_dma source(%arg18 : memref<64x128xf32, #tpu.memory_space<vmem>>) target(%dma_start3A_415 : memref<10240x128xf32, #tpu.memory_space<vmem_shared>>) offsets(%dma_start3A_412 : memref<64xi32, #tpu.memory_space<vmem>>) semaphore(%arg25 : memref<!tpu.dma_semaphore, #tpu.memory_space<semaphore_mem>>) {add = true}
      %scan3A_416 = arith.constant 0 : i32
      %scan3A_417 = arith.constant 0 : i32
      %scan3A_418 = arith.constant 4 : i32
      %scan3A_419 = arith.addi %scan3A_417, %scan3A_418 : i32
      %scan3A_420 = arith.constant 1 : i32
      %scan3A_421 = scf.for %scan3A_864 = %scan3A_417 to %scan3A_419 step %scan3A_420 iter_args(%scan3A_865 = %scan3A_416) -> (i32)  : i32 {
        %mul3A_866 = arith.constant 16 : i32
        %mul3A_867 = arith.muli %scan3A_864, %mul3A_866 : i32
        %get3A = arith.constant 4 : i32
        %get3A_868 = arith.index_cast %get3A : i32 to index
        %get3A_869 = arith.index_cast %mul3A_867 : i32 to index
        %get3A_870 = tpu.vector_load %arg16[%get3A_868, %get3A_869] {strides = array<i32>} : memref<8x64xi32, #tpu.memory_space<vmem>>, vector<16xi32>,
        %gather3A = tpu.vector_load_idx %arg11[%get3A_870] : memref<10240xf32, #tpu.memory_space<vmem>>[vector<16xi32>], vector<16xf32>,
        %mul3A_871 = arith.constant 16 : i32
        %mul3A_872 = arith.muli %scan3A_864, %mul3A_871 : i32
        %get3A_873 = arith.constant 4 : i32
        %get3A_874 = arith.index_cast %get3A_873 : i32 to index
        %get3A_875 = arith.index_cast %mul3A_872 : i32 to index
        %get3A_876 = tpu.vector_load %arg14[%get3A_874, %get3A_875] {strides = array<i32>} : memref<8x64xi32, #tpu.memory_space<vmem>>, vector<16xi32>,
        %shift_right_logical3A = arith.shrui %get3A_876, %broadcast_in_dim3A_7 : vector<16xi32>
        %and3A_877 = arith.andi %get3A_876, %broadcast_in_dim3A_5 : vector<16xi32>
        tpu.vector_store_idx %arg10[%shift_right_logical3A, %and3A_877], %gather3A {add = true} : memref<80x128xf32, #tpu.memory_space<vmem>>[vector<16xi32>, vector<16xi32>], vector<16xf32>,
        %scan3A_878 = arith.constant 0 : i32
        scf.yield %scan3A_878 : i32
      }
      %scan3A_422 = arith.constant 4 : i32
      %mul3A_423 = arith.constant 8 : i32
      %mul3A_424 = arith.muli %add3A_227, %mul3A_423 : i32
      %add3A_425 = arith.constant 5 : i32
      %add3A_426 = arith.addi %mul3A_424, %add3A_425 : i32
      %gt3A_427 = arith.constant 0 : i32
      %gt3A_428 = arith.cmpi sgt, %add3A_426, %gt3A_427 : i32
      %convert_element_type3A_429 = arith.extui %gt3A_428 : i1 to i32
      %cond3A_430 = arith.constant 4 : i32
      %cond3A_431 = arith.constant 0 : i32
      %cond3A_432 = arith.cmpi ne, %convert_element_type3A_429, %cond3A_431 : i32
      scf.if %cond3A_432 {
        %dma_wait3A_864 = arith.constant 0 : i32
        %dma_wait3A_865 = tpu.memref_slice %arg16[%cond3A_430, %dma_wait3A_864] : memref<8x64xi32, #tpu.memory_space<vmem>> -> memref<1x64xi32, #tpu.memory_space<vmem>>
        %dma_wait3A_866 = tpu.memref_squeeze %dma_wait3A_865 : memref<1x64xi32, #tpu.memory_space<vmem>> -> memref<64xi32, #tpu.memory_space<vmem>>
        %dma_wait3A_867 = arith.constant 0 : i32
        %dma_wait3A_868 = arith.constant 0 : i32
        %dma_wait3A_869 = tpu.memref_slice %arg8[%dma_wait3A_867, %dma_wait3A_868] : memref<10240x128xf32, #tpu.memory_space<vmem_shared>> -> memref<10240x128xf32, #tpu.memory_space<vmem_shared>>
        tpu.wait_indirect_dma semaphore(%arg25 : memref<!tpu.dma_semaphore, #tpu.memory_space<semaphore_mem>>) src(%arg18 : memref<64x128xf32, #tpu.memory_space<vmem>>) dst(%dma_wait3A_869 : memref<10240x128xf32, #tpu.memory_space<vmem_shared>>)
      } else {
      }
      %add3A_433 = arith.constant 1 : i32
      %add3A_434 = arith.addi %add3A_426, %add3A_433 : i32
      %lt3A_435 = arith.cmpi slt, %add3A_434, %select_n3A : i32
      %convert_element_type3A_436 = arith.extui %lt3A_435 : i1 to i32
      %cond3A_437 = arith.constant 6 : i32
      %cond3A_438 = arith.constant 0 : i32
      %cond3A_439 = arith.cmpi ne, %convert_element_type3A_436, %cond3A_438 : i32
      scf.if %cond3A_439 {
        %dma_start3A_864 = arith.constant 0 : i32
        %dma_start3A_865 = tpu.memref_slice %arg14[%cond3A_437, %dma_start3A_864] : memref<8x64xi32, #tpu.memory_space<vmem>> -> memref<1x64xi32, #tpu.memory_space<vmem>>
        %dma_start3A_866 = tpu.memref_squeeze %dma_start3A_865 : memref<1x64xi32, #tpu.memory_space<vmem>> -> memref<64xi32, #tpu.memory_space<vmem>>
        %dma_start3A_867 = arith.constant 0 : i32
        %dma_start3A_868 = arith.constant 0 : i32
        %dma_start3A_869 = tpu.memref_slice %arg2[%dma_start3A_867, %dma_start3A_868] : memref<10240x128xf32, #tpu.memory_space<hbm>> -> memref<10240x128xf32, #tpu.memory_space<hbm>>
        tpu.enqueue_indirect_dma source(%dma_start3A_869 : memref<10240x128xf32, #tpu.memory_space<hbm>>) target(%arg18 : memref<64x128xf32, #tpu.memory_space<vmem>>) offsets(%dma_start3A_866 : memref<64xi32, #tpu.memory_space<vmem>>) semaphore(%arg23 : memref<!tpu.dma_semaphore, #tpu.memory_space<semaphore_mem>>)
      } else {
      }
      %dma_wait3A_440 = arith.constant 5 : i32
      %dma_wait3A_441 = arith.constant 0 : i32
      %dma_wait3A_442 = tpu.memref_slice %arg14[%dma_wait3A_440, %dma_wait3A_441] : memref<8x64xi32, #tpu.memory_space<vmem>> -> memref<1x64xi32, #tpu.memory_space<vmem>>
      %dma_wait3A_443 = tpu.memref_squeeze %dma_wait3A_442 : memref<1x64xi32, #tpu.memory_space<vmem>> -> memref<64xi32, #tpu.memory_space<vmem>>
      %dma_wait3A_444 = arith.constant 0 : i32
      %dma_wait3A_445 = arith.constant 0 : i32
      %dma_wait3A_446 = tpu.memref_slice %arg2[%dma_wait3A_444, %dma_wait3A_445] : memref<10240x128xf32, #tpu.memory_space<hbm>> -> memref<10240x128xf32, #tpu.memory_space<hbm>>
      tpu.wait_indirect_dma semaphore(%arg24 : memref<!tpu.dma_semaphore, #tpu.memory_space<semaphore_mem>>) src(%dma_wait3A_446 : memref<10240x128xf32, #tpu.memory_space<hbm>>) dst(%arg19 : memref<64x128xf32, #tpu.memory_space<vmem>>)
      %dma_start3A_447 = arith.constant 5 : i32
      %dma_start3A_448 = arith.constant 0 : i32
      %dma_start3A_449 = tpu.memref_slice %arg16[%dma_start3A_447, %dma_start3A_448] : memref<8x64xi32, #tpu.memory_space<vmem>> -> memref<1x64xi32, #tpu.memory_space<vmem>>
      %dma_start3A_450 = tpu.memref_squeeze %dma_start3A_449 : memref<1x64xi32, #tpu.memory_space<vmem>> -> memref<64xi32, #tpu.memory_space<vmem>>
      %dma_start3A_451 = arith.constant 0 : i32
      %dma_start3A_452 = arith.constant 0 : i32
      %dma_start3A_453 = tpu.memref_slice %arg8[%dma_start3A_451, %dma_start3A_452] : memref<10240x128xf32, #tpu.memory_space<vmem_shared>> -> memref<10240x128xf32, #tpu.memory_space<vmem_shared>>
      tpu.enqueue_indirect_dma source(%arg19 : memref<64x128xf32, #tpu.memory_space<vmem>>) target(%dma_start3A_453 : memref<10240x128xf32, #tpu.memory_space<vmem_shared>>) offsets(%dma_start3A_450 : memref<64xi32, #tpu.memory_space<vmem>>) semaphore(%arg26 : memref<!tpu.dma_semaphore, #tpu.memory_space<semaphore_mem>>) {add = true}
      %scan3A_454 = arith.constant 0 : i32
      %scan3A_455 = arith.constant 0 : i32
      %scan3A_456 = arith.constant 4 : i32
      %scan3A_457 = arith.addi %scan3A_455, %scan3A_456 : i32
      %scan3A_458 = arith.constant 1 : i32
      %scan3A_459 = scf.for %scan3A_864 = %scan3A_455 to %scan3A_457 step %scan3A_458 iter_args(%scan3A_865 = %scan3A_454) -> (i32)  : i32 {
        %mul3A_866 = arith.constant 16 : i32
        %mul3A_867 = arith.muli %scan3A_864, %mul3A_866 : i32
        %get3A = arith.constant 5 : i32
        %get3A_868 = arith.index_cast %get3A : i32 to index
        %get3A_869 = arith.index_cast %mul3A_867 : i32 to index
        %get3A_870 = tpu.vector_load %arg16[%get3A_868, %get3A_869] {strides = array<i32>} : memref<8x64xi32, #tpu.memory_space<vmem>>, vector<16xi32>,
        %gather3A = tpu.vector_load_idx %arg11[%get3A_870] : memref<10240xf32, #tpu.memory_space<vmem>>[vector<16xi32>], vector<16xf32>,
        %mul3A_871 = arith.constant 16 : i32
        %mul3A_872 = arith.muli %scan3A_864, %mul3A_871 : i32
        %get3A_873 = arith.constant 5 : i32
        %get3A_874 = arith.index_cast %get3A_873 : i32 to index
        %get3A_875 = arith.index_cast %mul3A_872 : i32 to index
        %get3A_876 = tpu.vector_load %arg14[%get3A_874, %get3A_875] {strides = array<i32>} : memref<8x64xi32, #tpu.memory_space<vmem>>, vector<16xi32>,
        %shift_right_logical3A = arith.shrui %get3A_876, %broadcast_in_dim3A_7 : vector<16xi32>
        %and3A_877 = arith.andi %get3A_876, %broadcast_in_dim3A_5 : vector<16xi32>
        tpu.vector_store_idx %arg10[%shift_right_logical3A, %and3A_877], %gather3A {add = true} : memref<80x128xf32, #tpu.memory_space<vmem>>[vector<16xi32>, vector<16xi32>], vector<16xf32>,
        %scan3A_878 = arith.constant 0 : i32
        scf.yield %scan3A_878 : i32
      }
      %scan3A_460 = arith.constant 4 : i32
      %mul3A_461 = arith.constant 8 : i32
      %mul3A_462 = arith.muli %add3A_227, %mul3A_461 : i32
      %add3A_463 = arith.constant 6 : i32
      %add3A_464 = arith.addi %mul3A_462, %add3A_463 : i32
      %gt3A_465 = arith.constant 0 : i32
      %gt3A_466 = arith.cmpi sgt, %add3A_464, %gt3A_465 : i32
      %convert_element_type3A_467 = arith.extui %gt3A_466 : i1 to i32
      %cond3A_468 = arith.constant 5 : i32
      %cond3A_469 = arith.constant 0 : i32
      %cond3A_470 = arith.cmpi ne, %convert_element_type3A_467, %cond3A_469 : i32
      scf.if %cond3A_470 {
        %dma_wait3A_864 = arith.constant 0 : i32
        %dma_wait3A_865 = tpu.memref_slice %arg16[%cond3A_468, %dma_wait3A_864] : memref<8x64xi32, #tpu.memory_space<vmem>> -> memref<1x64xi32, #tpu.memory_space<vmem>>
        %dma_wait3A_866 = tpu.memref_squeeze %dma_wait3A_865 : memref<1x64xi32, #tpu.memory_space<vmem>> -> memref<64xi32, #tpu.memory_space<vmem>>
        %dma_wait3A_867 = arith.constant 0 : i32
        %dma_wait3A_868 = arith.constant 0 : i32
        %dma_wait3A_869 = tpu.memref_slice %arg8[%dma_wait3A_867, %dma_wait3A_868] : memref<10240x128xf32, #tpu.memory_space<vmem_shared>> -> memref<10240x128xf32, #tpu.memory_space<vmem_shared>>
        tpu.wait_indirect_dma semaphore(%arg26 : memref<!tpu.dma_semaphore, #tpu.memory_space<semaphore_mem>>) src(%arg19 : memref<64x128xf32, #tpu.memory_space<vmem>>) dst(%dma_wait3A_869 : memref<10240x128xf32, #tpu.memory_space<vmem_shared>>)
      } else {
      }
      %add3A_471 = arith.constant 1 : i32
      %add3A_472 = arith.addi %add3A_464, %add3A_471 : i32
      %lt3A_473 = arith.cmpi slt, %add3A_472, %select_n3A : i32
      %convert_element_type3A_474 = arith.extui %lt3A_473 : i1 to i32
      %cond3A_475 = arith.constant 7 : i32
      %cond3A_476 = arith.constant 0 : i32
      %cond3A_477 = arith.cmpi ne, %convert_element_type3A_474, %cond3A_476 : i32
      scf.if %cond3A_477 {
        %dma_start3A_864 = arith.constant 0 : i32
        %dma_start3A_865 = tpu.memref_slice %arg14[%cond3A_475, %dma_start3A_864] : memref<8x64xi32, #tpu.memory_space<vmem>> -> memref<1x64xi32, #tpu.memory_space<vmem>>
        %dma_start3A_866 = tpu.memref_squeeze %dma_start3A_865 : memref<1x64xi32, #tpu.memory_space<vmem>> -> memref<64xi32, #tpu.memory_space<vmem>>
        %dma_start3A_867 = arith.constant 0 : i32
        %dma_start3A_868 = arith.constant 0 : i32
        %dma_start3A_869 = tpu.memref_slice %arg2[%dma_start3A_867, %dma_start3A_868] : memref<10240x128xf32, #tpu.memory_space<hbm>> -> memref<10240x128xf32, #tpu.memory_space<hbm>>
        tpu.enqueue_indirect_dma source(%dma_start3A_869 : memref<10240x128xf32, #tpu.memory_space<hbm>>) target(%arg19 : memref<64x128xf32, #tpu.memory_space<vmem>>) offsets(%dma_start3A_866 : memref<64xi32, #tpu.memory_space<vmem>>) semaphore(%arg24 : memref<!tpu.dma_semaphore, #tpu.memory_space<semaphore_mem>>)
      } else {
      }
      %dma_wait3A_478 = arith.constant 6 : i32
      %dma_wait3A_479 = arith.constant 0 : i32
      %dma_wait3A_480 = tpu.memref_slice %arg14[%dma_wait3A_478, %dma_wait3A_479] : memref<8x64xi32, #tpu.memory_space<vmem>> -> memref<1x64xi32, #tpu.memory_space<vmem>>
      %dma_wait3A_481 = tpu.memref_squeeze %dma_wait3A_480 : memref<1x64xi32, #tpu.memory_space<vmem>> -> memref<64xi32, #tpu.memory_space<vmem>>
      %dma_wait3A_482 = arith.constant 0 : i32
      %dma_wait3A_483 = arith.constant 0 : i32
      %dma_wait3A_484 = tpu.memref_slice %arg2[%dma_wait3A_482, %dma_wait3A_483] : memref<10240x128xf32, #tpu.memory_space<hbm>> -> memref<10240x128xf32, #tpu.memory_space<hbm>>
      tpu.wait_indirect_dma semaphore(%arg23 : memref<!tpu.dma_semaphore, #tpu.memory_space<semaphore_mem>>) src(%dma_wait3A_484 : memref<10240x128xf32, #tpu.memory_space<hbm>>) dst(%arg18 : memref<64x128xf32, #tpu.memory_space<vmem>>)
      %dma_start3A_485 = arith.constant 6 : i32
      %dma_start3A_486 = arith.constant 0 : i32
      %dma_start3A_487 = tpu.memref_slice %arg16[%dma_start3A_485, %dma_start3A_486] : memref<8x64xi32, #tpu.memory_space<vmem>> -> memref<1x64xi32, #tpu.memory_space<vmem>>
      %dma_start3A_488 = tpu.memref_squeeze %dma_start3A_487 : memref<1x64xi32, #tpu.memory_space<vmem>> -> memref<64xi32, #tpu.memory_space<vmem>>
      %dma_start3A_489 = arith.constant 0 : i32
      %dma_start3A_490 = arith.constant 0 : i32
      %dma_start3A_491 = tpu.memref_slice %arg8[%dma_start3A_489, %dma_start3A_490] : memref<10240x128xf32, #tpu.memory_space<vmem_shared>> -> memref<10240x128xf32, #tpu.memory_space<vmem_shared>>
      tpu.enqueue_indirect_dma source(%arg18 : memref<64x128xf32, #tpu.memory_space<vmem>>) target(%dma_start3A_491 : memref<10240x128xf32, #tpu.memory_space<vmem_shared>>) offsets(%dma_start3A_488 : memref<64xi32, #tpu.memory_space<vmem>>) semaphore(%arg25 : memref<!tpu.dma_semaphore, #tpu.memory_space<semaphore_mem>>) {add = true}
      %scan3A_492 = arith.constant 0 : i32
      %scan3A_493 = arith.constant 0 : i32
      %scan3A_494 = arith.constant 4 : i32
      %scan3A_495 = arith.addi %scan3A_493, %scan3A_494 : i32
      %scan3A_496 = arith.constant 1 : i32
      %scan3A_497 = scf.for %scan3A_864 = %scan3A_493 to %scan3A_495 step %scan3A_496 iter_args(%scan3A_865 = %scan3A_492) -> (i32)  : i32 {
        %mul3A_866 = arith.constant 16 : i32
        %mul3A_867 = arith.muli %scan3A_864, %mul3A_866 : i32
        %get3A = arith.constant 6 : i32
        %get3A_868 = arith.index_cast %get3A : i32 to index
        %get3A_869 = arith.index_cast %mul3A_867 : i32 to index
        %get3A_870 = tpu.vector_load %arg16[%get3A_868, %get3A_869] {strides = array<i32>} : memref<8x64xi32, #tpu.memory_space<vmem>>, vector<16xi32>,
        %gather3A = tpu.vector_load_idx %arg11[%get3A_870] : memref<10240xf32, #tpu.memory_space<vmem>>[vector<16xi32>], vector<16xf32>,
        %mul3A_871 = arith.constant 16 : i32
        %mul3A_872 = arith.muli %scan3A_864, %mul3A_871 : i32
        %get3A_873 = arith.constant 6 : i32
        %get3A_874 = arith.index_cast %get3A_873 : i32 to index
        %get3A_875 = arith.index_cast %mul3A_872 : i32 to index
        %get3A_876 = tpu.vector_load %arg14[%get3A_874, %get3A_875] {strides = array<i32>} : memref<8x64xi32, #tpu.memory_space<vmem>>, vector<16xi32>,
        %shift_right_logical3A = arith.shrui %get3A_876, %broadcast_in_dim3A_7 : vector<16xi32>
        %and3A_877 = arith.andi %get3A_876, %broadcast_in_dim3A_5 : vector<16xi32>
        tpu.vector_store_idx %arg10[%shift_right_logical3A, %and3A_877], %gather3A {add = true} : memref<80x128xf32, #tpu.memory_space<vmem>>[vector<16xi32>, vector<16xi32>], vector<16xf32>,
        %scan3A_878 = arith.constant 0 : i32
        scf.yield %scan3A_878 : i32
      }
      %scan3A_498 = arith.constant 4 : i32
      %mul3A_499 = arith.constant 8 : i32
      %mul3A_500 = arith.muli %add3A_227, %mul3A_499 : i32
      %add3A_501 = arith.constant 7 : i32
      %add3A_502 = arith.addi %mul3A_500, %add3A_501 : i32
      %gt3A_503 = arith.constant 0 : i32
      %gt3A_504 = arith.cmpi sgt, %add3A_502, %gt3A_503 : i32
      %convert_element_type3A_505 = arith.extui %gt3A_504 : i1 to i32
      %cond3A_506 = arith.constant 6 : i32
      %cond3A_507 = arith.constant 0 : i32
      %cond3A_508 = arith.cmpi ne, %convert_element_type3A_505, %cond3A_507 : i32
      scf.if %cond3A_508 {
        %dma_wait3A_864 = arith.constant 0 : i32
        %dma_wait3A_865 = tpu.memref_slice %arg16[%cond3A_506, %dma_wait3A_864] : memref<8x64xi32, #tpu.memory_space<vmem>> -> memref<1x64xi32, #tpu.memory_space<vmem>>
        %dma_wait3A_866 = tpu.memref_squeeze %dma_wait3A_865 : memref<1x64xi32, #tpu.memory_space<vmem>> -> memref<64xi32, #tpu.memory_space<vmem>>
        %dma_wait3A_867 = arith.constant 0 : i32
        %dma_wait3A_868 = arith.constant 0 : i32
        %dma_wait3A_869 = tpu.memref_slice %arg8[%dma_wait3A_867, %dma_wait3A_868] : memref<10240x128xf32, #tpu.memory_space<vmem_shared>> -> memref<10240x128xf32, #tpu.memory_space<vmem_shared>>
        tpu.wait_indirect_dma semaphore(%arg25 : memref<!tpu.dma_semaphore, #tpu.memory_space<semaphore_mem>>) src(%arg18 : memref<64x128xf32, #tpu.memory_space<vmem>>) dst(%dma_wait3A_869 : memref<10240x128xf32, #tpu.memory_space<vmem_shared>>)
      } else {
      }
      %add3A_509 = arith.constant 1 : i32
      %add3A_510 = arith.addi %add3A_227, %add3A_509 : i32
      %lt3A_511 = arith.cmpi slt, %add3A_510, %select_n3A_125 : i32
      %convert_element_type3A_512 = arith.extui %lt3A_511 : i1 to i32
      %cond3A_513 = arith.constant 0 : i32
      %cond3A_514 = arith.cmpi ne, %convert_element_type3A_512, %cond3A_513 : i32
      scf.if %cond3A_514 {
        %add3A_864 = arith.constant 1 : i32
        %add3A_865 = arith.addi %add3A_227, %add3A_864 : i32
        %mul3A_866 = arith.constant 8 : i32
        %mul3A_867 = arith.muli %add3A_865, %mul3A_866 : i32
        %add3A_868 = arith.addi %select_n3A_134, %mul3A_867 : i32
        %dma_wait3A_869 = arith.constant 0 : i32
        %dma_wait3A_870 = tpu.memref_slice %arg3[%add3A_868, %dma_wait3A_869] : memref<5120x64xi32, #tpu.memory_space<hbm>> -> memref<8x64xi32, #tpu.memory_space<hbm>>
        %dma_wait3A_871 = arith.constant 0 : i32
        %dma_wait3A_872 = tpu.memref_slice %arg3[%add3A_868, %dma_wait3A_871] : memref<5120x64xi32, #tpu.memory_space<hbm>> -> memref<8x64xi32, #tpu.memory_space<hbm>>
        tpu.wait_dma2 semaphore(%arg22 : memref<!tpu.dma_semaphore, #tpu.memory_space<semaphore_mem>>) src(%dma_wait3A_872 : memref<8x64xi32, #tpu.memory_space<hbm>>) dst(%arg15 : memref<8x64xi32, #tpu.memory_space<vmem>>)
        %mul3A_873 = arith.constant 8 : i32
        %mul3A_874 = arith.muli %add3A_865, %mul3A_873 : i32
        %add3A_875 = arith.addi %select_n3A_134, %mul3A_874 : i32
        %dma_wait3A_876 = arith.constant 0 : i32
        %dma_wait3A_877 = tpu.memref_slice %arg4[%add3A_875, %dma_wait3A_876] : memref<5120x64xi32, #tpu.memory_space<hbm>> -> memref<8x64xi32, #tpu.memory_space<hbm>>
        %dma_wait3A_878 = arith.constant 0 : i32
        %dma_wait3A_879 = tpu.memref_slice %arg4[%add3A_875, %dma_wait3A_878] : memref<5120x64xi32, #tpu.memory_space<hbm>> -> memref<8x64xi32, #tpu.memory_space<hbm>>
        tpu.wait_dma2 semaphore(%arg22 : memref<!tpu.dma_semaphore, #tpu.memory_space<semaphore_mem>>) src(%dma_wait3A_879 : memref<8x64xi32, #tpu.memory_space<hbm>>) dst(%arg17 : memref<8x64xi32, #tpu.memory_space<vmem>>)
      } else {
      }
      %add3A_515 = arith.constant 1 : i32
      %add3A_516 = arith.addi %add3A_502, %add3A_515 : i32
      %lt3A_517 = arith.cmpi slt, %add3A_516, %select_n3A : i32
      %convert_element_type3A_518 = arith.extui %lt3A_517 : i1 to i32
      %cond3A_519 = arith.constant 0 : i32
      %cond3A_520 = arith.constant 0 : i32
      %cond3A_521 = arith.cmpi ne, %convert_element_type3A_518, %cond3A_520 : i32
      scf.if %cond3A_521 {
        %dma_start3A_864 = arith.constant 0 : i32
        %dma_start3A_865 = tpu.memref_slice %arg15[%cond3A_519, %dma_start3A_864] : memref<8x64xi32, #tpu.memory_space<vmem>> -> memref<1x64xi32, #tpu.memory_space<vmem>>
        %dma_start3A_866 = tpu.memref_squeeze %dma_start3A_865 : memref<1x64xi32, #tpu.memory_space<vmem>> -> memref<64xi32, #tpu.memory_space<vmem>>
        %dma_start3A_867 = arith.constant 0 : i32
        %dma_start3A_868 = arith.constant 0 : i32
        %dma_start3A_869 = tpu.memref_slice %arg2[%dma_start3A_867, %dma_start3A_868] : memref<10240x128xf32, #tpu.memory_space<hbm>> -> memref<10240x128xf32, #tpu.memory_space<hbm>>
        tpu.enqueue_indirect_dma source(%dma_start3A_869 : memref<10240x128xf32, #tpu.memory_space<hbm>>) target(%arg18 : memref<64x128xf32, #tpu.memory_space<vmem>>) offsets(%dma_start3A_866 : memref<64xi32, #tpu.memory_space<vmem>>) semaphore(%arg23 : memref<!tpu.dma_semaphore, #tpu.memory_space<semaphore_mem>>)
      } else {
      }
      %dma_wait3A_522 = arith.constant 7 : i32
      %dma_wait3A_523 = arith.constant 0 : i32
      %dma_wait3A_524 = tpu.memref_slice %arg14[%dma_wait3A_522, %dma_wait3A_523] : memref<8x64xi32, #tpu.memory_space<vmem>> -> memref<1x64xi32, #tpu.memory_space<vmem>>
      %dma_wait3A_525 = tpu.memref_squeeze %dma_wait3A_524 : memref<1x64xi32, #tpu.memory_space<vmem>> -> memref<64xi32, #tpu.memory_space<vmem>>
      %dma_wait3A_526 = arith.constant 0 : i32
      %dma_wait3A_527 = arith.constant 0 : i32
      %dma_wait3A_528 = tpu.memref_slice %arg2[%dma_wait3A_526, %dma_wait3A_527] : memref<10240x128xf32, #tpu.memory_space<hbm>> -> memref<10240x128xf32, #tpu.memory_space<hbm>>
      tpu.wait_indirect_dma semaphore(%arg24 : memref<!tpu.dma_semaphore, #tpu.memory_space<semaphore_mem>>) src(%dma_wait3A_528 : memref<10240x128xf32, #tpu.memory_space<hbm>>) dst(%arg19 : memref<64x128xf32, #tpu.memory_space<vmem>>)
      %dma_start3A_529 = arith.constant 7 : i32
      %dma_start3A_530 = arith.constant 0 : i32
      %dma_start3A_531 = tpu.memref_slice %arg16[%dma_start3A_529, %dma_start3A_530] : memref<8x64xi32, #tpu.memory_space<vmem>> -> memref<1x64xi32, #tpu.memory_space<vmem>>
      %dma_start3A_532 = tpu.memref_squeeze %dma_start3A_531 : memref<1x64xi32, #tpu.memory_space<vmem>> -> memref<64xi32, #tpu.memory_space<vmem>>
      %dma_start3A_533 = arith.constant 0 : i32
      %dma_start3A_534 = arith.constant 0 : i32
      %dma_start3A_535 = tpu.memref_slice %arg8[%dma_start3A_533, %dma_start3A_534] : memref<10240x128xf32, #tpu.memory_space<vmem_shared>> -> memref<10240x128xf32, #tpu.memory_space<vmem_shared>>
      tpu.enqueue_indirect_dma source(%arg19 : memref<64x128xf32, #tpu.memory_space<vmem>>) target(%dma_start3A_535 : memref<10240x128xf32, #tpu.memory_space<vmem_shared>>) offsets(%dma_start3A_532 : memref<64xi32, #tpu.memory_space<vmem>>) semaphore(%arg26 : memref<!tpu.dma_semaphore, #tpu.memory_space<semaphore_mem>>) {add = true}
      %scan3A_536 = arith.constant 0 : i32
      %scan3A_537 = arith.constant 0 : i32
      %scan3A_538 = arith.constant 4 : i32
      %scan3A_539 = arith.addi %scan3A_537, %scan3A_538 : i32
      %scan3A_540 = arith.constant 1 : i32
      %scan3A_541 = scf.for %scan3A_864 = %scan3A_537 to %scan3A_539 step %scan3A_540 iter_args(%scan3A_865 = %scan3A_536) -> (i32)  : i32 {
        %mul3A_866 = arith.constant 16 : i32
        %mul3A_867 = arith.muli %scan3A_864, %mul3A_866 : i32
        %get3A = arith.constant 7 : i32
        %get3A_868 = arith.index_cast %get3A : i32 to index
        %get3A_869 = arith.index_cast %mul3A_867 : i32 to index
        %get3A_870 = tpu.vector_load %arg16[%get3A_868, %get3A_869] {strides = array<i32>} : memref<8x64xi32, #tpu.memory_space<vmem>>, vector<16xi32>,
        %gather3A = tpu.vector_load_idx %arg11[%get3A_870] : memref<10240xf32, #tpu.memory_space<vmem>>[vector<16xi32>], vector<16xf32>,
        %mul3A_871 = arith.constant 16 : i32
        %mul3A_872 = arith.muli %scan3A_864, %mul3A_871 : i32
        %get3A_873 = arith.constant 7 : i32
        %get3A_874 = arith.index_cast %get3A_873 : i32 to index
        %get3A_875 = arith.index_cast %mul3A_872 : i32 to index
        %get3A_876 = tpu.vector_load %arg14[%get3A_874, %get3A_875] {strides = array<i32>} : memref<8x64xi32, #tpu.memory_space<vmem>>, vector<16xi32>,
        %shift_right_logical3A = arith.shrui %get3A_876, %broadcast_in_dim3A_7 : vector<16xi32>
        %and3A_877 = arith.andi %get3A_876, %broadcast_in_dim3A_5 : vector<16xi32>
        tpu.vector_store_idx %arg10[%shift_right_logical3A, %and3A_877], %gather3A {add = true} : memref<80x128xf32, #tpu.memory_space<vmem>>[vector<16xi32>, vector<16xi32>], vector<16xf32>,
        %scan3A_878 = arith.constant 0 : i32
        scf.yield %scan3A_878 : i32
      }
      %scan3A_542 = arith.constant 4 : i32
      %mul3A_543 = arith.constant 2 : i32
      %mul3A_544 = arith.muli %while3A_222, %mul3A_543 : i32
      %add3A_545 = arith.constant 1 : i32
      %add3A_546 = arith.addi %mul3A_544, %add3A_545 : i32
      %mul3A_547 = arith.constant 8 : i32
      %mul3A_548 = arith.muli %add3A_546, %mul3A_547 : i32
      %add3A_549 = arith.constant 0 : i32
      %add3A_550 = arith.addi %mul3A_548, %add3A_549 : i32
      %gt3A_551 = arith.constant 0 : i32
      %gt3A_552 = arith.cmpi sgt, %add3A_550, %gt3A_551 : i32
      %convert_element_type3A_553 = arith.extui %gt3A_552 : i1 to i32
      %cond3A_554 = arith.constant 7 : i32
      %cond3A_555 = arith.constant 0 : i32
      %cond3A_556 = arith.cmpi ne, %convert_element_type3A_553, %cond3A_555 : i32
      scf.if %cond3A_556 {
        %dma_wait3A_864 = arith.constant 0 : i32
        %dma_wait3A_865 = tpu.memref_slice %arg16[%cond3A_554, %dma_wait3A_864] : memref<8x64xi32, #tpu.memory_space<vmem>> -> memref<1x64xi32, #tpu.memory_space<vmem>>
        %dma_wait3A_866 = tpu.memref_squeeze %dma_wait3A_865 : memref<1x64xi32, #tpu.memory_space<vmem>> -> memref<64xi32, #tpu.memory_space<vmem>>
        %dma_wait3A_867 = arith.constant 0 : i32
        %dma_wait3A_868 = arith.constant 0 : i32
        %dma_wait3A_869 = tpu.memref_slice %arg8[%dma_wait3A_867, %dma_wait3A_868] : memref<10240x128xf32, #tpu.memory_space<vmem_shared>> -> memref<10240x128xf32, #tpu.memory_space<vmem_shared>>
        tpu.wait_indirect_dma semaphore(%arg26 : memref<!tpu.dma_semaphore, #tpu.memory_space<semaphore_mem>>) src(%arg19 : memref<64x128xf32, #tpu.memory_space<vmem>>) dst(%dma_wait3A_869 : memref<10240x128xf32, #tpu.memory_space<vmem_shared>>)
      } else {
      }
      %add3A_557 = arith.constant 1 : i32
      %add3A_558 = arith.addi %add3A_546, %add3A_557 : i32
      %lt3A_559 = arith.cmpi slt, %add3A_558, %select_n3A_125 : i32
      %convert_element_type3A_560 = arith.extui %lt3A_559 : i1 to i32
      %cond3A_561 = arith.constant 0 : i32
      %cond3A_562 = arith.cmpi ne, %convert_element_type3A_560, %cond3A_561 : i32
      scf.if %cond3A_562 {
        %add3A_864 = arith.constant 1 : i32
        %add3A_865 = arith.addi %add3A_546, %add3A_864 : i32
        %mul3A_866 = arith.constant 8 : i32
        %mul3A_867 = arith.muli %add3A_865, %mul3A_866 : i32
        %add3A_868 = arith.addi %select_n3A_134, %mul3A_867 : i32
        %dma_start3A_869 = arith.constant 0 : i32
        %dma_start3A_870 = tpu.memref_slice %arg3[%add3A_868, %dma_start3A_869] : memref<5120x64xi32, #tpu.memory_space<hbm>> -> memref<8x64xi32, #tpu.memory_space<hbm>>
        %dma_start3A_871 = arith.constant 0 : i32
        %dma_start3A_872 = tpu.memref_slice %arg3[%add3A_868, %dma_start3A_871] : memref<5120x64xi32, #tpu.memory_space<hbm>> -> memref<8x64xi32, #tpu.memory_space<hbm>>
        tpu.enqueue_dma source(%dma_start3A_872 : memref<8x64xi32, #tpu.memory_space<hbm>>) target(%arg14 : memref<8x64xi32, #tpu.memory_space<vmem>>) target_semaphore(%arg21 : memref<!tpu.dma_semaphore, #tpu.memory_space<semaphore_mem>>)
        %mul3A_873 = arith.constant 8 : i32
        %mul3A_874 = arith.muli %add3A_865, %mul3A_873 : i32
        %add3A_875 = arith.addi %select_n3A_134, %mul3A_874 : i32
        %dma_start3A_876 = arith.constant 0 : i32
        %dma_start3A_877 = tpu.memref_slice %arg4[%add3A_875, %dma_start3A_876] : memref<5120x64xi32, #tpu.memory_space<hbm>> -> memref<8x64xi32, #tpu.memory_space<hbm>>
        %dma_start3A_878 = arith.constant 0 : i32
        %dma_start3A_879 = tpu.memref_slice %arg4[%add3A_875, %dma_start3A_878] : memref<5120x64xi32, #tpu.memory_space<hbm>> -> memref<8x64xi32, #tpu.memory_space<hbm>>
        tpu.enqueue_dma source(%dma_start3A_879 : memref<8x64xi32, #tpu.memory_space<hbm>>) target(%arg16 : memref<8x64xi32, #tpu.memory_space<vmem>>) target_semaphore(%arg21 : memref<!tpu.dma_semaphore, #tpu.memory_space<semaphore_mem>>)
      } else {
      }
      %add3A_563 = arith.constant 1 : i32
      %add3A_564 = arith.addi %add3A_550, %add3A_563 : i32
      %lt3A_565 = arith.cmpi slt, %add3A_564, %select_n3A : i32
      %convert_element_type3A_566 = arith.extui %lt3A_565 : i1 to i32
      %cond3A_567 = arith.constant 1 : i32
      %cond3A_568 = arith.constant 0 : i32
      %cond3A_569 = arith.cmpi ne, %convert_element_type3A_566, %cond3A_568 : i32
      scf.if %cond3A_569 {
        %dma_start3A_864 = arith.constant 0 : i32
        %dma_start3A_865 = tpu.memref_slice %arg15[%cond3A_567, %dma_start3A_864] : memref<8x64xi32, #tpu.memory_space<vmem>> -> memref<1x64xi32, #tpu.memory_space<vmem>>
        %dma_start3A_866 = tpu.memref_squeeze %dma_start3A_865 : memref<1x64xi32, #tpu.memory_space<vmem>> -> memref<64xi32, #tpu.memory_space<vmem>>
        %dma_start3A_867 = arith.constant 0 : i32
        %dma_start3A_868 = arith.constant 0 : i32
        %dma_start3A_869 = tpu.memref_slice %arg2[%dma_start3A_867, %dma_start3A_868] : memref<10240x128xf32, #tpu.memory_space<hbm>> -> memref<10240x128xf32, #tpu.memory_space<hbm>>
        tpu.enqueue_indirect_dma source(%dma_start3A_869 : memref<10240x128xf32, #tpu.memory_space<hbm>>) target(%arg19 : memref<64x128xf32, #tpu.memory_space<vmem>>) offsets(%dma_start3A_866 : memref<64xi32, #tpu.memory_space<vmem>>) semaphore(%arg24 : memref<!tpu.dma_semaphore, #tpu.memory_space<semaphore_mem>>)
      } else {
      }
      %dma_wait3A_570 = arith.constant 0 : i32
      %dma_wait3A_571 = arith.constant 0 : i32
      %dma_wait3A_572 = tpu.memref_slice %arg15[%dma_wait3A_570, %dma_wait3A_571] : memref<8x64xi32, #tpu.memory_space<vmem>> -> memref<1x64xi32, #tpu.memory_space<vmem>>
      %dma_wait3A_573 = tpu.memref_squeeze %dma_wait3A_572 : memref<1x64xi32, #tpu.memory_space<vmem>> -> memref<64xi32, #tpu.memory_space<vmem>>
      %dma_wait3A_574 = arith.constant 0 : i32
      %dma_wait3A_575 = arith.constant 0 : i32
      %dma_wait3A_576 = tpu.memref_slice %arg2[%dma_wait3A_574, %dma_wait3A_575] : memref<10240x128xf32, #tpu.memory_space<hbm>> -> memref<10240x128xf32, #tpu.memory_space<hbm>>
      tpu.wait_indirect_dma semaphore(%arg23 : memref<!tpu.dma_semaphore, #tpu.memory_space<semaphore_mem>>) src(%dma_wait3A_576 : memref<10240x128xf32, #tpu.memory_space<hbm>>) dst(%arg18 : memref<64x128xf32, #tpu.memory_space<vmem>>)
      %dma_start3A_577 = arith.constant 0 : i32
      %dma_start3A_578 = arith.constant 0 : i32
      %dma_start3A_579 = tpu.memref_slice %arg17[%dma_start3A_577, %dma_start3A_578] : memref<8x64xi32, #tpu.memory_space<vmem>> -> memref<1x64xi32, #tpu.memory_space<vmem>>
      %dma_start3A_580 = tpu.memref_squeeze %dma_start3A_579 : memref<1x64xi32, #tpu.memory_space<vmem>> -> memref<64xi32, #tpu.memory_space<vmem>>
      %dma_start3A_581 = arith.constant 0 : i32
      %dma_start3A_582 = arith.constant 0 : i32
      %dma_start3A_583 = tpu.memref_slice %arg8[%dma_start3A_581, %dma_start3A_582] : memref<10240x128xf32, #tpu.memory_space<vmem_shared>> -> memref<10240x128xf32, #tpu.memory_space<vmem_shared>>
      tpu.enqueue_indirect_dma source(%arg18 : memref<64x128xf32, #tpu.memory_space<vmem>>) target(%dma_start3A_583 : memref<10240x128xf32, #tpu.memory_space<vmem_shared>>) offsets(%dma_start3A_580 : memref<64xi32, #tpu.memory_space<vmem>>) semaphore(%arg25 : memref<!tpu.dma_semaphore, #tpu.memory_space<semaphore_mem>>) {add = true}
      %scan3A_584 = arith.constant 0 : i32
      %scan3A_585 = arith.constant 0 : i32
      %scan3A_586 = arith.constant 4 : i32
      %scan3A_587 = arith.addi %scan3A_585, %scan3A_586 : i32
      %scan3A_588 = arith.constant 1 : i32
      %scan3A_589 = scf.for %scan3A_864 = %scan3A_585 to %scan3A_587 step %scan3A_588 iter_args(%scan3A_865 = %scan3A_584) -> (i32)  : i32 {
        %mul3A_866 = arith.constant 16 : i32
        %mul3A_867 = arith.muli %scan3A_864, %mul3A_866 : i32
        %get3A = arith.constant 0 : i32
        %get3A_868 = arith.index_cast %get3A : i32 to index
        %get3A_869 = arith.index_cast %mul3A_867 : i32 to index
        %get3A_870 = tpu.vector_load %arg17[%get3A_868, %get3A_869] {strides = array<i32>} : memref<8x64xi32, #tpu.memory_space<vmem>>, vector<16xi32>,
        %gather3A = tpu.vector_load_idx %arg11[%get3A_870] : memref<10240xf32, #tpu.memory_space<vmem>>[vector<16xi32>], vector<16xf32>,
        %mul3A_871 = arith.constant 16 : i32
        %mul3A_872 = arith.muli %scan3A_864, %mul3A_871 : i32
        %get3A_873 = arith.constant 0 : i32
        %get3A_874 = arith.index_cast %get3A_873 : i32 to index
        %get3A_875 = arith.index_cast %mul3A_872 : i32 to index
        %get3A_876 = tpu.vector_load %arg15[%get3A_874, %get3A_875] {strides = array<i32>} : memref<8x64xi32, #tpu.memory_space<vmem>>, vector<16xi32>,
        %shift_right_logical3A = arith.shrui %get3A_876, %broadcast_in_dim3A_7 : vector<16xi32>
        %and3A_877 = arith.andi %get3A_876, %broadcast_in_dim3A_5 : vector<16xi32>
        tpu.vector_store_idx %arg10[%shift_right_logical3A, %and3A_877], %gather3A {add = true} : memref<80x128xf32, #tpu.memory_space<vmem>>[vector<16xi32>, vector<16xi32>], vector<16xf32>,
        %scan3A_878 = arith.constant 0 : i32
        scf.yield %scan3A_878 : i32
      }
      %scan3A_590 = arith.constant 4 : i32
      %mul3A_591 = arith.constant 8 : i32
      %mul3A_592 = arith.muli %add3A_546, %mul3A_591 : i32
      %add3A_593 = arith.constant 1 : i32
      %add3A_594 = arith.addi %mul3A_592, %add3A_593 : i32
      %gt3A_595 = arith.constant 0 : i32
      %gt3A_596 = arith.cmpi sgt, %add3A_594, %gt3A_595 : i32
      %convert_element_type3A_597 = arith.extui %gt3A_596 : i1 to i32
      %cond3A_598 = arith.constant 0 : i32
      %cond3A_599 = arith.constant 0 : i32
      %cond3A_600 = arith.cmpi ne, %convert_element_type3A_597, %cond3A_599 : i32
      scf.if %cond3A_600 {
        %dma_wait3A_864 = arith.constant 0 : i32
        %dma_wait3A_865 = tpu.memref_slice %arg17[%cond3A_598, %dma_wait3A_864] : memref<8x64xi32, #tpu.memory_space<vmem>> -> memref<1x64xi32, #tpu.memory_space<vmem>>
        %dma_wait3A_866 = tpu.memref_squeeze %dma_wait3A_865 : memref<1x64xi32, #tpu.memory_space<vmem>> -> memref<64xi32, #tpu.memory_space<vmem>>
        %dma_wait3A_867 = arith.constant 0 : i32
        %dma_wait3A_868 = arith.constant 0 : i32
        %dma_wait3A_869 = tpu.memref_slice %arg8[%dma_wait3A_867, %dma_wait3A_868] : memref<10240x128xf32, #tpu.memory_space<vmem_shared>> -> memref<10240x128xf32, #tpu.memory_space<vmem_shared>>
        tpu.wait_indirect_dma semaphore(%arg25 : memref<!tpu.dma_semaphore, #tpu.memory_space<semaphore_mem>>) src(%arg18 : memref<64x128xf32, #tpu.memory_space<vmem>>) dst(%dma_wait3A_869 : memref<10240x128xf32, #tpu.memory_space<vmem_shared>>)
      } else {
      }
      %add3A_601 = arith.constant 1 : i32
      %add3A_602 = arith.addi %add3A_594, %add3A_601 : i32
      %lt3A_603 = arith.cmpi slt, %add3A_602, %select_n3A : i32
      %convert_element_type3A_604 = arith.extui %lt3A_603 : i1 to i32
      %cond3A_605 = arith.constant 2 : i32
      %cond3A_606 = arith.constant 0 : i32
      %cond3A_607 = arith.cmpi ne, %convert_element_type3A_604, %cond3A_606 : i32
      scf.if %cond3A_607 {
        %dma_start3A_864 = arith.constant 0 : i32
        %dma_start3A_865 = tpu.memref_slice %arg15[%cond3A_605, %dma_start3A_864] : memref<8x64xi32, #tpu.memory_space<vmem>> -> memref<1x64xi32, #tpu.memory_space<vmem>>
        %dma_start3A_866 = tpu.memref_squeeze %dma_start3A_865 : memref<1x64xi32, #tpu.memory_space<vmem>> -> memref<64xi32, #tpu.memory_space<vmem>>
        %dma_start3A_867 = arith.constant 0 : i32
        %dma_start3A_868 = arith.constant 0 : i32
        %dma_start3A_869 = tpu.memref_slice %arg2[%dma_start3A_867, %dma_start3A_868] : memref<10240x128xf32, #tpu.memory_space<hbm>> -> memref<10240x128xf32, #tpu.memory_space<hbm>>
        tpu.enqueue_indirect_dma source(%dma_start3A_869 : memref<10240x128xf32, #tpu.memory_space<hbm>>) target(%arg18 : memref<64x128xf32, #tpu.memory_space<vmem>>) offsets(%dma_start3A_866 : memref<64xi32, #tpu.memory_space<vmem>>) semaphore(%arg23 : memref<!tpu.dma_semaphore, #tpu.memory_space<semaphore_mem>>)
      } else {
      }
      %dma_wait3A_608 = arith.constant 1 : i32
      %dma_wait3A_609 = arith.constant 0 : i32
      %dma_wait3A_610 = tpu.memref_slice %arg15[%dma_wait3A_608, %dma_wait3A_609] : memref<8x64xi32, #tpu.memory_space<vmem>> -> memref<1x64xi32, #tpu.memory_space<vmem>>
      %dma_wait3A_611 = tpu.memref_squeeze %dma_wait3A_610 : memref<1x64xi32, #tpu.memory_space<vmem>> -> memref<64xi32, #tpu.memory_space<vmem>>
      %dma_wait3A_612 = arith.constant 0 : i32
      %dma_wait3A_613 = arith.constant 0 : i32
      %dma_wait3A_614 = tpu.memref_slice %arg2[%dma_wait3A_612, %dma_wait3A_613] : memref<10240x128xf32, #tpu.memory_space<hbm>> -> memref<10240x128xf32, #tpu.memory_space<hbm>>
      tpu.wait_indirect_dma semaphore(%arg24 : memref<!tpu.dma_semaphore, #tpu.memory_space<semaphore_mem>>) src(%dma_wait3A_614 : memref<10240x128xf32, #tpu.memory_space<hbm>>) dst(%arg19 : memref<64x128xf32, #tpu.memory_space<vmem>>)
      %dma_start3A_615 = arith.constant 1 : i32
      %dma_start3A_616 = arith.constant 0 : i32
      %dma_start3A_617 = tpu.memref_slice %arg17[%dma_start3A_615, %dma_start3A_616] : memref<8x64xi32, #tpu.memory_space<vmem>> -> memref<1x64xi32, #tpu.memory_space<vmem>>
      %dma_start3A_618 = tpu.memref_squeeze %dma_start3A_617 : memref<1x64xi32, #tpu.memory_space<vmem>> -> memref<64xi32, #tpu.memory_space<vmem>>
      %dma_start3A_619 = arith.constant 0 : i32
      %dma_start3A_620 = arith.constant 0 : i32
      %dma_start3A_621 = tpu.memref_slice %arg8[%dma_start3A_619, %dma_start3A_620] : memref<10240x128xf32, #tpu.memory_space<vmem_shared>> -> memref<10240x128xf32, #tpu.memory_space<vmem_shared>>
      tpu.enqueue_indirect_dma source(%arg19 : memref<64x128xf32, #tpu.memory_space<vmem>>) target(%dma_start3A_621 : memref<10240x128xf32, #tpu.memory_space<vmem_shared>>) offsets(%dma_start3A_618 : memref<64xi32, #tpu.memory_space<vmem>>) semaphore(%arg26 : memref<!tpu.dma_semaphore, #tpu.memory_space<semaphore_mem>>) {add = true}
      %scan3A_622 = arith.constant 0 : i32
      %scan3A_623 = arith.constant 0 : i32
      %scan3A_624 = arith.constant 4 : i32
      %scan3A_625 = arith.addi %scan3A_623, %scan3A_624 : i32
      %scan3A_626 = arith.constant 1 : i32
      %scan3A_627 = scf.for %scan3A_864 = %scan3A_623 to %scan3A_625 step %scan3A_626 iter_args(%scan3A_865 = %scan3A_622) -> (i32)  : i32 {
        %mul3A_866 = arith.constant 16 : i32
        %mul3A_867 = arith.muli %scan3A_864, %mul3A_866 : i32
        %get3A = arith.constant 1 : i32
        %get3A_868 = arith.index_cast %get3A : i32 to index
        %get3A_869 = arith.index_cast %mul3A_867 : i32 to index
        %get3A_870 = tpu.vector_load %arg17[%get3A_868, %get3A_869] {strides = array<i32>} : memref<8x64xi32, #tpu.memory_space<vmem>>, vector<16xi32>,
        %gather3A = tpu.vector_load_idx %arg11[%get3A_870] : memref<10240xf32, #tpu.memory_space<vmem>>[vector<16xi32>], vector<16xf32>,
        %mul3A_871 = arith.constant 16 : i32
        %mul3A_872 = arith.muli %scan3A_864, %mul3A_871 : i32
        %get3A_873 = arith.constant 1 : i32
        %get3A_874 = arith.index_cast %get3A_873 : i32 to index
        %get3A_875 = arith.index_cast %mul3A_872 : i32 to index
        %get3A_876 = tpu.vector_load %arg15[%get3A_874, %get3A_875] {strides = array<i32>} : memref<8x64xi32, #tpu.memory_space<vmem>>, vector<16xi32>,
        %shift_right_logical3A = arith.shrui %get3A_876, %broadcast_in_dim3A_7 : vector<16xi32>
        %and3A_877 = arith.andi %get3A_876, %broadcast_in_dim3A_5 : vector<16xi32>
        tpu.vector_store_idx %arg10[%shift_right_logical3A, %and3A_877], %gather3A {add = true} : memref<80x128xf32, #tpu.memory_space<vmem>>[vector<16xi32>, vector<16xi32>], vector<16xf32>,
        %scan3A_878 = arith.constant 0 : i32
        scf.yield %scan3A_878 : i32
      }
      %scan3A_628 = arith.constant 4 : i32
      %mul3A_629 = arith.constant 8 : i32
      %mul3A_630 = arith.muli %add3A_546, %mul3A_629 : i32
      %add3A_631 = arith.constant 2 : i32
      %add3A_632 = arith.addi %mul3A_630, %add3A_631 : i32
      %gt3A_633 = arith.constant 0 : i32
      %gt3A_634 = arith.cmpi sgt, %add3A_632, %gt3A_633 : i32
      %convert_element_type3A_635 = arith.extui %gt3A_634 : i1 to i32
      %cond3A_636 = arith.constant 1 : i32
      %cond3A_637 = arith.constant 0 : i32
      %cond3A_638 = arith.cmpi ne, %convert_element_type3A_635, %cond3A_637 : i32
      scf.if %cond3A_638 {
        %dma_wait3A_864 = arith.constant 0 : i32
        %dma_wait3A_865 = tpu.memref_slice %arg17[%cond3A_636, %dma_wait3A_864] : memref<8x64xi32, #tpu.memory_space<vmem>> -> memref<1x64xi32, #tpu.memory_space<vmem>>
        %dma_wait3A_866 = tpu.memref_squeeze %dma_wait3A_865 : memref<1x64xi32, #tpu.memory_space<vmem>> -> memref<64xi32, #tpu.memory_space<vmem>>
        %dma_wait3A_867 = arith.constant 0 : i32
        %dma_wait3A_868 = arith.constant 0 : i32
        %dma_wait3A_869 = tpu.memref_slice %arg8[%dma_wait3A_867, %dma_wait3A_868] : memref<10240x128xf32, #tpu.memory_space<vmem_shared>> -> memref<10240x128xf32, #tpu.memory_space<vmem_shared>>
        tpu.wait_indirect_dma semaphore(%arg26 : memref<!tpu.dma_semaphore, #tpu.memory_space<semaphore_mem>>) src(%arg19 : memref<64x128xf32, #tpu.memory_space<vmem>>) dst(%dma_wait3A_869 : memref<10240x128xf32, #tpu.memory_space<vmem_shared>>)
      } else {
      }
      %add3A_639 = arith.constant 1 : i32
      %add3A_640 = arith.addi %add3A_632, %add3A_639 : i32
      %lt3A_641 = arith.cmpi slt, %add3A_640, %select_n3A : i32
      %convert_element_type3A_642 = arith.extui %lt3A_641 : i1 to i32
      %cond3A_643 = arith.constant 3 : i32
      %cond3A_644 = arith.constant 0 : i32
      %cond3A_645 = arith.cmpi ne, %convert_element_type3A_642, %cond3A_644 : i32
      scf.if %cond3A_645 {
        %dma_start3A_864 = arith.constant 0 : i32
        %dma_start3A_865 = tpu.memref_slice %arg15[%cond3A_643, %dma_start3A_864] : memref<8x64xi32, #tpu.memory_space<vmem>> -> memref<1x64xi32, #tpu.memory_space<vmem>>
        %dma_start3A_866 = tpu.memref_squeeze %dma_start3A_865 : memref<1x64xi32, #tpu.memory_space<vmem>> -> memref<64xi32, #tpu.memory_space<vmem>>
        %dma_start3A_867 = arith.constant 0 : i32
        %dma_start3A_868 = arith.constant 0 : i32
        %dma_start3A_869 = tpu.memref_slice %arg2[%dma_start3A_867, %dma_start3A_868] : memref<10240x128xf32, #tpu.memory_space<hbm>> -> memref<10240x128xf32, #tpu.memory_space<hbm>>
        tpu.enqueue_indirect_dma source(%dma_start3A_869 : memref<10240x128xf32, #tpu.memory_space<hbm>>) target(%arg19 : memref<64x128xf32, #tpu.memory_space<vmem>>) offsets(%dma_start3A_866 : memref<64xi32, #tpu.memory_space<vmem>>) semaphore(%arg24 : memref<!tpu.dma_semaphore, #tpu.memory_space<semaphore_mem>>)
      } else {
      }
      %dma_wait3A_646 = arith.constant 2 : i32
      %dma_wait3A_647 = arith.constant 0 : i32
      %dma_wait3A_648 = tpu.memref_slice %arg15[%dma_wait3A_646, %dma_wait3A_647] : memref<8x64xi32, #tpu.memory_space<vmem>> -> memref<1x64xi32, #tpu.memory_space<vmem>>
      %dma_wait3A_649 = tpu.memref_squeeze %dma_wait3A_648 : memref<1x64xi32, #tpu.memory_space<vmem>> -> memref<64xi32, #tpu.memory_space<vmem>>
      %dma_wait3A_650 = arith.constant 0 : i32
      %dma_wait3A_651 = arith.constant 0 : i32
      %dma_wait3A_652 = tpu.memref_slice %arg2[%dma_wait3A_650, %dma_wait3A_651] : memref<10240x128xf32, #tpu.memory_space<hbm>> -> memref<10240x128xf32, #tpu.memory_space<hbm>>
      tpu.wait_indirect_dma semaphore(%arg23 : memref<!tpu.dma_semaphore, #tpu.memory_space<semaphore_mem>>) src(%dma_wait3A_652 : memref<10240x128xf32, #tpu.memory_space<hbm>>) dst(%arg18 : memref<64x128xf32, #tpu.memory_space<vmem>>)
      %dma_start3A_653 = arith.constant 2 : i32
      %dma_start3A_654 = arith.constant 0 : i32
      %dma_start3A_655 = tpu.memref_slice %arg17[%dma_start3A_653, %dma_start3A_654] : memref<8x64xi32, #tpu.memory_space<vmem>> -> memref<1x64xi32, #tpu.memory_space<vmem>>
      %dma_start3A_656 = tpu.memref_squeeze %dma_start3A_655 : memref<1x64xi32, #tpu.memory_space<vmem>> -> memref<64xi32, #tpu.memory_space<vmem>>
      %dma_start3A_657 = arith.constant 0 : i32
      %dma_start3A_658 = arith.constant 0 : i32
      %dma_start3A_659 = tpu.memref_slice %arg8[%dma_start3A_657, %dma_start3A_658] : memref<10240x128xf32, #tpu.memory_space<vmem_shared>> -> memref<10240x128xf32, #tpu.memory_space<vmem_shared>>
      tpu.enqueue_indirect_dma source(%arg18 : memref<64x128xf32, #tpu.memory_space<vmem>>) target(%dma_start3A_659 : memref<10240x128xf32, #tpu.memory_space<vmem_shared>>) offsets(%dma_start3A_656 : memref<64xi32, #tpu.memory_space<vmem>>) semaphore(%arg25 : memref<!tpu.dma_semaphore, #tpu.memory_space<semaphore_mem>>) {add = true}
      %scan3A_660 = arith.constant 0 : i32
      %scan3A_661 = arith.constant 0 : i32
      %scan3A_662 = arith.constant 4 : i32
      %scan3A_663 = arith.addi %scan3A_661, %scan3A_662 : i32
      %scan3A_664 = arith.constant 1 : i32
      %scan3A_665 = scf.for %scan3A_864 = %scan3A_661 to %scan3A_663 step %scan3A_664 iter_args(%scan3A_865 = %scan3A_660) -> (i32)  : i32 {
        %mul3A_866 = arith.constant 16 : i32
        %mul3A_867 = arith.muli %scan3A_864, %mul3A_866 : i32
        %get3A = arith.constant 2 : i32
        %get3A_868 = arith.index_cast %get3A : i32 to index
        %get3A_869 = arith.index_cast %mul3A_867 : i32 to index
        %get3A_870 = tpu.vector_load %arg17[%get3A_868, %get3A_869] {strides = array<i32>} : memref<8x64xi32, #tpu.memory_space<vmem>>, vector<16xi32>,
        %gather3A = tpu.vector_load_idx %arg11[%get3A_870] : memref<10240xf32, #tpu.memory_space<vmem>>[vector<16xi32>], vector<16xf32>,
        %mul3A_871 = arith.constant 16 : i32
        %mul3A_872 = arith.muli %scan3A_864, %mul3A_871 : i32
        %get3A_873 = arith.constant 2 : i32
        %get3A_874 = arith.index_cast %get3A_873 : i32 to index
        %get3A_875 = arith.index_cast %mul3A_872 : i32 to index
        %get3A_876 = tpu.vector_load %arg15[%get3A_874, %get3A_875] {strides = array<i32>} : memref<8x64xi32, #tpu.memory_space<vmem>>, vector<16xi32>,
        %shift_right_logical3A = arith.shrui %get3A_876, %broadcast_in_dim3A_7 : vector<16xi32>
        %and3A_877 = arith.andi %get3A_876, %broadcast_in_dim3A_5 : vector<16xi32>
        tpu.vector_store_idx %arg10[%shift_right_logical3A, %and3A_877], %gather3A {add = true} : memref<80x128xf32, #tpu.memory_space<vmem>>[vector<16xi32>, vector<16xi32>], vector<16xf32>,
        %scan3A_878 = arith.constant 0 : i32
        scf.yield %scan3A_878 : i32
      }
      %scan3A_666 = arith.constant 4 : i32
      %mul3A_667 = arith.constant 8 : i32
      %mul3A_668 = arith.muli %add3A_546, %mul3A_667 : i32
      %add3A_669 = arith.constant 3 : i32
      %add3A_670 = arith.addi %mul3A_668, %add3A_669 : i32
      %gt3A_671 = arith.constant 0 : i32
      %gt3A_672 = arith.cmpi sgt, %add3A_670, %gt3A_671 : i32
      %convert_element_type3A_673 = arith.extui %gt3A_672 : i1 to i32
      %cond3A_674 = arith.constant 2 : i32
      %cond3A_675 = arith.constant 0 : i32
      %cond3A_676 = arith.cmpi ne, %convert_element_type3A_673, %cond3A_675 : i32
      scf.if %cond3A_676 {
        %dma_wait3A_864 = arith.constant 0 : i32
        %dma_wait3A_865 = tpu.memref_slice %arg17[%cond3A_674, %dma_wait3A_864] : memref<8x64xi32, #tpu.memory_space<vmem>> -> memref<1x64xi32, #tpu.memory_space<vmem>>
        %dma_wait3A_866 = tpu.memref_squeeze %dma_wait3A_865 : memref<1x64xi32, #tpu.memory_space<vmem>> -> memref<64xi32, #tpu.memory_space<vmem>>
        %dma_wait3A_867 = arith.constant 0 : i32
        %dma_wait3A_868 = arith.constant 0 : i32
        %dma_wait3A_869 = tpu.memref_slice %arg8[%dma_wait3A_867, %dma_wait3A_868] : memref<10240x128xf32, #tpu.memory_space<vmem_shared>> -> memref<10240x128xf32, #tpu.memory_space<vmem_shared>>
        tpu.wait_indirect_dma semaphore(%arg25 : memref<!tpu.dma_semaphore, #tpu.memory_space<semaphore_mem>>) src(%arg18 : memref<64x128xf32, #tpu.memory_space<vmem>>) dst(%dma_wait3A_869 : memref<10240x128xf32, #tpu.memory_space<vmem_shared>>)
      } else {
      }
      %add3A_677 = arith.constant 1 : i32
      %add3A_678 = arith.addi %add3A_670, %add3A_677 : i32
      %lt3A_679 = arith.cmpi slt, %add3A_678, %select_n3A : i32
      %convert_element_type3A_680 = arith.extui %lt3A_679 : i1 to i32
      %cond3A_681 = arith.constant 4 : i32
      %cond3A_682 = arith.constant 0 : i32
      %cond3A_683 = arith.cmpi ne, %convert_element_type3A_680, %cond3A_682 : i32
      scf.if %cond3A_683 {
        %dma_start3A_864 = arith.constant 0 : i32
        %dma_start3A_865 = tpu.memref_slice %arg15[%cond3A_681, %dma_start3A_864] : memref<8x64xi32, #tpu.memory_space<vmem>> -> memref<1x64xi32, #tpu.memory_space<vmem>>
        %dma_start3A_866 = tpu.memref_squeeze %dma_start3A_865 : memref<1x64xi32, #tpu.memory_space<vmem>> -> memref<64xi32, #tpu.memory_space<vmem>>
        %dma_start3A_867 = arith.constant 0 : i32
        %dma_start3A_868 = arith.constant 0 : i32
        %dma_start3A_869 = tpu.memref_slice %arg2[%dma_start3A_867, %dma_start3A_868] : memref<10240x128xf32, #tpu.memory_space<hbm>> -> memref<10240x128xf32, #tpu.memory_space<hbm>>
        tpu.enqueue_indirect_dma source(%dma_start3A_869 : memref<10240x128xf32, #tpu.memory_space<hbm>>) target(%arg18 : memref<64x128xf32, #tpu.memory_space<vmem>>) offsets(%dma_start3A_866 : memref<64xi32, #tpu.memory_space<vmem>>) semaphore(%arg23 : memref<!tpu.dma_semaphore, #tpu.memory_space<semaphore_mem>>)
      } else {
      }
      %dma_wait3A_684 = arith.constant 3 : i32
      %dma_wait3A_685 = arith.constant 0 : i32
      %dma_wait3A_686 = tpu.memref_slice %arg15[%dma_wait3A_684, %dma_wait3A_685] : memref<8x64xi32, #tpu.memory_space<vmem>> -> memref<1x64xi32, #tpu.memory_space<vmem>>
      %dma_wait3A_687 = tpu.memref_squeeze %dma_wait3A_686 : memref<1x64xi32, #tpu.memory_space<vmem>> -> memref<64xi32, #tpu.memory_space<vmem>>
      %dma_wait3A_688 = arith.constant 0 : i32
      %dma_wait3A_689 = arith.constant 0 : i32
      %dma_wait3A_690 = tpu.memref_slice %arg2[%dma_wait3A_688, %dma_wait3A_689] : memref<10240x128xf32, #tpu.memory_space<hbm>> -> memref<10240x128xf32, #tpu.memory_space<hbm>>
      tpu.wait_indirect_dma semaphore(%arg24 : memref<!tpu.dma_semaphore, #tpu.memory_space<semaphore_mem>>) src(%dma_wait3A_690 : memref<10240x128xf32, #tpu.memory_space<hbm>>) dst(%arg19 : memref<64x128xf32, #tpu.memory_space<vmem>>)
      %dma_start3A_691 = arith.constant 3 : i32
      %dma_start3A_692 = arith.constant 0 : i32
      %dma_start3A_693 = tpu.memref_slice %arg17[%dma_start3A_691, %dma_start3A_692] : memref<8x64xi32, #tpu.memory_space<vmem>> -> memref<1x64xi32, #tpu.memory_space<vmem>>
      %dma_start3A_694 = tpu.memref_squeeze %dma_start3A_693 : memref<1x64xi32, #tpu.memory_space<vmem>> -> memref<64xi32, #tpu.memory_space<vmem>>
      %dma_start3A_695 = arith.constant 0 : i32
      %dma_start3A_696 = arith.constant 0 : i32
      %dma_start3A_697 = tpu.memref_slice %arg8[%dma_start3A_695, %dma_start3A_696] : memref<10240x128xf32, #tpu.memory_space<vmem_shared>> -> memref<10240x128xf32, #tpu.memory_space<vmem_shared>>
      tpu.enqueue_indirect_dma source(%arg19 : memref<64x128xf32, #tpu.memory_space<vmem>>) target(%dma_start3A_697 : memref<10240x128xf32, #tpu.memory_space<vmem_shared>>) offsets(%dma_start3A_694 : memref<64xi32, #tpu.memory_space<vmem>>) semaphore(%arg26 : memref<!tpu.dma_semaphore, #tpu.memory_space<semaphore_mem>>) {add = true}
      %scan3A_698 = arith.constant 0 : i32
      %scan3A_699 = arith.constant 0 : i32
      %scan3A_700 = arith.constant 4 : i32
      %scan3A_701 = arith.addi %scan3A_699, %scan3A_700 : i32
      %scan3A_702 = arith.constant 1 : i32
      %scan3A_703 = scf.for %scan3A_864 = %scan3A_699 to %scan3A_701 step %scan3A_702 iter_args(%scan3A_865 = %scan3A_698) -> (i32)  : i32 {
        %mul3A_866 = arith.constant 16 : i32
        %mul3A_867 = arith.muli %scan3A_864, %mul3A_866 : i32
        %get3A = arith.constant 3 : i32
        %get3A_868 = arith.index_cast %get3A : i32 to index
        %get3A_869 = arith.index_cast %mul3A_867 : i32 to index
        %get3A_870 = tpu.vector_load %arg17[%get3A_868, %get3A_869] {strides = array<i32>} : memref<8x64xi32, #tpu.memory_space<vmem>>, vector<16xi32>,
        %gather3A = tpu.vector_load_idx %arg11[%get3A_870] : memref<10240xf32, #tpu.memory_space<vmem>>[vector<16xi32>], vector<16xf32>,
        %mul3A_871 = arith.constant 16 : i32
        %mul3A_872 = arith.muli %scan3A_864, %mul3A_871 : i32
        %get3A_873 = arith.constant 3 : i32
        %get3A_874 = arith.index_cast %get3A_873 : i32 to index
        %get3A_875 = arith.index_cast %mul3A_872 : i32 to index
        %get3A_876 = tpu.vector_load %arg15[%get3A_874, %get3A_875] {strides = array<i32>} : memref<8x64xi32, #tpu.memory_space<vmem>>, vector<16xi32>,
        %shift_right_logical3A = arith.shrui %get3A_876, %broadcast_in_dim3A_7 : vector<16xi32>
        %and3A_877 = arith.andi %get3A_876, %broadcast_in_dim3A_5 : vector<16xi32>
        tpu.vector_store_idx %arg10[%shift_right_logical3A, %and3A_877], %gather3A {add = true} : memref<80x128xf32, #tpu.memory_space<vmem>>[vector<16xi32>, vector<16xi32>], vector<16xf32>,
        %scan3A_878 = arith.constant 0 : i32
        scf.yield %scan3A_878 : i32
      }
      %scan3A_704 = arith.constant 4 : i32
      %mul3A_705 = arith.constant 8 : i32
      %mul3A_706 = arith.muli %add3A_546, %mul3A_705 : i32
      %add3A_707 = arith.constant 4 : i32
      %add3A_708 = arith.addi %mul3A_706, %add3A_707 : i32
      %gt3A_709 = arith.constant 0 : i32
      %gt3A_710 = arith.cmpi sgt, %add3A_708, %gt3A_709 : i32
      %convert_element_type3A_711 = arith.extui %gt3A_710 : i1 to i32
      %cond3A_712 = arith.constant 3 : i32
      %cond3A_713 = arith.constant 0 : i32
      %cond3A_714 = arith.cmpi ne, %convert_element_type3A_711, %cond3A_713 : i32
      scf.if %cond3A_714 {
        %dma_wait3A_864 = arith.constant 0 : i32
        %dma_wait3A_865 = tpu.memref_slice %arg17[%cond3A_712, %dma_wait3A_864] : memref<8x64xi32, #tpu.memory_space<vmem>> -> memref<1x64xi32, #tpu.memory_space<vmem>>
        %dma_wait3A_866 = tpu.memref_squeeze %dma_wait3A_865 : memref<1x64xi32, #tpu.memory_space<vmem>> -> memref<64xi32, #tpu.memory_space<vmem>>
        %dma_wait3A_867 = arith.constant 0 : i32
        %dma_wait3A_868 = arith.constant 0 : i32
        %dma_wait3A_869 = tpu.memref_slice %arg8[%dma_wait3A_867, %dma_wait3A_868] : memref<10240x128xf32, #tpu.memory_space<vmem_shared>> -> memref<10240x128xf32, #tpu.memory_space<vmem_shared>>
        tpu.wait_indirect_dma semaphore(%arg26 : memref<!tpu.dma_semaphore, #tpu.memory_space<semaphore_mem>>) src(%arg19 : memref<64x128xf32, #tpu.memory_space<vmem>>) dst(%dma_wait3A_869 : memref<10240x128xf32, #tpu.memory_space<vmem_shared>>)
      } else {
      }
      %add3A_715 = arith.constant 1 : i32
      %add3A_716 = arith.addi %add3A_708, %add3A_715 : i32
      %lt3A_717 = arith.cmpi slt, %add3A_716, %select_n3A : i32
      %convert_element_type3A_718 = arith.extui %lt3A_717 : i1 to i32
      %cond3A_719 = arith.constant 5 : i32
      %cond3A_720 = arith.constant 0 : i32
      %cond3A_721 = arith.cmpi ne, %convert_element_type3A_718, %cond3A_720 : i32
      scf.if %cond3A_721 {
        %dma_start3A_864 = arith.constant 0 : i32
        %dma_start3A_865 = tpu.memref_slice %arg15[%cond3A_719, %dma_start3A_864] : memref<8x64xi32, #tpu.memory_space<vmem>> -> memref<1x64xi32, #tpu.memory_space<vmem>>
        %dma_start3A_866 = tpu.memref_squeeze %dma_start3A_865 : memref<1x64xi32, #tpu.memory_space<vmem>> -> memref<64xi32, #tpu.memory_space<vmem>>
        %dma_start3A_867 = arith.constant 0 : i32
        %dma_start3A_868 = arith.constant 0 : i32
        %dma_start3A_869 = tpu.memref_slice %arg2[%dma_start3A_867, %dma_start3A_868] : memref<10240x128xf32, #tpu.memory_space<hbm>> -> memref<10240x128xf32, #tpu.memory_space<hbm>>
        tpu.enqueue_indirect_dma source(%dma_start3A_869 : memref<10240x128xf32, #tpu.memory_space<hbm>>) target(%arg19 : memref<64x128xf32, #tpu.memory_space<vmem>>) offsets(%dma_start3A_866 : memref<64xi32, #tpu.memory_space<vmem>>) semaphore(%arg24 : memref<!tpu.dma_semaphore, #tpu.memory_space<semaphore_mem>>)
      } else {
      }
      %dma_wait3A_722 = arith.constant 4 : i32
      %dma_wait3A_723 = arith.constant 0 : i32
      %dma_wait3A_724 = tpu.memref_slice %arg15[%dma_wait3A_722, %dma_wait3A_723] : memref<8x64xi32, #tpu.memory_space<vmem>> -> memref<1x64xi32, #tpu.memory_space<vmem>>
      %dma_wait3A_725 = tpu.memref_squeeze %dma_wait3A_724 : memref<1x64xi32, #tpu.memory_space<vmem>> -> memref<64xi32, #tpu.memory_space<vmem>>
      %dma_wait3A_726 = arith.constant 0 : i32
      %dma_wait3A_727 = arith.constant 0 : i32
      %dma_wait3A_728 = tpu.memref_slice %arg2[%dma_wait3A_726, %dma_wait3A_727] : memref<10240x128xf32, #tpu.memory_space<hbm>> -> memref<10240x128xf32, #tpu.memory_space<hbm>>
      tpu.wait_indirect_dma semaphore(%arg23 : memref<!tpu.dma_semaphore, #tpu.memory_space<semaphore_mem>>) src(%dma_wait3A_728 : memref<10240x128xf32, #tpu.memory_space<hbm>>) dst(%arg18 : memref<64x128xf32, #tpu.memory_space<vmem>>)
      %dma_start3A_729 = arith.constant 4 : i32
      %dma_start3A_730 = arith.constant 0 : i32
      %dma_start3A_731 = tpu.memref_slice %arg17[%dma_start3A_729, %dma_start3A_730] : memref<8x64xi32, #tpu.memory_space<vmem>> -> memref<1x64xi32, #tpu.memory_space<vmem>>
      %dma_start3A_732 = tpu.memref_squeeze %dma_start3A_731 : memref<1x64xi32, #tpu.memory_space<vmem>> -> memref<64xi32, #tpu.memory_space<vmem>>
      %dma_start3A_733 = arith.constant 0 : i32
      %dma_start3A_734 = arith.constant 0 : i32
      %dma_start3A_735 = tpu.memref_slice %arg8[%dma_start3A_733, %dma_start3A_734] : memref<10240x128xf32, #tpu.memory_space<vmem_shared>> -> memref<10240x128xf32, #tpu.memory_space<vmem_shared>>
      tpu.enqueue_indirect_dma source(%arg18 : memref<64x128xf32, #tpu.memory_space<vmem>>) target(%dma_start3A_735 : memref<10240x128xf32, #tpu.memory_space<vmem_shared>>) offsets(%dma_start3A_732 : memref<64xi32, #tpu.memory_space<vmem>>) semaphore(%arg25 : memref<!tpu.dma_semaphore, #tpu.memory_space<semaphore_mem>>) {add = true}
      %scan3A_736 = arith.constant 0 : i32
      %scan3A_737 = arith.constant 0 : i32
      %scan3A_738 = arith.constant 4 : i32
      %scan3A_739 = arith.addi %scan3A_737, %scan3A_738 : i32
      %scan3A_740 = arith.constant 1 : i32
      %scan3A_741 = scf.for %scan3A_864 = %scan3A_737 to %scan3A_739 step %scan3A_740 iter_args(%scan3A_865 = %scan3A_736) -> (i32)  : i32 {
        %mul3A_866 = arith.constant 16 : i32
        %mul3A_867 = arith.muli %scan3A_864, %mul3A_866 : i32
        %get3A = arith.constant 4 : i32
        %get3A_868 = arith.index_cast %get3A : i32 to index
        %get3A_869 = arith.index_cast %mul3A_867 : i32 to index
        %get3A_870 = tpu.vector_load %arg17[%get3A_868, %get3A_869] {strides = array<i32>} : memref<8x64xi32, #tpu.memory_space<vmem>>, vector<16xi32>,
        %gather3A = tpu.vector_load_idx %arg11[%get3A_870] : memref<10240xf32, #tpu.memory_space<vmem>>[vector<16xi32>], vector<16xf32>,
        %mul3A_871 = arith.constant 16 : i32
        %mul3A_872 = arith.muli %scan3A_864, %mul3A_871 : i32
        %get3A_873 = arith.constant 4 : i32
        %get3A_874 = arith.index_cast %get3A_873 : i32 to index
        %get3A_875 = arith.index_cast %mul3A_872 : i32 to index
        %get3A_876 = tpu.vector_load %arg15[%get3A_874, %get3A_875] {strides = array<i32>} : memref<8x64xi32, #tpu.memory_space<vmem>>, vector<16xi32>,
        %shift_right_logical3A = arith.shrui %get3A_876, %broadcast_in_dim3A_7 : vector<16xi32>
        %and3A_877 = arith.andi %get3A_876, %broadcast_in_dim3A_5 : vector<16xi32>
        tpu.vector_store_idx %arg10[%shift_right_logical3A, %and3A_877], %gather3A {add = true} : memref<80x128xf32, #tpu.memory_space<vmem>>[vector<16xi32>, vector<16xi32>], vector<16xf32>,
        %scan3A_878 = arith.constant 0 : i32
        scf.yield %scan3A_878 : i32
      }
      %scan3A_742 = arith.constant 4 : i32
      %mul3A_743 = arith.constant 8 : i32
      %mul3A_744 = arith.muli %add3A_546, %mul3A_743 : i32
      %add3A_745 = arith.constant 5 : i32
      %add3A_746 = arith.addi %mul3A_744, %add3A_745 : i32
      %gt3A_747 = arith.constant 0 : i32
      %gt3A_748 = arith.cmpi sgt, %add3A_746, %gt3A_747 : i32
      %convert_element_type3A_749 = arith.extui %gt3A_748 : i1 to i32
      %cond3A_750 = arith.constant 4 : i32
      %cond3A_751 = arith.constant 0 : i32
      %cond3A_752 = arith.cmpi ne, %convert_element_type3A_749, %cond3A_751 : i32
      scf.if %cond3A_752 {
        %dma_wait3A_864 = arith.constant 0 : i32
        %dma_wait3A_865 = tpu.memref_slice %arg17[%cond3A_750, %dma_wait3A_864] : memref<8x64xi32, #tpu.memory_space<vmem>> -> memref<1x64xi32, #tpu.memory_space<vmem>>
        %dma_wait3A_866 = tpu.memref_squeeze %dma_wait3A_865 : memref<1x64xi32, #tpu.memory_space<vmem>> -> memref<64xi32, #tpu.memory_space<vmem>>
        %dma_wait3A_867 = arith.constant 0 : i32
        %dma_wait3A_868 = arith.constant 0 : i32
        %dma_wait3A_869 = tpu.memref_slice %arg8[%dma_wait3A_867, %dma_wait3A_868] : memref<10240x128xf32, #tpu.memory_space<vmem_shared>> -> memref<10240x128xf32, #tpu.memory_space<vmem_shared>>
        tpu.wait_indirect_dma semaphore(%arg25 : memref<!tpu.dma_semaphore, #tpu.memory_space<semaphore_mem>>) src(%arg18 : memref<64x128xf32, #tpu.memory_space<vmem>>) dst(%dma_wait3A_869 : memref<10240x128xf32, #tpu.memory_space<vmem_shared>>)
      } else {
      }
      %add3A_753 = arith.constant 1 : i32
      %add3A_754 = arith.addi %add3A_746, %add3A_753 : i32
      %lt3A_755 = arith.cmpi slt, %add3A_754, %select_n3A : i32
      %convert_element_type3A_756 = arith.extui %lt3A_755 : i1 to i32
      %cond3A_757 = arith.constant 6 : i32
      %cond3A_758 = arith.constant 0 : i32
      %cond3A_759 = arith.cmpi ne, %convert_element_type3A_756, %cond3A_758 : i32
      scf.if %cond3A_759 {
        %dma_start3A_864 = arith.constant 0 : i32
        %dma_start3A_865 = tpu.memref_slice %arg15[%cond3A_757, %dma_start3A_864] : memref<8x64xi32, #tpu.memory_space<vmem>> -> memref<1x64xi32, #tpu.memory_space<vmem>>
        %dma_start3A_866 = tpu.memref_squeeze %dma_start3A_865 : memref<1x64xi32, #tpu.memory_space<vmem>> -> memref<64xi32, #tpu.memory_space<vmem>>
        %dma_start3A_867 = arith.constant 0 : i32
        %dma_start3A_868 = arith.constant 0 : i32
        %dma_start3A_869 = tpu.memref_slice %arg2[%dma_start3A_867, %dma_start3A_868] : memref<10240x128xf32, #tpu.memory_space<hbm>> -> memref<10240x128xf32, #tpu.memory_space<hbm>>
        tpu.enqueue_indirect_dma source(%dma_start3A_869 : memref<10240x128xf32, #tpu.memory_space<hbm>>) target(%arg18 : memref<64x128xf32, #tpu.memory_space<vmem>>) offsets(%dma_start3A_866 : memref<64xi32, #tpu.memory_space<vmem>>) semaphore(%arg23 : memref<!tpu.dma_semaphore, #tpu.memory_space<semaphore_mem>>)
      } else {
      }
      %dma_wait3A_760 = arith.constant 5 : i32
      %dma_wait3A_761 = arith.constant 0 : i32
      %dma_wait3A_762 = tpu.memref_slice %arg15[%dma_wait3A_760, %dma_wait3A_761] : memref<8x64xi32, #tpu.memory_space<vmem>> -> memref<1x64xi32, #tpu.memory_space<vmem>>
      %dma_wait3A_763 = tpu.memref_squeeze %dma_wait3A_762 : memref<1x64xi32, #tpu.memory_space<vmem>> -> memref<64xi32, #tpu.memory_space<vmem>>
      %dma_wait3A_764 = arith.constant 0 : i32
      %dma_wait3A_765 = arith.constant 0 : i32
      %dma_wait3A_766 = tpu.memref_slice %arg2[%dma_wait3A_764, %dma_wait3A_765] : memref<10240x128xf32, #tpu.memory_space<hbm>> -> memref<10240x128xf32, #tpu.memory_space<hbm>>
      tpu.wait_indirect_dma semaphore(%arg24 : memref<!tpu.dma_semaphore, #tpu.memory_space<semaphore_mem>>) src(%dma_wait3A_766 : memref<10240x128xf32, #tpu.memory_space<hbm>>) dst(%arg19 : memref<64x128xf32, #tpu.memory_space<vmem>>)
      %dma_start3A_767 = arith.constant 5 : i32
      %dma_start3A_768 = arith.constant 0 : i32
      %dma_start3A_769 = tpu.memref_slice %arg17[%dma_start3A_767, %dma_start3A_768] : memref<8x64xi32, #tpu.memory_space<vmem>> -> memref<1x64xi32, #tpu.memory_space<vmem>>
      %dma_start3A_770 = tpu.memref_squeeze %dma_start3A_769 : memref<1x64xi32, #tpu.memory_space<vmem>> -> memref<64xi32, #tpu.memory_space<vmem>>
      %dma_start3A_771 = arith.constant 0 : i32
      %dma_start3A_772 = arith.constant 0 : i32
      %dma_start3A_773 = tpu.memref_slice %arg8[%dma_start3A_771, %dma_start3A_772] : memref<10240x128xf32, #tpu.memory_space<vmem_shared>> -> memref<10240x128xf32, #tpu.memory_space<vmem_shared>>
      tpu.enqueue_indirect_dma source(%arg19 : memref<64x128xf32, #tpu.memory_space<vmem>>) target(%dma_start3A_773 : memref<10240x128xf32, #tpu.memory_space<vmem_shared>>) offsets(%dma_start3A_770 : memref<64xi32, #tpu.memory_space<vmem>>) semaphore(%arg26 : memref<!tpu.dma_semaphore, #tpu.memory_space<semaphore_mem>>) {add = true}
      %scan3A_774 = arith.constant 0 : i32
      %scan3A_775 = arith.constant 0 : i32
      %scan3A_776 = arith.constant 4 : i32
      %scan3A_777 = arith.addi %scan3A_775, %scan3A_776 : i32
      %scan3A_778 = arith.constant 1 : i32
      %scan3A_779 = scf.for %scan3A_864 = %scan3A_775 to %scan3A_777 step %scan3A_778 iter_args(%scan3A_865 = %scan3A_774) -> (i32)  : i32 {
        %mul3A_866 = arith.constant 16 : i32
        %mul3A_867 = arith.muli %scan3A_864, %mul3A_866 : i32
        %get3A = arith.constant 5 : i32
        %get3A_868 = arith.index_cast %get3A : i32 to index
        %get3A_869 = arith.index_cast %mul3A_867 : i32 to index
        %get3A_870 = tpu.vector_load %arg17[%get3A_868, %get3A_869] {strides = array<i32>} : memref<8x64xi32, #tpu.memory_space<vmem>>, vector<16xi32>,
        %gather3A = tpu.vector_load_idx %arg11[%get3A_870] : memref<10240xf32, #tpu.memory_space<vmem>>[vector<16xi32>], vector<16xf32>,
        %mul3A_871 = arith.constant 16 : i32
        %mul3A_872 = arith.muli %scan3A_864, %mul3A_871 : i32
        %get3A_873 = arith.constant 5 : i32
        %get3A_874 = arith.index_cast %get3A_873 : i32 to index
        %get3A_875 = arith.index_cast %mul3A_872 : i32 to index
        %get3A_876 = tpu.vector_load %arg15[%get3A_874, %get3A_875] {strides = array<i32>} : memref<8x64xi32, #tpu.memory_space<vmem>>, vector<16xi32>,
        %shift_right_logical3A = arith.shrui %get3A_876, %broadcast_in_dim3A_7 : vector<16xi32>
        %and3A_877 = arith.andi %get3A_876, %broadcast_in_dim3A_5 : vector<16xi32>
        tpu.vector_store_idx %arg10[%shift_right_logical3A, %and3A_877], %gather3A {add = true} : memref<80x128xf32, #tpu.memory_space<vmem>>[vector<16xi32>, vector<16xi32>], vector<16xf32>,
        %scan3A_878 = arith.constant 0 : i32
        scf.yield %scan3A_878 : i32
      }
      %scan3A_780 = arith.constant 4 : i32
      %mul3A_781 = arith.constant 8 : i32
      %mul3A_782 = arith.muli %add3A_546, %mul3A_781 : i32
      %add3A_783 = arith.constant 6 : i32
      %add3A_784 = arith.addi %mul3A_782, %add3A_783 : i32
      %gt3A_785 = arith.constant 0 : i32
      %gt3A_786 = arith.cmpi sgt, %add3A_784, %gt3A_785 : i32
      %convert_element_type3A_787 = arith.extui %gt3A_786 : i1 to i32
      %cond3A_788 = arith.constant 5 : i32
      %cond3A_789 = arith.constant 0 : i32
      %cond3A_790 = arith.cmpi ne, %convert_element_type3A_787, %cond3A_789 : i32
      scf.if %cond3A_790 {
        %dma_wait3A_864 = arith.constant 0 : i32
        %dma_wait3A_865 = tpu.memref_slice %arg17[%cond3A_788, %dma_wait3A_864] : memref<8x64xi32, #tpu.memory_space<vmem>> -> memref<1x64xi32, #tpu.memory_space<vmem>>
        %dma_wait3A_866 = tpu.memref_squeeze %dma_wait3A_865 : memref<1x64xi32, #tpu.memory_space<vmem>> -> memref<64xi32, #tpu.memory_space<vmem>>
        %dma_wait3A_867 = arith.constant 0 : i32
        %dma_wait3A_868 = arith.constant 0 : i32
        %dma_wait3A_869 = tpu.memref_slice %arg8[%dma_wait3A_867, %dma_wait3A_868] : memref<10240x128xf32, #tpu.memory_space<vmem_shared>> -> memref<10240x128xf32, #tpu.memory_space<vmem_shared>>
        tpu.wait_indirect_dma semaphore(%arg26 : memref<!tpu.dma_semaphore, #tpu.memory_space<semaphore_mem>>) src(%arg19 : memref<64x128xf32, #tpu.memory_space<vmem>>) dst(%dma_wait3A_869 : memref<10240x128xf32, #tpu.memory_space<vmem_shared>>)
      } else {
      }
      %add3A_791 = arith.constant 1 : i32
      %add3A_792 = arith.addi %add3A_784, %add3A_791 : i32
      %lt3A_793 = arith.cmpi slt, %add3A_792, %select_n3A : i32
      %convert_element_type3A_794 = arith.extui %lt3A_793 : i1 to i32
      %cond3A_795 = arith.constant 7 : i32
      %cond3A_796 = arith.constant 0 : i32
      %cond3A_797 = arith.cmpi ne, %convert_element_type3A_794, %cond3A_796 : i32
      scf.if %cond3A_797 {
        %dma_start3A_864 = arith.constant 0 : i32
        %dma_start3A_865 = tpu.memref_slice %arg15[%cond3A_795, %dma_start3A_864] : memref<8x64xi32, #tpu.memory_space<vmem>> -> memref<1x64xi32, #tpu.memory_space<vmem>>
        %dma_start3A_866 = tpu.memref_squeeze %dma_start3A_865 : memref<1x64xi32, #tpu.memory_space<vmem>> -> memref<64xi32, #tpu.memory_space<vmem>>
        %dma_start3A_867 = arith.constant 0 : i32
        %dma_start3A_868 = arith.constant 0 : i32
        %dma_start3A_869 = tpu.memref_slice %arg2[%dma_start3A_867, %dma_start3A_868] : memref<10240x128xf32, #tpu.memory_space<hbm>> -> memref<10240x128xf32, #tpu.memory_space<hbm>>
        tpu.enqueue_indirect_dma source(%dma_start3A_869 : memref<10240x128xf32, #tpu.memory_space<hbm>>) target(%arg19 : memref<64x128xf32, #tpu.memory_space<vmem>>) offsets(%dma_start3A_866 : memref<64xi32, #tpu.memory_space<vmem>>) semaphore(%arg24 : memref<!tpu.dma_semaphore, #tpu.memory_space<semaphore_mem>>)
      } else {
      }
      %dma_wait3A_798 = arith.constant 6 : i32
      %dma_wait3A_799 = arith.constant 0 : i32
      %dma_wait3A_800 = tpu.memref_slice %arg15[%dma_wait3A_798, %dma_wait3A_799] : memref<8x64xi32, #tpu.memory_space<vmem>> -> memref<1x64xi32, #tpu.memory_space<vmem>>
      %dma_wait3A_801 = tpu.memref_squeeze %dma_wait3A_800 : memref<1x64xi32, #tpu.memory_space<vmem>> -> memref<64xi32, #tpu.memory_space<vmem>>
      %dma_wait3A_802 = arith.constant 0 : i32
      %dma_wait3A_803 = arith.constant 0 : i32
      %dma_wait3A_804 = tpu.memref_slice %arg2[%dma_wait3A_802, %dma_wait3A_803] : memref<10240x128xf32, #tpu.memory_space<hbm>> -> memref<10240x128xf32, #tpu.memory_space<hbm>>
      tpu.wait_indirect_dma semaphore(%arg23 : memref<!tpu.dma_semaphore, #tpu.memory_space<semaphore_mem>>) src(%dma_wait3A_804 : memref<10240x128xf32, #tpu.memory_space<hbm>>) dst(%arg18 : memref<64x128xf32, #tpu.memory_space<vmem>>)
      %dma_start3A_805 = arith.constant 6 : i32
      %dma_start3A_806 = arith.constant 0 : i32
      %dma_start3A_807 = tpu.memref_slice %arg17[%dma_start3A_805, %dma_start3A_806] : memref<8x64xi32, #tpu.memory_space<vmem>> -> memref<1x64xi32, #tpu.memory_space<vmem>>
      %dma_start3A_808 = tpu.memref_squeeze %dma_start3A_807 : memref<1x64xi32, #tpu.memory_space<vmem>> -> memref<64xi32, #tpu.memory_space<vmem>>
      %dma_start3A_809 = arith.constant 0 : i32
      %dma_start3A_810 = arith.constant 0 : i32
      %dma_start3A_811 = tpu.memref_slice %arg8[%dma_start3A_809, %dma_start3A_810] : memref<10240x128xf32, #tpu.memory_space<vmem_shared>> -> memref<10240x128xf32, #tpu.memory_space<vmem_shared>>
      tpu.enqueue_indirect_dma source(%arg18 : memref<64x128xf32, #tpu.memory_space<vmem>>) target(%dma_start3A_811 : memref<10240x128xf32, #tpu.memory_space<vmem_shared>>) offsets(%dma_start3A_808 : memref<64xi32, #tpu.memory_space<vmem>>) semaphore(%arg25 : memref<!tpu.dma_semaphore, #tpu.memory_space<semaphore_mem>>) {add = true}
      %scan3A_812 = arith.constant 0 : i32
      %scan3A_813 = arith.constant 0 : i32
      %scan3A_814 = arith.constant 4 : i32
      %scan3A_815 = arith.addi %scan3A_813, %scan3A_814 : i32
      %scan3A_816 = arith.constant 1 : i32
      %scan3A_817 = scf.for %scan3A_864 = %scan3A_813 to %scan3A_815 step %scan3A_816 iter_args(%scan3A_865 = %scan3A_812) -> (i32)  : i32 {
        %mul3A_866 = arith.constant 16 : i32
        %mul3A_867 = arith.muli %scan3A_864, %mul3A_866 : i32
        %get3A = arith.constant 6 : i32
        %get3A_868 = arith.index_cast %get3A : i32 to index
        %get3A_869 = arith.index_cast %mul3A_867 : i32 to index
        %get3A_870 = tpu.vector_load %arg17[%get3A_868, %get3A_869] {strides = array<i32>} : memref<8x64xi32, #tpu.memory_space<vmem>>, vector<16xi32>,
        %gather3A = tpu.vector_load_idx %arg11[%get3A_870] : memref<10240xf32, #tpu.memory_space<vmem>>[vector<16xi32>], vector<16xf32>,
        %mul3A_871 = arith.constant 16 : i32
        %mul3A_872 = arith.muli %scan3A_864, %mul3A_871 : i32
        %get3A_873 = arith.constant 6 : i32
        %get3A_874 = arith.index_cast %get3A_873 : i32 to index
        %get3A_875 = arith.index_cast %mul3A_872 : i32 to index
        %get3A_876 = tpu.vector_load %arg15[%get3A_874, %get3A_875] {strides = array<i32>} : memref<8x64xi32, #tpu.memory_space<vmem>>, vector<16xi32>,
        %shift_right_logical3A = arith.shrui %get3A_876, %broadcast_in_dim3A_7 : vector<16xi32>
        %and3A_877 = arith.andi %get3A_876, %broadcast_in_dim3A_5 : vector<16xi32>
        tpu.vector_store_idx %arg10[%shift_right_logical3A, %and3A_877], %gather3A {add = true} : memref<80x128xf32, #tpu.memory_space<vmem>>[vector<16xi32>, vector<16xi32>], vector<16xf32>,
        %scan3A_878 = arith.constant 0 : i32
        scf.yield %scan3A_878 : i32
      }
      %scan3A_818 = arith.constant 4 : i32
      %mul3A_819 = arith.constant 8 : i32
      %mul3A_820 = arith.muli %add3A_546, %mul3A_819 : i32
      %add3A_821 = arith.constant 7 : i32
      %add3A_822 = arith.addi %mul3A_820, %add3A_821 : i32
      %gt3A_823 = arith.constant 0 : i32
      %gt3A_824 = arith.cmpi sgt, %add3A_822, %gt3A_823 : i32
      %convert_element_type3A_825 = arith.extui %gt3A_824 : i1 to i32
      %cond3A_826 = arith.constant 6 : i32
      %cond3A_827 = arith.constant 0 : i32
      %cond3A_828 = arith.cmpi ne, %convert_element_type3A_825, %cond3A_827 : i32
      scf.if %cond3A_828 {
        %dma_wait3A_864 = arith.constant 0 : i32
        %dma_wait3A_865 = tpu.memref_slice %arg17[%cond3A_826, %dma_wait3A_864] : memref<8x64xi32, #tpu.memory_space<vmem>> -> memref<1x64xi32, #tpu.memory_space<vmem>>
        %dma_wait3A_866 = tpu.memref_squeeze %dma_wait3A_865 : memref<1x64xi32, #tpu.memory_space<vmem>> -> memref<64xi32, #tpu.memory_space<vmem>>
        %dma_wait3A_867 = arith.constant 0 : i32
        %dma_wait3A_868 = arith.constant 0 : i32
        %dma_wait3A_869 = tpu.memref_slice %arg8[%dma_wait3A_867, %dma_wait3A_868] : memref<10240x128xf32, #tpu.memory_space<vmem_shared>> -> memref<10240x128xf32, #tpu.memory_space<vmem_shared>>
        tpu.wait_indirect_dma semaphore(%arg25 : memref<!tpu.dma_semaphore, #tpu.memory_space<semaphore_mem>>) src(%arg18 : memref<64x128xf32, #tpu.memory_space<vmem>>) dst(%dma_wait3A_869 : memref<10240x128xf32, #tpu.memory_space<vmem_shared>>)
      } else {
      }
      %add3A_829 = arith.constant 1 : i32
      %add3A_830 = arith.addi %add3A_546, %add3A_829 : i32
      %lt3A_831 = arith.cmpi slt, %add3A_830, %select_n3A_125 : i32
      %convert_element_type3A_832 = arith.extui %lt3A_831 : i1 to i32
      %cond3A_833 = arith.constant 0 : i32
      %cond3A_834 = arith.cmpi ne, %convert_element_type3A_832, %cond3A_833 : i32
      scf.if %cond3A_834 {
        %add3A_864 = arith.constant 1 : i32
        %add3A_865 = arith.addi %add3A_546, %add3A_864 : i32
        %mul3A_866 = arith.constant 8 : i32
        %mul3A_867 = arith.muli %add3A_865, %mul3A_866 : i32
        %add3A_868 = arith.addi %select_n3A_134, %mul3A_867 : i32
        %dma_wait3A_869 = arith.constant 0 : i32
        %dma_wait3A_870 = tpu.memref_slice %arg3[%add3A_868, %dma_wait3A_869] : memref<5120x64xi32, #tpu.memory_space<hbm>> -> memref<8x64xi32, #tpu.memory_space<hbm>>
        %dma_wait3A_871 = arith.constant 0 : i32
        %dma_wait3A_872 = tpu.memref_slice %arg3[%add3A_868, %dma_wait3A_871] : memref<5120x64xi32, #tpu.memory_space<hbm>> -> memref<8x64xi32, #tpu.memory_space<hbm>>
        tpu.wait_dma2 semaphore(%arg21 : memref<!tpu.dma_semaphore, #tpu.memory_space<semaphore_mem>>) src(%dma_wait3A_872 : memref<8x64xi32, #tpu.memory_space<hbm>>) dst(%arg14 : memref<8x64xi32, #tpu.memory_space<vmem>>)
        %mul3A_873 = arith.constant 8 : i32
        %mul3A_874 = arith.muli %add3A_865, %mul3A_873 : i32
        %add3A_875 = arith.addi %select_n3A_134, %mul3A_874 : i32
        %dma_wait3A_876 = arith.constant 0 : i32
        %dma_wait3A_877 = tpu.memref_slice %arg4[%add3A_875, %dma_wait3A_876] : memref<5120x64xi32, #tpu.memory_space<hbm>> -> memref<8x64xi32, #tpu.memory_space<hbm>>
        %dma_wait3A_878 = arith.constant 0 : i32
        %dma_wait3A_879 = tpu.memref_slice %arg4[%add3A_875, %dma_wait3A_878] : memref<5120x64xi32, #tpu.memory_space<hbm>> -> memref<8x64xi32, #tpu.memory_space<hbm>>
        tpu.wait_dma2 semaphore(%arg21 : memref<!tpu.dma_semaphore, #tpu.memory_space<semaphore_mem>>) src(%dma_wait3A_879 : memref<8x64xi32, #tpu.memory_space<hbm>>) dst(%arg16 : memref<8x64xi32, #tpu.memory_space<vmem>>)
      } else {
      }
      %add3A_835 = arith.constant 1 : i32
      %add3A_836 = arith.addi %add3A_822, %add3A_835 : i32
      %lt3A_837 = arith.cmpi slt, %add3A_836, %select_n3A : i32
      %convert_element_type3A_838 = arith.extui %lt3A_837 : i1 to i32
      %cond3A_839 = arith.constant 0 : i32
      %cond3A_840 = arith.constant 0 : i32
      %cond3A_841 = arith.cmpi ne, %convert_element_type3A_838, %cond3A_840 : i32
      scf.if %cond3A_841 {
        %dma_start3A_864 = arith.constant 0 : i32
        %dma_start3A_865 = tpu.memref_slice %arg14[%cond3A_839, %dma_start3A_864] : memref<8x64xi32, #tpu.memory_space<vmem>> -> memref<1x64xi32, #tpu.memory_space<vmem>>
        %dma_start3A_866 = tpu.memref_squeeze %dma_start3A_865 : memref<1x64xi32, #tpu.memory_space<vmem>> -> memref<64xi32, #tpu.memory_space<vmem>>
        %dma_start3A_867 = arith.constant 0 : i32
        %dma_start3A_868 = arith.constant 0 : i32
        %dma_start3A_869 = tpu.memref_slice %arg2[%dma_start3A_867, %dma_start3A_868] : memref<10240x128xf32, #tpu.memory_space<hbm>> -> memref<10240x128xf32, #tpu.memory_space<hbm>>
        tpu.enqueue_indirect_dma source(%dma_start3A_869 : memref<10240x128xf32, #tpu.memory_space<hbm>>) target(%arg18 : memref<64x128xf32, #tpu.memory_space<vmem>>) offsets(%dma_start3A_866 : memref<64xi32, #tpu.memory_space<vmem>>) semaphore(%arg23 : memref<!tpu.dma_semaphore, #tpu.memory_space<semaphore_mem>>)
      } else {
      }
      %dma_wait3A_842 = arith.constant 7 : i32
      %dma_wait3A_843 = arith.constant 0 : i32
      %dma_wait3A_844 = tpu.memref_slice %arg15[%dma_wait3A_842, %dma_wait3A_843] : memref<8x64xi32, #tpu.memory_space<vmem>> -> memref<1x64xi32, #tpu.memory_space<vmem>>
      %dma_wait3A_845 = tpu.memref_squeeze %dma_wait3A_844 : memref<1x64xi32, #tpu.memory_space<vmem>> -> memref<64xi32, #tpu.memory_space<vmem>>
      %dma_wait3A_846 = arith.constant 0 : i32
      %dma_wait3A_847 = arith.constant 0 : i32
      %dma_wait3A_848 = tpu.memref_slice %arg2[%dma_wait3A_846, %dma_wait3A_847] : memref<10240x128xf32, #tpu.memory_space<hbm>> -> memref<10240x128xf32, #tpu.memory_space<hbm>>
      tpu.wait_indirect_dma semaphore(%arg24 : memref<!tpu.dma_semaphore, #tpu.memory_space<semaphore_mem>>) src(%dma_wait3A_848 : memref<10240x128xf32, #tpu.memory_space<hbm>>) dst(%arg19 : memref<64x128xf32, #tpu.memory_space<vmem>>)
      %dma_start3A_849 = arith.constant 7 : i32
      %dma_start3A_850 = arith.constant 0 : i32
      %dma_start3A_851 = tpu.memref_slice %arg17[%dma_start3A_849, %dma_start3A_850] : memref<8x64xi32, #tpu.memory_space<vmem>> -> memref<1x64xi32, #tpu.memory_space<vmem>>
      %dma_start3A_852 = tpu.memref_squeeze %dma_start3A_851 : memref<1x64xi32, #tpu.memory_space<vmem>> -> memref<64xi32, #tpu.memory_space<vmem>>
      %dma_start3A_853 = arith.constant 0 : i32
      %dma_start3A_854 = arith.constant 0 : i32
      %dma_start3A_855 = tpu.memref_slice %arg8[%dma_start3A_853, %dma_start3A_854] : memref<10240x128xf32, #tpu.memory_space<vmem_shared>> -> memref<10240x128xf32, #tpu.memory_space<vmem_shared>>
      tpu.enqueue_indirect_dma source(%arg19 : memref<64x128xf32, #tpu.memory_space<vmem>>) target(%dma_start3A_855 : memref<10240x128xf32, #tpu.memory_space<vmem_shared>>) offsets(%dma_start3A_852 : memref<64xi32, #tpu.memory_space<vmem>>) semaphore(%arg26 : memref<!tpu.dma_semaphore, #tpu.memory_space<semaphore_mem>>) {add = true}
      %scan3A_856 = arith.constant 0 : i32
      %scan3A_857 = arith.constant 0 : i32
      %scan3A_858 = arith.constant 4 : i32
      %scan3A_859 = arith.addi %scan3A_857, %scan3A_858 : i32
      %scan3A_860 = arith.constant 1 : i32
      %scan3A_861 = scf.for %scan3A_864 = %scan3A_857 to %scan3A_859 step %scan3A_860 iter_args(%scan3A_865 = %scan3A_856) -> (i32)  : i32 {
        %mul3A_866 = arith.constant 16 : i32
        %mul3A_867 = arith.muli %scan3A_864, %mul3A_866 : i32
        %get3A = arith.constant 7 : i32
        %get3A_868 = arith.index_cast %get3A : i32 to index
        %get3A_869 = arith.index_cast %mul3A_867 : i32 to index
        %get3A_870 = tpu.vector_load %arg17[%get3A_868, %get3A_869] {strides = array<i32>} : memref<8x64xi32, #tpu.memory_space<vmem>>, vector<16xi32>,
        %gather3A = tpu.vector_load_idx %arg11[%get3A_870] : memref<10240xf32, #tpu.memory_space<vmem>>[vector<16xi32>], vector<16xf32>,
        %mul3A_871 = arith.constant 16 : i32
        %mul3A_872 = arith.muli %scan3A_864, %mul3A_871 : i32
        %get3A_873 = arith.constant 7 : i32
        %get3A_874 = arith.index_cast %get3A_873 : i32 to index
        %get3A_875 = arith.index_cast %mul3A_872 : i32 to index
        %get3A_876 = tpu.vector_load %arg15[%get3A_874, %get3A_875] {strides = array<i32>} : memref<8x64xi32, #tpu.memory_space<vmem>>, vector<16xi32>,
        %shift_right_logical3A = arith.shrui %get3A_876, %broadcast_in_dim3A_7 : vector<16xi32>
        %and3A_877 = arith.andi %get3A_876, %broadcast_in_dim3A_5 : vector<16xi32>
        tpu.vector_store_idx %arg10[%shift_right_logical3A, %and3A_877], %gather3A {add = true} : memref<80x128xf32, #tpu.memory_space<vmem>>[vector<16xi32>, vector<16xi32>], vector<16xf32>,
        %scan3A_878 = arith.constant 0 : i32
        scf.yield %scan3A_878 : i32
      }
      %scan3A_862 = arith.constant 4 : i32
      %while3A_863 = arith.constant 0 : i32
      scf.yield %while3A_863 : i32
    }
    %dma_wait3A_200 = arith.constant 7 : i32
    %dma_wait3A_201 = arith.constant 0 : i32
    %dma_wait3A_202 = tpu.memref_slice %arg17[%dma_wait3A_200, %dma_wait3A_201] : memref<8x64xi32, #tpu.memory_space<vmem>> -> memref<1x64xi32, #tpu.memory_space<vmem>>
    %dma_wait3A_203 = tpu.memref_squeeze %dma_wait3A_202 : memref<1x64xi32, #tpu.memory_space<vmem>> -> memref<64xi32, #tpu.memory_space<vmem>>
    %dma_wait3A_204 = arith.constant 0 : i32
    %dma_wait3A_205 = arith.constant 0 : i32
    %dma_wait3A_206 = tpu.memref_slice %arg8[%dma_wait3A_204, %dma_wait3A_205] : memref<10240x128xf32, #tpu.memory_space<vmem_shared>> -> memref<10240x128xf32, #tpu.memory_space<vmem_shared>>
    tpu.wait_indirect_dma semaphore(%arg26 : memref<!tpu.dma_semaphore, #tpu.memory_space<semaphore_mem>>) src(%arg19 : memref<64x128xf32, #tpu.memory_space<vmem>>) dst(%dma_wait3A_206 : memref<10240x128xf32, #tpu.memory_space<vmem_shared>>)
    %barrier3A_207 = arith.constant 0 : index
    tpu.barrier barrier_id(%barrier3A_207)
    %mul3A_208 = arith.constant 640 : i32
    %mul3A_209 = arith.muli %arg1, %mul3A_208 : i32
    %mul3A_210 = arith.constant 10240 : i32
    %mul3A_211 = arith.muli %arg0, %mul3A_210 : i32
    %mul3A_212 = arith.constant 640 : i32
    %mul3A_213 = arith.muli %arg1, %mul3A_212 : i32
    %add3A_214 = arith.addi %mul3A_211, %mul3A_213 : i32
    "tpu.region"() ({
      %run_scoped3A = tpu.sem_alloc : memref<!tpu.dma_semaphore, #tpu.memory_space<semaphore_mem>>
      %dma_start3A_222 = arith.constant 0 : i32
      %dma_start3A_223 = tpu.memref_slice %arg5[%add3A_214, %dma_start3A_222] : memref<20480x128xf32, #tpu.memory_space<hbm>> -> memref<640x128xf32, #tpu.memory_space<hbm>>
      %dma_start3A_224 = arith.constant 0 : i32
      %dma_start3A_225 = tpu.memref_slice %arg8[%mul3A_209, %dma_start3A_224] : memref<10240x128xf32, #tpu.memory_space<vmem_shared>> -> memref<640x128xf32, #tpu.memory_space<vmem_shared>>
      tpu.enqueue_dma source(%dma_start3A_225 : memref<640x128xf32, #tpu.memory_space<vmem_shared>>) target(%dma_start3A_223 : memref<640x128xf32, #tpu.memory_space<hbm>>) target_semaphore(%run_scoped3A : memref<!tpu.dma_semaphore, #tpu.memory_space<semaphore_mem>>)
      %dma_wait3A_226 = arith.constant 0 : i32
      %dma_wait3A_227 = tpu.memref_slice %arg5[%add3A_214, %dma_wait3A_226] : memref<20480x128xf32, #tpu.memory_space<hbm>> -> memref<640x128xf32, #tpu.memory_space<hbm>>
      %dma_wait3A_228 = arith.constant 0 : i32
      %dma_wait3A_229 = tpu.memref_slice %arg8[%mul3A_209, %dma_wait3A_228] : memref<10240x128xf32, #tpu.memory_space<vmem_shared>> -> memref<640x128xf32, #tpu.memory_space<vmem_shared>>
      tpu.wait_dma2 semaphore(%run_scoped3A : memref<!tpu.dma_semaphore, #tpu.memory_space<semaphore_mem>>) src(%dma_wait3A_229 : memref<640x128xf32, #tpu.memory_space<vmem_shared>>) dst(%dma_wait3A_227 : memref<640x128xf32, #tpu.memory_space<hbm>>)
      tpu.yield
    }) : () -> ()
    %lt3A_215 = arith.constant 10 : i32
    %lt3A_216 = arith.cmpi slt, %arg1, %lt3A_215 : i32
    %convert_element_type3A_217 = arith.extui %lt3A_216 : i1 to i32
    %cond3A_218 = arith.constant 0 : i32
    %cond3A_219 = arith.cmpi ne, %convert_element_type3A_217, %cond3A_218 : i32
    scf.if %cond3A_219 {
      %mul3A_222 = arith.constant 8 : i32
      %mul3A_223 = arith.muli %arg1, %mul3A_222 : i32
      %mul3A_224 = arith.constant 80 : i32
      %mul3A_225 = arith.muli %arg0, %mul3A_224 : i32
      %mul3A_226 = arith.constant 8 : i32
      %mul3A_227 = arith.muli %arg1, %mul3A_226 : i32
      %add3A_228 = arith.addi %mul3A_225, %mul3A_227 : i32
      "tpu.region"() ({
        %run_scoped3A = tpu.sem_alloc : memref<!tpu.dma_semaphore, #tpu.memory_space<semaphore_mem>>
        %dma_start3A_229 = arith.constant 0 : i32
        %dma_start3A_230 = tpu.memref_slice %arg6[%add3A_228, %dma_start3A_229] : memref<160x128xf32, #tpu.memory_space<hbm>> -> memref<8x128xf32, #tpu.memory_space<hbm>>
        %dma_start3A_231 = arith.constant 0 : i32
        %dma_start3A_232 = tpu.memref_slice %arg9[%mul3A_223, %dma_start3A_231] : memref<80x128xf32, #tpu.memory_space<vmem_shared>> -> memref<8x128xf32, #tpu.memory_space<vmem_shared>>
        tpu.enqueue_dma source(%dma_start3A_232 : memref<8x128xf32, #tpu.memory_space<vmem_shared>>) target(%dma_start3A_230 : memref<8x128xf32, #tpu.memory_space<hbm>>) target_semaphore(%run_scoped3A : memref<!tpu.dma_semaphore, #tpu.memory_space<semaphore_mem>>)
        %dma_wait3A_233 = arith.constant 0 : i32
        %dma_wait3A_234 = tpu.memref_slice %arg6[%add3A_228, %dma_wait3A_233] : memref<160x128xf32, #tpu.memory_space<hbm>> -> memref<8x128xf32, #tpu.memory_space<hbm>>
        %dma_wait3A_235 = arith.constant 0 : i32
        %dma_wait3A_236 = tpu.memref_slice %arg9[%mul3A_223, %dma_wait3A_235] : memref<80x128xf32, #tpu.memory_space<vmem_shared>> -> memref<8x128xf32, #tpu.memory_space<vmem_shared>>
        tpu.wait_dma2 semaphore(%run_scoped3A : memref<!tpu.dma_semaphore, #tpu.memory_space<semaphore_mem>>) src(%dma_wait3A_236 : memref<8x128xf32, #tpu.memory_space<vmem_shared>>) dst(%dma_wait3A_234 : memref<8x128xf32, #tpu.memory_space<hbm>>)
        tpu.yield
      }) : () -> ()
    } else {
    }
    %mul3A_220 = arith.constant 80 : i32
    %mul3A_221 = arith.muli %add3A, %mul3A_220 : i32
    "tpu.region"() ({
      %run_scoped3A = tpu.sem_alloc : memref<!tpu.dma_semaphore, #tpu.memory_space<semaphore_mem>>
      %dma_start3A_222 = arith.constant 0 : i32
      %dma_start3A_223 = tpu.memref_slice %arg7[%mul3A_221, %dma_start3A_222] : memref<2560x128xf32, #tpu.memory_space<hbm>> -> memref<80x128xf32, #tpu.memory_space<hbm>>
      %dma_start3A_224 = arith.constant 0 : i32
      %dma_start3A_225 = tpu.memref_slice %arg7[%mul3A_221, %dma_start3A_224] : memref<2560x128xf32, #tpu.memory_space<hbm>> -> memref<80x128xf32, #tpu.memory_space<hbm>>
      tpu.enqueue_dma source(%arg10 : memref<80x128xf32, #tpu.memory_space<vmem>>) target(%dma_start3A_225 : memref<80x128xf32, #tpu.memory_space<hbm>>) target_semaphore(%run_scoped3A : memref<!tpu.dma_semaphore, #tpu.memory_space<semaphore_mem>>)
      %dma_wait3A_226 = arith.constant 0 : i32
      %dma_wait3A_227 = tpu.memref_slice %arg7[%mul3A_221, %dma_wait3A_226] : memref<2560x128xf32, #tpu.memory_space<hbm>> -> memref<80x128xf32, #tpu.memory_space<hbm>>
      %dma_wait3A_228 = arith.constant 0 : i32
      %dma_wait3A_229 = tpu.memref_slice %arg7[%mul3A_221, %dma_wait3A_228] : memref<2560x128xf32, #tpu.memory_space<hbm>> -> memref<80x128xf32, #tpu.memory_space<hbm>>
      tpu.wait_dma2 semaphore(%run_scoped3A : memref<!tpu.dma_semaphore, #tpu.memory_space<semaphore_mem>>) src(%arg10 : memref<80x128xf32, #tpu.memory_space<vmem>>) dst(%dma_wait3A_229 : memref<80x128xf32, #tpu.memory_space<hbm>>)
      tpu.yield
    }) : () -> ()
    return
  }
}

module attributes {stable_mosaic.version = 14 : i64} {
  func.func @tc_body(%arg0: i32, %arg1: memref<2048x128xf32, #tpu.memory_space<vmem>>, %arg2: memref<2048x128xf32, #tpu.memory_space<vmem>>, %arg3: memref<2048x128xf32, #tpu.memory_space<vmem>>, %arg4: memref<2048x1xf32, #tpu.memory_space<vmem>>, %arg5: memref<2048x32xf32, #tpu.memory_space<vmem>>, %arg6: memref<128x128xf32, #tpu.memory_space<vmem>>, %arg7: memref<128x128xf32, #tpu.memory_space<vmem>>, %arg8: memref<1x128xf32, #tpu.memory_space<vmem>>, %arg9: memref<128x128xf32, #tpu.memory_space<vmem>>, %arg10: memref<128x128xf32, #tpu.memory_space<vmem>>, %arg11: memref<1x128xf32, #tpu.memory_space<vmem>>, %arg12: memref<128x128xf32, #tpu.memory_space<vmem>>, %arg13: memref<1x128xf32, #tpu.memory_space<vmem>>, %arg14: memref<1x128xf32, #tpu.memory_space<vmem>>, %arg15: memref<1x128xf32, #tpu.memory_space<vmem>>, %arg16: memref<1x128xf32, #tpu.memory_space<vmem>>) attributes {dimension_semantics = [#tpu.dimension_semantics<arbitrary>], iteration_bounds = array<i64: 5>, scalar_prefetch = 0 : i64, scratch_operands = 2 : i64, tpu.core_type = #tpu.core_type<tc>, window_params = [{transform_indices = @transform_0, window_bounds = array<i64: 2048, 128>}, {transform_indices = @transform_1, window_bounds = array<i64: 2048, 128>}, {transform_indices = @transform_2, window_bounds = array<i64: 2048, 128>}, {transform_indices = @transform_3, window_bounds = array<i64: 2048, 1>}, {transform_indices = @transform_4, window_bounds = array<i64: 2048, 32>}, {pipeline_mode = #tpu.pipeline_mode<synchronous>, transform_indices = @transform_5, window_bounds = array<i64: 128, 128>}, {pipeline_mode = #tpu.pipeline_mode<synchronous>, transform_indices = @transform_6, window_bounds = array<i64: 128, 128>}, {pipeline_mode = #tpu.pipeline_mode<synchronous>, transform_indices = @transform_7, window_bounds = array<i64: 1, 128>}, {pipeline_mode = #tpu.pipeline_mode<synchronous>, transform_indices = @transform_8, window_bounds = array<i64: 128, 128>}, {pipeline_mode = #tpu.pipeline_mode<synchronous>, transform_indices = @transform_9, window_bounds = array<i64: 128, 128>}, {pipeline_mode = #tpu.pipeline_mode<synchronous>, transform_indices = @transform_10, window_bounds = array<i64: 1, 128>}, {pipeline_mode = #tpu.pipeline_mode<synchronous>, transform_indices = @transform_11, window_bounds = array<i64: 128, 128>}, {pipeline_mode = #tpu.pipeline_mode<synchronous>, transform_indices = @transform_12, window_bounds = array<i64: 1, 128>}, {pipeline_mode = #tpu.pipeline_mode<synchronous>, transform_indices = @transform_13, window_bounds = array<i64: 1, 128>}]} {
    %eq3A = arith.constant 0 : i32
    %eq3A_0 = arith.cmpi eq, %arg0, %eq3A : i32
    %convert_element_type3A = arith.extui %eq3A_0 : i1 to i32
    %cond3A = arith.constant 0 : i32
    %cond3A_1 = arith.cmpi ne, %convert_element_type3A, %cond3A : i32
    scf.if %cond3A_1 {
      %broadcast_in_dim3A_77 = arith.constant 0.000000e+00 : f32
      %broadcast_in_dim3A_78 = vector.broadcast %broadcast_in_dim3A_77 : f32 to vector<1x128xf32>
      %swap3A_79 = arith.constant 0 : index
      %swap3A_80 = arith.constant 0 : index
      %swap3A_81 = vector.load %arg15[%swap3A_79, %swap3A_80] : memref<1x128xf32, #tpu.memory_space<vmem>>, vector<1x128xf32>
      tpu.vector_store %arg15[%swap3A_79, %swap3A_80], %broadcast_in_dim3A_78 {strides = array<i32>} : memref<1x128xf32, #tpu.memory_space<vmem>>, vector<1x128xf32>,
      %broadcast_in_dim3A_82 = arith.constant 0.000000e+00 : f32
      %broadcast_in_dim3A_83 = vector.broadcast %broadcast_in_dim3A_82 : f32 to vector<1x128xf32>
      %swap3A_84 = arith.constant 0 : index
      %swap3A_85 = arith.constant 0 : index
      %swap3A_86 = vector.load %arg16[%swap3A_84, %swap3A_85] : memref<1x128xf32, #tpu.memory_space<vmem>>, vector<1x128xf32>
      tpu.vector_store %arg16[%swap3A_84, %swap3A_85], %broadcast_in_dim3A_83 {strides = array<i32>} : memref<1x128xf32, #tpu.memory_space<vmem>>, vector<1x128xf32>,
    } else {
    }
    %get3A = arith.constant 0 : index
    %get3A_2 = arith.constant 0 : index
    %get3A_3 = vector.load %arg4[%get3A, %get3A_2] : memref<2048x1xf32, #tpu.memory_space<vmem>>, vector<2048x1xf32>
    %max3A = arith.constant 1.000000e+00 : f32
    %max3A_4 = vector.broadcast %max3A : f32 to vector<2048x1xf32>
    %max3A_5 = arith.maximumf %get3A_3, %max3A_4 : vector<2048x1xf32>
    %div3A = arith.constant 1.000000e+00 : f32
    %div3A_6 = vector.broadcast %div3A : f32 to vector<2048x1xf32>
    %div3A_7 = arith.divf %div3A_6, %max3A_5 : vector<2048x1xf32>
    %get3A_8 = arith.constant 0 : index
    %get3A_9 = arith.constant 0 : index
    %get3A_10 = vector.load %arg2[%get3A_8, %get3A_9] : memref<2048x128xf32, #tpu.memory_space<vmem>>, vector<2048x128xf32>
    %get3A_11 = arith.constant 0 : index
    %get3A_12 = arith.constant 0 : index
    %get3A_13 = vector.load %arg3[%get3A_11, %get3A_12] : memref<2048x128xf32, #tpu.memory_space<vmem>>, vector<2048x128xf32>
    %add3A = arith.addf %get3A_10, %get3A_13 : vector<2048x128xf32>
    %mul3A = vector.broadcast %div3A_7 : vector<2048x1xf32> to vector<2048x128xf32>
    %mul3A_14 = arith.mulf %add3A, %mul3A : vector<2048x128xf32>
    %get3A_15 = arith.constant 0 : index
    %get3A_16 = arith.constant 0 : index
    %get3A_17 = vector.load %arg1[%get3A_15, %get3A_16] : memref<2048x128xf32, #tpu.memory_space<vmem>>, vector<2048x128xf32>
    %get3A_18 = arith.constant 0 : index
    %get3A_19 = arith.constant 0 : index
    %get3A_20 = vector.load %arg6[%get3A_18, %get3A_19] : memref<128x128xf32, #tpu.memory_space<vmem>>, vector<128x128xf32>
    %dot_general3A = arith.constant dense<0.000000e+00> : vector<2048x128xf32>
    %dot_general3A_21 = tpu.matmul %get3A_17, %get3A_20, %dot_general3A {dimension_numbers = #tpu.dot_dimension_numbers<[1], [0], [0], [1], [0, 0, 1, 1], [], []>, transpose_lhs_hint = false} : vector<2048x128xf32>, vector<128x128xf32>, vector<2048x128xf32> -> vector<2048x128xf32>
    %get3A_22 = arith.constant 0 : index
    %get3A_23 = arith.constant 0 : index
    %get3A_24 = vector.load %arg7[%get3A_22, %get3A_23] : memref<128x128xf32, #tpu.memory_space<vmem>>, vector<128x128xf32>
    %dot_general3A_25 = arith.constant dense<0.000000e+00> : vector<2048x128xf32>
    %dot_general3A_26 = tpu.matmul %mul3A_14, %get3A_24, %dot_general3A_25 {dimension_numbers = #tpu.dot_dimension_numbers<[1], [0], [0], [1], [0, 0, 1, 1], [], []>, transpose_lhs_hint = false} : vector<2048x128xf32>, vector<128x128xf32>, vector<2048x128xf32> -> vector<2048x128xf32>
    %add3A_27 = arith.addf %dot_general3A_21, %dot_general3A_26 : vector<2048x128xf32>
    %get3A_28 = arith.constant 0 : index
    %get3A_29 = arith.constant 0 : index
    %get3A_30 = vector.load %arg8[%get3A_28, %get3A_29] : memref<1x128xf32, #tpu.memory_space<vmem>>, vector<1x128xf32>
    %add3A_31 = vector.broadcast %get3A_30 : vector<1x128xf32> to vector<2048x128xf32>
    %add3A_32 = arith.addf %add3A_27, %add3A_31 : vector<2048x128xf32>
    %max3A_33 = arith.constant 0.000000e+00 : f32
    %max3A_34 = vector.broadcast %max3A_33 : f32 to vector<2048x128xf32>
    %max3A_35 = arith.maximumf %add3A_32, %max3A_34 : vector<2048x128xf32>
    %iota3A = tpu.iota {dimensions = array<i32: 0>} : vector<2048x1xi32>
    %mul3A_36 = arith.constant 2048 : i32
    %mul3A_37 = arith.muli %arg0, %mul3A_36 : i32
    %add3A_38 = vector.broadcast %mul3A_37 : i32 to vector<2048x1xi32>
    %add3A_39 = arith.addi %iota3A, %add3A_38 : vector<2048x1xi32>
    %lt3A = arith.constant 10000 : i32
    %lt3A_40 = vector.broadcast %lt3A : i32 to vector<2048x1xi32>
    %lt3A_41 = arith.cmpi slt, %add3A_39, %lt3A_40 : vector<2048x1xi32>
    %convert_element_type3A_42 = arith.extui %lt3A_41 : vector<2048x1xi1> to vector<2048x1xi32>
    %convert_element_type3A_43 = arith.sitofp %convert_element_type3A_42 : vector<2048x1xi32> to vector<2048x1xf32>
    %get3A_44 = arith.constant 0 : index
    %get3A_45 = arith.constant 0 : index
    %get3A_46 = vector.load %arg5[%get3A_44, %get3A_45] : memref<2048x32xf32, #tpu.memory_space<vmem>>, vector<2048x32xf32>
    %reduce_sum3A = arith.constant dense<0.000000e+00> : vector<2048xf32>
    %reduce_sum3A_47 = vector.multi_reduction <add>, %get3A_46, %reduce_sum3A [1] : vector<2048x32xf32> to vector<2048xf32>
    %broadcast_in_dim3A = vector.shape_cast %reduce_sum3A_47 : vector<2048xf32> to vector<2048x1xf32>
    %get3A_48 = arith.constant 0 : index
    %get3A_49 = arith.constant 0 : index
    %get3A_50 = vector.load %arg15[%get3A_48, %get3A_49] : memref<1x128xf32, #tpu.memory_space<vmem>>, vector<1x128xf32>
    %mul3A_51 = vector.broadcast %convert_element_type3A_43 : vector<2048x1xf32> to vector<2048x128xf32>
    %mul3A_52 = arith.mulf %max3A_35, %mul3A_51 : vector<2048x128xf32>
    %reduce_sum3A_53 = arith.constant dense<0.000000e+00> : vector<128xf32>
    %reduce_sum3A_54 = vector.multi_reduction <add>, %mul3A_52, %reduce_sum3A_53 [0] : vector<2048x128xf32> to vector<128xf32>
    %broadcast_in_dim3A_55 = vector.shape_cast %reduce_sum3A_54 : vector<128xf32> to vector<1x128xf32>
    %add3A_56 = arith.addf %get3A_50, %broadcast_in_dim3A_55 : vector<1x128xf32>
    %swap3A = arith.constant 0 : index
    %swap3A_57 = arith.constant 0 : index
    %swap3A_58 = vector.load %arg15[%swap3A, %swap3A_57] : memref<1x128xf32, #tpu.memory_space<vmem>>, vector<1x128xf32>
    tpu.vector_store %arg15[%swap3A, %swap3A_57], %add3A_56 {strides = array<i32>} : memref<1x128xf32, #tpu.memory_space<vmem>>, vector<1x128xf32>,
    %get3A_59 = arith.constant 0 : index
    %get3A_60 = arith.constant 0 : index
    %get3A_61 = vector.load %arg16[%get3A_59, %get3A_60] : memref<1x128xf32, #tpu.memory_space<vmem>>, vector<1x128xf32>
    %mul3A_62 = arith.mulf %broadcast_in_dim3A, %convert_element_type3A_43 : vector<2048x1xf32>
    %mul3A_63 = vector.broadcast %mul3A_62 : vector<2048x1xf32> to vector<2048x128xf32>
    %mul3A_64 = arith.mulf %max3A_35, %mul3A_63 : vector<2048x128xf32>
    %reduce_sum3A_65 = arith.constant dense<0.000000e+00> : vector<128xf32>
    %reduce_sum3A_66 = vector.multi_reduction <add>, %mul3A_64, %reduce_sum3A_65 [0] : vector<2048x128xf32> to vector<128xf32>
    %broadcast_in_dim3A_67 = vector.shape_cast %reduce_sum3A_66 : vector<128xf32> to vector<1x128xf32>
    %add3A_68 = arith.addf %get3A_61, %broadcast_in_dim3A_67 : vector<1x128xf32>
    %swap3A_69 = arith.constant 0 : index
    %swap3A_70 = arith.constant 0 : index
    %swap3A_71 = vector.load %arg16[%swap3A_69, %swap3A_70] : memref<1x128xf32, #tpu.memory_space<vmem>>, vector<1x128xf32>
    tpu.vector_store %arg16[%swap3A_69, %swap3A_70], %add3A_68 {strides = array<i32>} : memref<1x128xf32, #tpu.memory_space<vmem>>, vector<1x128xf32>,
    %eq3A_72 = arith.constant 4 : i32
    %eq3A_73 = arith.cmpi eq, %arg0, %eq3A_72 : i32
    %convert_element_type3A_74 = arith.extui %eq3A_73 : i1 to i32
    %cond3A_75 = arith.constant 0 : i32
    %cond3A_76 = arith.cmpi ne, %convert_element_type3A_74, %cond3A_75 : i32
    scf.if %cond3A_76 {
      %get3A_77 = arith.constant 0 : index
      %get3A_78 = arith.constant 0 : index
      %get3A_79 = vector.load %arg15[%get3A_77, %get3A_78] : memref<1x128xf32, #tpu.memory_space<vmem>>, vector<1x128xf32>
      %get3A_80 = arith.constant 0 : index
      %get3A_81 = arith.constant 0 : index
      %get3A_82 = vector.load %arg9[%get3A_80, %get3A_81] : memref<128x128xf32, #tpu.memory_space<vmem>>, vector<128x128xf32>
      %dot_general3A_83 = arith.constant dense<0.000000e+00> : vector<1x128xf32>
      %dot_general3A_84 = tpu.matmul %get3A_79, %get3A_82, %dot_general3A_83 {dimension_numbers = #tpu.dot_dimension_numbers<[1], [0], [0], [1], [0, 0, 1, 1], [], []>, transpose_lhs_hint = false} : vector<1x128xf32>, vector<128x128xf32>, vector<1x128xf32> -> vector<1x128xf32>
      %get3A_85 = arith.constant 0 : index
      %get3A_86 = arith.constant 0 : index
      %get3A_87 = vector.load %arg16[%get3A_85, %get3A_86] : memref<1x128xf32, #tpu.memory_space<vmem>>, vector<1x128xf32>
      %get3A_88 = arith.constant 0 : index
      %get3A_89 = arith.constant 0 : index
      %get3A_90 = vector.load %arg10[%get3A_88, %get3A_89] : memref<128x128xf32, #tpu.memory_space<vmem>>, vector<128x128xf32>
      %dot_general3A_91 = arith.constant dense<0.000000e+00> : vector<1x128xf32>
      %dot_general3A_92 = tpu.matmul %get3A_87, %get3A_90, %dot_general3A_91 {dimension_numbers = #tpu.dot_dimension_numbers<[1], [0], [0], [1], [0, 0, 1, 1], [], []>, transpose_lhs_hint = false} : vector<1x128xf32>, vector<128x128xf32>, vector<1x128xf32> -> vector<1x128xf32>
      %add3A_93 = arith.addf %dot_general3A_84, %dot_general3A_92 : vector<1x128xf32>
      %mul3A_94 = arith.constant 9.99999974E-5 : f32
      %mul3A_95 = vector.broadcast %mul3A_94 : f32 to vector<1x128xf32>
      %mul3A_96 = arith.mulf %add3A_93, %mul3A_95 : vector<1x128xf32>
      %get3A_97 = arith.constant 0 : index
      %get3A_98 = arith.constant 0 : index
      %get3A_99 = vector.load %arg11[%get3A_97, %get3A_98] : memref<1x128xf32, #tpu.memory_space<vmem>>, vector<1x128xf32>
      %add3A_100 = arith.addf %mul3A_96, %get3A_99 : vector<1x128xf32>
      %get3A_101 = arith.constant 0 : index
      %get3A_102 = arith.constant 0 : index
      %get3A_103 = vector.load %arg12[%get3A_101, %get3A_102] : memref<128x128xf32, #tpu.memory_space<vmem>>, vector<128x128xf32>
      %dot_general3A_104 = arith.constant dense<0.000000e+00> : vector<1x128xf32>
      %dot_general3A_105 = tpu.matmul %add3A_100, %get3A_103, %dot_general3A_104 {dimension_numbers = #tpu.dot_dimension_numbers<[1], [0], [0], [1], [0, 0, 1, 1], [], []>, transpose_lhs_hint = false} : vector<1x128xf32>, vector<128x128xf32>, vector<1x128xf32> -> vector<1x128xf32>
      %get3A_106 = arith.constant 0 : index
      %get3A_107 = arith.constant 0 : index
      %get3A_108 = vector.load %arg13[%get3A_106, %get3A_107] : memref<1x128xf32, #tpu.memory_space<vmem>>, vector<1x128xf32>
      %add3A_109 = arith.addf %dot_general3A_105, %get3A_108 : vector<1x128xf32>
      %swap3A_110 = arith.constant 0 : index
      %swap3A_111 = arith.constant 0 : index
      %swap3A_112 = vector.load %arg14[%swap3A_110, %swap3A_111] : memref<1x128xf32, #tpu.memory_space<vmem>>, vector<1x128xf32>
      tpu.vector_store %arg14[%swap3A_110, %swap3A_111], %add3A_109 {strides = array<i32>} : memref<1x128xf32, #tpu.memory_space<vmem>>, vector<1x128xf32>,
    } else {
    }
    return
  }
  func.func @transform_0(%arg0: i32) -> (i32, i32) {
    %c0_i32 = arith.constant 0 : i32
    %c0_i32_0 = arith.constant 0 : i32
    return %arg0, %c0_i32 : i32, i32
  }
  func.func @transform_1(%arg0: i32) -> (i32, i32) {
    %c0_i32 = arith.constant 0 : i32
    %c0_i32_0 = arith.constant 0 : i32
    return %arg0, %c0_i32 : i32, i32
  }
  func.func @transform_2(%arg0: i32) -> (i32, i32) {
    %c0_i32 = arith.constant 0 : i32
    %c0_i32_0 = arith.constant 0 : i32
    return %arg0, %c0_i32 : i32, i32
  }
  func.func @transform_3(%arg0: i32) -> (i32, i32) {
    %c0_i32 = arith.constant 0 : i32
    %c0_i32_0 = arith.constant 0 : i32
    return %arg0, %c0_i32 : i32, i32
  }
  func.func @transform_4(%arg0: i32) -> (i32, i32) {
    %c0_i32 = arith.constant 0 : i32
    %c0_i32_0 = arith.constant 0 : i32
    return %arg0, %c0_i32 : i32, i32
  }
  func.func @transform_5(%arg0: i32) -> (i32, i32) {
    %c0_i32 = arith.constant 0 : i32
    %c0_i32_0 = arith.constant 0 : i32
    %c0_i32_1 = arith.constant 0 : i32
    return %c0_i32, %c0_i32_0 : i32, i32
  }
  func.func @transform_6(%arg0: i32) -> (i32, i32) {
    %c0_i32 = arith.constant 0 : i32
    %c0_i32_0 = arith.constant 0 : i32
    %c0_i32_1 = arith.constant 0 : i32
    return %c0_i32, %c0_i32_0 : i32, i32
  }
  func.func @transform_7(%arg0: i32) -> (i32, i32) {
    %c0_i32 = arith.constant 0 : i32
    %c0_i32_0 = arith.constant 0 : i32
    %c0_i32_1 = arith.constant 0 : i32
    return %c0_i32, %c0_i32_0 : i32, i32
  }
  func.func @transform_8(%arg0: i32) -> (i32, i32) {
    %c0_i32 = arith.constant 0 : i32
    %c0_i32_0 = arith.constant 0 : i32
    %c0_i32_1 = arith.constant 0 : i32
    return %c0_i32, %c0_i32_0 : i32, i32
  }
  func.func @transform_9(%arg0: i32) -> (i32, i32) {
    %c0_i32 = arith.constant 0 : i32
    %c0_i32_0 = arith.constant 0 : i32
    %c0_i32_1 = arith.constant 0 : i32
    return %c0_i32, %c0_i32_0 : i32, i32
  }
  func.func @transform_10(%arg0: i32) -> (i32, i32) {
    %c0_i32 = arith.constant 0 : i32
    %c0_i32_0 = arith.constant 0 : i32
    %c0_i32_1 = arith.constant 0 : i32
    return %c0_i32, %c0_i32_0 : i32, i32
  }
  func.func @transform_11(%arg0: i32) -> (i32, i32) {
    %c0_i32 = arith.constant 0 : i32
    %c0_i32_0 = arith.constant 0 : i32
    %c0_i32_1 = arith.constant 0 : i32
    return %c0_i32, %c0_i32_0 : i32, i32
  }
  func.func @transform_12(%arg0: i32) -> (i32, i32) {
    %c0_i32 = arith.constant 0 : i32
    %c0_i32_0 = arith.constant 0 : i32
    %c0_i32_1 = arith.constant 0 : i32
    return %c0_i32, %c0_i32_0 : i32, i32
  }
  func.func @transform_13(%arg0: i32) -> (i32, i32) {
    %c0_i32 = arith.constant 0 : i32
    %c0_i32_0 = arith.constant 0 : i32
    %c0_i32_1 = arith.constant 0 : i32
    return %c0_i32, %c0_i32_0 : i32, i32
  }
}

</mosaic_0001>

<sc_bundles>
// kernel: kernel.4.cloned.1.call-start
scs
__scs_entry_jumppad:
0x0: {  	(pc) =	sbr.rel $0x88, $3  }
0x1: {  	(tag) =	ssettag $0x0;
	lr =	simm.s32 $0x1  }
0x2: {  	[smem:$0x3F97] =	sst lr;
	_ =	strace $0xD0000000  }
0x3: {  	_ = 	snop  }
0x4: {  	_ = 	snop  }
0x5: {  	_ = 	snop  }
0x6: {  	_ = 	snop  }
0x7: {  	_ = 	snop  }
__scs_overlays_trampoline_lowered:
0x8: {  	[smem:$0x3FA6] =	sst s0  }
0x9: {  	[smem:$0x3FA7] =	sst s1  }
0xa: {  	[smem:$0x3FA8] =	sst s2  }
0xb: {  	[smem:$0x3FA9] =	sst s3  }
0xc: {  	[smem:$0x3FAA] =	sst s4  }
0xd: {  	[smem:$0x3FAB] =	sst s5  }
0xe: {  	[smem:$0x3FAC] =	sst s6  }
0xf: {  	[smem:$0x3FAD] =	sst s7  }
0x10: {  	[smem:$0x3FAE] =	sst s8  }
0x11: {  	[smem:$0x3FAF] =	sst s9;
	s0 =	simm.s32 @!p0 $0x0  }
0x12: {  	s1 =	sld [smem:$0x3F95];
	s0 =	simm.s32 @p0 $0x1  }
0x13: {  	[smem:$0x3FB0] =	sst s0;
	s0 =	simm.s32 @!p1 $0x0  }
0x14: {  	s2 =	sld [smem:$0x3F94];
	s0 =	simm.s32 @p1 $0x1  }
0x15: {  	[smem:$0x3FB1] =	sst s0;
	s0 =	simm.s32 @!p2 $0x0  }
0x16: {  	s3 =	sld [smem:$0x3FDB];
	s0 =	simm.s32 @p2 $0x1  }
0x17: {  	s4 =	simm.s32 $0x1BF5;
	[smem:$0x3FB3] =	sst s0  }
0x18: {  	s0 =	sld [smem:$0x3F96];
	_ =	swait.ge [sflag:s4], $0x0  }
0x19: {  	s7 =	sld [smem:$0x3F97]  }
0x1a: {  	s8 =	sadd.s32 $0xFFFFE003, lr  }
0x1b: {  	s9 =	sadd.s32 $0xFFFFFEF7, lr;
	s5 =	simm.s32 $0xFFFFFFFF;
	p2 =	slt.u32 s8, $0xFFFFF086  }
0x1c: {  	p1 =	slt.u32 s9, $0xF7A;
	s5 =	simm.s32 @!p2 $0x0  }
0x1d: {  	s5 =	simm.s32 @p1 $0x1;
	p0 =	seq.s32 s7, s2  }
0x1e: {  	s7 =	smul.u32 @!p0 $0xF7A, s2;
	p2 =	seq.s32 @!p0 s5, $0x0  }
0x1f: {  	s9 =	smul.u32 $0xF7A, s1;
	s8 =	simm.s32 @!p0 $0x1BF5;
	p2 =	por !p2, p0  }
0x20: {  	[sflag:s8] =	ssyncset.s32 @!p0 $0xFFFFF086;
	s6 =	sadd.s32 @!p0 s3, s7;
	s7 =	simm.s32 @!p0 $0x108  }
0x21: {  	s3 =	sadd.s32 s3, s9;
	s6 =	sadd.s32 @!p0 $0x88, s6;
	s7 =	simm.s32 @p2 $0x1082  }
0x22: {  	[simem:s7], [sflag:s8] =	dma.local @!p0 [hbm:s6], $0xF7A  }
0x23: {  	s9 =	sor.u32 $0xD0000000, s2;
	s6 =	simm.s32 $0x108;
	_ =	swait.ge @!p0 [sflag:s8], $0x0  }
0x24: {  	s3 =	sadd.s32 $0x88, s3;
	s6 =	simm.s32 @!p1 $0x1082;
	[sflag:s4] =	ssyncset.s32 $0xFFFFF086  }
0x25: {  	[simem:s6], [sflag:s4] =	dma.local [hbm:s3], $0xF7A  }
0x26: {  	[smem:$0x3F97] =	sst s1;
	(tag) =	ssettag s2;
	_ =	strace s9  }
0x27: {  	s1 =	sld [smem:$0x3FA7]  }
0x28: {  	s2 =	sld [smem:$0x3FA8]  }
0x29: {  	s4 =	sld [smem:$0x3FAA]  }
0x2a: {  	p0 =	seq.s32 s5, $0x0;
	s5 =	sld [smem:$0x3FAB]  }
0x2b: {  	s6 =	sld [smem:$0x3FAC]  }
0x2c: {  	s7 =	sld [smem:$0x3FAD]  }
0x2d: {  	s3 =	simm.s32 $0x108;
	s8 =	sld [smem:$0x3FAE]  }
0x2e: {  	s3 =	simm.s32 @!p0 $0x1082;
	s9 =	sld [smem:$0x3FAF]  }
0x2f: {  	lr =	sadd.s32 s0, s3;
	s0 =	sld [smem:$0x3FA6]  }
0x30: {  	s3 =	sld [smem:$0x3FA9]  }
0x31: {  	[smem:$0x3FB2] =	sst s10  }
0x32: {  	s10 =	sld [smem:$0x3FB0];
	_ =	sdelay $0x3  }
0x33: {  	p0 =	seq.s32 s10, $0x1;
	s10 =	sld [smem:$0x3FB2];
	_ =	sdelay $0x3  }
0x34: {  	[smem:$0x3FB2] =	sst s10  }
0x35: {  	s10 =	sld [smem:$0x3FB1];
	_ =	sdelay $0x3  }
0x36: {  	p1 =	seq.s32 s10, $0x1;
	s10 =	sld [smem:$0x3FB2];
	_ =	sdelay $0x3  }
0x37: {  	[smem:$0x3FB2] =	sst s10  }
0x38: {  	s10 =	sld [smem:$0x3FB3]  }
0x39: {  	_ = 	snop;
	(pc) =	sbr.ind lr, $3  }
0x3a: {  	_ = 	snop  }
0x3b: {  	_ = 	snop  }
0x3c: {  	p2 =	seq.s32 s10, $0x1;
	s10 =	sld [smem:$0x3FB2]  }
0x3d: {  	_ =	shalt  }
0x3e: {  	_ =	shalt  }
0x3f: {  	_ =	shalt  }
0x40: {  	_ =	shalt  }
0x41: {  	_ =	shalt  }
0x42: {  	_ =	shalt  }
0x43: {  	_ =	shalt  }
0x44: {  	_ =	shalt  }
0x45: {  	_ =	shalt  }
0x46: {  	_ =	shalt  }
0x47: {  	_ =	shalt  }
0x48: {  	_ =	shalt  }
0x49: {  	_ =	shalt  }
0x4a: {  	_ =	shalt  }
0x4b: {  	_ =	shalt  }
0x4c: {  	_ =	shalt  }
0x4d: {  	_ =	shalt  }
0x4e: {  	_ =	shalt  }
0x4f: {  	_ =	shalt  }
0x50: {  	_ =	shalt  }
0x51: {  	_ =	shalt  }
0x52: {  	_ =	shalt  }
0x53: {  	_ =	shalt  }
0x54: {  	_ =	shalt  }
0x55: {  	_ =	shalt  }
0x56: {  	_ =	shalt  }
0x57: {  	_ =	shalt  }
0x58: {  	_ =	shalt  }
0x59: {  	_ =	shalt  }
0x5a: {  	_ =	shalt  }
0x5b: {  	_ =	shalt  }
0x5c: {  	_ =	shalt  }
0x5d: {  	_ =	shalt  }
0x5e: {  	_ =	shalt  }
0x5f: {  	_ =	shalt  }
0x60: {  	_ =	shalt  }
0x61: {  	_ =	shalt  }
0x62: {  	_ =	shalt  }
0x63: {  	_ =	shalt  }
0x64: {  	_ =	shalt  }
0x65: {  	_ =	shalt  }
0x66: {  	_ =	shalt  }
0x67: {  	_ =	shalt  }
0x68: {  	_ =	shalt  }
0x69: {  	_ =	shalt  }
0x6a: {  	_ =	shalt  }
0x6b: {  	_ =	shalt  }
0x6c: {  	_ =	shalt  }
0x6d: {  	_ =	shalt  }
0x6e: {  	_ =	shalt  }
0x6f: {  	_ =	shalt  }
0x70: {  	_ =	shalt  }
0x71: {  	_ =	shalt  }
0x72: {  	_ =	shalt  }
0x73: {  	_ =	shalt  }
0x74: {  	_ =	shalt  }
0x75: {  	_ =	shalt  }
0x76: {  	_ =	shalt  }
0x77: {  	_ =	shalt  }
0x78: {  	_ =	shalt  }
0x79: {  	_ =	shalt  }
0x7a: {  	_ =	shalt  }
0x7b: {  	_ =	shalt  }
0x7c: {  	_ =	shalt  }
0x7d: {  	_ =	shalt  }
0x7e: {  	_ =	shalt  }
0x7f: {  	_ =	shalt  }
0x80: {  	_ =	shalt  }
0x81: {  	_ =	shalt  }
0x82: {  	_ =	shalt  }
0x83: {  	_ =	shalt  }
0x84: {  	_ =	shalt  }
0x85: {  	_ =	shalt  }
0x86: {  	_ =	shalt  }
0x87: {  	_ =	shalt  }
.Lfunc_end0:
.L_simem_size_0:
called_computation_lowered:
.L_overlay_start_0:
0x88: {  	s2 =	sld [smem:$0x3FD9]  }
0x89: {  	s3 =	sld [smem:$0x3FFE];
	_ =	sdelay $0x1  }
0x8a: {  	s1 =	srdreg.scid  }
0x8b: {  	s0 =	sand.u32 $0x1, s1  }
0x8c: {  	s16 =	sshll.u32 s0, $0xA;
	s2 =	sadd.s32 s3, s2  }
0x8d: {  	s2 =	sadd.s32 s2, s16  }
0x8e: {  	[smem:$0x3FBE] =	sst s2  }
0x8f: {  	_ = 	snop  }
0x90: {  	(tm) =	ssettm $0x1  }
0x91: {  	s17 =	sld [smem:$0x3FFB];
	_ =	sdelay $0x3  }
0x92: {  	_ =	strace s17  }
0x93: {  	s2 =	sld [smem:$0x3FFC];
	_ =	sdelay $0x3  }
0x94: {  	_ =	strace s2  }
0x95: {  	s2 =	sld [smem:$0x3FFD];
	_ =	sdelay $0x3  }
0x96: {  	_ =	strace s2  }
0x97: {  	_ =	strace $0x8FFFFFFF  }
0x98: {  	s18 =	sld [smem:$0x3FDB];
	_ =	sdelay $0x1  }
0x99: {  	s19 =	simm.s32 $_scs_section_size  }
0x9a: {  	s4 =	simm.s32 $_size__tile_overlayer_lowered;
	s5 =	simm.s32 $_tile_overlayer_lowered  }
0x9b: {  	s22 =	simm.s32 $0x1BFF;
	s21 =	sshll.u32 s5, $0x1;
	s2 =	sadd.s32 s19, s18  }
0x9c: {  	s6 =	simm.s32 $0x0;
	s20 =	sshll.u32 s4, $0x1;
	s4 =	sadd.s32 s21, s2  }
0x9d: {  	[timem:s6], [sflag:s22] =	dma.local [hbm:s4], s20  }
0x9e: {  	_ =	swait.ge [sflag:s22], s20  }
0x9f: {  	s3 =	ssub.s32 $0x0, s20;
	[sflag:s22] =	ssyncset.done $0x0  }
0xa0: {  	[sflag:s22] =	ssyncadd.s32 s3;
	_ =	sdelay $0x1  }
0xa1: {  	s23 =	simm.s32 $0x1B8B  }
0xa2: {  	_ =	swait.ge [sflag:s23], $0x1  }
0xa3: {  	[sflag:s23] =	ssyncset.done $0x0  }
0xa4: {  	s25 =	simm.s32 $0x1B8E;
	s24 =	sld [smem:$0x3FFE];
	[sflag:s23] =	ssyncadd.s32 $0xFFFFFFFF  }
0xa5: {  	s26 =	simm.s32 $execute0_lowered;
	[smem:$0x3FD2] =	sst s25  }
0xa6: {  	s4 =	sshll.u32 s26, $0x1;
	_ =	strace $0x80000046;
	[dreg:$0x1] =	wrdreg $0xFFFFFFFF  }
0xa7: {  	s28 =	simm.s32 $_size_execute0_lowered;
	s2 =	sadd.s32 s2, s4;
	[dreg:$0x0] =	wrdreg $0x0  }
0xa8: {  	s4 =	sshll.u32 s28, $0x1;
	[dreg:$0x2] =	wrdreg s2  }
0xa9: {  	[dreg:$0x3] =	wrdreg s4  }
0xaa: {  	[dreg:$0x4] =	wrdreg $0xC0  }
0xab: {  	_ =	task [dreg:s6], $0x5FFFF  }
0xac: {  	[dreg:$0x1] =	wrdreg $0xFFFFFFFF  }
0xad: {  	[dreg:$0x0] =	wrdreg $0x60  }
0xae: {  	[dreg:$0x2] =	wrdreg s24  }
0xaf: {  	[dreg:$0x3] =	wrdreg $0x0  }
0xb0: {  	[dreg:$0x4] =	wrdreg $0x140000  }
0xb1: {  	[dreg:$0x5] =	wrdreg $0x9  }
0xb2: {  	_ =	task.clear_ibuf [dreg:s6], $0x6FFFF;
	_ =	strace $0x90000046  }
0xb3: {  	s29 =	simm.s32 $0x9;
	_ =	strace $0x80000048  }
0xb4: {  	_ =	swait.ge [sflag:s29], $0x1  }
0xb5: {  	[sflag:s29] =	ssyncadd.s32 $0xFFFFFFFF  }
0xb6: {  	_ =	strace $0x90000048  }
0xb7: {  	_ =	sfence  }
0xb8: {  	s30 =	sld [smem:$0x0];
	_ =	sdelay $0x2  }
0xb9: {  	s31 =	sshll.u32 s1, $0xD;
	s1 =	sshrl.u32 s1, $0x2  }
0xba: {  	s3 =	sand.u32 $0x4000, s31;
	s1 =	sadd.s32 s1, s30  }
0xbb: {  	s0 =	sor.u32 s3, s0;
	s1 =	sshll.u32 s1, $0x11  }
0xbc: {  	s0 =	sor.u32 s1, s0  }
0xbd: {  	s0 =	sadd.s32 $0x8F2B, s0  }
0xbe: {  	[sflag:s0] =	ssyncadd.remote.s32 $0x1  }
0xbf: {  	_ =	sfence.sel $0xFFFF  }
0xc0: {  	[dreg:$0x0] =	wrdreg $0xFFFFFFFF;
	(pc) =	sbr.abs _section_cstart, $3  }
0xc1: {  	[dreg:$0x1] =	wrdreg $0xFFFFFFFF  }
0xc2: {  	_ =	task.clear_ibuf [dreg:s6], $0x2FFFF;
	_ =	strace $0x9FFFFFFF  }
0xc3: {  	(tm) =	ssettm $0x7FFFFFFF  }
tec
execute0_lowered:
.L_overlay_start_1:
0x0: {  	(tag) =	ssettag $0x1  }
0x1: {  	s4 =	rddreg [dreg:$0x0]  }
0x2: {  	s2 =	rddreg [dreg:$0x1]  }
0x3: {  	s24 =	rddreg [dreg:$0x2]  }
0x4: {  	s0 =	srdreg.scid;
	s23 =	stileid.u32  }
0x5: {  	s1 =	simm.s32 $0x0;
	s21 =	simm.s32 $0x1AB00;
	s13 =	smul.u32 $0x280, s23  }
0x6: {  	s22 =	simm.s32 $0x1AB80;
	s26 =	simm.s32 $0x1AC00;
	s3 =	smul.u32 $0x30, s23  }
0x7: {  	s7 =	sand.u32 $0x1, s0;
	[smem:$0x7FF] =	sst s1;
	s11 =	smul.u32 $0x110, s23  }
0x8: {  	s5 =	sadd.s32 $0x2A600, s4;
	s8 =	sadd.s32 $0x2600, s4;
	s20 =	smul.u32 $0x50000, s23  }
0x9: {  	s6 =	sadd.s32 $0x16600, s4;
	s9 =	sshll.u32 s23, $0xA;
	s14 =	smul.u32 $0x2800, s7  }
0xa: {  	_ =	strace $0x80000047;
	s10 =	sshll.u32 s7, $0x4;
	[dreg:$0x9] =	wrdreg s21  }
0xb: {  	p0 =	seq.s32 s7, $0x0;
	s7 =	ssub.s32 $0x2, s7;
	[dreg:$0xa] =	wrdreg s22  }
0xc: {  	[dreg:$0xb] =	wrdreg s26;
	s21 =	simm.s32 $0x1B080;
	s22 =	simm.s32 $0x1B100  }
0xd: {  	s26 =	simm.s32 $0x1B180;
	s10 =	sor.u32 s23, s10;
	s12 =	sadd.s32 $0x1100, s3  }
0xe: {  	s3 =	simm.s32 $0x110;
	s18 =	sshrl.u32 s7, $0x1;
	[dreg:$0x14] =	wrdreg s21  }
0xf: {  	s25 =	sshrl.u32 s20, $0x2;
	s20 =	simm.s32 $0x1B000;
	[dreg:$0x15] =	wrdreg s22  }
0x10: {  	[dreg:$0x16] =	wrdreg s26;
	s0 =	sadd.s32 s13, s14;
	s1 =	sadd.s32 s14, s9  }
0x11: {  	s10 =	smul.u32 $0x500, s10;
	s12 =	smov.u32 @p0 s11;
	s3 =	simm.s32 @!p0 $0x30  }
0x12: {  	s7 =	ssub.s32 s7, s18;
	s14 =	simm.s32 $0x1AD80;
	[dreg:$0x13] =	wrdreg s20  }
0x13: {  	s18 =	simm.s32 $0x1AF00;
	s0 =	sshll.u32 s0, $0x4;
	[dreg:$0xe] =	wrdreg s14  }
0x14: {  	s1 =	sshrl.u32 s1, $0x3;
	s15 =	sshll.u32 s3, $0x4;
	[dreg:$0x11] =	wrdreg s18  }
0x15: {  	s11 =	sshll.u32 s12, $0x4;
	s26 =	smax.u32 s7, $0x1;
	[dreg:$0x4] =	wrdreg s15  }
0x16: {  	s0 =	sadd.s32 s0, s4;
	s12 =	sadd.s32 s6, s11;
	[smem:$0x7F2] =	sst s26  }
0x17: {  	s1 =	sadd.s32 s1, s4;
	s13 =	sadd.s32 s8, s11;
	[dreg:$0x18] =	wrdreg s12  }
0x18: {  	s4 =	sadd.s32 s10, s4;
	s10 =	simm.s32 $0x1AC80;
	[dreg:$0x19] =	wrdreg s13  }
0x19: {  	s26 =	sadd.s32 $0x2000, s24;
	[dreg:$0xc] =	wrdreg s10  }
0x1a: {  	s16 =	sadd.s32 $0x80, s12;
	[smem:$0x7FC] =	sst s26  }
0x1b: {  	s11 =	sadd.s32 $0x100, s11;
	s17 =	sadd.s32 $0x80, s13;
	[dreg:$0x5] =	wrdreg s16  }
0x1c: {  	s8 =	sadd.s32 s11, s8;
	[dreg:$0x6] =	wrdreg s17  }
0x1d: {  	s19 =	sadd.s32 s11, s6;
	[dreg:$0x7] =	wrdreg s8  }
0x1e: {  	s28 =	simm.s32 $0x2;
	s11 =	simm.s32 $0x1AD00;
	[dreg:$0x8] =	wrdreg s19  }
0x1f: {  	s29 =	simm.s32 $0x1D280;
	s0 =	sadd.s32 $0x52600, s0;
	[dreg:$0xd] =	wrdreg s11  }
0x20: {  	s31 =	simm.s32 $0x40;
	s10 =	sadd.s32 $0xAC600, s1;
	[dreg:$0x1e] =	wrdreg s0  }
0x21: {  	p0 =	sgt.u32 s23, $0x9;
	s12 =	sadd.s32 s25, s2;
	[dreg:$0x1f] =	wrdreg s10  }
0x22: {  	s14 =	sshrl.u32 s3, $0x3;
	s25 =	sadd.s32 s9, s24;
	[dreg:$0x1a] =	wrdreg s12  }
0x23: {  	s18 =	sadd.s32 $0xFFFFFFFC, s3;
	s16 =	simm.s32 $0x1AE00;
	[dreg:$0x1b] =	wrdreg s25  }
0x24: {  	s20 =	sadd.s32 $0xFFFFFFFA, s3;
	s17 =	simm.s32 $0x1AE80;
	[dreg:$0xf] =	wrdreg s16  }
0x25: {  	s21 =	sadd.s32 $0xFFFFFFF9, s3;
	s19 =	simm.s32 $0x1AF80;
	[dreg:$0x10] =	wrdreg s17  }
0x26: {  	s22 =	sadd.s32 $0xFFFFFFF8, s3;
	s11 =	sadd.s32 $0xA2600, s4;
	[dreg:$0x12] =	wrdreg s19  }
0x27: {  	s15 =	smul.u32 $0xA000, s23;
	s1 =	sadd.s32 $0x2000, s12;
	[smem:$0x7F1] =	sst s11  }
0x28: {  	s13 =	smul.u32 $0x1400, s23;
	s4 =	sadd.s32 $0x6000, s12;
	[smem:$0x7F3] =	sst s1  }
0x29: {  	s24 =	simm.s32 $0x1;
	s7 =	sadd.s32 $0x8000, s12;
	[smem:$0x7F5] =	sst s4  }
0x2a: {  	s26 =	simm.s32 $0x14280;
	s8 =	sadd.s32 $0xA000, s12;
	[smem:$0x7F6] =	sst s7  }
0x2b: {  	s30 =	sor.u32 $0x800, s15;
	s10 =	sadd.s32 $0xE000, s12;
	[smem:$0x7F7] =	sst s8  }
0x2c: {  	s23 =	sadd.s32 $0x12000, s12;
	s9 =	sadd.s32 s6, s13;
	[smem:$0x7F9] =	sst s10  }
0x2d: {  	s13 =	sor.u32 $0x1000, s15;
	s15 =	sadd.s32 $0xFFFFFFFF, s3;
	[smem:$0x7FB] =	sst s23  }
0x2e: {  	s16 =	sadd.s32 $0xFFFFFFFE, s3;
	s17 =	sadd.s32 $0xFFFFFFFD, s3;
	[dreg:$0x1d] =	wrdreg s30  }
0x2f: {  	s19 =	sadd.s32 $0xFFFFFFFB, s3;
	s3 =	sadd.s32 $0x4000, s12;
	[dreg:$0x1c] =	wrdreg s9  }
0x30: {  	s0 =	simm.s32 $0x3;
	s11 =	sadd.s32 $0x10000, s12;
	[smem:$0x7F4] =	sst s3  }
0x31: {  	s8 =	simm.s32 $0x1B280;
	s4 =	simm.s32 $0x16A80;
	[smem:$0x7FA] =	sst s11  }
0x32: {  	v0 =	vlaneseq.u32;
	s1 =	simm.s32 $0x5;
	s9 =	simm.s32 $0x1B200;
	[smem:$0x7FD] =	sst s13  }
0x33: {  	v1 =	vimm.f32 $0.0e+00;
	v6 =	vimm.f32 $1.000000000e+00;
	v2 =	vor.u32 $0x10, v0;
	s3 =	simm.s32 $0x4;
	[dreg:$0x17] =	wrdreg s9;
	s9 =	sadd.s32 $0xC000, s12  }
0x34: {  	v3 =	vor.u32 $0x20, v0;
	v4 =	vor.u32 $0x30, v0;
	v5 =	vor.u32 $0x40, v0;
	s11 =	simm.s32 $0x6;
	[smem:$0x7F8] =	sst s9;
	s9 =	simm.s32 $0x0  }
.LBB2_1:
0x35: {  	[smem:$0x7F0] =	sst s9;
	s7 =	simm.s32 $0x0;
	s9 =	simm.s32 $0x200  }
.LBB2_2:
0x36: {  	p1 =	sne.s32 s9, $0x7E00;
	[tilespmem:s7+$0x1B2F0] =	vst v1  }
0x37: {  	[tilespmem:s7+$0x1B280] =	vst v1  }
0x38: {  	[tilespmem:s7+$0x1B290] =	vst v1  }
.Ltmp0:
0x39: {  	[tilespmem:s7+$0x1B2A0] =	vst v1;
	(pc) =	sbr.rel @p1 .LBB2_2-.Ltmp0, $4  }
0x3a: {  	[tilespmem:s7+$0x1B2B0] =	vst v1  }
0x3b: {  	[tilespmem:s7+$0x1B2C0] =	vst v1  }
0x3c: {  	[tilespmem:s7+$0x1B2D0] =	vst v1  }
0x3d: {  	[tilespmem:s7+$0x1B2E0] =	vst v1;
	s7 =	sshra.s32 s9, $0x2;
	s9 =	sadd.s32 $0x200, s9  }
0x3e: {  	[tilespmem:s7+$0x1B2F0] =	vst v1  }
0x3f: {  	[tilespmem:s7+$0x1B280] =	vst v1  }
0x40: {  	[tilespmem:s7+$0x1B290] =	vst v1  }
0x41: {  	[tilespmem:s7+$0x1B2A0] =	vst v1  }
0x42: {  	[tilespmem:s7+$0x1B2B0] =	vst v1  }
0x43: {  	[tilespmem:s7+$0x1B2C0] =	vst v1  }
0x44: {  	[tilespmem:s7+$0x1B2D0] =	vst v1  }
0x45: {  	[tilespmem:s7+$0x1B2E0] =	vst v1;
	s9 =	simm.s32 $0x7  }
0x46: {  	[spmem:s12] =	stream.linear.scatter [tilespmem:s8], [sflag:$0x7], $0x2000, $0x38;
	[tilespmem:$0x1F300] =	vst v63  }
0x47: {  	_ =	swait.ge [sflag:s9], $0x2000  }
0x48: {  	s10 =	sld [smem:$0x7F3]  }
0x49: {  	[sflag:s9] =	ssyncset.done $0x0  }
0x4a: {  	[sflag:s9] =	ssyncadd.s32 $0xFFFFE000  }
0x4b: {  	[spmem:s10] =	stream.linear.scatter [tilespmem:s8], [sflag:$0x7], $0x2000, $0x38;
	[tilespmem:$0x1F300] =	vst v63  }
0x4c: {  	_ =	swait.ge [sflag:s9], $0x2000  }
0x4d: {  	s12 =	sld [smem:$0x7F4]  }
0x4e: {  	[sflag:s9] =	ssyncset.done $0x0  }
0x4f: {  	[sflag:s9] =	ssyncadd.s32 $0xFFFFE000  }
0x50: {  	[spmem:s12] =	stream.linear.scatter [tilespmem:s8], [sflag:$0x7], $0x2000, $0x38;
	[tilespmem:$0x1F300] =	vst v63  }
0x51: {  	_ =	swait.ge [sflag:s9], $0x2000  }
0x52: {  	s23 =	sld [smem:$0x7F5]  }
0x53: {  	[sflag:s9] =	ssyncset.done $0x0  }
0x54: {  	[sflag:s9] =	ssyncadd.s32 $0xFFFFE000  }
0x55: {  	[spmem:s23] =	stream.linear.scatter [tilespmem:s8], [sflag:$0x7], $0x2000, $0x38;
	[tilespmem:$0x1F300] =	vst v63  }
0x56: {  	_ =	swait.ge [sflag:s9], $0x2000  }
0x57: {  	s10 =	sld [smem:$0x7F6]  }
0x58: {  	[sflag:s9] =	ssyncset.done $0x0  }
0x59: {  	[sflag:s9] =	ssyncadd.s32 $0xFFFFE000  }
0x5a: {  	[spmem:s10] =	stream.linear.scatter [tilespmem:s8], [sflag:$0x7], $0x2000, $0x38;
	[tilespmem:$0x1F300] =	vst v63  }
0x5b: {  	_ =	swait.ge [sflag:s9], $0x2000  }
0x5c: {  	s12 =	sld [smem:$0x7F7]  }
0x5d: {  	[sflag:s9] =	ssyncset.done $0x0  }
0x5e: {  	[sflag:s9] =	ssyncadd.s32 $0xFFFFE000  }
0x5f: {  	[spmem:s12] =	stream.linear.scatter [tilespmem:s8], [sflag:$0x7], $0x2000, $0x38;
	[tilespmem:$0x1F300] =	vst v63  }
0x60: {  	_ =	swait.ge [sflag:s9], $0x2000  }
0x61: {  	s23 =	sld [smem:$0x7F8]  }
0x62: {  	[sflag:s9] =	ssyncset.done $0x0  }
0x63: {  	[sflag:s9] =	ssyncadd.s32 $0xFFFFE000  }
0x64: {  	[spmem:s23] =	stream.linear.scatter [tilespmem:s8], [sflag:$0x7], $0x2000, $0x38;
	[tilespmem:$0x1F300] =	vst v63  }
0x65: {  	_ =	swait.ge [sflag:s9], $0x2000  }
0x66: {  	s10 =	sld [smem:$0x7F9]  }
0x67: {  	[sflag:s9] =	ssyncset.done $0x0  }
0x68: {  	[sflag:s9] =	ssyncadd.s32 $0xFFFFE000  }
0x69: {  	[spmem:s10] =	stream.linear.scatter [tilespmem:s8], [sflag:$0x7], $0x2000, $0x38;
	[tilespmem:$0x1F300] =	vst v63  }
0x6a: {  	_ =	swait.ge [sflag:s9], $0x2000  }
0x6b: {  	s12 =	sld [smem:$0x7FA]  }
0x6c: {  	[sflag:s9] =	ssyncset.done $0x0  }
0x6d: {  	[sflag:s9] =	ssyncadd.s32 $0xFFFFE000  }
0x6e: {  	[spmem:s12] =	stream.linear.scatter [tilespmem:s8], [sflag:$0x7], $0x2000, $0x38;
	[tilespmem:$0x1F300] =	vst v63  }
0x6f: {  	_ =	swait.ge [sflag:s9], $0x2000  }
0x70: {  	s23 =	sld [smem:$0x7FB]  }
0x71: {  	[sflag:s9] =	ssyncset.done $0x0  }
0x72: {  	[sflag:s9] =	ssyncadd.s32 $0xFFFFE000  }
0x73: {  	[spmem:s23] =	stream.linear.scatter [tilespmem:s8], [sflag:$0x7], $0x2000, $0x38;
	[tilespmem:$0x1F300] =	vst v63  }
0x74: {  	_ =	swait.ge [sflag:s9], $0x2000  }
0x75: {  	[sflag:s9] =	ssyncset.done $0x0  }
0x76: {  	s7 =	simm.s32 @!p0 $0x1B280;
	[sflag:s9] =	ssyncadd.s32 $0xFFFFE000  }
0x77: {  	[spmem:s25] =	stream.linear.scatter @!p0 [tilespmem:s7], [sflag:$0x7], $0x400, $0x38;
	[tilespmem:$0x1F300] =	vst v63  }
0x78: {  	s7 =	simm.s32 @!p0 $0x7  }
0x79: {  	_ =	swait.ge @!p0 [sflag:s7], $0x400  }
0x7a: {  	[sflag:s7] =	ssyncset.done @!p0 $0x0  }
0x7b: {  	s9 =	simm.s32 $0x3C0;
	[sflag:s7] =	ssyncadd.s32 @!p0 $0xFFFFFC00;
	s7 =	simm.s32 $0x70  }
.LBB2_4:
0x7c: {  	p1 =	sne.s32 s9, $0x9FC0;
	[tilespmem:s7+$0x14280] =	vst v1  }
0x7d: {  	[tilespmem:s7+$0x14210] =	vst v1  }
0x7e: {  	[tilespmem:s7+$0x14220] =	vst v1  }
.Ltmp1:
0x7f: {  	[tilespmem:s7+$0x14230] =	vst v1;
	(pc) =	sbr.rel @p1 .LBB2_4-.Ltmp1, $4  }
0x80: {  	[tilespmem:s7+$0x14240] =	vst v1  }
0x81: {  	[tilespmem:s7+$0x14250] =	vst v1  }
0x82: {  	[tilespmem:s7+$0x14260] =	vst v1  }
0x83: {  	[tilespmem:s7+$0x14270] =	vst v1;
	s7 =	sshra.s32 s9, $0x2;
	s9 =	sadd.s32 $0x200, s9  }
0x84: {  	[tilespmem:s7+$0x14280] =	vst v1  }
0x85: {  	[tilespmem:s7+$0x14210] =	vst v1  }
0x86: {  	[tilespmem:s7+$0x14220] =	vst v1  }
0x87: {  	[tilespmem:s7+$0x14230] =	vst v1  }
0x88: {  	[tilespmem:s7+$0x14240] =	vst v1  }
0x89: {  	[tilespmem:s7+$0x14250] =	vst v1  }
0x8a: {  	[tilespmem:s7+$0x14260] =	vst v1  }
0x8b: {  	[tilespmem:s7+$0x14270] =	vst v1  }
0x8c: {  	[tilespmem:$0x1F280] =	vst v0  }
0x8d: {  	[tilespmem:$0x1F290] =	vst v2  }
0x8e: {  	[tilespmem:$0x1F2A0] =	vst v3  }
0x8f: {  	[tilespmem:$0x1F2B0] =	vst v4  }
0x90: {  	[tilespmem:$0x1F2C0] =	vst v5  }
0x91: {  	[bflag:$0x0] =	sbarrier.arrive $0xFFFF  }
0x92: {  	s7 =	simm.s32 $0x0;
	s10 =	simm.s32 $0x19280;
	s9 =	rddreg [dreg:$0x1c]  }
0x93: {  	[tilespmem:s10], [sflag:$0x1] =	stream.linear.gather [hbm4b:s9+s7], $0x800, $0x38;
	[tilespmem:$0x1F300] =	vst v63  }
0x94: {  	s9 =	simm.s32 $0x0  }
.LBB2_6:
0x95: {  	s10 =	sshll.u32 s9, $0xC  }
0x96: {  	_ =	swait.ge [sflag:s24], $0x800;
	s23 =	sadd.s32 s10, s30  }
0x97: {  	[sflag:s24] =	ssyncset.done $0x0;
	s23 =	sshrl.u32 s23, $0x3  }
0x98: {  	s25 =	simm.s32 $0x19A80;
	[sflag:s24] =	ssyncadd.s32 $0xFFFFF800;
	s23 =	sadd.s32 s6, s23  }
0x99: {  	[tilespmem:s25], [sflag:$0x2] =	stream.linear.gather [hbm4b:s23+s7], $0x800, $0x38;
	[tilespmem:$0x1F300] =	vst v63  }
0x9a: {  	s23 =	simm.s32 $0x0  }
.LBB2_7:
0x9b: {  	s25 =	sshra.s32 s23, $0x2  }
0x9c: {  	v7 =	vld [tilespmem:s25+$0x19280];
	_ =	sdelay $0x7  }
0x9d: {  	[tilespmem:v7+s26+$0x0] =	vst.idx.add.f32.msk $0xffff, v6  }
0x9e: {  	v7 =	vld [tilespmem:s25+$0x19290];
	_ =	sdelay $0x7  }
0x9f: {  	[tilespmem:v7+s26+$0x0] =	vst.idx.add.f32.msk $0xffff, v6  }
0xa0: {  	v7 =	vld [tilespmem:s25+$0x192A0];
	_ =	sdelay $0x7  }
0xa1: {  	[tilespmem:v7+s26+$0x0] =	vst.idx.add.f32.msk $0xffff, v6  }
0xa2: {  	v7 =	vld [tilespmem:s25+$0x192B0];
	_ =	sdelay $0x2  }
0xa3: {  	p1 =	sne.s32 s23, $0x1E00  }
.Ltmp2:
0xa4: {  	_ = 	snop;
	(pc) =	sbr.rel @p1 .LBB2_7-.Ltmp2, $2  }
0xa5: {  	_ =	sdelay $0x2  }
0xa6: {  	s23 =	sadd.s32 $0x200, s23;
	[tilespmem:v7+s26+$0x0] =	vst.idx.add.f32.msk $0xffff, v6  }
0xa7: {  	p1 =	seq.s32 s9, $0x9  }
0xa8: {  	_ =	swait.ge [sflag:s28], $0x800;
	s10 =	sadd.s32 @!p1 s10, s13  }
0xa9: {  	[sflag:s28] =	ssyncset.done $0x0;
	s23 =	simm.s32 @!p1 $0x0;
	s10 =	sshrl.u32 @!p1 s10, $0x3  }
0xaa: {  	s25 =	simm.s32 @!p1 $0x19280;
	[sflag:s28] =	ssyncadd.s32 $0xFFFFF800;
	s10 =	sadd.s32 @!p1 s6, s10  }
0xab: {  	[tilespmem:s25], [sflag:$0x1] =	stream.linear.gather @!p1 [hbm4b:s10+s23], $0x800, $0x38;
	[tilespmem:$0x1F300] =	vst v63  }
0xac: {  	s10 =	simm.s32 $0x0  }
.LBB2_9:
0xad: {  	s23 =	sshra.s32 s10, $0x2  }
0xae: {  	v7 =	vld [tilespmem:s23+$0x19A80];
	_ =	sdelay $0x7  }
0xaf: {  	[tilespmem:v7+s26+$0x0] =	vst.idx.add.f32.msk $0xffff, v6  }
0xb0: {  	v7 =	vld [tilespmem:s23+$0x19A90];
	_ =	sdelay $0x7  }
0xb1: {  	[tilespmem:v7+s26+$0x0] =	vst.idx.add.f32.msk $0xffff, v6  }
0xb2: {  	v7 =	vld [tilespmem:s23+$0x19AA0];
	_ =	sdelay $0x7  }
0xb3: {  	[tilespmem:v7+s26+$0x0] =	vst.idx.add.f32.msk $0xffff, v6  }
0xb4: {  	v7 =	vld [tilespmem:s23+$0x19AB0];
	_ =	sdelay $0x2  }
0xb5: {  	p1 =	sne.s32 s10, $0x1E00  }
.Ltmp3:
0xb6: {  	_ = 	snop;
	(pc) =	sbr.rel @p1 .LBB2_9-.Ltmp3, $2  }
0xb7: {  	_ =	sdelay $0x2  }
0xb8: {  	s10 =	sadd.s32 $0x200, s10;
	[tilespmem:v7+s26+$0x0] =	vst.idx.add.f32.msk $0xffff, v6  }
0xb9: {  	s9 =	sadd.s32 $0x1, s9  }
0xba: {  	p1 =	sne.s32 s9, $0xA  }
.Ltmp4:
0xbb: {  	_ = 	snop;
	(pc) =	sbr.rel @p1 .LBB2_6-.Ltmp4, $1  }
0xbc: {  	_ =	sdelay $0x3  }
0xbd: {  	s7 =	rddreg [dreg:$0x2]  }
0xbe: {  	s9 =	simm.s32 $0x50;
	s10 =	simm.s32 $0x1F280;
	s23 =	simm.s32 $0x7  }
0xbf: {  	[spmem:s7] =	stream.indirect.scatter.add.f32 [tilespmem:s26], [sflag:$0x7], $0x80, s10, s9, $0xb8;
	[tilespmem:$0x1F300] =	vst v63  }
0xc0: {  	_ =	swait.ge [sflag:s23], $0x2800  }
0xc1: {  	[sflag:s23] =	ssyncset.done $0x0  }
0xc2: {  	[sflag:s23] =	ssyncadd.s32 $0xFFFFD800  }
0xc3: {  	[bflag:$0x0] =	sbarrier.arrive $0xFFFF  }
0xc4: {  	[tilespmem:s8], [sflag:$0x7] =	stream.linear.gather [spmem:s7], $0x2000, $0x38;
	[tilespmem:$0x1F300] =	vst v63  }
0xc5: {  	_ =	swait.ge [sflag:s23], $0x2000  }
0xc6: {  	s25 =	sld [smem:$0x7FC]  }
0xc7: {  	[sflag:s23] =	ssyncset.done $0x0  }
0xc8: {  	[sflag:s23] =	ssyncadd.s32 $0xFFFFE000  }
0xc9: {  	[tilespmem:s29], [sflag:$0x7] =	stream.linear.gather [spmem:s25], $0x800, $0x38;
	[tilespmem:$0x1F300] =	vst v63  }
0xca: {  	_ =	swait.ge [sflag:s23], $0x800  }
0xcb: {  	[sflag:s23] =	ssyncset.done $0x0  }
0xcc: {  	s9 =	simm.s32 $0x0;
	[sflag:s23] =	ssyncadd.s32 $0xFFFFF800  }
0xcd: {  	v7 =	vld [tilespmem:s9+$0x1B2F0]  }
0xce: {  	v8 =	vld [tilespmem:s9+$0x1B280]  }
0xcf: {  	v9 =	vld [tilespmem:s9+$0x1B290]  }
0xd0: {  	v10 =	vld [tilespmem:s9+$0x1B2A0]  }
0xd1: {  	v11 =	vld [tilespmem:s9+$0x1B2B0]  }
0xd2: {  	v12 =	vld [tilespmem:s9+$0x1B2C0]  }
0xd3: {  	s7 =	simm.s32 $0x80;
	v13 =	vld [tilespmem:s9+$0x1B2D0];
	v7 =	vmax.f32 v7, $1.000000000e+00  }
0xd4: {  	v14 =	vld [tilespmem:s7+$0x1B2F0];
	v8 =	vmax.f32 v8, $1.000000000e+00;
	(erf) = vrcp.f32 v7  }
0xd5: {  	v7 =	vmax.f32 v9, $1.000000000e+00;
	v9 =	vld [tilespmem:s9+$0x1B2E0];
	(erf) = vrcp.f32 v8  }
0xd6: {  	v15 =	vld [tilespmem:s7+$0x1B280];
	v8 =	vmax.f32 v10, $1.000000000e+00;
	(erf) = vrcp.f32 v7  }
0xd7: {  	v7 =	vmax.f32 v11, $1.000000000e+00;
	(erf) = vrcp.f32 v8  }
0xd8: {  	v8 =	vmax.f32 v12, $1.000000000e+00;
	(erf) = vrcp.f32 v7  }
0xd9: {  	v11 =	vld [tilespmem:s7+$0x1B290];
	v12 =	vmax.f32 v13, $1.000000000e+00;
	(erf) = vrcp.f32 v8  }
0xda: {  	v10 =	vld [tilespmem:s7+$0x1B2A0];
	v9 =	vmax.f32 v9, $1.000000000e+00;
	(erf) = vrcp.f32 v12  }
0xdb: {  	v13 =	vmax.f32 v15, $1.000000000e+00;
	v7 =	vld [tilespmem:s7+$0x1B2B0];
	v12 =	vmax.f32 v14, $1.000000000e+00;
	(erf) = vrcp.f32 v9  }
0xdc: {  	v8 =	vld [tilespmem:s7+$0x1B2C0];
	(erf) = vrcp.f32 v12  }
0xdd: {  	s30 =	simm.s32 $0x0;
	v9 =	vld [tilespmem:s7+$0x1B2D0];
	(erf) = vrcp.f32 v13  }
0xde: {  	s10 =	simm.s32 $0x80;
	s25 =	simm.s32 $0x100;
	s23 =	simm.s32 $0x600;
	v12 =	vmax.f32 v11, $1.000000000e+00;
	v11 =	vld [tilespmem:s7+$0x1B2E0];
	v13 =	vpop (erf)  }
.LBB2_12:
0xdf: {  	p1 =	sne.s32 s23, $0x7E00;
	v14 =	vld [tilespmem:s25+$0x1B2F0];
	v15 =	vmax.f32 v10, $1.000000000e+00;
	(erf) = vrcp.f32 v12;
	[tilespmem:s30+$0x16AF0] =	vst v13;
	v12 =	vpop (erf);
	s12 =	smov.u32 s10;
	s10 =	smov.u32 s25  }
0xe0: {  	v13 =	vld [tilespmem:s10+$0x1B280];
	v16 =	vmax.f32 v7, $1.000000000e+00;
	(erf) = vrcp.f32 v15;
	[tilespmem:s30+$0x16A80] =	vst v12;
	v10 =	vpop (erf)  }
0xe1: {  	v12 =	vld [tilespmem:s10+$0x1B290];
	v15 =	vmax.f32 v8, $1.000000000e+00;
	(erf) = vrcp.f32 v16;
	[tilespmem:s30+$0x16A90] =	vst v10;
	v7 =	vpop (erf)  }
.Ltmp5:
0xe2: {  	v10 =	vld [tilespmem:s10+$0x1B2A0];
	v16 =	vmax.f32 v9, $1.000000000e+00;
	(erf) = vrcp.f32 v15;
	[tilespmem:s30+$0x16AA0] =	vst v7;
	v8 =	vpop (erf);
	(pc) =	sbr.rel @p1 .LBB2_12-.Ltmp5, $4  }
0xe3: {  	v7 =	vld [tilespmem:s10+$0x1B2B0];
	v15 =	vmax.f32 v11, $1.000000000e+00;
	(erf) = vrcp.f32 v16;
	[tilespmem:s30+$0x16AB0] =	vst v8;
	v9 =	vpop (erf)  }
0xe4: {  	v8 =	vld [tilespmem:s10+$0x1B2C0];
	v16 =	vmax.f32 v14, $1.000000000e+00;
	(erf) = vrcp.f32 v15;
	[tilespmem:s30+$0x16AC0] =	vst v9;
	v11 =	vpop (erf)  }
0xe5: {  	v15 =	vmax.f32 v13, $1.000000000e+00;
	v9 =	vld [tilespmem:s10+$0x1B2D0];
	(erf) = vrcp.f32 v16;
	[tilespmem:s30+$0x16AD0] =	vst v11;
	v14 =	vpop (erf)  }
0xe6: {  	s25 =	sshra.s32 s23, $0x2;
	s23 =	sadd.s32 $0x200, s23;
	v12 =	vmax.f32 v12, $1.000000000e+00;
	v11 =	vld [tilespmem:s10+$0x1B2E0];
	(erf) = vrcp.f32 v15;
	v13 =	vpop (erf);
	[tilespmem:s30+$0x16AE0] =	vst v14;
	s30 =	smov.u32 s12  }
0xe7: {  	v14 =	vld [tilespmem:s25+$0x1B2F0];
	[tilespmem:s30+$0x16AF0] =	vst v13;
	v13 =	vpop (erf);
	v10 =	vmax.f32 v10, $1.000000000e+00;
	(erf) = vrcp.f32 v12  }
0xe8: {  	v15 =	vld [tilespmem:s25+$0x1B280];
	[tilespmem:s30+$0x16A80] =	vst v13;
	v13 =	vpop (erf);
	(erf) = vrcp.f32 v10;
	v7 =	vmax.f32 v7, $1.000000000e+00  }
0xe9: {  	v16 =	vld [tilespmem:s25+$0x1B290];
	[tilespmem:s30+$0x16A90] =	vst v13;
	v13 =	vpop (erf);
	v8 =	vmax.f32 v8, $1.000000000e+00;
	(erf) = vrcp.f32 v7  }
0xea: {  	v17 =	vld [tilespmem:s25+$0x1B2A0];
	[tilespmem:s30+$0x16AA0] =	vst v13;
	v12 =	vpop (erf);
	(erf) = vrcp.f32 v8;
	v8 =	vmax.f32 v9, $1.000000000e+00  }
0xeb: {  	v13 =	vld [tilespmem:s25+$0x1B2B0];
	[tilespmem:s30+$0x16AB0] =	vst v12;
	v7 =	vpop (erf)  }
0xec: {  	(erf) = vrcp.f32 v8;
	v10 =	vld [tilespmem:s25+$0x1B2C0];
	[tilespmem:s30+$0x16AC0] =	vst v7;
	v7 =	vmax.f32 v11, $1.000000000e+00  }
0xed: {  	v8 =	vpop (erf);
	(erf) = vrcp.f32 v7;
	v7 =	vmax.f32 v14, $1.000000000e+00;
	_ =	sdelay $0x1  }
0xee: {  	v9 =	vld [tilespmem:s25+$0x1B2D0];
	[tilespmem:s30+$0x16AD0] =	vst v8;
	v8 =	vmax.f32 v15, $1.000000000e+00  }
0xef: {  	(erf) = vrcp.f32 v7;
	v7 =	vpop (erf)  }
0xf0: {  	v11 =	vld [tilespmem:s25+$0x1B2E0];
	[tilespmem:s30+$0x16AE0] =	vst v7;
	v7 =	vmax.f32 v17, $1.000000000e+00  }
0xf1: {  	v12 =	vmax.f32 v16, $1.000000000e+00;
	(erf) = vrcp.f32 v8;
	v8 =	vpop (erf)  }
0xf2: {  	(erf) = vrcp.f32 v12;
	[tilespmem:s10+$0x16AF0] =	vst v8;
	v8 =	vpop (erf)  }
0xf3: {  	v12 =	vmax.f32 v13, $1.000000000e+00;
	(erf) = vrcp.f32 v7;
	[tilespmem:s10+$0x16A80] =	vst v8;
	v7 =	vpop (erf)  }
0xf4: {  	v8 =	vmax.f32 v10, $1.000000000e+00;
	(erf) = vrcp.f32 v12;
	[tilespmem:s10+$0x16A90] =	vst v7;
	v7 =	vpop (erf)  }
0xf5: {  	v9 =	vmax.f32 v9, $1.000000000e+00;
	(erf) = vrcp.f32 v8;
	[tilespmem:s10+$0x16AA0] =	vst v7;
	v7 =	vpop (erf)  }
0xf6: {  	v8 =	vmax.f32 v11, $1.000000000e+00;
	(erf) = vrcp.f32 v9;
	[tilespmem:s10+$0x16AB0] =	vst v7;
	v7 =	vpop (erf)  }
0xf7: {  	(erf) = vrcp.f32 v8;
	[tilespmem:s10+$0x16AC0] =	vst v7;
	v7 =	vpop (erf)  }
0xf8: {  	[tilespmem:s10+$0x16AD0] =	vst v7;
	v7 =	vpop (erf)  }
0xf9: {  	v8 =	vpop (erf);
	[tilespmem:s10+$0x16AE0] =	vst v7  }
0xfa: {  	[tilespmem:s25+$0x16AF0] =	vst v8;
	v7 =	vpop (erf)  }
0xfb: {  	[tilespmem:s25+$0x16A80] =	vst v7;
	v7 =	vpop (erf)  }
0xfc: {  	[tilespmem:s25+$0x16A90] =	vst v7;
	v7 =	vpop (erf)  }
0xfd: {  	[tilespmem:s25+$0x16AA0] =	vst v7;
	v7 =	vpop (erf)  }
0xfe: {  	[tilespmem:s25+$0x16AB0] =	vst v7;
	v7 =	vpop (erf)  }
0xff: {  	[tilespmem:s25+$0x16AC0] =	vst v7;
	v7 =	vpop (erf)  }
0x100: {  	[tilespmem:s25+$0x16AD0] =	vst v7;
	v7 =	vpop (erf)  }
0x101: {  	[tilespmem:s25+$0x16AE0] =	vst v7  }
0x102: {  	v7 =	vld [tilespmem:s9+$0x1D2F0]  }
0x103: {  	v8 =	vld [tilespmem:s9+$0x1D280]  }
0x104: {  	v9 =	vld [tilespmem:s9+$0x1D290]  }
0x105: {  	v10 =	vld [tilespmem:s9+$0x1D2A0]  }
0x106: {  	v11 =	vld [tilespmem:s9+$0x1D2B0]  }
0x107: {  	v12 =	vld [tilespmem:s9+$0x1D2C0]  }
0x108: {  	v13 =	vld [tilespmem:s9+$0x1D2D0];
	v7 =	vmax.f32 v7, $1.000000000e+00  }
0x109: {  	v14 =	vld [tilespmem:s7+$0x1D2F0];
	v8 =	vmax.f32 v8, $1.000000000e+00;
	(erf) = vrcp.f32 v7  }
0x10a: {  	v7 =	vmax.f32 v9, $1.000000000e+00;
	v9 =	vld [tilespmem:s9+$0x1D2E0];
	(erf) = vrcp.f32 v8  }
0x10b: {  	v15 =	vld [tilespmem:s7+$0x1D280];
	v8 =	vmax.f32 v10, $1.000000000e+00;
	(erf) = vrcp.f32 v7  }
0x10c: {  	v7 =	vmax.f32 v11, $1.000000000e+00;
	(erf) = vrcp.f32 v8  }
0x10d: {  	v8 =	vmax.f32 v12, $1.000000000e+00;
	(erf) = vrcp.f32 v7  }
0x10e: {  	v11 =	vld [tilespmem:s7+$0x1D290];
	v12 =	vmax.f32 v13, $1.000000000e+00;
	(erf) = vrcp.f32 v8  }
0x10f: {  	v10 =	vld [tilespmem:s7+$0x1D2A0];
	v9 =	vmax.f32 v9, $1.000000000e+00;
	(erf) = vrcp.f32 v12  }
0x110: {  	v13 =	vmax.f32 v15, $1.000000000e+00;
	v7 =	vld [tilespmem:s7+$0x1D2B0];
	v12 =	vmax.f32 v14, $1.000000000e+00;
	(erf) = vrcp.f32 v9  }
0x111: {  	v8 =	vld [tilespmem:s7+$0x1D2C0];
	(erf) = vrcp.f32 v12  }
0x112: {  	v9 =	vld [tilespmem:s7+$0x1D2D0];
	(erf) = vrcp.f32 v13  }
0x113: {  	s23 =	simm.s32 $0x600;
	s10 =	simm.s32 $0x100;
	v12 =	vmax.f32 v11, $1.000000000e+00;
	v11 =	vld [tilespmem:s7+$0x1D2E0];
	v13 =	vpop (erf)  }
.LBB2_14:
0x114: {  	p1 =	sne.s32 s23, $0x1E00;
	v14 =	vld [tilespmem:s10+$0x1D2F0];
	v15 =	vmax.f32 v10, $1.000000000e+00;
	(erf) = vrcp.f32 v12;
	[tilespmem:s9+$0x18AF0] =	vst v13;
	v12 =	vpop (erf);
	s12 =	smov.u32 s7;
	s7 =	smov.u32 s10  }
0x115: {  	v13 =	vld [tilespmem:s7+$0x1D280];
	v16 =	vmax.f32 v7, $1.000000000e+00;
	(erf) = vrcp.f32 v15;
	[tilespmem:s9+$0x18A80] =	vst v12;
	v10 =	vpop (erf)  }
0x116: {  	v12 =	vld [tilespmem:s7+$0x1D290];
	v15 =	vmax.f32 v8, $1.000000000e+00;
	(erf) = vrcp.f32 v16;
	[tilespmem:s9+$0x18A90] =	vst v10;
	v7 =	vpop (erf)  }
.Ltmp6:
0x117: {  	v10 =	vld [tilespmem:s7+$0x1D2A0];
	v16 =	vmax.f32 v9, $1.000000000e+00;
	(erf) = vrcp.f32 v15;
	[tilespmem:s9+$0x18AA0] =	vst v7;
	v8 =	vpop (erf);
	(pc) =	sbr.rel @p1 .LBB2_14-.Ltmp6, $4  }
0x118: {  	v7 =	vld [tilespmem:s7+$0x1D2B0];
	v15 =	vmax.f32 v11, $1.000000000e+00;
	(erf) = vrcp.f32 v16;
	[tilespmem:s9+$0x18AB0] =	vst v8;
	v9 =	vpop (erf)  }
0x119: {  	v8 =	vld [tilespmem:s7+$0x1D2C0];
	v16 =	vmax.f32 v14, $1.000000000e+00;
	(erf) = vrcp.f32 v15;
	[tilespmem:s9+$0x18AC0] =	vst v9;
	v11 =	vpop (erf)  }
0x11a: {  	v15 =	vmax.f32 v13, $1.000000000e+00;
	v9 =	vld [tilespmem:s7+$0x1D2D0];
	(erf) = vrcp.f32 v16;
	[tilespmem:s9+$0x18AD0] =	vst v11;
	v14 =	vpop (erf)  }
0x11b: {  	s10 =	sshra.s32 s23, $0x2;
	s23 =	sadd.s32 $0x200, s23;
	v12 =	vmax.f32 v12, $1.000000000e+00;
	v11 =	vld [tilespmem:s7+$0x1D2E0];
	(erf) = vrcp.f32 v15;
	v13 =	vpop (erf);
	[tilespmem:s9+$0x18AE0] =	vst v14;
	s9 =	smov.u32 s12  }
0x11c: {  	v14 =	vld [tilespmem:s10+$0x1D2F0];
	[tilespmem:s9+$0x18AF0] =	vst v13;
	v55 =	vpop (erf);
	v10 =	vmax.f32 v10, $1.000000000e+00;
	(erf) = vrcp.f32 v12  }
0x11d: {  	v15 =	vld [tilespmem:s10+$0x1D280];
	[tilespmem:s9+$0x18A80] =	vst v55;
	v56 =	vpop (erf);
	(erf) = vrcp.f32 v10;
	v7 =	vmax.f32 v7, $1.000000000e+00  }
0x11e: {  	v16 =	vld [tilespmem:s10+$0x1D290];
	[tilespmem:s9+$0x18A90] =	vst v56;
	v57 =	vpop (erf);
	v8 =	vmax.f32 v8, $1.000000000e+00;
	(erf) = vrcp.f32 v7  }
0x11f: {  	v17 =	vld [tilespmem:s10+$0x1D2A0];
	[tilespmem:s9+$0x18AA0] =	vst v57;
	v58 =	vpop (erf);
	(erf) = vrcp.f32 v8;
	v8 =	vmax.f32 v9, $1.000000000e+00  }
0x120: {  	v13 =	vld [tilespmem:s10+$0x1D2B0];
	[tilespmem:s9+$0x18AB0] =	vst v58;
	v7 =	vpop (erf)  }
0x121: {  	(erf) = vrcp.f32 v8;
	v59 =	vld [tilespmem:s10+$0x1D2C0];
	[tilespmem:s9+$0x18AC0] =	vst v7;
	v7 =	vmax.f32 v11, $1.000000000e+00  }
0x122: {  	v8 =	vpop (erf);
	(erf) = vrcp.f32 v7;
	v7 =	vmax.f32 v14, $1.000000000e+00;
	_ =	sdelay $0x1  }
0x123: {  	v60 =	vld [tilespmem:s10+$0x1D2D0];
	[tilespmem:s9+$0x18AD0] =	vst v8;
	v8 =	vmax.f32 v15, $1.000000000e+00  }
0x124: {  	(erf) = vrcp.f32 v7;
	v7 =	vpop (erf)  }
0x125: {  	v61 =	vld [tilespmem:s10+$0x1D2E0];
	[tilespmem:s9+$0x18AE0] =	vst v7;
	v7 =	vmax.f32 v17, $1.000000000e+00  }
0x126: {  	v62 =	vmax.f32 v16, $1.000000000e+00;
	(erf) = vrcp.f32 v8;
	v8 =	vpop (erf)  }
0x127: {  	(erf) = vrcp.f32 v62;
	[tilespmem:s7+$0x18AF0] =	vst v8;
	v8 =	vpop (erf)  }
0x128: {  	v63 =	vmax.f32 v13, $1.000000000e+00;
	(erf) = vrcp.f32 v7;
	[tilespmem:s7+$0x18A80] =	vst v8;
	v7 =	vpop (erf)  }
0x129: {  	v8 =	vmax.f32 v59, $1.000000000e+00;
	(erf) = vrcp.f32 v63;
	[tilespmem:s7+$0x18A90] =	vst v7;
	v7 =	vpop (erf)  }
0x12a: {  	v9 =	vmax.f32 v60, $1.000000000e+00;
	(erf) = vrcp.f32 v8;
	[tilespmem:s7+$0x18AA0] =	vst v7;
	v7 =	vpop (erf)  }
0x12b: {  	v8 =	vmax.f32 v61, $1.000000000e+00;
	(erf) = vrcp.f32 v9;
	[tilespmem:s7+$0x18AB0] =	vst v7;
	v7 =	vpop (erf)  }
0x12c: {  	(erf) = vrcp.f32 v8;
	[tilespmem:s7+$0x18AC0] =	vst v7;
	v7 =	vpop (erf)  }
0x12d: {  	[tilespmem:s7+$0x18AD0] =	vst v7;
	v7 =	vpop (erf)  }
0x12e: {  	v8 =	vpop (erf);
	[tilespmem:s7+$0x18AE0] =	vst v7  }
0x12f: {  	[tilespmem:s10+$0x18AF0] =	vst v8;
	v7 =	vpop (erf)  }
0x130: {  	[tilespmem:s10+$0x18A80] =	vst v7;
	v7 =	vpop (erf)  }
0x131: {  	[tilespmem:s10+$0x18A90] =	vst v7;
	v7 =	vpop (erf)  }
0x132: {  	[tilespmem:s10+$0x18AA0] =	vst v7;
	v7 =	vpop (erf)  }
0x133: {  	[tilespmem:s10+$0x18AB0] =	vst v7;
	v7 =	vpop (erf)  }
0x134: {  	[tilespmem:s10+$0x18AC0] =	vst v7;
	v7 =	vpop (erf)  }
0x135: {  	[tilespmem:s10+$0x18AD0] =	vst v7;
	v7 =	vpop (erf)  }
0x136: {  	s13 =	simm.s32 $0x1AA80;
	s9 =	simm.s32 $0x3C0;
	s7 =	simm.s32 $0x70;
	[tilespmem:s10+$0x18AE0] =	vst v7  }
.LBB2_16:
0x137: {  	p1 =	sne.s32 s9, $0x9FC0;
	[tilespmem:s7+$0x14280] =	vst v1  }
0x138: {  	[tilespmem:s7+$0x14210] =	vst v1  }
0x139: {  	[tilespmem:s7+$0x14220] =	vst v1  }
.Ltmp7:
0x13a: {  	[tilespmem:s7+$0x14230] =	vst v1;
	(pc) =	sbr.rel @p1 .LBB2_16-.Ltmp7, $4  }
0x13b: {  	[tilespmem:s7+$0x14240] =	vst v1  }
0x13c: {  	[tilespmem:s7+$0x14250] =	vst v1  }
0x13d: {  	[tilespmem:s7+$0x14260] =	vst v1  }
0x13e: {  	[tilespmem:s7+$0x14270] =	vst v1;
	s7 =	sshra.s32 s9, $0x2;
	s9 =	sadd.s32 $0x200, s9  }
0x13f: {  	[tilespmem:s7+$0x14280] =	vst v1  }
0x140: {  	[tilespmem:s7+$0x14210] =	vst v1  }
0x141: {  	[tilespmem:s7+$0x14220] =	vst v1  }
0x142: {  	[tilespmem:s7+$0x14230] =	vst v1  }
0x143: {  	[tilespmem:s7+$0x14240] =	vst v1  }
0x144: {  	[tilespmem:s7+$0x14250] =	vst v1  }
0x145: {  	[tilespmem:s7+$0x14260] =	vst v1  }
0x146: {  	[tilespmem:s7+$0x14270] =	vst v1;
	s10 =	simm.s32 $0x0;
	s25 =	rddreg [dreg:$0x19];
	s12 =	simm.s32 $0x1A280  }
0x147: {  	[tilespmem:s12], [sflag:$0x1] =	stream.linear.gather [hbm4b:s25+s10], $0x400, $0x38;
	[tilespmem:$0x1F300] =	vst v63  }
0x148: {  	s30 =	rddreg [dreg:$0x18];
	s9 =	simm.s32 $0x1  }
0x149: {  	[tilespmem:s13], [sflag:$0x1] =	stream.linear.gather [hbm4b:s30+s10], $0x400, $0x38;
	[tilespmem:$0x1F300] =	vst v63  }
0x14a: {  	_ =	swait.ge [sflag:s9], $0x400  }
0x14b: {  	[sflag:s9] =	ssyncset.done $0x0  }
0x14c: {  	[sflag:s9] =	ssyncadd.s32 $0xFFFFFC00  }
0x14d: {  	_ =	swait.ge [sflag:s9], $0x400  }
0x14e: {  	[sflag:s9] =	ssyncset.done $0x0  }
0x14f: {  	s7 =	simm.s32 $0x0;
	s13 =	simm.s32 $0x1AA80;
	[sflag:s9] =	ssyncadd.s32 $0xFFFFFC00  }
0x150: {  	[tilespmem:s8], [sflag:$0x3] =	stream.indirect.gather [hbm4b:s5+s31], $0x80, s12, s31, $0xb8;
	[tilespmem:$0x1F300] =	vst v63  }
.LBB2_18:
0x151: {  	p1 =	seq.s32 s7, $0x0  }
0x152: {  	s12 =	simm.s32 @!p1 $0x6  }
0x153: {  	_ =	swait.ge @!p1 [sflag:s12], $0x2000  }
0x154: {  	s23 =	rddreg [dreg:$0x6];
	[sflag:s12] =	ssyncset.done @!p1 $0x0  }
0x155: {  	[sflag:s12] =	ssyncadd.s32 @!p1 $0xFFFFE000;
	p1 =	sge.u32 s9, s14;
	s12 =	rddreg [dreg:$0x5]  }
0x156: {  	s23 =	sadd.s32 @!p1 s7, s23;
	s25 =	simm.s32 @!p1 $0x0;
	s30 =	simm.s32 @!p1 $0x1A680  }
0x157: {  	[tilespmem:s30], [sflag:$0x2] =	stream.linear.gather @!p1 [hbm4b:s23+s25], $0x400, $0x38;
	[tilespmem:$0x1F300] =	vst v63  }
0x158: {  	p2 =	sge.u32 s10, s15;
	s12 =	sadd.s32 @!p1 s7, s12;
	s23 =	simm.s32 @!p1 $0x1AE80  }
0x159: {  	[tilespmem:s23], [sflag:$0x2] =	stream.linear.gather @!p1 [hbm4b:s12+s25], $0x400, $0x38;
	[tilespmem:$0x1F300] =	vst v63  }
0x15a: {  	s12 =	simm.s32 @!p2 $0x40;
	s23 =	simm.s32 @!p2 $0x1A300;
	s25 =	simm.s32 @!p2 $0x1D280  }
0x15b: {  	[tilespmem:s25], [sflag:$0x4] =	stream.indirect.gather @!p2 [hbm4b:s5+s12], $0x80, s23, s12, $0xb8;
	[tilespmem:$0x1F300] =	vst v63  }
0x15c: {  	_ =	swait.ge [sflag:s0], $0x2000  }
0x15d: {  	[sflag:s0] =	ssyncset.done $0x0  }
0x15e: {  	[sflag:s0] =	ssyncadd.s32 $0xFFFFE000  }
0x15f: {  	[spmem:s2] =	stream.indirect.scatter.add.f32 [tilespmem:s8], [sflag:$0x5], $0x80, s13, s31, $0xb8;
	[tilespmem:$0x1F300] =	vst v63  }
0x160: {  	v7 =	vld [tilespmem:$0x1AA80];
	_ =	sdelay $0x4  }
0x161: {  	v8 =	vld [tilespmem:$0x1A280];
	_ =	sdelay $0x2  }
0x162: {  	v7 =	vld.idx.msk [tilespmem:v7+s4+$0x0], $0xffff;
	_ =	sdelay $0x4  }
0x163: {  	[tilespmem:v8+s26+$0x0] =	vst.idx.add.f32.msk $0xffff, v7  }
0x164: {  	v7 =	vld [tilespmem:$0x1AA90];
	_ =	sdelay $0x4  }
0x165: {  	v8 =	vld [tilespmem:$0x1A290];
	_ =	sdelay $0x2  }
0x166: {  	v7 =	vld.idx.msk [tilespmem:v7+s4+$0x0], $0xffff;
	_ =	sdelay $0x4  }
0x167: {  	[tilespmem:v8+s26+$0x0] =	vst.idx.add.f32.msk $0xffff, v7  }
0x168: {  	v7 =	vld [tilespmem:$0x1AAA0];
	_ =	sdelay $0x4  }
0x169: {  	v8 =	vld [tilespmem:$0x1A2A0];
	_ =	sdelay $0x2  }
0x16a: {  	v7 =	vld.idx.msk [tilespmem:v7+s4+$0x0], $0xffff;
	_ =	sdelay $0x4  }
0x16b: {  	[tilespmem:v8+s26+$0x0] =	vst.idx.add.f32.msk $0xffff, v7  }
0x16c: {  	v7 =	vld [tilespmem:$0x1AAB0];
	_ =	sdelay $0x4  }
0x16d: {  	v8 =	vld [tilespmem:$0x1A2B0];
	_ =	sdelay $0x2  }
0x16e: {  	v7 =	vld.idx.msk [tilespmem:v7+s4+$0x0], $0xffff;
	_ =	sdelay $0x4  }
0x16f: {  	[tilespmem:v8+s26+$0x0] =	vst.idx.add.f32.msk $0xffff, v7  }
0x170: {  	p2 =	sge.u32 s10, s16;
	_ =	swait.ge [sflag:s1], $0x2000  }
0x171: {  	s12 =	simm.s32 @!p2 $0x40;
	[sflag:s1] =	ssyncset.done $0x0  }
0x172: {  	s23 =	simm.s32 @!p2 $0x1A380;
	s25 =	simm.s32 @!p2 $0x1B280;
	[sflag:s1] =	ssyncadd.s32 $0xFFFFE000  }
0x173: {  	[tilespmem:s25], [sflag:$0x3] =	stream.indirect.gather @!p2 [hbm4b:s5+s12], $0x80, s23, s12, $0xb8;
	[tilespmem:$0x1F300] =	vst v63  }
0x174: {  	_ =	swait.ge [sflag:s3], $0x2000  }
0x175: {  	[sflag:s3] =	ssyncset.done $0x0  }
0x176: {  	s25 =	rddreg [dreg:$0x9];
	[sflag:s3] =	ssyncadd.s32 $0xFFFFE000  }
0x177: {  	[spmem:s2] =	stream.indirect.scatter.add.f32 [tilespmem:s29], [sflag:$0x6], $0x80, s25, s31, $0xb8;
	[tilespmem:$0x1F300] =	vst v63  }
0x178: {  	v7 =	vld [tilespmem:$0x1AB00];
	_ =	sdelay $0x4  }
0x179: {  	v8 =	vld [tilespmem:$0x1A300];
	_ =	sdelay $0x2  }
0x17a: {  	v7 =	vld.idx.msk [tilespmem:v7+s4+$0x0], $0xffff;
	_ =	sdelay $0x4  }
0x17b: {  	[tilespmem:v8+s26+$0x0] =	vst.idx.add.f32.msk $0xffff, v7  }
0x17c: {  	v7 =	vld [tilespmem:$0x1AB10];
	_ =	sdelay $0x4  }
0x17d: {  	v8 =	vld [tilespmem:$0x1A310];
	_ =	sdelay $0x2  }
0x17e: {  	v7 =	vld.idx.msk [tilespmem:v7+s4+$0x0], $0xffff;
	_ =	sdelay $0x4  }
0x17f: {  	[tilespmem:v8+s26+$0x0] =	vst.idx.add.f32.msk $0xffff, v7  }
0x180: {  	v7 =	vld [tilespmem:$0x1AB20];
	_ =	sdelay $0x4  }
0x181: {  	v8 =	vld [tilespmem:$0x1A320];
	_ =	sdelay $0x2  }
0x182: {  	v7 =	vld.idx.msk [tilespmem:v7+s4+$0x0], $0xffff;
	_ =	sdelay $0x4  }
0x183: {  	[tilespmem:v8+s26+$0x0] =	vst.idx.add.f32.msk $0xffff, v7  }
0x184: {  	v7 =	vld [tilespmem:$0x1AB30];
	_ =	sdelay $0x4  }
0x185: {  	v8 =	vld [tilespmem:$0x1A330];
	_ =	sdelay $0x2  }
0x186: {  	v7 =	vld.idx.msk [tilespmem:v7+s4+$0x0], $0xffff;
	_ =	sdelay $0x4  }
0x187: {  	[tilespmem:v8+s26+$0x0] =	vst.idx.add.f32.msk $0xffff, v7  }
0x188: {  	p2 =	sge.u32 s10, s17;
	_ =	swait.ge [sflag:s11], $0x2000  }
0x189: {  	s12 =	simm.s32 @!p2 $0x40;
	[sflag:s11] =	ssyncset.done $0x0  }
0x18a: {  	s23 =	simm.s32 @!p2 $0x1A400;
	s25 =	simm.s32 @!p2 $0x1D280;
	[sflag:s11] =	ssyncadd.s32 $0xFFFFE000  }
0x18b: {  	[tilespmem:s25], [sflag:$0x4] =	stream.indirect.gather @!p2 [hbm4b:s5+s12], $0x80, s23, s12, $0xb8;
	[tilespmem:$0x1F300] =	vst v63  }
0x18c: {  	_ =	swait.ge [sflag:s0], $0x2000  }
0x18d: {  	[sflag:s0] =	ssyncset.done $0x0  }
0x18e: {  	s30 =	rddreg [dreg:$0xa];
	[sflag:s0] =	ssyncadd.s32 $0xFFFFE000  }
0x18f: {  	[spmem:s2] =	stream.indirect.scatter.add.f32 [tilespmem:s8], [sflag:$0x5], $0x80, s30, s31, $0xb8;
	[tilespmem:$0x1F300] =	vst v63  }
0x190: {  	v7 =	vld [tilespmem:$0x1AB80];
	_ =	sdelay $0x4  }
0x191: {  	v8 =	vld [tilespmem:$0x1A380];
	_ =	sdelay $0x2  }
0x192: {  	v7 =	vld.idx.msk [tilespmem:v7+s4+$0x0], $0xffff;
	_ =	sdelay $0x4  }
0x193: {  	[tilespmem:v8+s26+$0x0] =	vst.idx.add.f32.msk $0xffff, v7  }
0x194: {  	v7 =	vld [tilespmem:$0x1AB90];
	_ =	sdelay $0x4  }
0x195: {  	v8 =	vld [tilespmem:$0x1A390];
	_ =	sdelay $0x2  }
0x196: {  	v7 =	vld.idx.msk [tilespmem:v7+s4+$0x0], $0xffff;
	_ =	sdelay $0x4  }
0x197: {  	[tilespmem:v8+s26+$0x0] =	vst.idx.add.f32.msk $0xffff, v7  }
0x198: {  	v7 =	vld [tilespmem:$0x1ABA0];
	_ =	sdelay $0x4  }
0x199: {  	v8 =	vld [tilespmem:$0x1A3A0];
	_ =	sdelay $0x2  }
0x19a: {  	v7 =	vld.idx.msk [tilespmem:v7+s4+$0x0], $0xffff;
	_ =	sdelay $0x4  }
0x19b: {  	[tilespmem:v8+s26+$0x0] =	vst.idx.add.f32.msk $0xffff, v7  }
0x19c: {  	v7 =	vld [tilespmem:$0x1ABB0];
	_ =	sdelay $0x4  }
0x19d: {  	v8 =	vld [tilespmem:$0x1A3B0];
	_ =	sdelay $0x2  }
0x19e: {  	v7 =	vld.idx.msk [tilespmem:v7+s4+$0x0], $0xffff;
	_ =	sdelay $0x4  }
0x19f: {  	[tilespmem:v8+s26+$0x0] =	vst.idx.add.f32.msk $0xffff, v7  }
0x1a0: {  	p2 =	sge.u32 s10, s18;
	_ =	swait.ge [sflag:s1], $0x2000  }
0x1a1: {  	s12 =	simm.s32 @!p2 $0x40;
	[sflag:s1] =	ssyncset.done $0x0  }
0x1a2: {  	s23 =	simm.s32 @!p2 $0x1A480;
	s25 =	simm.s32 @!p2 $0x1B280;
	[sflag:s1] =	ssyncadd.s32 $0xFFFFE000  }
0x1a3: {  	[tilespmem:s25], [sflag:$0x3] =	stream.indirect.gather @!p2 [hbm4b:s5+s12], $0x80, s23, s12, $0xb8;
	[tilespmem:$0x1F300] =	vst v63  }
0x1a4: {  	_ =	swait.ge [sflag:s3], $0x2000  }
0x1a5: {  	[sflag:s3] =	ssyncset.done $0x0  }
0x1a6: {  	s23 =	rddreg [dreg:$0xb];
	[sflag:s3] =	ssyncadd.s32 $0xFFFFE000  }
0x1a7: {  	[spmem:s2] =	stream.indirect.scatter.add.f32 [tilespmem:s29], [sflag:$0x6], $0x80, s23, s31, $0xb8;
	[tilespmem:$0x1F300] =	vst v63  }
0x1a8: {  	v7 =	vld [tilespmem:$0x1AC00];
	_ =	sdelay $0x4  }
0x1a9: {  	v8 =	vld [tilespmem:$0x1A400];
	_ =	sdelay $0x2  }
0x1aa: {  	v7 =	vld.idx.msk [tilespmem:v7+s4+$0x0], $0xffff;
	_ =	sdelay $0x4  }
0x1ab: {  	[tilespmem:v8+s26+$0x0] =	vst.idx.add.f32.msk $0xffff, v7  }
0x1ac: {  	v7 =	vld [tilespmem:$0x1AC10];
	_ =	sdelay $0x4  }
0x1ad: {  	v8 =	vld [tilespmem:$0x1A410];
	_ =	sdelay $0x2  }
0x1ae: {  	v7 =	vld.idx.msk [tilespmem:v7+s4+$0x0], $0xffff;
	_ =	sdelay $0x4  }
0x1af: {  	[tilespmem:v8+s26+$0x0] =	vst.idx.add.f32.msk $0xffff, v7  }
0x1b0: {  	v7 =	vld [tilespmem:$0x1AC20];
	_ =	sdelay $0x4  }
0x1b1: {  	v8 =	vld [tilespmem:$0x1A420];
	_ =	sdelay $0x2  }
0x1b2: {  	v7 =	vld.idx.msk [tilespmem:v7+s4+$0x0], $0xffff;
	_ =	sdelay $0x4  }
0x1b3: {  	[tilespmem:v8+s26+$0x0] =	vst.idx.add.f32.msk $0xffff, v7  }
0x1b4: {  	v7 =	vld [tilespmem:$0x1AC30];
	_ =	sdelay $0x4  }
0x1b5: {  	v8 =	vld [tilespmem:$0x1A430];
	_ =	sdelay $0x2  }
0x1b6: {  	v7 =	vld.idx.msk [tilespmem:v7+s4+$0x0], $0xffff;
	_ =	sdelay $0x4  }
0x1b7: {  	[tilespmem:v8+s26+$0x0] =	vst.idx.add.f32.msk $0xffff, v7  }
0x1b8: {  	p2 =	sge.u32 s10, s19;
	_ =	swait.ge [sflag:s11], $0x2000  }
0x1b9: {  	s12 =	simm.s32 @!p2 $0x40;
	[sflag:s11] =	ssyncset.done $0x0  }
0x1ba: {  	s25 =	simm.s32 @!p2 $0x1D280;
	s23 =	simm.s32 @!p2 $0x1A500;
	[sflag:s11] =	ssyncadd.s32 $0xFFFFE000  }
0x1bb: {  	[tilespmem:s25], [sflag:$0x4] =	stream.indirect.gather @!p2 [hbm4b:s5+s12], $0x80, s23, s12, $0xb8;
	[tilespmem:$0x1F300] =	vst v63  }
0x1bc: {  	_ =	swait.ge [sflag:s0], $0x2000  }
0x1bd: {  	[sflag:s0] =	ssyncset.done $0x0  }
0x1be: {  	s25 =	rddreg [dreg:$0xc];
	[sflag:s0] =	ssyncadd.s32 $0xFFFFE000  }
0x1bf: {  	[spmem:s2] =	stream.indirect.scatter.add.f32 [tilespmem:s8], [sflag:$0x5], $0x80, s25, s31, $0xb8;
	[tilespmem:$0x1F300] =	vst v63  }
0x1c0: {  	v7 =	vld [tilespmem:$0x1AC80];
	_ =	sdelay $0x4  }
0x1c1: {  	v8 =	vld [tilespmem:$0x1A480];
	_ =	sdelay $0x2  }
0x1c2: {  	v7 =	vld.idx.msk [tilespmem:v7+s4+$0x0], $0xffff;
	_ =	sdelay $0x4  }
0x1c3: {  	[tilespmem:v8+s26+$0x0] =	vst.idx.add.f32.msk $0xffff, v7  }
0x1c4: {  	v7 =	vld [tilespmem:$0x1AC90];
	_ =	sdelay $0x4  }
0x1c5: {  	v8 =	vld [tilespmem:$0x1A490];
	_ =	sdelay $0x2  }
0x1c6: {  	v7 =	vld.idx.msk [tilespmem:v7+s4+$0x0], $0xffff;
	_ =	sdelay $0x4  }
0x1c7: {  	[tilespmem:v8+s26+$0x0] =	vst.idx.add.f32.msk $0xffff, v7  }
0x1c8: {  	v7 =	vld [tilespmem:$0x1ACA0];
	_ =	sdelay $0x4  }
0x1c9: {  	v8 =	vld [tilespmem:$0x1A4A0];
	_ =	sdelay $0x2  }
0x1ca: {  	v7 =	vld.idx.msk [tilespmem:v7+s4+$0x0], $0xffff;
	_ =	sdelay $0x4  }
0x1cb: {  	[tilespmem:v8+s26+$0x0] =	vst.idx.add.f32.msk $0xffff, v7  }
0x1cc: {  	v7 =	vld [tilespmem:$0x1ACB0];
	_ =	sdelay $0x4  }
0x1cd: {  	v8 =	vld [tilespmem:$0x1A4B0];
	_ =	sdelay $0x2  }
0x1ce: {  	v7 =	vld.idx.msk [tilespmem:v7+s4+$0x0], $0xffff;
	_ =	sdelay $0x4  }
0x1cf: {  	[tilespmem:v8+s26+$0x0] =	vst.idx.add.f32.msk $0xffff, v7  }
0x1d0: {  	p2 =	sge.u32 s10, s20;
	_ =	swait.ge [sflag:s1], $0x2000  }
0x1d1: {  	s12 =	simm.s32 @!p2 $0x40;
	[sflag:s1] =	ssyncset.done $0x0  }
0x1d2: {  	s23 =	simm.s32 @!p2 $0x1A580;
	s25 =	simm.s32 @!p2 $0x1B280;
	[sflag:s1] =	ssyncadd.s32 $0xFFFFE000  }
0x1d3: {  	[tilespmem:s25], [sflag:$0x3] =	stream.indirect.gather @!p2 [hbm4b:s5+s12], $0x80, s23, s12, $0xb8;
	[tilespmem:$0x1F300] =	vst v63  }
0x1d4: {  	_ =	swait.ge [sflag:s3], $0x2000  }
0x1d5: {  	[sflag:s3] =	ssyncset.done $0x0  }
0x1d6: {  	s30 =	rddreg [dreg:$0xd];
	[sflag:s3] =	ssyncadd.s32 $0xFFFFE000  }
0x1d7: {  	[spmem:s2] =	stream.indirect.scatter.add.f32 [tilespmem:s29], [sflag:$0x6], $0x80, s30, s31, $0xb8;
	[tilespmem:$0x1F300] =	vst v63  }
0x1d8: {  	v7 =	vld [tilespmem:$0x1AD00];
	_ =	sdelay $0x4  }
0x1d9: {  	v8 =	vld [tilespmem:$0x1A500];
	_ =	sdelay $0x2  }
0x1da: {  	v7 =	vld.idx.msk [tilespmem:v7+s4+$0x0], $0xffff;
	_ =	sdelay $0x4  }
0x1db: {  	[tilespmem:v8+s26+$0x0] =	vst.idx.add.f32.msk $0xffff, v7  }
0x1dc: {  	v7 =	vld [tilespmem:$0x1AD10];
	_ =	sdelay $0x4  }
0x1dd: {  	v8 =	vld [tilespmem:$0x1A510];
	_ =	sdelay $0x2  }
0x1de: {  	v7 =	vld.idx.msk [tilespmem:v7+s4+$0x0], $0xffff;
	_ =	sdelay $0x4  }
0x1df: {  	[tilespmem:v8+s26+$0x0] =	vst.idx.add.f32.msk $0xffff, v7  }
0x1e0: {  	v7 =	vld [tilespmem:$0x1AD20];
	_ =	sdelay $0x4  }
0x1e1: {  	v8 =	vld [tilespmem:$0x1A520];
	_ =	sdelay $0x2  }
0x1e2: {  	v7 =	vld.idx.msk [tilespmem:v7+s4+$0x0], $0xffff;
	_ =	sdelay $0x4  }
0x1e3: {  	[tilespmem:v8+s26+$0x0] =	vst.idx.add.f32.msk $0xffff, v7  }
0x1e4: {  	v7 =	vld [tilespmem:$0x1AD30];
	_ =	sdelay $0x4  }
0x1e5: {  	v8 =	vld [tilespmem:$0x1A530];
	_ =	sdelay $0x2  }
0x1e6: {  	v7 =	vld.idx.msk [tilespmem:v7+s4+$0x0], $0xffff;
	_ =	sdelay $0x4  }
0x1e7: {  	[tilespmem:v8+s26+$0x0] =	vst.idx.add.f32.msk $0xffff, v7  }
0x1e8: {  	p2 =	sge.u32 s10, s21;
	_ =	swait.ge [sflag:s11], $0x2000  }
0x1e9: {  	s12 =	simm.s32 @!p2 $0x40;
	[sflag:s11] =	ssyncset.done $0x0  }
0x1ea: {  	s23 =	simm.s32 @!p2 $0x1A600;
	s25 =	simm.s32 @!p2 $0x1D280;
	[sflag:s11] =	ssyncadd.s32 $0xFFFFE000  }
0x1eb: {  	[tilespmem:s25], [sflag:$0x4] =	stream.indirect.gather @!p2 [hbm4b:s5+s12], $0x80, s23, s12, $0xb8;
	[tilespmem:$0x1F300] =	vst v63  }
0x1ec: {  	_ =	swait.ge [sflag:s0], $0x2000  }
0x1ed: {  	[sflag:s0] =	ssyncset.done $0x0  }
0x1ee: {  	s23 =	rddreg [dreg:$0xe];
	[sflag:s0] =	ssyncadd.s32 $0xFFFFE000  }
0x1ef: {  	[spmem:s2] =	stream.indirect.scatter.add.f32 [tilespmem:s8], [sflag:$0x5], $0x80, s23, s31, $0xb8;
	[tilespmem:$0x1F300] =	vst v63  }
0x1f0: {  	v7 =	vld [tilespmem:$0x1AD80];
	_ =	sdelay $0x4  }
0x1f1: {  	v8 =	vld [tilespmem:$0x1A580];
	_ =	sdelay $0x2  }
0x1f2: {  	v7 =	vld.idx.msk [tilespmem:v7+s4+$0x0], $0xffff;
	_ =	sdelay $0x4  }
0x1f3: {  	[tilespmem:v8+s26+$0x0] =	vst.idx.add.f32.msk $0xffff, v7  }
0x1f4: {  	v7 =	vld [tilespmem:$0x1AD90];
	_ =	sdelay $0x4  }
0x1f5: {  	v8 =	vld [tilespmem:$0x1A590];
	_ =	sdelay $0x2  }
0x1f6: {  	v7 =	vld.idx.msk [tilespmem:v7+s4+$0x0], $0xffff;
	_ =	sdelay $0x4  }
0x1f7: {  	[tilespmem:v8+s26+$0x0] =	vst.idx.add.f32.msk $0xffff, v7  }
0x1f8: {  	v7 =	vld [tilespmem:$0x1ADA0];
	_ =	sdelay $0x4  }
0x1f9: {  	v8 =	vld [tilespmem:$0x1A5A0];
	_ =	sdelay $0x2  }
0x1fa: {  	v7 =	vld.idx.msk [tilespmem:v7+s4+$0x0], $0xffff;
	_ =	sdelay $0x4  }
0x1fb: {  	[tilespmem:v8+s26+$0x0] =	vst.idx.add.f32.msk $0xffff, v7  }
0x1fc: {  	v7 =	vld [tilespmem:$0x1ADB0];
	_ =	sdelay $0x4  }
0x1fd: {  	v8 =	vld [tilespmem:$0x1A5B0];
	_ =	sdelay $0x2  }
0x1fe: {  	v7 =	vld.idx.msk [tilespmem:v7+s4+$0x0], $0xffff;
	_ =	sdelay $0x4  }
0x1ff: {  	[tilespmem:v8+s26+$0x0] =	vst.idx.add.f32.msk $0xffff, v7  }
0x200: {  	_ =	swait.ge [sflag:s1], $0x2000  }
0x201: {  	[sflag:s1] =	ssyncset.done $0x0  }
0x202: {  	s12 =	simm.s32 @!p1 $0x2;
	[sflag:s1] =	ssyncadd.s32 $0xFFFFE000  }
0x203: {  	_ =	swait.ge @!p1 [sflag:s12], $0x400  }
0x204: {  	[sflag:s12] =	ssyncset.done @!p1 $0x0  }
0x205: {  	[sflag:s12] =	ssyncadd.s32 @!p1 $0xFFFFFC00  }
0x206: {  	_ =	swait.ge @!p1 [sflag:s12], $0x400  }
0x207: {  	[sflag:s12] =	ssyncset.done @!p1 $0x0  }
0x208: {  	[sflag:s12] =	ssyncadd.s32 @!p1 $0xFFFFFC00;
	p1 =	sge.u32 s10, s22  }
0x209: {  	s12 =	simm.s32 @!p1 $0x40;
	s23 =	simm.s32 @!p1 $0x1A680;
	s25 =	simm.s32 @!p1 $0x1B280  }
0x20a: {  	[tilespmem:s25], [sflag:$0x3] =	stream.indirect.gather @!p1 [hbm4b:s5+s12], $0x80, s23, s12, $0xb8;
	[tilespmem:$0x1F300] =	vst v63  }
0x20b: {  	_ =	swait.ge [sflag:s3], $0x2000  }
0x20c: {  	[sflag:s3] =	ssyncset.done $0x0  }
0x20d: {  	s25 =	rddreg [dreg:$0xf];
	[sflag:s3] =	ssyncadd.s32 $0xFFFFE000  }
0x20e: {  	[spmem:s2] =	stream.indirect.scatter.add.f32 [tilespmem:s29], [sflag:$0x6], $0x80, s25, s31, $0xb8;
	[tilespmem:$0x1F300] =	vst v63  }
0x20f: {  	v7 =	vld [tilespmem:$0x1AE00];
	_ =	sdelay $0x4  }
0x210: {  	v8 =	vld [tilespmem:$0x1A600];
	_ =	sdelay $0x2  }
0x211: {  	v7 =	vld.idx.msk [tilespmem:v7+s4+$0x0], $0xffff;
	_ =	sdelay $0x4  }
0x212: {  	[tilespmem:v8+s26+$0x0] =	vst.idx.add.f32.msk $0xffff, v7  }
0x213: {  	v7 =	vld [tilespmem:$0x1AE10];
	_ =	sdelay $0x4  }
0x214: {  	v8 =	vld [tilespmem:$0x1A610];
	_ =	sdelay $0x2  }
0x215: {  	v7 =	vld.idx.msk [tilespmem:v7+s4+$0x0], $0xffff;
	_ =	sdelay $0x4  }
0x216: {  	[tilespmem:v8+s26+$0x0] =	vst.idx.add.f32.msk $0xffff, v7  }
0x217: {  	v7 =	vld [tilespmem:$0x1AE20];
	_ =	sdelay $0x4  }
0x218: {  	v8 =	vld [tilespmem:$0x1A620];
	_ =	sdelay $0x2  }
0x219: {  	v7 =	vld.idx.msk [tilespmem:v7+s4+$0x0], $0xffff;
	_ =	sdelay $0x4  }
0x21a: {  	[tilespmem:v8+s26+$0x0] =	vst.idx.add.f32.msk $0xffff, v7  }
0x21b: {  	v7 =	vld [tilespmem:$0x1AE30];
	_ =	sdelay $0x4  }
0x21c: {  	v8 =	vld [tilespmem:$0x1A630];
	_ =	sdelay $0x2  }
0x21d: {  	v7 =	vld.idx.msk [tilespmem:v7+s4+$0x0], $0xffff;
	_ =	sdelay $0x4  }
0x21e: {  	s30 =	sadd.s32 $0x1, s9;
	[tilespmem:v8+s26+$0x0] =	vst.idx.add.f32.msk $0xffff, v7  }
0x21f: {  	p1 =	sge.u32 s30, s14;
	_ =	swait.ge [sflag:s11], $0x2000  }
0x220: {  	s30 =	simm.s32 @!p1 $0x0;
	s12 =	rddreg [dreg:$0x7];
	[sflag:s11] =	ssyncset.done $0x0  }
0x221: {  	s25 =	simm.s32 @!p1 $0x1A280;
	[sflag:s11] =	ssyncadd.s32 $0xFFFFE000;
	s12 =	sadd.s32 @!p1 s7, s12  }
0x222: {  	[tilespmem:s25], [sflag:$0x1] =	stream.linear.gather @!p1 [hbm4b:s12+s30], $0x400, $0x38;
	[tilespmem:$0x1F300] =	vst v63  }
0x223: {  	s23 =	rddreg [dreg:$0x8];
	s25 =	sadd.s32 $0x8, s10  }
0x224: {  	s12 =	sadd.s32 @!p1 s7, s23;
	s23 =	simm.s32 @!p1 $0x1AA80;
	p2 =	sge.u32 s25, s15  }
0x225: {  	[tilespmem:s23], [sflag:$0x1] =	stream.linear.gather @!p1 [hbm4b:s12+s30], $0x400, $0x38;
	[tilespmem:$0x1F300] =	vst v63  }
0x226: {  	s12 =	simm.s32 @!p2 $0x40;
	s23 =	simm.s32 @!p2 $0x1A700;
	s30 =	simm.s32 @!p2 $0x1D280  }
0x227: {  	[tilespmem:s30], [sflag:$0x4] =	stream.indirect.gather @!p2 [hbm4b:s5+s12], $0x80, s23, s12, $0xb8;
	[tilespmem:$0x1F300] =	vst v63  }
0x228: {  	_ =	swait.ge [sflag:s0], $0x2000  }
0x229: {  	[sflag:s0] =	ssyncset.done $0x0  }
0x22a: {  	s23 =	rddreg [dreg:$0x10];
	[sflag:s0] =	ssyncadd.s32 $0xFFFFE000  }
0x22b: {  	[spmem:s2] =	stream.indirect.scatter.add.f32 [tilespmem:s8], [sflag:$0x5], $0x80, s23, s31, $0xb8;
	[tilespmem:$0x1F300] =	vst v63  }
0x22c: {  	v7 =	vld [tilespmem:$0x1AE80];
	_ =	sdelay $0x4  }
0x22d: {  	v8 =	vld [tilespmem:$0x1A680];
	_ =	sdelay $0x2  }
0x22e: {  	v7 =	vld.idx.msk [tilespmem:v7+s4+$0x0], $0xffff;
	_ =	sdelay $0x4  }
0x22f: {  	[tilespmem:v8+s26+$0x0] =	vst.idx.add.f32.msk $0xffff, v7  }
0x230: {  	v7 =	vld [tilespmem:$0x1AE90];
	_ =	sdelay $0x4  }
0x231: {  	v8 =	vld [tilespmem:$0x1A690];
	_ =	sdelay $0x2  }
0x232: {  	v7 =	vld.idx.msk [tilespmem:v7+s4+$0x0], $0xffff;
	_ =	sdelay $0x4  }
0x233: {  	[tilespmem:v8+s26+$0x0] =	vst.idx.add.f32.msk $0xffff, v7  }
0x234: {  	v7 =	vld [tilespmem:$0x1AEA0];
	_ =	sdelay $0x4  }
0x235: {  	v8 =	vld [tilespmem:$0x1A6A0];
	_ =	sdelay $0x2  }
0x236: {  	v7 =	vld.idx.msk [tilespmem:v7+s4+$0x0], $0xffff;
	_ =	sdelay $0x4  }
0x237: {  	[tilespmem:v8+s26+$0x0] =	vst.idx.add.f32.msk $0xffff, v7  }
0x238: {  	v7 =	vld [tilespmem:$0x1AEB0];
	_ =	sdelay $0x4  }
0x239: {  	v8 =	vld [tilespmem:$0x1A6B0];
	_ =	sdelay $0x2  }
0x23a: {  	v7 =	vld.idx.msk [tilespmem:v7+s4+$0x0], $0xffff;
	_ =	sdelay $0x4  }
0x23b: {  	[tilespmem:v8+s26+$0x0] =	vst.idx.add.f32.msk $0xffff, v7  }
0x23c: {  	p2 =	sge.u32 s25, s16;
	_ =	swait.ge [sflag:s1], $0x2000  }
0x23d: {  	s12 =	simm.s32 @!p2 $0x40;
	[sflag:s1] =	ssyncset.done $0x0  }
0x23e: {  	s30 =	simm.s32 @!p2 $0x1B280;
	s23 =	simm.s32 @!p2 $0x1A780;
	[sflag:s1] =	ssyncadd.s32 $0xFFFFE000  }
0x23f: {  	[tilespmem:s30], [sflag:$0x3] =	stream.indirect.gather @!p2 [hbm4b:s5+s12], $0x80, s23, s12, $0xb8;
	[tilespmem:$0x1F300] =	vst v63  }
0x240: {  	_ =	swait.ge [sflag:s3], $0x2000  }
0x241: {  	[sflag:s3] =	ssyncset.done $0x0  }
0x242: {  	s30 =	rddreg [dreg:$0x11];
	[sflag:s3] =	ssyncadd.s32 $0xFFFFE000  }
0x243: {  	[spmem:s2] =	stream.indirect.scatter.add.f32 [tilespmem:s29], [sflag:$0x6], $0x80, s30, s31, $0xb8;
	[tilespmem:$0x1F300] =	vst v63  }
0x244: {  	v7 =	vld [tilespmem:$0x1AF00];
	_ =	sdelay $0x4  }
0x245: {  	v8 =	vld [tilespmem:$0x1A700];
	_ =	sdelay $0x2  }
0x246: {  	v7 =	vld.idx.msk [tilespmem:v7+s4+$0x0], $0xffff;
	_ =	sdelay $0x4  }
0x247: {  	[tilespmem:v8+s26+$0x0] =	vst.idx.add.f32.msk $0xffff, v7  }
0x248: {  	v7 =	vld [tilespmem:$0x1AF10];
	_ =	sdelay $0x4  }
0x249: {  	v8 =	vld [tilespmem:$0x1A710];
	_ =	sdelay $0x2  }
0x24a: {  	v7 =	vld.idx.msk [tilespmem:v7+s4+$0x0], $0xffff;
	_ =	sdelay $0x4  }
0x24b: {  	[tilespmem:v8+s26+$0x0] =	vst.idx.add.f32.msk $0xffff, v7  }
0x24c: {  	v7 =	vld [tilespmem:$0x1AF20];
	_ =	sdelay $0x4  }
0x24d: {  	v8 =	vld [tilespmem:$0x1A720];
	_ =	sdelay $0x2  }
0x24e: {  	v7 =	vld.idx.msk [tilespmem:v7+s4+$0x0], $0xffff;
	_ =	sdelay $0x4  }
0x24f: {  	[tilespmem:v8+s26+$0x0] =	vst.idx.add.f32.msk $0xffff, v7  }
0x250: {  	v7 =	vld [tilespmem:$0x1AF30];
	_ =	sdelay $0x4  }
0x251: {  	v8 =	vld [tilespmem:$0x1A730];
	_ =	sdelay $0x2  }
0x252: {  	v7 =	vld.idx.msk [tilespmem:v7+s4+$0x0], $0xffff;
	_ =	sdelay $0x4  }
0x253: {  	[tilespmem:v8+s26+$0x0] =	vst.idx.add.f32.msk $0xffff, v7  }
0x254: {  	p2 =	sge.u32 s25, s17;
	_ =	swait.ge [sflag:s11], $0x2000  }
0x255: {  	s12 =	simm.s32 @!p2 $0x40;
	[sflag:s11] =	ssyncset.done $0x0  }
0x256: {  	s23 =	simm.s32 @!p2 $0x1A800;
	s30 =	simm.s32 @!p2 $0x1D280;
	[sflag:s11] =	ssyncadd.s32 $0xFFFFE000  }
0x257: {  	[tilespmem:s30], [sflag:$0x4] =	stream.indirect.gather @!p2 [hbm4b:s5+s12], $0x80, s23, s12, $0xb8;
	[tilespmem:$0x1F300] =	vst v63  }
0x258: {  	_ =	swait.ge [sflag:s0], $0x2000  }
0x259: {  	[sflag:s0] =	ssyncset.done $0x0  }
0x25a: {  	s23 =	rddreg [dreg:$0x12];
	[sflag:s0] =	ssyncadd.s32 $0xFFFFE000  }
0x25b: {  	[spmem:s2] =	stream.indirect.scatter.add.f32 [tilespmem:s8], [sflag:$0x5], $0x80, s23, s31, $0xb8;
	[tilespmem:$0x1F300] =	vst v63  }
0x25c: {  	v7 =	vld [tilespmem:$0x1AF80];
	_ =	sdelay $0x4  }
0x25d: {  	v8 =	vld [tilespmem:$0x1A780];
	_ =	sdelay $0x2  }
0x25e: {  	v7 =	vld.idx.msk [tilespmem:v7+s4+$0x0], $0xffff;
	_ =	sdelay $0x4  }
0x25f: {  	[tilespmem:v8+s26+$0x0] =	vst.idx.add.f32.msk $0xffff, v7  }
0x260: {  	v7 =	vld [tilespmem:$0x1AF90];
	_ =	sdelay $0x4  }
0x261: {  	v8 =	vld [tilespmem:$0x1A790];
	_ =	sdelay $0x2  }
0x262: {  	v7 =	vld.idx.msk [tilespmem:v7+s4+$0x0], $0xffff;
	_ =	sdelay $0x4  }
0x263: {  	[tilespmem:v8+s26+$0x0] =	vst.idx.add.f32.msk $0xffff, v7  }
0x264: {  	v7 =	vld [tilespmem:$0x1AFA0];
	_ =	sdelay $0x4  }
0x265: {  	v8 =	vld [tilespmem:$0x1A7A0];
	_ =	sdelay $0x2  }
0x266: {  	v7 =	vld.idx.msk [tilespmem:v7+s4+$0x0], $0xffff;
	_ =	sdelay $0x4  }
0x267: {  	[tilespmem:v8+s26+$0x0] =	vst.idx.add.f32.msk $0xffff, v7  }
0x268: {  	v7 =	vld [tilespmem:$0x1AFB0];
	_ =	sdelay $0x4  }
0x269: {  	v8 =	vld [tilespmem:$0x1A7B0];
	_ =	sdelay $0x2  }
0x26a: {  	v7 =	vld.idx.msk [tilespmem:v7+s4+$0x0], $0xffff;
	_ =	sdelay $0x4  }
0x26b: {  	[tilespmem:v8+s26+$0x0] =	vst.idx.add.f32.msk $0xffff, v7  }
0x26c: {  	p2 =	sge.u32 s25, s18;
	_ =	swait.ge [sflag:s1], $0x2000  }
0x26d: {  	s12 =	simm.s32 @!p2 $0x40;
	[sflag:s1] =	ssyncset.done $0x0  }
0x26e: {  	s30 =	simm.s32 @!p2 $0x1B280;
	s23 =	simm.s32 @!p2 $0x1A880;
	[sflag:s1] =	ssyncadd.s32 $0xFFFFE000  }
0x26f: {  	[tilespmem:s30], [sflag:$0x3] =	stream.indirect.gather @!p2 [hbm4b:s5+s12], $0x80, s23, s12, $0xb8;
	[tilespmem:$0x1F300] =	vst v63  }
0x270: {  	_ =	swait.ge [sflag:s3], $0x2000  }
0x271: {  	[sflag:s3] =	ssyncset.done $0x0  }
0x272: {  	s30 =	rddreg [dreg:$0x13];
	[sflag:s3] =	ssyncadd.s32 $0xFFFFE000  }
0x273: {  	[spmem:s2] =	stream.indirect.scatter.add.f32 [tilespmem:s29], [sflag:$0x6], $0x80, s30, s31, $0xb8;
	[tilespmem:$0x1F300] =	vst v63  }
0x274: {  	v7 =	vld [tilespmem:$0x1B000];
	_ =	sdelay $0x4  }
0x275: {  	v8 =	vld [tilespmem:$0x1A800];
	_ =	sdelay $0x2  }
0x276: {  	v7 =	vld.idx.msk [tilespmem:v7+s4+$0x0], $0xffff;
	_ =	sdelay $0x4  }
0x277: {  	[tilespmem:v8+s26+$0x0] =	vst.idx.add.f32.msk $0xffff, v7  }
0x278: {  	v7 =	vld [tilespmem:$0x1B010];
	_ =	sdelay $0x4  }
0x279: {  	v8 =	vld [tilespmem:$0x1A810];
	_ =	sdelay $0x2  }
0x27a: {  	v7 =	vld.idx.msk [tilespmem:v7+s4+$0x0], $0xffff;
	_ =	sdelay $0x4  }
0x27b: {  	[tilespmem:v8+s26+$0x0] =	vst.idx.add.f32.msk $0xffff, v7  }
0x27c: {  	v7 =	vld [tilespmem:$0x1B020];
	_ =	sdelay $0x4  }
0x27d: {  	v8 =	vld [tilespmem:$0x1A820];
	_ =	sdelay $0x2  }
0x27e: {  	v7 =	vld.idx.msk [tilespmem:v7+s4+$0x0], $0xffff;
	_ =	sdelay $0x4  }
0x27f: {  	[tilespmem:v8+s26+$0x0] =	vst.idx.add.f32.msk $0xffff, v7  }
0x280: {  	v7 =	vld [tilespmem:$0x1B030];
	_ =	sdelay $0x4  }
0x281: {  	v8 =	vld [tilespmem:$0x1A830];
	_ =	sdelay $0x2  }
0x282: {  	v7 =	vld.idx.msk [tilespmem:v7+s4+$0x0], $0xffff;
	_ =	sdelay $0x4  }
0x283: {  	[tilespmem:v8+s26+$0x0] =	vst.idx.add.f32.msk $0xffff, v7  }
0x284: {  	p2 =	sge.u32 s25, s19;
	_ =	swait.ge [sflag:s11], $0x2000  }
0x285: {  	s12 =	simm.s32 @!p2 $0x40;
	[sflag:s11] =	ssyncset.done $0x0  }
0x286: {  	s23 =	simm.s32 @!p2 $0x1A900;
	s30 =	simm.s32 @!p2 $0x1D280;
	[sflag:s11] =	ssyncadd.s32 $0xFFFFE000  }
0x287: {  	[tilespmem:s30], [sflag:$0x4] =	stream.indirect.gather @!p2 [hbm4b:s5+s12], $0x80, s23, s12, $0xb8;
	[tilespmem:$0x1F300] =	vst v63  }
0x288: {  	_ =	swait.ge [sflag:s0], $0x2000  }
0x289: {  	[sflag:s0] =	ssyncset.done $0x0  }
0x28a: {  	s23 =	rddreg [dreg:$0x14];
	[sflag:s0] =	ssyncadd.s32 $0xFFFFE000  }
0x28b: {  	[spmem:s2] =	stream.indirect.scatter.add.f32 [tilespmem:s8], [sflag:$0x5], $0x80, s23, s31, $0xb8;
	[tilespmem:$0x1F300] =	vst v63  }
0x28c: {  	v7 =	vld [tilespmem:$0x1B080];
	_ =	sdelay $0x4  }
0x28d: {  	v8 =	vld [tilespmem:$0x1A880];
	_ =	sdelay $0x2  }
0x28e: {  	v7 =	vld.idx.msk [tilespmem:v7+s4+$0x0], $0xffff;
	_ =	sdelay $0x4  }
0x28f: {  	[tilespmem:v8+s26+$0x0] =	vst.idx.add.f32.msk $0xffff, v7  }
0x290: {  	v7 =	vld [tilespmem:$0x1B090];
	_ =	sdelay $0x4  }
0x291: {  	v8 =	vld [tilespmem:$0x1A890];
	_ =	sdelay $0x2  }
0x292: {  	v7 =	vld.idx.msk [tilespmem:v7+s4+$0x0], $0xffff;
	_ =	sdelay $0x4  }
0x293: {  	[tilespmem:v8+s26+$0x0] =	vst.idx.add.f32.msk $0xffff, v7  }
0x294: {  	v7 =	vld [tilespmem:$0x1B0A0];
	_ =	sdelay $0x4  }
0x295: {  	v8 =	vld [tilespmem:$0x1A8A0];
	_ =	sdelay $0x2  }
0x296: {  	v7 =	vld.idx.msk [tilespmem:v7+s4+$0x0], $0xffff;
	_ =	sdelay $0x4  }
0x297: {  	[tilespmem:v8+s26+$0x0] =	vst.idx.add.f32.msk $0xffff, v7  }
0x298: {  	v7 =	vld [tilespmem:$0x1B0B0];
	_ =	sdelay $0x4  }
0x299: {  	v8 =	vld [tilespmem:$0x1A8B0];
	_ =	sdelay $0x2  }
0x29a: {  	v7 =	vld.idx.msk [tilespmem:v7+s4+$0x0], $0xffff;
	_ =	sdelay $0x4  }
0x29b: {  	[tilespmem:v8+s26+$0x0] =	vst.idx.add.f32.msk $0xffff, v7  }
0x29c: {  	p2 =	sge.u32 s25, s20;
	_ =	swait.ge [sflag:s1], $0x2000  }
0x29d: {  	s12 =	simm.s32 @!p2 $0x40;
	[sflag:s1] =	ssyncset.done $0x0  }
0x29e: {  	s30 =	simm.s32 @!p2 $0x1B280;
	s23 =	simm.s32 @!p2 $0x1A980;
	[sflag:s1] =	ssyncadd.s32 $0xFFFFE000  }
0x29f: {  	[tilespmem:s30], [sflag:$0x3] =	stream.indirect.gather @!p2 [hbm4b:s5+s12], $0x80, s23, s12, $0xb8;
	[tilespmem:$0x1F300] =	vst v63  }
0x2a0: {  	_ =	swait.ge [sflag:s3], $0x2000  }
0x2a1: {  	[sflag:s3] =	ssyncset.done $0x0  }
0x2a2: {  	s30 =	rddreg [dreg:$0x15];
	[sflag:s3] =	ssyncadd.s32 $0xFFFFE000  }
0x2a3: {  	[spmem:s2] =	stream.indirect.scatter.add.f32 [tilespmem:s29], [sflag:$0x6], $0x80, s30, s31, $0xb8;
	[tilespmem:$0x1F300] =	vst v63  }
0x2a4: {  	v7 =	vld [tilespmem:$0x1B100];
	_ =	sdelay $0x4  }
0x2a5: {  	v8 =	vld [tilespmem:$0x1A900];
	_ =	sdelay $0x2  }
0x2a6: {  	v7 =	vld.idx.msk [tilespmem:v7+s4+$0x0], $0xffff;
	_ =	sdelay $0x4  }
0x2a7: {  	[tilespmem:v8+s26+$0x0] =	vst.idx.add.f32.msk $0xffff, v7  }
0x2a8: {  	v7 =	vld [tilespmem:$0x1B110];
	_ =	sdelay $0x4  }
0x2a9: {  	v8 =	vld [tilespmem:$0x1A910];
	_ =	sdelay $0x2  }
0x2aa: {  	v7 =	vld.idx.msk [tilespmem:v7+s4+$0x0], $0xffff;
	_ =	sdelay $0x4  }
0x2ab: {  	[tilespmem:v8+s26+$0x0] =	vst.idx.add.f32.msk $0xffff, v7  }
0x2ac: {  	v7 =	vld [tilespmem:$0x1B120];
	_ =	sdelay $0x4  }
0x2ad: {  	v8 =	vld [tilespmem:$0x1A920];
	_ =	sdelay $0x2  }
0x2ae: {  	v7 =	vld.idx.msk [tilespmem:v7+s4+$0x0], $0xffff;
	_ =	sdelay $0x4  }
0x2af: {  	[tilespmem:v8+s26+$0x0] =	vst.idx.add.f32.msk $0xffff, v7  }
0x2b0: {  	v7 =	vld [tilespmem:$0x1B130];
	_ =	sdelay $0x4  }
0x2b1: {  	v8 =	vld [tilespmem:$0x1A930];
	_ =	sdelay $0x2  }
0x2b2: {  	v7 =	vld.idx.msk [tilespmem:v7+s4+$0x0], $0xffff;
	_ =	sdelay $0x4  }
0x2b3: {  	[tilespmem:v8+s26+$0x0] =	vst.idx.add.f32.msk $0xffff, v7  }
0x2b4: {  	p2 =	sge.u32 s25, s21;
	_ =	swait.ge [sflag:s11], $0x2000  }
0x2b5: {  	s12 =	simm.s32 @!p2 $0x40;
	[sflag:s11] =	ssyncset.done $0x0  }
0x2b6: {  	s23 =	simm.s32 @!p2 $0x1AA00;
	s30 =	simm.s32 @!p2 $0x1D280;
	[sflag:s11] =	ssyncadd.s32 $0xFFFFE000  }
0x2b7: {  	[tilespmem:s30], [sflag:$0x4] =	stream.indirect.gather @!p2 [hbm4b:s5+s12], $0x80, s23, s12, $0xb8;
	[tilespmem:$0x1F300] =	vst v63  }
0x2b8: {  	_ =	swait.ge [sflag:s0], $0x2000  }
0x2b9: {  	[sflag:s0] =	ssyncset.done $0x0  }
0x2ba: {  	s23 =	rddreg [dreg:$0x16];
	[sflag:s0] =	ssyncadd.s32 $0xFFFFE000  }
0x2bb: {  	[spmem:s2] =	stream.indirect.scatter.add.f32 [tilespmem:s8], [sflag:$0x5], $0x80, s23, s31, $0xb8;
	[tilespmem:$0x1F300] =	vst v63  }
0x2bc: {  	v7 =	vld [tilespmem:$0x1B180];
	_ =	sdelay $0x4  }
0x2bd: {  	v8 =	vld [tilespmem:$0x1A980];
	_ =	sdelay $0x2  }
0x2be: {  	v7 =	vld.idx.msk [tilespmem:v7+s4+$0x0], $0xffff;
	_ =	sdelay $0x4  }
0x2bf: {  	[tilespmem:v8+s26+$0x0] =	vst.idx.add.f32.msk $0xffff, v7  }
0x2c0: {  	v7 =	vld [tilespmem:$0x1B190];
	_ =	sdelay $0x4  }
0x2c1: {  	v8 =	vld [tilespmem:$0x1A990];
	_ =	sdelay $0x2  }
0x2c2: {  	v7 =	vld.idx.msk [tilespmem:v7+s4+$0x0], $0xffff;
	_ =	sdelay $0x4  }
0x2c3: {  	[tilespmem:v8+s26+$0x0] =	vst.idx.add.f32.msk $0xffff, v7  }
0x2c4: {  	v7 =	vld [tilespmem:$0x1B1A0];
	_ =	sdelay $0x4  }
0x2c5: {  	v8 =	vld [tilespmem:$0x1A9A0];
	_ =	sdelay $0x2  }
0x2c6: {  	v7 =	vld.idx.msk [tilespmem:v7+s4+$0x0], $0xffff;
	_ =	sdelay $0x4  }
0x2c7: {  	[tilespmem:v8+s26+$0x0] =	vst.idx.add.f32.msk $0xffff, v7  }
0x2c8: {  	v7 =	vld [tilespmem:$0x1B1B0];
	_ =	sdelay $0x4  }
0x2c9: {  	v8 =	vld [tilespmem:$0x1A9B0];
	_ =	sdelay $0x2  }
0x2ca: {  	v7 =	vld.idx.msk [tilespmem:v7+s4+$0x0], $0xffff;
	_ =	sdelay $0x4  }
0x2cb: {  	[tilespmem:v8+s26+$0x0] =	vst.idx.add.f32.msk $0xffff, v7  }
0x2cc: {  	_ =	swait.ge [sflag:s1], $0x2000  }
0x2cd: {  	[sflag:s1] =	ssyncset.done $0x0  }
0x2ce: {  	s12 =	simm.s32 @!p1 $0x1;
	[sflag:s1] =	ssyncadd.s32 $0xFFFFE000  }
0x2cf: {  	_ =	swait.ge @!p1 [sflag:s12], $0x400  }
0x2d0: {  	[sflag:s12] =	ssyncset.done @!p1 $0x0  }
0x2d1: {  	[sflag:s12] =	ssyncadd.s32 @!p1 $0xFFFFFC00  }
0x2d2: {  	_ =	swait.ge @!p1 [sflag:s12], $0x400  }
0x2d3: {  	[sflag:s12] =	ssyncset.done @!p1 $0x0  }
0x2d4: {  	[sflag:s12] =	ssyncadd.s32 @!p1 $0xFFFFFC00;
	p1 =	sge.u32 s25, s22  }
0x2d5: {  	s12 =	simm.s32 @!p1 $0x40;
	s23 =	simm.s32 @!p1 $0x1A280;
	s25 =	simm.s32 @!p1 $0x1B280  }
0x2d6: {  	[tilespmem:s25], [sflag:$0x3] =	stream.indirect.gather @!p1 [hbm4b:s5+s12], $0x80, s23, s12, $0xb8;
	[tilespmem:$0x1F300] =	vst v63  }
0x2d7: {  	_ =	swait.ge [sflag:s3], $0x2000  }
0x2d8: {  	[sflag:s3] =	ssyncset.done $0x0  }
0x2d9: {  	s25 =	rddreg [dreg:$0x17];
	[sflag:s3] =	ssyncadd.s32 $0xFFFFE000  }
0x2da: {  	[spmem:s2] =	stream.indirect.scatter.add.f32 [tilespmem:s29], [sflag:$0x6], $0x80, s25, s31, $0xb8;
	[tilespmem:$0x1F300] =	vst v63  }
0x2db: {  	v7 =	vld [tilespmem:$0x1B200];
	_ =	sdelay $0x4  }
0x2dc: {  	v8 =	vld [tilespmem:$0x1AA00];
	_ =	sdelay $0x2  }
0x2dd: {  	v7 =	vld.idx.msk [tilespmem:v7+s4+$0x0], $0xffff;
	_ =	sdelay $0x4  }
0x2de: {  	[tilespmem:v8+s26+$0x0] =	vst.idx.add.f32.msk $0xffff, v7  }
0x2df: {  	v7 =	vld [tilespmem:$0x1B210];
	_ =	sdelay $0x4  }
0x2e0: {  	v8 =	vld [tilespmem:$0x1AA10];
	_ =	sdelay $0x2  }
0x2e1: {  	v7 =	vld.idx.msk [tilespmem:v7+s4+$0x0], $0xffff;
	_ =	sdelay $0x4  }
0x2e2: {  	[tilespmem:v8+s26+$0x0] =	vst.idx.add.f32.msk $0xffff, v7  }
0x2e3: {  	v7 =	vld [tilespmem:$0x1B220];
	_ =	sdelay $0x4  }
0x2e4: {  	v8 =	vld [tilespmem:$0x1AA20];
	_ =	sdelay $0x2  }
0x2e5: {  	v7 =	vld.idx.msk [tilespmem:v7+s4+$0x0], $0xffff;
	_ =	sdelay $0x4  }
0x2e6: {  	[tilespmem:v8+s26+$0x0] =	vst.idx.add.f32.msk $0xffff, v7  }
0x2e7: {  	v7 =	vld [tilespmem:$0x1B230];
	_ =	sdelay $0x4  }
0x2e8: {  	v8 =	vld [tilespmem:$0x1AA30];
	_ =	sdelay $0x1  }
0x2e9: {  	s7 =	sadd.s32 $0x100, s7;
	s30 =	rddreg [dreg:$0x4]  }
0x2ea: {  	p1 =	sne.s32 s30, s7;
	v7 =	vld.idx.msk [tilespmem:v7+s4+$0x0], $0xffff  }
.Ltmp8:
0x2eb: {  	_ = 	snop;
	(pc) =	sbr.rel @p1 .LBB2_18-.Ltmp8, $2  }
0x2ec: {  	_ =	sdelay $0x2  }
0x2ed: {  	s9 =	sadd.s32 $0x2, s9;
	s10 =	sadd.s32 $0x10, s10;
	[tilespmem:v8+s26+$0x0] =	vst.idx.add.f32.msk $0xffff, v7  }
0x2ee: {  	_ =	swait.ge [sflag:s11], $0x2000  }
0x2ef: {  	[sflag:s11] =	ssyncset.done $0x0  }
0x2f0: {  	[sflag:s11] =	ssyncadd.s32 $0xFFFFE000  }
0x2f1: {  	s7 =	stileid.u32;
	[bflag:$0x0] =	sbarrier.arrive $0xFFFF  }
0x2f2: {  	s23 =	simm.s32 $0x7;
	s7 =	sshll.u32 s7, $0x6;
	s12 =	rddreg [dreg:$0x1a]  }
0x2f3: {  	s7 =	sor.u32 $0x1C07, s7;
	s10 =	rddreg [dreg:$0x1e];
	s9 =	sshrl.u32 s12, $0x3  }
0x2f4: {  	[hbm:s10], [sflag:s7] =	dma.local [spmem:s9], $0x2800  }
0x2f5: {  	_ =	swait.ge [sflag:s23], $0x2800  }
0x2f6: {  	[sflag:s23] =	ssyncset.done $0x0;
	s25 =	rddreg [dreg:$0x1b]  }
0x2f7: {  	s10 =	rddreg [dreg:$0x1f];
	[sflag:s23] =	ssyncadd.s32 $0xFFFFD800;
	s9 =	sshrl.u32 @!p0 s25, $0x3  }
0x2f8: {  	[hbm:s10], [sflag:s7] =	dma.local @!p0 [spmem:s9], $0x80  }
0x2f9: {  	s7 =	simm.s32 @!p0 $0x7  }
0x2fa: {  	_ =	swait.ge @!p0 [sflag:s7], $0x80  }
0x2fb: {  	s13 =	sld [smem:$0x7F1]  }
0x2fc: {  	[sflag:s7] =	ssyncset.done @!p0 $0x0  }
0x2fd: {  	s10 =	simm.s32 $0x0;
	[sflag:s7] =	ssyncadd.s32 @!p0 $0xFFFFFF80  }
0x2fe: {  	[hbm4b:s13+s10] =	stream.linear.scatter [tilespmem:s26], [sflag:$0x7], $0x2800, $0x38;
	[tilespmem:$0x1F300] =	vst v63  }
0x2ff: {  	_ =	swait.ge [sflag:s23], $0x2800  }
0x300: {  	s10 =	sld [smem:$0x7F0]  }
0x301: {  	s13 =	sld [smem:$0x7F2];
	_ =	sdelay $0x1  }
0x302: {  	s9 =	sadd.s32 $0x1, s10  }
0x303: {  	p1 =	sne.s32 s9, s13  }
.Ltmp9:
0x304: {  	_ = 	snop;
	(pc) =	sbr.rel @p1 .LBB2_1-.Ltmp9, $3  }
0x305: {  	_ =	sdelay $0x1  }
0x306: {  	[sflag:s23] =	ssyncset.done $0x0;
	s30 =	rddreg [dreg:$0x1d]  }
0x307: {  	[sflag:s23] =	ssyncadd.s32 $0xFFFFD800;
	s13 =	sld [smem:$0x7FD]  }
0x308: {  	_ =	sfence.sel $0x180000  }
0x309: {  	[bflag:$0x0] =	sbarrier.arrive $0xFFFF  }
0x30a: {  	_ =	strace $0x90000047  }
0x30b: {  	s0 =	stileid.u32;
	[bflag:$0x2] =	sbarrier.arrive $0xFFFF  }
0x30c: {  	p0 =	sne.s32 s0, $0x0;
	s0 =	rddreg [dreg:$0x3]  }
0x30d: {  	s0 =	sadd.s32 @!p0 $0x100000, s0  }
0x30e: {  	[sflag:s0] =	ssyncadd.tile.s32 @!p0 $0x1;
	_ =	shalt  }
.Lfunc_end2:
_tile_overlayer_lowered:
.L_overlay_start_2:
0x30f: {  	(tag) =	ssettag $0x2  }
0x310: {  	s0 =	rddreg [dreg:$0x0];
	s2 =	stileid.u32  }
0x311: {  	s1 =	rddreg [dreg:$0x1];
	p0 =	sne.s32 s2, $0x0  }
0x312: {  	s3 =	rddreg [dreg:$0x2];
	[bflag:$0x3] =	sbarrier.arrive $0xFFFF;
	s2 =	simm.s32 @!p0 $0x1C07  }
0x313: {  	[timem:s3], [sflag:s2] =	dma.local @!p0 [hbm:s0], s1  }
0x314: {  	s0 =	simm.s32 @!p0 $0x7  }
0x315: {  	_ =	swait.ge @!p0 [sflag:s0], s1  }
0x316: {  	s1 =	ssub.s32 @!p0 $0x0, s1;
	[sflag:s0] =	ssyncset.done @!p0 $0x0  }
0x317: {  	[sflag:s0] =	ssyncadd.s32 @!p0 s1  }
0x318: {  	[bflag:$0x3] =	sbarrier.arrive $0xFFFF  }
0x319: {  	_ =	shalt  }

</sc_bundles>
